<compile_context>
chip_gen: v7x
topology: tpu7x:2x2x1
jax: 0.10.2.dev20260603
libtpu: 0.0.44.dev20260713+nightly
codegen_flags: <defaults>
</compile_context>

<pallas_src>
import jax
import jax.numpy as jnp
from jax import lax
from jax.experimental import pallas as pl
from jax.experimental.pallas import tpu as pltpu
from jax.experimental.pallas import tpu_sc as plsc

VOCAB = 1000000
D = 32
ROWS = 16384
COLS = 200
B = ROWS * COLS
NC = 2
NS = 16
NW = NC * NS
ITPW = 4
C = ITPW * 128
JPC = 2
NCH = COLS // JPC
PITCH = 129
SCALE = float(D) ** 0.5


def _body(xT_hbm, table_hbm, out_hbm, idx_v, rows_v, tbuf, isem, gsem, wsem):
    wid = lax.axis_index("s") * NC + lax.axis_index("c")
    colbase = wid * C
    i16 = lax.iota(jnp.int32, 16)

    def idx_copy(g, b):
        return pltpu.make_async_copy(
            xT_hbm.at[pl.ds(g * JPC, JPC), pl.ds(colbase, C)],
            idx_v.at[b],
            isem.at[b],
        )

    def gather_copy(g, b, jj):
        return pltpu.make_async_copy(
            table_hbm.at[idx_v.at[b, jj]], rows_v.at[b, jj], gsem.at[b]
        )

    def write_copy(j, slot):
        return pltpu.make_async_copy(
            tbuf.at[slot, :, :, :, pl.ds(0, 128)],
            out_hbm.at[j, :, pl.ds(wid * ITPW, ITPW)],
            wsem.at[slot],
        )

    idx_copy(0, 0).start()
    idx_copy(0, 0).wait()
    for jj in range(JPC):
        gather_copy(0, 0, jj).start()
    idx_copy(1, 1).start()

    @pl.loop(0, NCH)
    def _chunk(g):
        b = lax.rem(g, 2)
        nb = 1 - b

        @pl.when(g + 1 < NCH)
        def _():
            idx_copy(g + 1, nb).wait()
            for jj in range(JPC):
                gather_copy(g + 1, nb, jj).start()

        dt0 = lax.shift_right_logical(i16, 3)
        r0 = lax.bitwise_and(i16, 7)
        dt1 = dt0 + 2
        for jj in range(JPC):
            gather_copy(g, b, jj).wait()
            if jj == JPC - 1:

                @pl.when(g + 2 < NCH)
                def _():
                    idx_copy(g + 2, b).start()

            n = g * JPC + jj
            slot = lax.rem(n, 3)

            @pl.when(n >= 3)
            def _():
                write_copy(n - 3, slot).wait()

            rv = rows_v.at[b, jj]
            tb = tbuf.at[slot]
            for t in range(ITPW):
                tv = jnp.full((16,), t, jnp.int32)

                @pl.loop(0, 128, unroll=8)
                def _ic(ic):
                    row = t * 128 + ic
                    v0 = rv[row, pl.ds(0, 16)] * SCALE
                    v1 = rv[row, pl.ds(16, 16)] * SCALE
                    icv = jnp.full((16,), 0, jnp.int32) + ic
                    plsc.store_scatter(tb, [dt0, tv, r0, icv], v0)
                    plsc.store_scatter(tb, [dt1, tv, r0, icv], v1)

            write_copy(n, slot).start()

    for n in range(JPC * NCH - 3, JPC * NCH):
        write_copy(n, n % 3).wait()


@jax.jit
def _embed(xT, table):
    mesh = plsc.VectorSubcoreMesh(
        core_axis_name="c", subcore_axis_name="s", num_cores=NC, num_subcores=NS
    )
    out5 = pl.kernel(
        _body,
        out_type=jax.ShapeDtypeStruct((COLS, 4, 128, 8, 128), jnp.float32),
        mesh=mesh,
        compiler_params=pltpu.CompilerParams(
            use_tc_tiling_on_sc=False, needs_layout_passes=False
        ),
        scratch_types=[
            pltpu.VMEM((2, JPC, C), jnp.int32),
            pltpu.VMEM((2, JPC, C, D), jnp.float32),
            pltpu.VMEM((3, 4, ITPW, 8, PITCH), jnp.float32),
            pltpu.SemaphoreType.DMA((2,)),
            pltpu.SemaphoreType.DMA((2,)),
            pltpu.SemaphoreType.DMA((3,)),
        ],
    )(xT.astype(jnp.int32), table)
    return out5.transpose(2, 4, 0, 1, 3).reshape(ROWS, COLS, D)


def kernel(x, table):
    return _embed(x.T, table)

# --- scband reference (transcript-rebuilt; emitter-appended) ---
"""Pipeline reference for scband-embeddings-2284922602081 (READ-ONLY COPY).

The authoritative reference and input builder live on the scoring server;
editing this copy changes nothing except your own understanding.
"""

import jax, jax.numpy as jnp
import numpy as np

VOCAB_SIZE = 1000000
EMBEDDING_DIM = 32

def setup_inputs(seed: int = 0) -> dict:
    key = jax.random.key(seed)
    k_idx, k_tab = jax.random.split(key)
    x = jax.random.randint(k_idx, (16384, 200), 0, VOCAB_SIZE, dtype=jnp.int64 if jax.config.jax_enable_x64 else jnp.int32)
    table = jax.random.normal(k_tab, (VOCAB_SIZE, EMBEDDING_DIM), dtype=jnp.float32)
    return {"x": x, "table": table}

def reference(x, table):
    # nn.Embedding lookup followed by sqrt(d) scaling, as in the torch module
    emb = jnp.take(table, x, axis=0)
    return emb * (EMBEDDING_DIM ** 0.5)

if __name__ == "__main__":
    import jax
    _d = setup_inputs()
    print(jax.jit(kernel)(*tuple(_d.values())))

</pallas_src>

<mosaic_0001>
#map = affine_map<(d0, d1) -> (0, 0)>
#map1 = affine_map<(d0, d1) -> (0, 0, 0, 0, 0)>
module attributes {stable_mosaic.version = 14 : i64} {
  func.func @_body(%arg0: i32, %arg1: i32, %arg2: memref<200x16384xi32, #tpu.memory_space<hbm>>, %arg3: memref<1000000x32xf32, #tpu.memory_space<hbm>>, %arg4: memref<200x4x128x8x128xf32, #tpu.memory_space<hbm>>, %arg5: memref<2x2x512xi32, #tpu.memory_space<vmem>>, %arg6: memref<2x2x512x32xf32, #tpu.memory_space<vmem>>, %arg7: memref<3x4x4x8x129xf32, #tpu.memory_space<vmem>>, %arg8: memref<2x!tpu.dma_semaphore, #tpu.memory_space<semaphore_mem>>, %arg9: memref<2x!tpu.dma_semaphore, #tpu.memory_space<semaphore_mem>>, %arg10: memref<3x!tpu.dma_semaphore, #tpu.memory_space<semaphore_mem>>) attributes {dimension_semantics = [#tpu.dimension_semantics<core_parallel>, #tpu.dimension_semantics<subcore_parallel>], iteration_bounds = array<i64: 2, 16>, scalar_prefetch = 0 : i64, scratch_operands = 6 : i64, tpu.core_type = #tpu.core_type<sc_vector_subcore>, window_params = [{transform_indices = #map}, {transform_indices = #map}, {transform_indices = #map1}]} {
    %mul3A = arith.constant 2 : i32
    %mul3A_0 = arith.muli %arg1, %mul3A : i32
    %add3A = arith.addi %mul3A_0, %arg0 : i32
    %mul3A_1 = arith.constant 512 : i32
    %mul3A_2 = arith.muli %add3A, %mul3A_1 : i32
    %iota3A = tpu.iota {dimensions = array<i32: 0>} : vector<16xi32>
    %dma_start3A = arith.constant 0 : i32
    %dma_start3A_3 = arith.constant 0 : i32
    %dma_start3A_4 = arith.constant 0 : i32
    %dma_start3A_5 = arith.constant 0 : i32
    %dma_start3A_6 = tpu.memref_slice %arg5[%dma_start3A, %dma_start3A_4, %dma_start3A_5] : memref<2x2x512xi32, #tpu.memory_space<vmem>> -> memref<1x2x512xi32, #tpu.memory_space<vmem>>
    %dma_start3A_7 = tpu.memref_squeeze %dma_start3A_6 : memref<1x2x512xi32, #tpu.memory_space<vmem>> -> memref<2x512xi32, #tpu.memory_space<vmem>>
    %dma_start3A_8 = arith.constant 0 : i32
    %dma_start3A_9 = tpu.memref_slice %arg2[%dma_start3A_8, %mul3A_2] : memref<200x16384xi32, #tpu.memory_space<hbm>> -> memref<2x512xi32, #tpu.memory_space<hbm>>
    %dma_start3A_10 = tpu.memref_slice %arg8[%dma_start3A_3] : memref<2x!tpu.dma_semaphore, #tpu.memory_space<semaphore_mem>> -> memref<1x!tpu.dma_semaphore, #tpu.memory_space<semaphore_mem>>
    %dma_start3A_11 = tpu.memref_squeeze %dma_start3A_10 : memref<1x!tpu.dma_semaphore, #tpu.memory_space<semaphore_mem>> -> memref<!tpu.dma_semaphore, #tpu.memory_space<semaphore_mem>>
    %dma_start3A_12 = arith.constant 0 : i32
    %dma_start3A_13 = arith.constant 0 : i32
    %dma_start3A_14 = tpu.memref_slice %arg5[%dma_start3A, %dma_start3A_12, %dma_start3A_13] : memref<2x2x512xi32, #tpu.memory_space<vmem>> -> memref<1x2x512xi32, #tpu.memory_space<vmem>>
    %dma_start3A_15 = tpu.memref_squeeze %dma_start3A_14 : memref<1x2x512xi32, #tpu.memory_space<vmem>> -> memref<2x512xi32, #tpu.memory_space<vmem>>
    %dma_start3A_16 = arith.constant 0 : i32
    %dma_start3A_17 = tpu.memref_slice %arg2[%dma_start3A_16, %mul3A_2] : memref<200x16384xi32, #tpu.memory_space<hbm>> -> memref<2x512xi32, #tpu.memory_space<hbm>>
    tpu.enqueue_dma source(%dma_start3A_17 : memref<2x512xi32, #tpu.memory_space<hbm>>) target(%dma_start3A_15 : memref<2x512xi32, #tpu.memory_space<vmem>>) target_semaphore(%dma_start3A_11 : memref<!tpu.dma_semaphore, #tpu.memory_space<semaphore_mem>>)
    %dma_wait3A = arith.constant 0 : i32
    %dma_wait3A_18 = arith.constant 0 : i32
    %dma_wait3A_19 = arith.constant 0 : i32
    %dma_wait3A_20 = arith.constant 0 : i32
    %dma_wait3A_21 = tpu.memref_slice %arg5[%dma_wait3A, %dma_wait3A_19, %dma_wait3A_20] : memref<2x2x512xi32, #tpu.memory_space<vmem>> -> memref<1x2x512xi32, #tpu.memory_space<vmem>>
    %dma_wait3A_22 = tpu.memref_squeeze %dma_wait3A_21 : memref<1x2x512xi32, #tpu.memory_space<vmem>> -> memref<2x512xi32, #tpu.memory_space<vmem>>
    %dma_wait3A_23 = arith.constant 0 : i32
    %dma_wait3A_24 = tpu.memref_slice %arg2[%dma_wait3A_23, %mul3A_2] : memref<200x16384xi32, #tpu.memory_space<hbm>> -> memref<2x512xi32, #tpu.memory_space<hbm>>
    %dma_wait3A_25 = tpu.memref_slice %arg8[%dma_wait3A_18] : memref<2x!tpu.dma_semaphore, #tpu.memory_space<semaphore_mem>> -> memref<1x!tpu.dma_semaphore, #tpu.memory_space<semaphore_mem>>
    %dma_wait3A_26 = tpu.memref_squeeze %dma_wait3A_25 : memref<1x!tpu.dma_semaphore, #tpu.memory_space<semaphore_mem>> -> memref<!tpu.dma_semaphore, #tpu.memory_space<semaphore_mem>>
    %dma_wait3A_27 = arith.constant 0 : i32
    %dma_wait3A_28 = arith.constant 0 : i32
    %dma_wait3A_29 = tpu.memref_slice %arg5[%dma_wait3A, %dma_wait3A_27, %dma_wait3A_28] : memref<2x2x512xi32, #tpu.memory_space<vmem>> -> memref<1x2x512xi32, #tpu.memory_space<vmem>>
    %dma_wait3A_30 = tpu.memref_squeeze %dma_wait3A_29 : memref<1x2x512xi32, #tpu.memory_space<vmem>> -> memref<2x512xi32, #tpu.memory_space<vmem>>
    %dma_wait3A_31 = arith.constant 0 : i32
    %dma_wait3A_32 = tpu.memref_slice %arg2[%dma_wait3A_31, %mul3A_2] : memref<200x16384xi32, #tpu.memory_space<hbm>> -> memref<2x512xi32, #tpu.memory_space<hbm>>
    tpu.wait_dma2 semaphore(%dma_wait3A_26 : memref<!tpu.dma_semaphore, #tpu.memory_space<semaphore_mem>>) src(%dma_wait3A_32 : memref<2x512xi32, #tpu.memory_space<hbm>>) dst(%dma_wait3A_30 : memref<2x512xi32, #tpu.memory_space<vmem>>)
    %dma_start3A_33 = arith.constant 0 : i32
    %dma_start3A_34 = arith.constant 0 : i32
    %dma_start3A_35 = arith.constant 0 : i32
    %dma_start3A_36 = arith.constant 0 : i32
    %dma_start3A_37 = arith.constant 0 : i32
    %dma_start3A_38 = arith.constant 0 : i32
    %dma_start3A_39 = arith.constant 0 : i32
    %dma_start3A_40 = tpu.memref_slice %arg6[%dma_start3A_35, %dma_start3A_36, %dma_start3A_38, %dma_start3A_39] : memref<2x2x512x32xf32, #tpu.memory_space<vmem>> -> memref<1x1x512x32xf32, #tpu.memory_space<vmem>>
    %dma_start3A_41 = tpu.memref_squeeze %dma_start3A_40 : memref<1x1x512x32xf32, #tpu.memory_space<vmem>> -> memref<512x32xf32, #tpu.memory_space<vmem>>
    %dma_start3A_42 = arith.constant 0 : i32
    %dma_start3A_43 = tpu.memref_slice %arg5[%dma_start3A_33, %dma_start3A_34, %dma_start3A_42] : memref<2x2x512xi32, #tpu.memory_space<vmem>> -> memref<1x1x512xi32, #tpu.memory_space<vmem>>
    %dma_start3A_44 = tpu.memref_squeeze %dma_start3A_43 : memref<1x1x512xi32, #tpu.memory_space<vmem>> -> memref<512xi32, #tpu.memory_space<vmem>>
    %dma_start3A_45 = arith.constant 0 : i32
    %dma_start3A_46 = arith.constant 0 : i32
    %dma_start3A_47 = tpu.memref_slice %arg3[%dma_start3A_45, %dma_start3A_46] : memref<1000000x32xf32, #tpu.memory_space<hbm>> -> memref<1000000x32xf32, #tpu.memory_space<hbm>>
    %dma_start3A_48 = tpu.memref_slice %arg9[%dma_start3A_37] : memref<2x!tpu.dma_semaphore, #tpu.memory_space<semaphore_mem>> -> memref<1x!tpu.dma_semaphore, #tpu.memory_space<semaphore_mem>>
    %dma_start3A_49 = tpu.memref_squeeze %dma_start3A_48 : memref<1x!tpu.dma_semaphore, #tpu.memory_space<semaphore_mem>> -> memref<!tpu.dma_semaphore, #tpu.memory_space<semaphore_mem>>
    tpu.enqueue_indirect_dma source(%dma_start3A_47 : memref<1000000x32xf32, #tpu.memory_space<hbm>>) target(%dma_start3A_41 : memref<512x32xf32, #tpu.memory_space<vmem>>) offsets(%dma_start3A_44 : memref<512xi32, #tpu.memory_space<vmem>>) semaphore(%dma_start3A_49 : memref<!tpu.dma_semaphore, #tpu.memory_space<semaphore_mem>>)
    %dma_start3A_50 = arith.constant 0 : i32
    %dma_start3A_51 = arith.constant 1 : i32
    %dma_start3A_52 = arith.constant 0 : i32
    %dma_start3A_53 = arith.constant 1 : i32
    %dma_start3A_54 = arith.constant 0 : i32
    %dma_start3A_55 = arith.constant 0 : i32
    %dma_start3A_56 = arith.constant 0 : i32
    %dma_start3A_57 = tpu.memref_slice %arg6[%dma_start3A_52, %dma_start3A_53, %dma_start3A_55, %dma_start3A_56] : memref<2x2x512x32xf32, #tpu.memory_space<vmem>> -> memref<1x1x512x32xf32, #tpu.memory_space<vmem>>
    %dma_start3A_58 = tpu.memref_squeeze %dma_start3A_57 : memref<1x1x512x32xf32, #tpu.memory_space<vmem>> -> memref<512x32xf32, #tpu.memory_space<vmem>>
    %dma_start3A_59 = arith.constant 0 : i32
    %dma_start3A_60 = tpu.memref_slice %arg5[%dma_start3A_50, %dma_start3A_51, %dma_start3A_59] : memref<2x2x512xi32, #tpu.memory_space<vmem>> -> memref<1x1x512xi32, #tpu.memory_space<vmem>>
    %dma_start3A_61 = tpu.memref_squeeze %dma_start3A_60 : memref<1x1x512xi32, #tpu.memory_space<vmem>> -> memref<512xi32, #tpu.memory_space<vmem>>
    %dma_start3A_62 = arith.constant 0 : i32
    %dma_start3A_63 = arith.constant 0 : i32
    %dma_start3A_64 = tpu.memref_slice %arg3[%dma_start3A_62, %dma_start3A_63] : memref<1000000x32xf32, #tpu.memory_space<hbm>> -> memref<1000000x32xf32, #tpu.memory_space<hbm>>
    %dma_start3A_65 = tpu.memref_slice %arg9[%dma_start3A_54] : memref<2x!tpu.dma_semaphore, #tpu.memory_space<semaphore_mem>> -> memref<1x!tpu.dma_semaphore, #tpu.memory_space<semaphore_mem>>
    %dma_start3A_66 = tpu.memref_squeeze %dma_start3A_65 : memref<1x!tpu.dma_semaphore, #tpu.memory_space<semaphore_mem>> -> memref<!tpu.dma_semaphore, #tpu.memory_space<semaphore_mem>>
    tpu.enqueue_indirect_dma source(%dma_start3A_64 : memref<1000000x32xf32, #tpu.memory_space<hbm>>) target(%dma_start3A_58 : memref<512x32xf32, #tpu.memory_space<vmem>>) offsets(%dma_start3A_61 : memref<512xi32, #tpu.memory_space<vmem>>) semaphore(%dma_start3A_66 : memref<!tpu.dma_semaphore, #tpu.memory_space<semaphore_mem>>)
    %dma_start3A_67 = arith.constant 1 : i32
    %dma_start3A_68 = arith.constant 1 : i32
    %dma_start3A_69 = arith.constant 0 : i32
    %dma_start3A_70 = arith.constant 0 : i32
    %dma_start3A_71 = tpu.memref_slice %arg5[%dma_start3A_67, %dma_start3A_69, %dma_start3A_70] : memref<2x2x512xi32, #tpu.memory_space<vmem>> -> memref<1x2x512xi32, #tpu.memory_space<vmem>>
    %dma_start3A_72 = tpu.memref_squeeze %dma_start3A_71 : memref<1x2x512xi32, #tpu.memory_space<vmem>> -> memref<2x512xi32, #tpu.memory_space<vmem>>
    %dma_start3A_73 = arith.constant 2 : i32
    %dma_start3A_74 = tpu.memref_slice %arg2[%dma_start3A_73, %mul3A_2] : memref<200x16384xi32, #tpu.memory_space<hbm>> -> memref<2x512xi32, #tpu.memory_space<hbm>>
    %dma_start3A_75 = tpu.memref_slice %arg8[%dma_start3A_68] : memref<2x!tpu.dma_semaphore, #tpu.memory_space<semaphore_mem>> -> memref<1x!tpu.dma_semaphore, #tpu.memory_space<semaphore_mem>>
    %dma_start3A_76 = tpu.memref_squeeze %dma_start3A_75 : memref<1x!tpu.dma_semaphore, #tpu.memory_space<semaphore_mem>> -> memref<!tpu.dma_semaphore, #tpu.memory_space<semaphore_mem>>
    %dma_start3A_77 = arith.constant 0 : i32
    %dma_start3A_78 = arith.constant 0 : i32
    %dma_start3A_79 = tpu.memref_slice %arg5[%dma_start3A_67, %dma_start3A_77, %dma_start3A_78] : memref<2x2x512xi32, #tpu.memory_space<vmem>> -> memref<1x2x512xi32, #tpu.memory_space<vmem>>
    %dma_start3A_80 = tpu.memref_squeeze %dma_start3A_79 : memref<1x2x512xi32, #tpu.memory_space<vmem>> -> memref<2x512xi32, #tpu.memory_space<vmem>>
    %dma_start3A_81 = arith.constant 2 : i32
    %dma_start3A_82 = tpu.memref_slice %arg2[%dma_start3A_81, %mul3A_2] : memref<200x16384xi32, #tpu.memory_space<hbm>> -> memref<2x512xi32, #tpu.memory_space<hbm>>
    tpu.enqueue_dma source(%dma_start3A_82 : memref<2x512xi32, #tpu.memory_space<hbm>>) target(%dma_start3A_80 : memref<2x512xi32, #tpu.memory_space<vmem>>) target_semaphore(%dma_start3A_76 : memref<!tpu.dma_semaphore, #tpu.memory_space<semaphore_mem>>)
    %scan3A = arith.constant 0 : i32
    %scan3A_83 = arith.constant 100 : i32
    %scan3A_84 = arith.addi %scan3A, %scan3A_83 : i32
    %scan3A_85 = arith.constant 1 : i32
    scf.for %scan3A_174 = %scan3A to %scan3A_84 step %scan3A_85  : i32 {
      %mul3A_175 = arith.constant 1 : i32
      %mul3A_176 = arith.muli %scan3A_174, %mul3A_175 : i32
      %add3A_177 = arith.constant 0 : i32
      %add3A_178 = arith.addi %add3A_177, %mul3A_176 : i32
      %rem3A = arith.constant 2 : i32
      %rem3A_179 = arith.remsi %add3A_178, %rem3A : i32
      %sub3A = arith.constant 1 : i32
      %sub3A_180 = arith.subi %sub3A, %rem3A_179 : i32
      %add3A_181 = arith.constant 1 : i32
      %add3A_182 = arith.addi %add3A_178, %add3A_181 : i32
      %lt3A = arith.constant 100 : i32
      %lt3A_183 = arith.cmpi slt, %add3A_182, %lt3A : i32
      %convert_element_type3A = arith.extui %lt3A_183 : i1 to i32
      %cond3A = arith.constant 0 : i32
      %cond3A_184 = arith.cmpi ne, %convert_element_type3A, %cond3A : i32
      scf.if %cond3A_184 {
        %add3A_363 = arith.constant 1 : i32
        %add3A_364 = arith.addi %add3A_178, %add3A_363 : i32
        %mul3A_365 = arith.constant 2 : i32
        %mul3A_366 = arith.muli %add3A_364, %mul3A_365 : i32
        %dma_wait3A_367 = arith.constant 0 : i32
        %dma_wait3A_368 = arith.constant 0 : i32
        %dma_wait3A_369 = tpu.memref_slice %arg5[%sub3A_180, %dma_wait3A_367, %dma_wait3A_368] : memref<2x2x512xi32, #tpu.memory_space<vmem>> -> memref<1x2x512xi32, #tpu.memory_space<vmem>>
        %dma_wait3A_370 = tpu.memref_squeeze %dma_wait3A_369 : memref<1x2x512xi32, #tpu.memory_space<vmem>> -> memref<2x512xi32, #tpu.memory_space<vmem>>
        %dma_wait3A_371 = tpu.memref_slice %arg2[%mul3A_366, %mul3A_2] : memref<200x16384xi32, #tpu.memory_space<hbm>> -> memref<2x512xi32, #tpu.memory_space<hbm>>
        %dma_wait3A_372 = tpu.memref_slice %arg8[%sub3A_180] : memref<2x!tpu.dma_semaphore, #tpu.memory_space<semaphore_mem>> -> memref<1x!tpu.dma_semaphore, #tpu.memory_space<semaphore_mem>>
        %dma_wait3A_373 = tpu.memref_squeeze %dma_wait3A_372 : memref<1x!tpu.dma_semaphore, #tpu.memory_space<semaphore_mem>> -> memref<!tpu.dma_semaphore, #tpu.memory_space<semaphore_mem>>
        %dma_wait3A_374 = arith.constant 0 : i32
        %dma_wait3A_375 = arith.constant 0 : i32
        %dma_wait3A_376 = tpu.memref_slice %arg5[%sub3A_180, %dma_wait3A_374, %dma_wait3A_375] : memref<2x2x512xi32, #tpu.memory_space<vmem>> -> memref<1x2x512xi32, #tpu.memory_space<vmem>>
        %dma_wait3A_377 = tpu.memref_squeeze %dma_wait3A_376 : memref<1x2x512xi32, #tpu.memory_space<vmem>> -> memref<2x512xi32, #tpu.memory_space<vmem>>
        %dma_wait3A_378 = tpu.memref_slice %arg2[%mul3A_366, %mul3A_2] : memref<200x16384xi32, #tpu.memory_space<hbm>> -> memref<2x512xi32, #tpu.memory_space<hbm>>
        tpu.wait_dma2 semaphore(%dma_wait3A_373 : memref<!tpu.dma_semaphore, #tpu.memory_space<semaphore_mem>>) src(%dma_wait3A_378 : memref<2x512xi32, #tpu.memory_space<hbm>>) dst(%dma_wait3A_377 : memref<2x512xi32, #tpu.memory_space<vmem>>)
        %add3A_379 = arith.constant 1 : i32
        %add3A_380 = arith.addi %add3A_178, %add3A_379 : i32
        %dma_start3A_381 = arith.constant 0 : i32
        %dma_start3A_382 = arith.constant 0 : i32
        %dma_start3A_383 = arith.constant 0 : i32
        %dma_start3A_384 = arith.constant 0 : i32
        %dma_start3A_385 = tpu.memref_slice %arg6[%sub3A_180, %dma_start3A_382, %dma_start3A_383, %dma_start3A_384] : memref<2x2x512x32xf32, #tpu.memory_space<vmem>> -> memref<1x1x512x32xf32, #tpu.memory_space<vmem>>
        %dma_start3A_386 = tpu.memref_squeeze %dma_start3A_385 : memref<1x1x512x32xf32, #tpu.memory_space<vmem>> -> memref<512x32xf32, #tpu.memory_space<vmem>>
        %dma_start3A_387 = arith.constant 0 : i32
        %dma_start3A_388 = tpu.memref_slice %arg5[%sub3A_180, %dma_start3A_381, %dma_start3A_387] : memref<2x2x512xi32, #tpu.memory_space<vmem>> -> memref<1x1x512xi32, #tpu.memory_space<vmem>>
        %dma_start3A_389 = tpu.memref_squeeze %dma_start3A_388 : memref<1x1x512xi32, #tpu.memory_space<vmem>> -> memref<512xi32, #tpu.memory_space<vmem>>
        %dma_start3A_390 = arith.constant 0 : i32
        %dma_start3A_391 = arith.constant 0 : i32
        %dma_start3A_392 = tpu.memref_slice %arg3[%dma_start3A_390, %dma_start3A_391] : memref<1000000x32xf32, #tpu.memory_space<hbm>> -> memref<1000000x32xf32, #tpu.memory_space<hbm>>
        %dma_start3A_393 = tpu.memref_slice %arg9[%sub3A_180] : memref<2x!tpu.dma_semaphore, #tpu.memory_space<semaphore_mem>> -> memref<1x!tpu.dma_semaphore, #tpu.memory_space<semaphore_mem>>
        %dma_start3A_394 = tpu.memref_squeeze %dma_start3A_393 : memref<1x!tpu.dma_semaphore, #tpu.memory_space<semaphore_mem>> -> memref<!tpu.dma_semaphore, #tpu.memory_space<semaphore_mem>>
        tpu.enqueue_indirect_dma source(%dma_start3A_392 : memref<1000000x32xf32, #tpu.memory_space<hbm>>) target(%dma_start3A_386 : memref<512x32xf32, #tpu.memory_space<vmem>>) offsets(%dma_start3A_389 : memref<512xi32, #tpu.memory_space<vmem>>) semaphore(%dma_start3A_394 : memref<!tpu.dma_semaphore, #tpu.memory_space<semaphore_mem>>)
        %add3A_395 = arith.constant 1 : i32
        %add3A_396 = arith.addi %add3A_178, %add3A_395 : i32
        %dma_start3A_397 = arith.constant 1 : i32
        %dma_start3A_398 = arith.constant 1 : i32
        %dma_start3A_399 = arith.constant 0 : i32
        %dma_start3A_400 = arith.constant 0 : i32
        %dma_start3A_401 = tpu.memref_slice %arg6[%sub3A_180, %dma_start3A_398, %dma_start3A_399, %dma_start3A_400] : memref<2x2x512x32xf32, #tpu.memory_space<vmem>> -> memref<1x1x512x32xf32, #tpu.memory_space<vmem>>
        %dma_start3A_402 = tpu.memref_squeeze %dma_start3A_401 : memref<1x1x512x32xf32, #tpu.memory_space<vmem>> -> memref<512x32xf32, #tpu.memory_space<vmem>>
        %dma_start3A_403 = arith.constant 0 : i32
        %dma_start3A_404 = tpu.memref_slice %arg5[%sub3A_180, %dma_start3A_397, %dma_start3A_403] : memref<2x2x512xi32, #tpu.memory_space<vmem>> -> memref<1x1x512xi32, #tpu.memory_space<vmem>>
        %dma_start3A_405 = tpu.memref_squeeze %dma_start3A_404 : memref<1x1x512xi32, #tpu.memory_space<vmem>> -> memref<512xi32, #tpu.memory_space<vmem>>
        %dma_start3A_406 = arith.constant 0 : i32
        %dma_start3A_407 = arith.constant 0 : i32
        %dma_start3A_408 = tpu.memref_slice %arg3[%dma_start3A_406, %dma_start3A_407] : memref<1000000x32xf32, #tpu.memory_space<hbm>> -> memref<1000000x32xf32, #tpu.memory_space<hbm>>
        %dma_start3A_409 = tpu.memref_slice %arg9[%sub3A_180] : memref<2x!tpu.dma_semaphore, #tpu.memory_space<semaphore_mem>> -> memref<1x!tpu.dma_semaphore, #tpu.memory_space<semaphore_mem>>
        %dma_start3A_410 = tpu.memref_squeeze %dma_start3A_409 : memref<1x!tpu.dma_semaphore, #tpu.memory_space<semaphore_mem>> -> memref<!tpu.dma_semaphore, #tpu.memory_space<semaphore_mem>>
        tpu.enqueue_indirect_dma source(%dma_start3A_408 : memref<1000000x32xf32, #tpu.memory_space<hbm>>) target(%dma_start3A_402 : memref<512x32xf32, #tpu.memory_space<vmem>>) offsets(%dma_start3A_405 : memref<512xi32, #tpu.memory_space<vmem>>) semaphore(%dma_start3A_410 : memref<!tpu.dma_semaphore, #tpu.memory_space<semaphore_mem>>)
      } else {
      }
      %shift_right_logical3A = arith.constant 3 : i32
      %shift_right_logical3A_185 = vector.broadcast %shift_right_logical3A : i32 to vector<16xi32>
      %shift_right_logical3A_186 = arith.shrui %iota3A, %shift_right_logical3A_185 : vector<16xi32>
      %and3A = arith.constant 7 : i32
      %and3A_187 = vector.broadcast %and3A : i32 to vector<16xi32>
      %and3A_188 = arith.andi %iota3A, %and3A_187 : vector<16xi32>
      %add3A_189 = arith.constant 2 : i32
      %add3A_190 = vector.broadcast %add3A_189 : i32 to vector<16xi32>
      %add3A_191 = arith.addi %shift_right_logical3A_186, %add3A_190 : vector<16xi32>
      %dma_wait3A_192 = arith.constant 0 : i32
      %dma_wait3A_193 = arith.constant 0 : i32
      %dma_wait3A_194 = arith.constant 0 : i32
      %dma_wait3A_195 = arith.constant 0 : i32
      %dma_wait3A_196 = tpu.memref_slice %arg6[%rem3A_179, %dma_wait3A_193, %dma_wait3A_194, %dma_wait3A_195] : memref<2x2x512x32xf32, #tpu.memory_space<vmem>> -> memref<1x1x512x32xf32, #tpu.memory_space<vmem>>
      %dma_wait3A_197 = tpu.memref_squeeze %dma_wait3A_196 : memref<1x1x512x32xf32, #tpu.memory_space<vmem>> -> memref<512x32xf32, #tpu.memory_space<vmem>>
      %dma_wait3A_198 = arith.constant 0 : i32
      %dma_wait3A_199 = tpu.memref_slice %arg5[%rem3A_179, %dma_wait3A_192, %dma_wait3A_198] : memref<2x2x512xi32, #tpu.memory_space<vmem>> -> memref<1x1x512xi32, #tpu.memory_space<vmem>>
      %dma_wait3A_200 = tpu.memref_squeeze %dma_wait3A_199 : memref<1x1x512xi32, #tpu.memory_space<vmem>> -> memref<512xi32, #tpu.memory_space<vmem>>
      %dma_wait3A_201 = arith.constant 0 : i32
      %dma_wait3A_202 = arith.constant 0 : i32
      %dma_wait3A_203 = tpu.memref_slice %arg3[%dma_wait3A_201, %dma_wait3A_202] : memref<1000000x32xf32, #tpu.memory_space<hbm>> -> memref<1000000x32xf32, #tpu.memory_space<hbm>>
      %dma_wait3A_204 = tpu.memref_slice %arg9[%rem3A_179] : memref<2x!tpu.dma_semaphore, #tpu.memory_space<semaphore_mem>> -> memref<1x!tpu.dma_semaphore, #tpu.memory_space<semaphore_mem>>
      %dma_wait3A_205 = tpu.memref_squeeze %dma_wait3A_204 : memref<1x!tpu.dma_semaphore, #tpu.memory_space<semaphore_mem>> -> memref<!tpu.dma_semaphore, #tpu.memory_space<semaphore_mem>>
      tpu.wait_indirect_dma semaphore(%dma_wait3A_205 : memref<!tpu.dma_semaphore, #tpu.memory_space<semaphore_mem>>) src(%dma_wait3A_203 : memref<1000000x32xf32, #tpu.memory_space<hbm>>) dst(%dma_wait3A_197 : memref<512x32xf32, #tpu.memory_space<vmem>>)
      %mul3A_206 = arith.constant 2 : i32
      %mul3A_207 = arith.muli %add3A_178, %mul3A_206 : i32
      %add3A_208 = arith.constant 0 : i32
      %add3A_209 = arith.addi %mul3A_207, %add3A_208 : i32
      %rem3A_210 = arith.constant 3 : i32
      %rem3A_211 = arith.remsi %add3A_209, %rem3A_210 : i32
      %ge3A = arith.constant 3 : i32
      %ge3A_212 = arith.cmpi sge, %add3A_209, %ge3A : i32
      %convert_element_type3A_213 = arith.extui %ge3A_212 : i1 to i32
      %cond3A_214 = arith.constant 0 : i32
      %cond3A_215 = arith.cmpi ne, %convert_element_type3A_213, %cond3A_214 : i32
      scf.if %cond3A_215 {
        %sub3A_363 = arith.constant 3 : i32
        %sub3A_364 = arith.subi %add3A_209, %sub3A_363 : i32
        %mul3A_365 = arith.constant 4 : i32
        %mul3A_366 = arith.muli %add3A, %mul3A_365 : i32
        %dma_wait3A_367 = arith.constant 0 : i32
        %dma_wait3A_368 = arith.constant 0 : i32
        %dma_wait3A_369 = arith.constant 0 : i32
        %dma_wait3A_370 = arith.constant 0 : i32
        %dma_wait3A_371 = tpu.memref_slice %arg7[%rem3A_211, %dma_wait3A_367, %dma_wait3A_368, %dma_wait3A_369, %dma_wait3A_370] : memref<3x4x4x8x129xf32, #tpu.memory_space<vmem>> -> memref<1x4x4x8x128xf32, #tpu.memory_space<vmem>>
        %dma_wait3A_372 = tpu.memref_squeeze %dma_wait3A_371 : memref<1x4x4x8x128xf32, #tpu.memory_space<vmem>> -> memref<4x4x8x128xf32, #tpu.memory_space<vmem>>
        %dma_wait3A_373 = arith.constant 0 : i32
        %dma_wait3A_374 = arith.constant 0 : i32
        %dma_wait3A_375 = arith.constant 0 : i32
        %dma_wait3A_376 = tpu.memref_slice %arg4[%sub3A_364, %dma_wait3A_373, %mul3A_366, %dma_wait3A_374, %dma_wait3A_375] : memref<200x4x128x8x128xf32, #tpu.memory_space<hbm>> -> memref<1x4x4x8x128xf32, #tpu.memory_space<hbm>>
        %dma_wait3A_377 = tpu.memref_squeeze %dma_wait3A_376 : memref<1x4x4x8x128xf32, #tpu.memory_space<hbm>> -> memref<4x4x8x128xf32, #tpu.memory_space<hbm>>
        %dma_wait3A_378 = tpu.memref_slice %arg10[%rem3A_211] : memref<3x!tpu.dma_semaphore, #tpu.memory_space<semaphore_mem>> -> memref<1x!tpu.dma_semaphore, #tpu.memory_space<semaphore_mem>>
        %dma_wait3A_379 = tpu.memref_squeeze %dma_wait3A_378 : memref<1x!tpu.dma_semaphore, #tpu.memory_space<semaphore_mem>> -> memref<!tpu.dma_semaphore, #tpu.memory_space<semaphore_mem>>
        %dma_wait3A_380 = arith.constant 0 : i32
        %dma_wait3A_381 = arith.constant 0 : i32
        %dma_wait3A_382 = arith.constant 0 : i32
        %dma_wait3A_383 = tpu.memref_slice %arg4[%sub3A_364, %dma_wait3A_380, %mul3A_366, %dma_wait3A_381, %dma_wait3A_382] : memref<200x4x128x8x128xf32, #tpu.memory_space<hbm>> -> memref<1x4x4x8x128xf32, #tpu.memory_space<hbm>>
        %dma_wait3A_384 = tpu.memref_squeeze %dma_wait3A_383 : memref<1x4x4x8x128xf32, #tpu.memory_space<hbm>> -> memref<4x4x8x128xf32, #tpu.memory_space<hbm>>
        %dma_wait3A_385 = arith.constant 0 : i32
        %dma_wait3A_386 = arith.constant 0 : i32
        %dma_wait3A_387 = arith.constant 0 : i32
        %dma_wait3A_388 = arith.constant 0 : i32
        %dma_wait3A_389 = tpu.memref_slice %arg7[%rem3A_211, %dma_wait3A_385, %dma_wait3A_386, %dma_wait3A_387, %dma_wait3A_388] : memref<3x4x4x8x129xf32, #tpu.memory_space<vmem>> -> memref<1x4x4x8x128xf32, #tpu.memory_space<vmem>>
        %dma_wait3A_390 = tpu.memref_squeeze %dma_wait3A_389 : memref<1x4x4x8x128xf32, #tpu.memory_space<vmem>> -> memref<4x4x8x128xf32, #tpu.memory_space<vmem>>
        tpu.wait_dma2 semaphore(%dma_wait3A_379 : memref<!tpu.dma_semaphore, #tpu.memory_space<semaphore_mem>>) src(%dma_wait3A_390 : memref<4x4x8x128xf32, #tpu.memory_space<vmem>>) dst(%dma_wait3A_384 : memref<4x4x8x128xf32, #tpu.memory_space<hbm>>)
      } else {
      }
      %broadcast_in_dim3A = arith.constant 0 : i32
      %broadcast_in_dim3A_216 = vector.broadcast %broadcast_in_dim3A : i32 to vector<16xi32>
      %scan3A_217 = arith.constant 0 : i32
      %scan3A_218 = arith.constant 0 : i32
      %scan3A_219 = arith.constant 128 : i32
      %scan3A_220 = arith.addi %scan3A_218, %scan3A_219 : i32
      %scan3A_221 = arith.constant 8 : i32
      scf.for %scan3A_363 = %scan3A_218 to %scan3A_220 step %scan3A_221  : i32 {
        %mul3A_364 = arith.constant 1 : i32
        %mul3A_365 = arith.muli %scan3A_363, %mul3A_364 : i32
        %add3A_366 = arith.constant 0 : i32
        %add3A_367 = arith.addi %add3A_366, %mul3A_365 : i32
        %add3A_368 = arith.constant 0 : i32
        %add3A_369 = arith.addi %add3A_368, %add3A_367 : i32
        %get3A = arith.constant 0 : i32
        %get3A_370 = arith.constant 0 : i32
        %get3A_371 = tpu.memref_slice %arg6[%rem3A_179, %scan3A_217, %get3A, %get3A_370] : memref<2x2x512x32xf32, #tpu.memory_space<vmem>> -> memref<1x1x512x32xf32, #tpu.memory_space<vmem>>
        %get3A_372 = tpu.memref_squeeze %get3A_371 : memref<1x1x512x32xf32, #tpu.memory_space<vmem>> -> memref<512x32xf32, #tpu.memory_space<vmem>>
        %get3A_373 = arith.index_cast %add3A_369 : i32 to index
        %get3A_374 = arith.constant 0 : index
        %get3A_375 = tpu.vector_load %get3A_372[%get3A_373, %get3A_374] {strides = array<i32>} : memref<512x32xf32, #tpu.memory_space<vmem>>, vector<16xf32>,
        %mul3A_376 = arith.constant 5.65685415 : f32
        %mul3A_377 = vector.broadcast %mul3A_376 : f32 to vector<16xf32>
        %mul3A_378 = arith.mulf %get3A_375, %mul3A_377 : vector<16xf32>
        %get3A_379 = arith.constant 0 : i32
        %get3A_380 = arith.constant 0 : i32
        %get3A_381 = tpu.memref_slice %arg6[%rem3A_179, %scan3A_217, %get3A_379, %get3A_380] : memref<2x2x512x32xf32, #tpu.memory_space<vmem>> -> memref<1x1x512x32xf32, #tpu.memory_space<vmem>>
        %get3A_382 = tpu.memref_squeeze %get3A_381 : memref<1x1x512x32xf32, #tpu.memory_space<vmem>> -> memref<512x32xf32, #tpu.memory_space<vmem>>
        %get3A_383 = arith.index_cast %add3A_369 : i32 to index
        %get3A_384 = arith.constant 16 : index
        %get3A_385 = tpu.vector_load %get3A_382[%get3A_383, %get3A_384] {strides = array<i32>} : memref<512x32xf32, #tpu.memory_space<vmem>>, vector<16xf32>,
        %mul3A_386 = arith.constant 5.65685415 : f32
        %mul3A_387 = vector.broadcast %mul3A_386 : f32 to vector<16xf32>
        %mul3A_388 = arith.mulf %get3A_385, %mul3A_387 : vector<16xf32>
        %broadcast_in_dim3A_389 = arith.constant 0 : i32
        %broadcast_in_dim3A_390 = vector.broadcast %broadcast_in_dim3A_389 : i32 to vector<16xi32>
        %add3A_391 = vector.broadcast %add3A_367 : i32 to vector<16xi32>
        %add3A_392 = arith.addi %broadcast_in_dim3A_390, %add3A_391 : vector<16xi32>
        %scatter3A = arith.constant 0 : i32
        %scatter3A_393 = arith.constant 0 : i32
        %scatter3A_394 = arith.constant 0 : i32
        %scatter3A_395 = arith.constant 0 : i32
        %scatter3A_396 = tpu.memref_slice %arg7[%rem3A_211, %scatter3A, %scatter3A_393, %scatter3A_394, %scatter3A_395] : memref<3x4x4x8x129xf32, #tpu.memory_space<vmem>> -> memref<1x4x4x8x129xf32, #tpu.memory_space<vmem>>
        %scatter3A_397 = tpu.memref_squeeze %scatter3A_396 : memref<1x4x4x8x129xf32, #tpu.memory_space<vmem>> -> memref<4x4x8x129xf32, #tpu.memory_space<vmem>>
        tpu.vector_store_idx %scatter3A_397[%shift_right_logical3A_186, %broadcast_in_dim3A_216, %and3A_188, %add3A_392], %mul3A_378 : memref<4x4x8x129xf32, #tpu.memory_space<vmem>>[vector<16xi32>, vector<16xi32>, vector<16xi32>, vector<16xi32>], vector<16xf32>,
        %scatter3A_398 = arith.constant 0 : i32
        %scatter3A_399 = arith.constant 0 : i32
        %scatter3A_400 = arith.constant 0 : i32
        %scatter3A_401 = arith.constant 0 : i32
        %scatter3A_402 = tpu.memref_slice %arg7[%rem3A_211, %scatter3A_398, %scatter3A_399, %scatter3A_400, %scatter3A_401] : memref<3x4x4x8x129xf32, #tpu.memory_space<vmem>> -> memref<1x4x4x8x129xf32, #tpu.memory_space<vmem>>
        %scatter3A_403 = tpu.memref_squeeze %scatter3A_402 : memref<1x4x4x8x129xf32, #tpu.memory_space<vmem>> -> memref<4x4x8x129xf32, #tpu.memory_space<vmem>>
        tpu.vector_store_idx %scatter3A_403[%add3A_191, %broadcast_in_dim3A_216, %and3A_188, %add3A_392], %mul3A_388 : memref<4x4x8x129xf32, #tpu.memory_space<vmem>>[vector<16xi32>, vector<16xi32>, vector<16xi32>, vector<16xi32>], vector<16xf32>,
        %scan3A_404 = arith.constant 1 : i32
        %scan3A_405 = arith.addi %scan3A_363, %scan3A_404 : i32
        %mul3A_406 = arith.constant 1 : i32
        %mul3A_407 = arith.muli %scan3A_405, %mul3A_406 : i32
        %add3A_408 = arith.constant 0 : i32
        %add3A_409 = arith.addi %add3A_408, %mul3A_407 : i32
        %add3A_410 = arith.constant 0 : i32
        %add3A_411 = arith.addi %add3A_410, %add3A_409 : i32
        %get3A_412 = arith.constant 0 : i32
        %get3A_413 = arith.constant 0 : i32
        %get3A_414 = tpu.memref_slice %arg6[%rem3A_179, %scan3A_217, %get3A_412, %get3A_413] : memref<2x2x512x32xf32, #tpu.memory_space<vmem>> -> memref<1x1x512x32xf32, #tpu.memory_space<vmem>>
        %get3A_415 = tpu.memref_squeeze %get3A_414 : memref<1x1x512x32xf32, #tpu.memory_space<vmem>> -> memref<512x32xf32, #tpu.memory_space<vmem>>
        %get3A_416 = arith.index_cast %add3A_411 : i32 to index
        %get3A_417 = arith.constant 0 : index
        %get3A_418 = tpu.vector_load %get3A_415[%get3A_416, %get3A_417] {strides = array<i32>} : memref<512x32xf32, #tpu.memory_space<vmem>>, vector<16xf32>,
        %mul3A_419 = arith.constant 5.65685415 : f32
        %mul3A_420 = vector.broadcast %mul3A_419 : f32 to vector<16xf32>
        %mul3A_421 = arith.mulf %get3A_418, %mul3A_420 : vector<16xf32>
        %get3A_422 = arith.constant 0 : i32
        %get3A_423 = arith.constant 0 : i32
        %get3A_424 = tpu.memref_slice %arg6[%rem3A_179, %scan3A_217, %get3A_422, %get3A_423] : memref<2x2x512x32xf32, #tpu.memory_space<vmem>> -> memref<1x1x512x32xf32, #tpu.memory_space<vmem>>
        %get3A_425 = tpu.memref_squeeze %get3A_424 : memref<1x1x512x32xf32, #tpu.memory_space<vmem>> -> memref<512x32xf32, #tpu.memory_space<vmem>>
        %get3A_426 = arith.index_cast %add3A_411 : i32 to index
        %get3A_427 = arith.constant 16 : index
        %get3A_428 = tpu.vector_load %get3A_425[%get3A_426, %get3A_427] {strides = array<i32>} : memref<512x32xf32, #tpu.memory_space<vmem>>, vector<16xf32>,
        %mul3A_429 = arith.constant 5.65685415 : f32
        %mul3A_430 = vector.broadcast %mul3A_429 : f32 to vector<16xf32>
        %mul3A_431 = arith.mulf %get3A_428, %mul3A_430 : vector<16xf32>
        %broadcast_in_dim3A_432 = arith.constant 0 : i32
        %broadcast_in_dim3A_433 = vector.broadcast %broadcast_in_dim3A_432 : i32 to vector<16xi32>
        %add3A_434 = vector.broadcast %add3A_409 : i32 to vector<16xi32>
        %add3A_435 = arith.addi %broadcast_in_dim3A_433, %add3A_434 : vector<16xi32>
        %scatter3A_436 = arith.constant 0 : i32
        %scatter3A_437 = arith.constant 0 : i32
        %scatter3A_438 = arith.constant 0 : i32
        %scatter3A_439 = arith.constant 0 : i32
        %scatter3A_440 = tpu.memref_slice %arg7[%rem3A_211, %scatter3A_436, %scatter3A_437, %scatter3A_438, %scatter3A_439] : memref<3x4x4x8x129xf32, #tpu.memory_space<vmem>> -> memref<1x4x4x8x129xf32, #tpu.memory_space<vmem>>
        %scatter3A_441 = tpu.memref_squeeze %scatter3A_440 : memref<1x4x4x8x129xf32, #tpu.memory_space<vmem>> -> memref<4x4x8x129xf32, #tpu.memory_space<vmem>>
        tpu.vector_store_idx %scatter3A_441[%shift_right_logical3A_186, %broadcast_in_dim3A_216, %and3A_188, %add3A_435], %mul3A_421 : memref<4x4x8x129xf32, #tpu.memory_space<vmem>>[vector<16xi32>, vector<16xi32>, vector<16xi32>, vector<16xi32>], vector<16xf32>,
        %scatter3A_442 = arith.constant 0 : i32
        %scatter3A_443 = arith.constant 0 : i32
        %scatter3A_444 = arith.constant 0 : i32
        %scatter3A_445 = arith.constant 0 : i32
        %scatter3A_446 = tpu.memref_slice %arg7[%rem3A_211, %scatter3A_442, %scatter3A_443, %scatter3A_444, %scatter3A_445] : memref<3x4x4x8x129xf32, #tpu.memory_space<vmem>> -> memref<1x4x4x8x129xf32, #tpu.memory_space<vmem>>
        %scatter3A_447 = tpu.memref_squeeze %scatter3A_446 : memref<1x4x4x8x129xf32, #tpu.memory_space<vmem>> -> memref<4x4x8x129xf32, #tpu.memory_space<vmem>>
        tpu.vector_store_idx %scatter3A_447[%add3A_191, %broadcast_in_dim3A_216, %and3A_188, %add3A_435], %mul3A_431 : memref<4x4x8x129xf32, #tpu.memory_space<vmem>>[vector<16xi32>, vector<16xi32>, vector<16xi32>, vector<16xi32>], vector<16xf32>,
        %scan3A_448 = arith.constant 2 : i32
        %scan3A_449 = arith.addi %scan3A_363, %scan3A_448 : i32
        %mul3A_450 = arith.constant 1 : i32
        %mul3A_451 = arith.muli %scan3A_449, %mul3A_450 : i32
        %add3A_452 = arith.constant 0 : i32
        %add3A_453 = arith.addi %add3A_452, %mul3A_451 : i32
        %add3A_454 = arith.constant 0 : i32
        %add3A_455 = arith.addi %add3A_454, %add3A_453 : i32
        %get3A_456 = arith.constant 0 : i32
        %get3A_457 = arith.constant 0 : i32
        %get3A_458 = tpu.memref_slice %arg6[%rem3A_179, %scan3A_217, %get3A_456, %get3A_457] : memref<2x2x512x32xf32, #tpu.memory_space<vmem>> -> memref<1x1x512x32xf32, #tpu.memory_space<vmem>>
        %get3A_459 = tpu.memref_squeeze %get3A_458 : memref<1x1x512x32xf32, #tpu.memory_space<vmem>> -> memref<512x32xf32, #tpu.memory_space<vmem>>
        %get3A_460 = arith.index_cast %add3A_455 : i32 to index
        %get3A_461 = arith.constant 0 : index
        %get3A_462 = tpu.vector_load %get3A_459[%get3A_460, %get3A_461] {strides = array<i32>} : memref<512x32xf32, #tpu.memory_space<vmem>>, vector<16xf32>,
        %mul3A_463 = arith.constant 5.65685415 : f32
        %mul3A_464 = vector.broadcast %mul3A_463 : f32 to vector<16xf32>
        %mul3A_465 = arith.mulf %get3A_462, %mul3A_464 : vector<16xf32>
        %get3A_466 = arith.constant 0 : i32
        %get3A_467 = arith.constant 0 : i32
        %get3A_468 = tpu.memref_slice %arg6[%rem3A_179, %scan3A_217, %get3A_466, %get3A_467] : memref<2x2x512x32xf32, #tpu.memory_space<vmem>> -> memref<1x1x512x32xf32, #tpu.memory_space<vmem>>
        %get3A_469 = tpu.memref_squeeze %get3A_468 : memref<1x1x512x32xf32, #tpu.memory_space<vmem>> -> memref<512x32xf32, #tpu.memory_space<vmem>>
        %get3A_470 = arith.index_cast %add3A_455 : i32 to index
        %get3A_471 = arith.constant 16 : index
        %get3A_472 = tpu.vector_load %get3A_469[%get3A_470, %get3A_471] {strides = array<i32>} : memref<512x32xf32, #tpu.memory_space<vmem>>, vector<16xf32>,
        %mul3A_473 = arith.constant 5.65685415 : f32
        %mul3A_474 = vector.broadcast %mul3A_473 : f32 to vector<16xf32>
        %mul3A_475 = arith.mulf %get3A_472, %mul3A_474 : vector<16xf32>
        %broadcast_in_dim3A_476 = arith.constant 0 : i32
        %broadcast_in_dim3A_477 = vector.broadcast %broadcast_in_dim3A_476 : i32 to vector<16xi32>
        %add3A_478 = vector.broadcast %add3A_453 : i32 to vector<16xi32>
        %add3A_479 = arith.addi %broadcast_in_dim3A_477, %add3A_478 : vector<16xi32>
        %scatter3A_480 = arith.constant 0 : i32
        %scatter3A_481 = arith.constant 0 : i32
        %scatter3A_482 = arith.constant 0 : i32
        %scatter3A_483 = arith.constant 0 : i32
        %scatter3A_484 = tpu.memref_slice %arg7[%rem3A_211, %scatter3A_480, %scatter3A_481, %scatter3A_482, %scatter3A_483] : memref<3x4x4x8x129xf32, #tpu.memory_space<vmem>> -> memref<1x4x4x8x129xf32, #tpu.memory_space<vmem>>
        %scatter3A_485 = tpu.memref_squeeze %scatter3A_484 : memref<1x4x4x8x129xf32, #tpu.memory_space<vmem>> -> memref<4x4x8x129xf32, #tpu.memory_space<vmem>>
        tpu.vector_store_idx %scatter3A_485[%shift_right_logical3A_186, %broadcast_in_dim3A_216, %and3A_188, %add3A_479], %mul3A_465 : memref<4x4x8x129xf32, #tpu.memory_space<vmem>>[vector<16xi32>, vector<16xi32>, vector<16xi32>, vector<16xi32>], vector<16xf32>,
        %scatter3A_486 = arith.constant 0 : i32
        %scatter3A_487 = arith.constant 0 : i32
        %scatter3A_488 = arith.constant 0 : i32
        %scatter3A_489 = arith.constant 0 : i32
        %scatter3A_490 = tpu.memref_slice %arg7[%rem3A_211, %scatter3A_486, %scatter3A_487, %scatter3A_488, %scatter3A_489] : memref<3x4x4x8x129xf32, #tpu.memory_space<vmem>> -> memref<1x4x4x8x129xf32, #tpu.memory_space<vmem>>
        %scatter3A_491 = tpu.memref_squeeze %scatter3A_490 : memref<1x4x4x8x129xf32, #tpu.memory_space<vmem>> -> memref<4x4x8x129xf32, #tpu.memory_space<vmem>>
        tpu.vector_store_idx %scatter3A_491[%add3A_191, %broadcast_in_dim3A_216, %and3A_188, %add3A_479], %mul3A_475 : memref<4x4x8x129xf32, #tpu.memory_space<vmem>>[vector<16xi32>, vector<16xi32>, vector<16xi32>, vector<16xi32>], vector<16xf32>,
        %scan3A_492 = arith.constant 3 : i32
        %scan3A_493 = arith.addi %scan3A_363, %scan3A_492 : i32
        %mul3A_494 = arith.constant 1 : i32
        %mul3A_495 = arith.muli %scan3A_493, %mul3A_494 : i32
        %add3A_496 = arith.constant 0 : i32
        %add3A_497 = arith.addi %add3A_496, %mul3A_495 : i32
        %add3A_498 = arith.constant 0 : i32
        %add3A_499 = arith.addi %add3A_498, %add3A_497 : i32
        %get3A_500 = arith.constant 0 : i32
        %get3A_501 = arith.constant 0 : i32
        %get3A_502 = tpu.memref_slice %arg6[%rem3A_179, %scan3A_217, %get3A_500, %get3A_501] : memref<2x2x512x32xf32, #tpu.memory_space<vmem>> -> memref<1x1x512x32xf32, #tpu.memory_space<vmem>>
        %get3A_503 = tpu.memref_squeeze %get3A_502 : memref<1x1x512x32xf32, #tpu.memory_space<vmem>> -> memref<512x32xf32, #tpu.memory_space<vmem>>
        %get3A_504 = arith.index_cast %add3A_499 : i32 to index
        %get3A_505 = arith.constant 0 : index
        %get3A_506 = tpu.vector_load %get3A_503[%get3A_504, %get3A_505] {strides = array<i32>} : memref<512x32xf32, #tpu.memory_space<vmem>>, vector<16xf32>,
        %mul3A_507 = arith.constant 5.65685415 : f32
        %mul3A_508 = vector.broadcast %mul3A_507 : f32 to vector<16xf32>
        %mul3A_509 = arith.mulf %get3A_506, %mul3A_508 : vector<16xf32>
        %get3A_510 = arith.constant 0 : i32
        %get3A_511 = arith.constant 0 : i32
        %get3A_512 = tpu.memref_slice %arg6[%rem3A_179, %scan3A_217, %get3A_510, %get3A_511] : memref<2x2x512x32xf32, #tpu.memory_space<vmem>> -> memref<1x1x512x32xf32, #tpu.memory_space<vmem>>
        %get3A_513 = tpu.memref_squeeze %get3A_512 : memref<1x1x512x32xf32, #tpu.memory_space<vmem>> -> memref<512x32xf32, #tpu.memory_space<vmem>>
        %get3A_514 = arith.index_cast %add3A_499 : i32 to index
        %get3A_515 = arith.constant 16 : index
        %get3A_516 = tpu.vector_load %get3A_513[%get3A_514, %get3A_515] {strides = array<i32>} : memref<512x32xf32, #tpu.memory_space<vmem>>, vector<16xf32>,
        %mul3A_517 = arith.constant 5.65685415 : f32
        %mul3A_518 = vector.broadcast %mul3A_517 : f32 to vector<16xf32>
        %mul3A_519 = arith.mulf %get3A_516, %mul3A_518 : vector<16xf32>
        %broadcast_in_dim3A_520 = arith.constant 0 : i32
        %broadcast_in_dim3A_521 = vector.broadcast %broadcast_in_dim3A_520 : i32 to vector<16xi32>
        %add3A_522 = vector.broadcast %add3A_497 : i32 to vector<16xi32>
        %add3A_523 = arith.addi %broadcast_in_dim3A_521, %add3A_522 : vector<16xi32>
        %scatter3A_524 = arith.constant 0 : i32
        %scatter3A_525 = arith.constant 0 : i32
        %scatter3A_526 = arith.constant 0 : i32
        %scatter3A_527 = arith.constant 0 : i32
        %scatter3A_528 = tpu.memref_slice %arg7[%rem3A_211, %scatter3A_524, %scatter3A_525, %scatter3A_526, %scatter3A_527] : memref<3x4x4x8x129xf32, #tpu.memory_space<vmem>> -> memref<1x4x4x8x129xf32, #tpu.memory_space<vmem>>
        %scatter3A_529 = tpu.memref_squeeze %scatter3A_528 : memref<1x4x4x8x129xf32, #tpu.memory_space<vmem>> -> memref<4x4x8x129xf32, #tpu.memory_space<vmem>>
        tpu.vector_store_idx %scatter3A_529[%shift_right_logical3A_186, %broadcast_in_dim3A_216, %and3A_188, %add3A_523], %mul3A_509 : memref<4x4x8x129xf32, #tpu.memory_space<vmem>>[vector<16xi32>, vector<16xi32>, vector<16xi32>, vector<16xi32>], vector<16xf32>,
        %scatter3A_530 = arith.constant 0 : i32
        %scatter3A_531 = arith.constant 0 : i32
        %scatter3A_532 = arith.constant 0 : i32
        %scatter3A_533 = arith.constant 0 : i32
        %scatter3A_534 = tpu.memref_slice %arg7[%rem3A_211, %scatter3A_530, %scatter3A_531, %scatter3A_532, %scatter3A_533] : memref<3x4x4x8x129xf32, #tpu.memory_space<vmem>> -> memref<1x4x4x8x129xf32, #tpu.memory_space<vmem>>
        %scatter3A_535 = tpu.memref_squeeze %scatter3A_534 : memref<1x4x4x8x129xf32, #tpu.memory_space<vmem>> -> memref<4x4x8x129xf32, #tpu.memory_space<vmem>>
        tpu.vector_store_idx %scatter3A_535[%add3A_191, %broadcast_in_dim3A_216, %and3A_188, %add3A_523], %mul3A_519 : memref<4x4x8x129xf32, #tpu.memory_space<vmem>>[vector<16xi32>, vector<16xi32>, vector<16xi32>, vector<16xi32>], vector<16xf32>,
        %scan3A_536 = arith.constant 4 : i32
        %scan3A_537 = arith.addi %scan3A_363, %scan3A_536 : i32
        %mul3A_538 = arith.constant 1 : i32
        %mul3A_539 = arith.muli %scan3A_537, %mul3A_538 : i32
        %add3A_540 = arith.constant 0 : i32
        %add3A_541 = arith.addi %add3A_540, %mul3A_539 : i32
        %add3A_542 = arith.constant 0 : i32
        %add3A_543 = arith.addi %add3A_542, %add3A_541 : i32
        %get3A_544 = arith.constant 0 : i32
        %get3A_545 = arith.constant 0 : i32
        %get3A_546 = tpu.memref_slice %arg6[%rem3A_179, %scan3A_217, %get3A_544, %get3A_545] : memref<2x2x512x32xf32, #tpu.memory_space<vmem>> -> memref<1x1x512x32xf32, #tpu.memory_space<vmem>>
        %get3A_547 = tpu.memref_squeeze %get3A_546 : memref<1x1x512x32xf32, #tpu.memory_space<vmem>> -> memref<512x32xf32, #tpu.memory_space<vmem>>
        %get3A_548 = arith.index_cast %add3A_543 : i32 to index
        %get3A_549 = arith.constant 0 : index
        %get3A_550 = tpu.vector_load %get3A_547[%get3A_548, %get3A_549] {strides = array<i32>} : memref<512x32xf32, #tpu.memory_space<vmem>>, vector<16xf32>,
        %mul3A_551 = arith.constant 5.65685415 : f32
        %mul3A_552 = vector.broadcast %mul3A_551 : f32 to vector<16xf32>
        %mul3A_553 = arith.mulf %get3A_550, %mul3A_552 : vector<16xf32>
        %get3A_554 = arith.constant 0 : i32
        %get3A_555 = arith.constant 0 : i32
        %get3A_556 = tpu.memref_slice %arg6[%rem3A_179, %scan3A_217, %get3A_554, %get3A_555] : memref<2x2x512x32xf32, #tpu.memory_space<vmem>> -> memref<1x1x512x32xf32, #tpu.memory_space<vmem>>
        %get3A_557 = tpu.memref_squeeze %get3A_556 : memref<1x1x512x32xf32, #tpu.memory_space<vmem>> -> memref<512x32xf32, #tpu.memory_space<vmem>>
        %get3A_558 = arith.index_cast %add3A_543 : i32 to index
        %get3A_559 = arith.constant 16 : index
        %get3A_560 = tpu.vector_load %get3A_557[%get3A_558, %get3A_559] {strides = array<i32>} : memref<512x32xf32, #tpu.memory_space<vmem>>, vector<16xf32>,
        %mul3A_561 = arith.constant 5.65685415 : f32
        %mul3A_562 = vector.broadcast %mul3A_561 : f32 to vector<16xf32>
        %mul3A_563 = arith.mulf %get3A_560, %mul3A_562 : vector<16xf32>
        %broadcast_in_dim3A_564 = arith.constant 0 : i32
        %broadcast_in_dim3A_565 = vector.broadcast %broadcast_in_dim3A_564 : i32 to vector<16xi32>
        %add3A_566 = vector.broadcast %add3A_541 : i32 to vector<16xi32>
        %add3A_567 = arith.addi %broadcast_in_dim3A_565, %add3A_566 : vector<16xi32>
        %scatter3A_568 = arith.constant 0 : i32
        %scatter3A_569 = arith.constant 0 : i32
        %scatter3A_570 = arith.constant 0 : i32
        %scatter3A_571 = arith.constant 0 : i32
        %scatter3A_572 = tpu.memref_slice %arg7[%rem3A_211, %scatter3A_568, %scatter3A_569, %scatter3A_570, %scatter3A_571] : memref<3x4x4x8x129xf32, #tpu.memory_space<vmem>> -> memref<1x4x4x8x129xf32, #tpu.memory_space<vmem>>
        %scatter3A_573 = tpu.memref_squeeze %scatter3A_572 : memref<1x4x4x8x129xf32, #tpu.memory_space<vmem>> -> memref<4x4x8x129xf32, #tpu.memory_space<vmem>>
        tpu.vector_store_idx %scatter3A_573[%shift_right_logical3A_186, %broadcast_in_dim3A_216, %and3A_188, %add3A_567], %mul3A_553 : memref<4x4x8x129xf32, #tpu.memory_space<vmem>>[vector<16xi32>, vector<16xi32>, vector<16xi32>, vector<16xi32>], vector<16xf32>,
        %scatter3A_574 = arith.constant 0 : i32
        %scatter3A_575 = arith.constant 0 : i32
        %scatter3A_576 = arith.constant 0 : i32
        %scatter3A_577 = arith.constant 0 : i32
        %scatter3A_578 = tpu.memref_slice %arg7[%rem3A_211, %scatter3A_574, %scatter3A_575, %scatter3A_576, %scatter3A_577] : memref<3x4x4x8x129xf32, #tpu.memory_space<vmem>> -> memref<1x4x4x8x129xf32, #tpu.memory_space<vmem>>
        %scatter3A_579 = tpu.memref_squeeze %scatter3A_578 : memref<1x4x4x8x129xf32, #tpu.memory_space<vmem>> -> memref<4x4x8x129xf32, #tpu.memory_space<vmem>>
        tpu.vector_store_idx %scatter3A_579[%add3A_191, %broadcast_in_dim3A_216, %and3A_188, %add3A_567], %mul3A_563 : memref<4x4x8x129xf32, #tpu.memory_space<vmem>>[vector<16xi32>, vector<16xi32>, vector<16xi32>, vector<16xi32>], vector<16xf32>,
        %scan3A_580 = arith.constant 5 : i32
        %scan3A_581 = arith.addi %scan3A_363, %scan3A_580 : i32
        %mul3A_582 = arith.constant 1 : i32
        %mul3A_583 = arith.muli %scan3A_581, %mul3A_582 : i32
        %add3A_584 = arith.constant 0 : i32
        %add3A_585 = arith.addi %add3A_584, %mul3A_583 : i32
        %add3A_586 = arith.constant 0 : i32
        %add3A_587 = arith.addi %add3A_586, %add3A_585 : i32
        %get3A_588 = arith.constant 0 : i32
        %get3A_589 = arith.constant 0 : i32
        %get3A_590 = tpu.memref_slice %arg6[%rem3A_179, %scan3A_217, %get3A_588, %get3A_589] : memref<2x2x512x32xf32, #tpu.memory_space<vmem>> -> memref<1x1x512x32xf32, #tpu.memory_space<vmem>>
        %get3A_591 = tpu.memref_squeeze %get3A_590 : memref<1x1x512x32xf32, #tpu.memory_space<vmem>> -> memref<512x32xf32, #tpu.memory_space<vmem>>
        %get3A_592 = arith.index_cast %add3A_587 : i32 to index
        %get3A_593 = arith.constant 0 : index
        %get3A_594 = tpu.vector_load %get3A_591[%get3A_592, %get3A_593] {strides = array<i32>} : memref<512x32xf32, #tpu.memory_space<vmem>>, vector<16xf32>,
        %mul3A_595 = arith.constant 5.65685415 : f32
        %mul3A_596 = vector.broadcast %mul3A_595 : f32 to vector<16xf32>
        %mul3A_597 = arith.mulf %get3A_594, %mul3A_596 : vector<16xf32>
        %get3A_598 = arith.constant 0 : i32
        %get3A_599 = arith.constant 0 : i32
        %get3A_600 = tpu.memref_slice %arg6[%rem3A_179, %scan3A_217, %get3A_598, %get3A_599] : memref<2x2x512x32xf32, #tpu.memory_space<vmem>> -> memref<1x1x512x32xf32, #tpu.memory_space<vmem>>
        %get3A_601 = tpu.memref_squeeze %get3A_600 : memref<1x1x512x32xf32, #tpu.memory_space<vmem>> -> memref<512x32xf32, #tpu.memory_space<vmem>>
        %get3A_602 = arith.index_cast %add3A_587 : i32 to index
        %get3A_603 = arith.constant 16 : index
        %get3A_604 = tpu.vector_load %get3A_601[%get3A_602, %get3A_603] {strides = array<i32>} : memref<512x32xf32, #tpu.memory_space<vmem>>, vector<16xf32>,
        %mul3A_605 = arith.constant 5.65685415 : f32
        %mul3A_606 = vector.broadcast %mul3A_605 : f32 to vector<16xf32>
        %mul3A_607 = arith.mulf %get3A_604, %mul3A_606 : vector<16xf32>
        %broadcast_in_dim3A_608 = arith.constant 0 : i32
        %broadcast_in_dim3A_609 = vector.broadcast %broadcast_in_dim3A_608 : i32 to vector<16xi32>
        %add3A_610 = vector.broadcast %add3A_585 : i32 to vector<16xi32>
        %add3A_611 = arith.addi %broadcast_in_dim3A_609, %add3A_610 : vector<16xi32>
        %scatter3A_612 = arith.constant 0 : i32
        %scatter3A_613 = arith.constant 0 : i32
        %scatter3A_614 = arith.constant 0 : i32
        %scatter3A_615 = arith.constant 0 : i32
        %scatter3A_616 = tpu.memref_slice %arg7[%rem3A_211, %scatter3A_612, %scatter3A_613, %scatter3A_614, %scatter3A_615] : memref<3x4x4x8x129xf32, #tpu.memory_space<vmem>> -> memref<1x4x4x8x129xf32, #tpu.memory_space<vmem>>
        %scatter3A_617 = tpu.memref_squeeze %scatter3A_616 : memref<1x4x4x8x129xf32, #tpu.memory_space<vmem>> -> memref<4x4x8x129xf32, #tpu.memory_space<vmem>>
        tpu.vector_store_idx %scatter3A_617[%shift_right_logical3A_186, %broadcast_in_dim3A_216, %and3A_188, %add3A_611], %mul3A_597 : memref<4x4x8x129xf32, #tpu.memory_space<vmem>>[vector<16xi32>, vector<16xi32>, vector<16xi32>, vector<16xi32>], vector<16xf32>,
        %scatter3A_618 = arith.constant 0 : i32
        %scatter3A_619 = arith.constant 0 : i32
        %scatter3A_620 = arith.constant 0 : i32
        %scatter3A_621 = arith.constant 0 : i32
        %scatter3A_622 = tpu.memref_slice %arg7[%rem3A_211, %scatter3A_618, %scatter3A_619, %scatter3A_620, %scatter3A_621] : memref<3x4x4x8x129xf32, #tpu.memory_space<vmem>> -> memref<1x4x4x8x129xf32, #tpu.memory_space<vmem>>
        %scatter3A_623 = tpu.memref_squeeze %scatter3A_622 : memref<1x4x4x8x129xf32, #tpu.memory_space<vmem>> -> memref<4x4x8x129xf32, #tpu.memory_space<vmem>>
        tpu.vector_store_idx %scatter3A_623[%add3A_191, %broadcast_in_dim3A_216, %and3A_188, %add3A_611], %mul3A_607 : memref<4x4x8x129xf32, #tpu.memory_space<vmem>>[vector<16xi32>, vector<16xi32>, vector<16xi32>, vector<16xi32>], vector<16xf32>,
        %scan3A_624 = arith.constant 6 : i32
        %scan3A_625 = arith.addi %scan3A_363, %scan3A_624 : i32
        %mul3A_626 = arith.constant 1 : i32
        %mul3A_627 = arith.muli %scan3A_625, %mul3A_626 : i32
        %add3A_628 = arith.constant 0 : i32
        %add3A_629 = arith.addi %add3A_628, %mul3A_627 : i32
        %add3A_630 = arith.constant 0 : i32
        %add3A_631 = arith.addi %add3A_630, %add3A_629 : i32
        %get3A_632 = arith.constant 0 : i32
        %get3A_633 = arith.constant 0 : i32
        %get3A_634 = tpu.memref_slice %arg6[%rem3A_179, %scan3A_217, %get3A_632, %get3A_633] : memref<2x2x512x32xf32, #tpu.memory_space<vmem>> -> memref<1x1x512x32xf32, #tpu.memory_space<vmem>>
        %get3A_635 = tpu.memref_squeeze %get3A_634 : memref<1x1x512x32xf32, #tpu.memory_space<vmem>> -> memref<512x32xf32, #tpu.memory_space<vmem>>
        %get3A_636 = arith.index_cast %add3A_631 : i32 to index
        %get3A_637 = arith.constant 0 : index
        %get3A_638 = tpu.vector_load %get3A_635[%get3A_636, %get3A_637] {strides = array<i32>} : memref<512x32xf32, #tpu.memory_space<vmem>>, vector<16xf32>,
        %mul3A_639 = arith.constant 5.65685415 : f32
        %mul3A_640 = vector.broadcast %mul3A_639 : f32 to vector<16xf32>
        %mul3A_641 = arith.mulf %get3A_638, %mul3A_640 : vector<16xf32>
        %get3A_642 = arith.constant 0 : i32
        %get3A_643 = arith.constant 0 : i32
        %get3A_644 = tpu.memref_slice %arg6[%rem3A_179, %scan3A_217, %get3A_642, %get3A_643] : memref<2x2x512x32xf32, #tpu.memory_space<vmem>> -> memref<1x1x512x32xf32, #tpu.memory_space<vmem>>
        %get3A_645 = tpu.memref_squeeze %get3A_644 : memref<1x1x512x32xf32, #tpu.memory_space<vmem>> -> memref<512x32xf32, #tpu.memory_space<vmem>>
        %get3A_646 = arith.index_cast %add3A_631 : i32 to index
        %get3A_647 = arith.constant 16 : index
        %get3A_648 = tpu.vector_load %get3A_645[%get3A_646, %get3A_647] {strides = array<i32>} : memref<512x32xf32, #tpu.memory_space<vmem>>, vector<16xf32>,
        %mul3A_649 = arith.constant 5.65685415 : f32
        %mul3A_650 = vector.broadcast %mul3A_649 : f32 to vector<16xf32>
        %mul3A_651 = arith.mulf %get3A_648, %mul3A_650 : vector<16xf32>
        %broadcast_in_dim3A_652 = arith.constant 0 : i32
        %broadcast_in_dim3A_653 = vector.broadcast %broadcast_in_dim3A_652 : i32 to vector<16xi32>
        %add3A_654 = vector.broadcast %add3A_629 : i32 to vector<16xi32>
        %add3A_655 = arith.addi %broadcast_in_dim3A_653, %add3A_654 : vector<16xi32>
        %scatter3A_656 = arith.constant 0 : i32
        %scatter3A_657 = arith.constant 0 : i32
        %scatter3A_658 = arith.constant 0 : i32
        %scatter3A_659 = arith.constant 0 : i32
        %scatter3A_660 = tpu.memref_slice %arg7[%rem3A_211, %scatter3A_656, %scatter3A_657, %scatter3A_658, %scatter3A_659] : memref<3x4x4x8x129xf32, #tpu.memory_space<vmem>> -> memref<1x4x4x8x129xf32, #tpu.memory_space<vmem>>
        %scatter3A_661 = tpu.memref_squeeze %scatter3A_660 : memref<1x4x4x8x129xf32, #tpu.memory_space<vmem>> -> memref<4x4x8x129xf32, #tpu.memory_space<vmem>>
        tpu.vector_store_idx %scatter3A_661[%shift_right_logical3A_186, %broadcast_in_dim3A_216, %and3A_188, %add3A_655], %mul3A_641 : memref<4x4x8x129xf32, #tpu.memory_space<vmem>>[vector<16xi32>, vector<16xi32>, vector<16xi32>, vector<16xi32>], vector<16xf32>,
        %scatter3A_662 = arith.constant 0 : i32
        %scatter3A_663 = arith.constant 0 : i32
        %scatter3A_664 = arith.constant 0 : i32
        %scatter3A_665 = arith.constant 0 : i32
        %scatter3A_666 = tpu.memref_slice %arg7[%rem3A_211, %scatter3A_662, %scatter3A_663, %scatter3A_664, %scatter3A_665] : memref<3x4x4x8x129xf32, #tpu.memory_space<vmem>> -> memref<1x4x4x8x129xf32, #tpu.memory_space<vmem>>
        %scatter3A_667 = tpu.memref_squeeze %scatter3A_666 : memref<1x4x4x8x129xf32, #tpu.memory_space<vmem>> -> memref<4x4x8x129xf32, #tpu.memory_space<vmem>>
        tpu.vector_store_idx %scatter3A_667[%add3A_191, %broadcast_in_dim3A_216, %and3A_188, %add3A_655], %mul3A_651 : memref<4x4x8x129xf32, #tpu.memory_space<vmem>>[vector<16xi32>, vector<16xi32>, vector<16xi32>, vector<16xi32>], vector<16xf32>,
        %scan3A_668 = arith.constant 7 : i32
        %scan3A_669 = arith.addi %scan3A_363, %scan3A_668 : i32
        %mul3A_670 = arith.constant 1 : i32
        %mul3A_671 = arith.muli %scan3A_669, %mul3A_670 : i32
        %add3A_672 = arith.constant 0 : i32
        %add3A_673 = arith.addi %add3A_672, %mul3A_671 : i32
        %add3A_674 = arith.constant 0 : i32
        %add3A_675 = arith.addi %add3A_674, %add3A_673 : i32
        %get3A_676 = arith.constant 0 : i32
        %get3A_677 = arith.constant 0 : i32
        %get3A_678 = tpu.memref_slice %arg6[%rem3A_179, %scan3A_217, %get3A_676, %get3A_677] : memref<2x2x512x32xf32, #tpu.memory_space<vmem>> -> memref<1x1x512x32xf32, #tpu.memory_space<vmem>>
        %get3A_679 = tpu.memref_squeeze %get3A_678 : memref<1x1x512x32xf32, #tpu.memory_space<vmem>> -> memref<512x32xf32, #tpu.memory_space<vmem>>
        %get3A_680 = arith.index_cast %add3A_675 : i32 to index
        %get3A_681 = arith.constant 0 : index
        %get3A_682 = tpu.vector_load %get3A_679[%get3A_680, %get3A_681] {strides = array<i32>} : memref<512x32xf32, #tpu.memory_space<vmem>>, vector<16xf32>,
        %mul3A_683 = arith.constant 5.65685415 : f32
        %mul3A_684 = vector.broadcast %mul3A_683 : f32 to vector<16xf32>
        %mul3A_685 = arith.mulf %get3A_682, %mul3A_684 : vector<16xf32>
        %get3A_686 = arith.constant 0 : i32
        %get3A_687 = arith.constant 0 : i32
        %get3A_688 = tpu.memref_slice %arg6[%rem3A_179, %scan3A_217, %get3A_686, %get3A_687] : memref<2x2x512x32xf32, #tpu.memory_space<vmem>> -> memref<1x1x512x32xf32, #tpu.memory_space<vmem>>
        %get3A_689 = tpu.memref_squeeze %get3A_688 : memref<1x1x512x32xf32, #tpu.memory_space<vmem>> -> memref<512x32xf32, #tpu.memory_space<vmem>>
        %get3A_690 = arith.index_cast %add3A_675 : i32 to index
        %get3A_691 = arith.constant 16 : index
        %get3A_692 = tpu.vector_load %get3A_689[%get3A_690, %get3A_691] {strides = array<i32>} : memref<512x32xf32, #tpu.memory_space<vmem>>, vector<16xf32>,
        %mul3A_693 = arith.constant 5.65685415 : f32
        %mul3A_694 = vector.broadcast %mul3A_693 : f32 to vector<16xf32>
        %mul3A_695 = arith.mulf %get3A_692, %mul3A_694 : vector<16xf32>
        %broadcast_in_dim3A_696 = arith.constant 0 : i32
        %broadcast_in_dim3A_697 = vector.broadcast %broadcast_in_dim3A_696 : i32 to vector<16xi32>
        %add3A_698 = vector.broadcast %add3A_673 : i32 to vector<16xi32>
        %add3A_699 = arith.addi %broadcast_in_dim3A_697, %add3A_698 : vector<16xi32>
        %scatter3A_700 = arith.constant 0 : i32
        %scatter3A_701 = arith.constant 0 : i32
        %scatter3A_702 = arith.constant 0 : i32
        %scatter3A_703 = arith.constant 0 : i32
        %scatter3A_704 = tpu.memref_slice %arg7[%rem3A_211, %scatter3A_700, %scatter3A_701, %scatter3A_702, %scatter3A_703] : memref<3x4x4x8x129xf32, #tpu.memory_space<vmem>> -> memref<1x4x4x8x129xf32, #tpu.memory_space<vmem>>
        %scatter3A_705 = tpu.memref_squeeze %scatter3A_704 : memref<1x4x4x8x129xf32, #tpu.memory_space<vmem>> -> memref<4x4x8x129xf32, #tpu.memory_space<vmem>>
        tpu.vector_store_idx %scatter3A_705[%shift_right_logical3A_186, %broadcast_in_dim3A_216, %and3A_188, %add3A_699], %mul3A_685 : memref<4x4x8x129xf32, #tpu.memory_space<vmem>>[vector<16xi32>, vector<16xi32>, vector<16xi32>, vector<16xi32>], vector<16xf32>,
        %scatter3A_706 = arith.constant 0 : i32
        %scatter3A_707 = arith.constant 0 : i32
        %scatter3A_708 = arith.constant 0 : i32
        %scatter3A_709 = arith.constant 0 : i32
        %scatter3A_710 = tpu.memref_slice %arg7[%rem3A_211, %scatter3A_706, %scatter3A_707, %scatter3A_708, %scatter3A_709] : memref<3x4x4x8x129xf32, #tpu.memory_space<vmem>> -> memref<1x4x4x8x129xf32, #tpu.memory_space<vmem>>
        %scatter3A_711 = tpu.memref_squeeze %scatter3A_710 : memref<1x4x4x8x129xf32, #tpu.memory_space<vmem>> -> memref<4x4x8x129xf32, #tpu.memory_space<vmem>>
        tpu.vector_store_idx %scatter3A_711[%add3A_191, %broadcast_in_dim3A_216, %and3A_188, %add3A_699], %mul3A_695 : memref<4x4x8x129xf32, #tpu.memory_space<vmem>>[vector<16xi32>, vector<16xi32>, vector<16xi32>, vector<16xi32>], vector<16xf32>,
      }
      %scan3A_222 = arith.constant 128 : i32
      %broadcast_in_dim3A_223 = arith.constant 1 : i32
      %broadcast_in_dim3A_224 = vector.broadcast %broadcast_in_dim3A_223 : i32 to vector<16xi32>
      %scan3A_225 = arith.constant 0 : i32
      %scan3A_226 = arith.constant 0 : i32
      %scan3A_227 = arith.constant 128 : i32
      %scan3A_228 = arith.addi %scan3A_226, %scan3A_227 : i32
      %scan3A_229 = arith.constant 8 : i32
      scf.for %scan3A_363 = %scan3A_226 to %scan3A_228 step %scan3A_229  : i32 {
        %mul3A_364 = arith.constant 1 : i32
        %mul3A_365 = arith.muli %scan3A_363, %mul3A_364 : i32
        %add3A_366 = arith.constant 0 : i32
        %add3A_367 = arith.addi %add3A_366, %mul3A_365 : i32
        %add3A_368 = arith.constant 128 : i32
        %add3A_369 = arith.addi %add3A_368, %add3A_367 : i32
        %get3A = arith.constant 0 : i32
        %get3A_370 = arith.constant 0 : i32
        %get3A_371 = tpu.memref_slice %arg6[%rem3A_179, %scan3A_225, %get3A, %get3A_370] : memref<2x2x512x32xf32, #tpu.memory_space<vmem>> -> memref<1x1x512x32xf32, #tpu.memory_space<vmem>>
        %get3A_372 = tpu.memref_squeeze %get3A_371 : memref<1x1x512x32xf32, #tpu.memory_space<vmem>> -> memref<512x32xf32, #tpu.memory_space<vmem>>
        %get3A_373 = arith.index_cast %add3A_369 : i32 to index
        %get3A_374 = arith.constant 0 : index
        %get3A_375 = tpu.vector_load %get3A_372[%get3A_373, %get3A_374] {strides = array<i32>} : memref<512x32xf32, #tpu.memory_space<vmem>>, vector<16xf32>,
        %mul3A_376 = arith.constant 5.65685415 : f32
        %mul3A_377 = vector.broadcast %mul3A_376 : f32 to vector<16xf32>
        %mul3A_378 = arith.mulf %get3A_375, %mul3A_377 : vector<16xf32>
        %get3A_379 = arith.constant 0 : i32
        %get3A_380 = arith.constant 0 : i32
        %get3A_381 = tpu.memref_slice %arg6[%rem3A_179, %scan3A_225, %get3A_379, %get3A_380] : memref<2x2x512x32xf32, #tpu.memory_space<vmem>> -> memref<1x1x512x32xf32, #tpu.memory_space<vmem>>
        %get3A_382 = tpu.memref_squeeze %get3A_381 : memref<1x1x512x32xf32, #tpu.memory_space<vmem>> -> memref<512x32xf32, #tpu.memory_space<vmem>>
        %get3A_383 = arith.index_cast %add3A_369 : i32 to index
        %get3A_384 = arith.constant 16 : index
        %get3A_385 = tpu.vector_load %get3A_382[%get3A_383, %get3A_384] {strides = array<i32>} : memref<512x32xf32, #tpu.memory_space<vmem>>, vector<16xf32>,
        %mul3A_386 = arith.constant 5.65685415 : f32
        %mul3A_387 = vector.broadcast %mul3A_386 : f32 to vector<16xf32>
        %mul3A_388 = arith.mulf %get3A_385, %mul3A_387 : vector<16xf32>
        %broadcast_in_dim3A_389 = arith.constant 0 : i32
        %broadcast_in_dim3A_390 = vector.broadcast %broadcast_in_dim3A_389 : i32 to vector<16xi32>
        %add3A_391 = vector.broadcast %add3A_367 : i32 to vector<16xi32>
        %add3A_392 = arith.addi %broadcast_in_dim3A_390, %add3A_391 : vector<16xi32>
        %scatter3A = arith.constant 0 : i32
        %scatter3A_393 = arith.constant 0 : i32
        %scatter3A_394 = arith.constant 0 : i32
        %scatter3A_395 = arith.constant 0 : i32
        %scatter3A_396 = tpu.memref_slice %arg7[%rem3A_211, %scatter3A, %scatter3A_393, %scatter3A_394, %scatter3A_395] : memref<3x4x4x8x129xf32, #tpu.memory_space<vmem>> -> memref<1x4x4x8x129xf32, #tpu.memory_space<vmem>>
        %scatter3A_397 = tpu.memref_squeeze %scatter3A_396 : memref<1x4x4x8x129xf32, #tpu.memory_space<vmem>> -> memref<4x4x8x129xf32, #tpu.memory_space<vmem>>
        tpu.vector_store_idx %scatter3A_397[%shift_right_logical3A_186, %broadcast_in_dim3A_224, %and3A_188, %add3A_392], %mul3A_378 : memref<4x4x8x129xf32, #tpu.memory_space<vmem>>[vector<16xi32>, vector<16xi32>, vector<16xi32>, vector<16xi32>], vector<16xf32>,
        %scatter3A_398 = arith.constant 0 : i32
        %scatter3A_399 = arith.constant 0 : i32
        %scatter3A_400 = arith.constant 0 : i32
        %scatter3A_401 = arith.constant 0 : i32
        %scatter3A_402 = tpu.memref_slice %arg7[%rem3A_211, %scatter3A_398, %scatter3A_399, %scatter3A_400, %scatter3A_401] : memref<3x4x4x8x129xf32, #tpu.memory_space<vmem>> -> memref<1x4x4x8x129xf32, #tpu.memory_space<vmem>>
        %scatter3A_403 = tpu.memref_squeeze %scatter3A_402 : memref<1x4x4x8x129xf32, #tpu.memory_space<vmem>> -> memref<4x4x8x129xf32, #tpu.memory_space<vmem>>
        tpu.vector_store_idx %scatter3A_403[%add3A_191, %broadcast_in_dim3A_224, %and3A_188, %add3A_392], %mul3A_388 : memref<4x4x8x129xf32, #tpu.memory_space<vmem>>[vector<16xi32>, vector<16xi32>, vector<16xi32>, vector<16xi32>], vector<16xf32>,
        %scan3A_404 = arith.constant 1 : i32
        %scan3A_405 = arith.addi %scan3A_363, %scan3A_404 : i32
        %mul3A_406 = arith.constant 1 : i32
        %mul3A_407 = arith.muli %scan3A_405, %mul3A_406 : i32
        %add3A_408 = arith.constant 0 : i32
        %add3A_409 = arith.addi %add3A_408, %mul3A_407 : i32
        %add3A_410 = arith.constant 128 : i32
        %add3A_411 = arith.addi %add3A_410, %add3A_409 : i32
        %get3A_412 = arith.constant 0 : i32
        %get3A_413 = arith.constant 0 : i32
        %get3A_414 = tpu.memref_slice %arg6[%rem3A_179, %scan3A_225, %get3A_412, %get3A_413] : memref<2x2x512x32xf32, #tpu.memory_space<vmem>> -> memref<1x1x512x32xf32, #tpu.memory_space<vmem>>
        %get3A_415 = tpu.memref_squeeze %get3A_414 : memref<1x1x512x32xf32, #tpu.memory_space<vmem>> -> memref<512x32xf32, #tpu.memory_space<vmem>>
        %get3A_416 = arith.index_cast %add3A_411 : i32 to index
        %get3A_417 = arith.constant 0 : index
        %get3A_418 = tpu.vector_load %get3A_415[%get3A_416, %get3A_417] {strides = array<i32>} : memref<512x32xf32, #tpu.memory_space<vmem>>, vector<16xf32>,
        %mul3A_419 = arith.constant 5.65685415 : f32
        %mul3A_420 = vector.broadcast %mul3A_419 : f32 to vector<16xf32>
        %mul3A_421 = arith.mulf %get3A_418, %mul3A_420 : vector<16xf32>
        %get3A_422 = arith.constant 0 : i32
        %get3A_423 = arith.constant 0 : i32
        %get3A_424 = tpu.memref_slice %arg6[%rem3A_179, %scan3A_225, %get3A_422, %get3A_423] : memref<2x2x512x32xf32, #tpu.memory_space<vmem>> -> memref<1x1x512x32xf32, #tpu.memory_space<vmem>>
        %get3A_425 = tpu.memref_squeeze %get3A_424 : memref<1x1x512x32xf32, #tpu.memory_space<vmem>> -> memref<512x32xf32, #tpu.memory_space<vmem>>
        %get3A_426 = arith.index_cast %add3A_411 : i32 to index
        %get3A_427 = arith.constant 16 : index
        %get3A_428 = tpu.vector_load %get3A_425[%get3A_426, %get3A_427] {strides = array<i32>} : memref<512x32xf32, #tpu.memory_space<vmem>>, vector<16xf32>,
        %mul3A_429 = arith.constant 5.65685415 : f32
        %mul3A_430 = vector.broadcast %mul3A_429 : f32 to vector<16xf32>
        %mul3A_431 = arith.mulf %get3A_428, %mul3A_430 : vector<16xf32>
        %broadcast_in_dim3A_432 = arith.constant 0 : i32
        %broadcast_in_dim3A_433 = vector.broadcast %broadcast_in_dim3A_432 : i32 to vector<16xi32>
        %add3A_434 = vector.broadcast %add3A_409 : i32 to vector<16xi32>
        %add3A_435 = arith.addi %broadcast_in_dim3A_433, %add3A_434 : vector<16xi32>
        %scatter3A_436 = arith.constant 0 : i32
        %scatter3A_437 = arith.constant 0 : i32
        %scatter3A_438 = arith.constant 0 : i32
        %scatter3A_439 = arith.constant 0 : i32
        %scatter3A_440 = tpu.memref_slice %arg7[%rem3A_211, %scatter3A_436, %scatter3A_437, %scatter3A_438, %scatter3A_439] : memref<3x4x4x8x129xf32, #tpu.memory_space<vmem>> -> memref<1x4x4x8x129xf32, #tpu.memory_space<vmem>>
        %scatter3A_441 = tpu.memref_squeeze %scatter3A_440 : memref<1x4x4x8x129xf32, #tpu.memory_space<vmem>> -> memref<4x4x8x129xf32, #tpu.memory_space<vmem>>
        tpu.vector_store_idx %scatter3A_441[%shift_right_logical3A_186, %broadcast_in_dim3A_224, %and3A_188, %add3A_435], %mul3A_421 : memref<4x4x8x129xf32, #tpu.memory_space<vmem>>[vector<16xi32>, vector<16xi32>, vector<16xi32>, vector<16xi32>], vector<16xf32>,
        %scatter3A_442 = arith.constant 0 : i32
        %scatter3A_443 = arith.constant 0 : i32
        %scatter3A_444 = arith.constant 0 : i32
        %scatter3A_445 = arith.constant 0 : i32
        %scatter3A_446 = tpu.memref_slice %arg7[%rem3A_211, %scatter3A_442, %scatter3A_443, %scatter3A_444, %scatter3A_445] : memref<3x4x4x8x129xf32, #tpu.memory_space<vmem>> -> memref<1x4x4x8x129xf32, #tpu.memory_space<vmem>>
        %scatter3A_447 = tpu.memref_squeeze %scatter3A_446 : memref<1x4x4x8x129xf32, #tpu.memory_space<vmem>> -> memref<4x4x8x129xf32, #tpu.memory_space<vmem>>
        tpu.vector_store_idx %scatter3A_447[%add3A_191, %broadcast_in_dim3A_224, %and3A_188, %add3A_435], %mul3A_431 : memref<4x4x8x129xf32, #tpu.memory_space<vmem>>[vector<16xi32>, vector<16xi32>, vector<16xi32>, vector<16xi32>], vector<16xf32>,
        %scan3A_448 = arith.constant 2 : i32
        %scan3A_449 = arith.addi %scan3A_363, %scan3A_448 : i32
        %mul3A_450 = arith.constant 1 : i32
        %mul3A_451 = arith.muli %scan3A_449, %mul3A_450 : i32
        %add3A_452 = arith.constant 0 : i32
        %add3A_453 = arith.addi %add3A_452, %mul3A_451 : i32
        %add3A_454 = arith.constant 128 : i32
        %add3A_455 = arith.addi %add3A_454, %add3A_453 : i32
        %get3A_456 = arith.constant 0 : i32
        %get3A_457 = arith.constant 0 : i32
        %get3A_458 = tpu.memref_slice %arg6[%rem3A_179, %scan3A_225, %get3A_456, %get3A_457] : memref<2x2x512x32xf32, #tpu.memory_space<vmem>> -> memref<1x1x512x32xf32, #tpu.memory_space<vmem>>
        %get3A_459 = tpu.memref_squeeze %get3A_458 : memref<1x1x512x32xf32, #tpu.memory_space<vmem>> -> memref<512x32xf32, #tpu.memory_space<vmem>>
        %get3A_460 = arith.index_cast %add3A_455 : i32 to index
        %get3A_461 = arith.constant 0 : index
        %get3A_462 = tpu.vector_load %get3A_459[%get3A_460, %get3A_461] {strides = array<i32>} : memref<512x32xf32, #tpu.memory_space<vmem>>, vector<16xf32>,
        %mul3A_463 = arith.constant 5.65685415 : f32
        %mul3A_464 = vector.broadcast %mul3A_463 : f32 to vector<16xf32>
        %mul3A_465 = arith.mulf %get3A_462, %mul3A_464 : vector<16xf32>
        %get3A_466 = arith.constant 0 : i32
        %get3A_467 = arith.constant 0 : i32
        %get3A_468 = tpu.memref_slice %arg6[%rem3A_179, %scan3A_225, %get3A_466, %get3A_467] : memref<2x2x512x32xf32, #tpu.memory_space<vmem>> -> memref<1x1x512x32xf32, #tpu.memory_space<vmem>>
        %get3A_469 = tpu.memref_squeeze %get3A_468 : memref<1x1x512x32xf32, #tpu.memory_space<vmem>> -> memref<512x32xf32, #tpu.memory_space<vmem>>
        %get3A_470 = arith.index_cast %add3A_455 : i32 to index
        %get3A_471 = arith.constant 16 : index
        %get3A_472 = tpu.vector_load %get3A_469[%get3A_470, %get3A_471] {strides = array<i32>} : memref<512x32xf32, #tpu.memory_space<vmem>>, vector<16xf32>,
        %mul3A_473 = arith.constant 5.65685415 : f32
        %mul3A_474 = vector.broadcast %mul3A_473 : f32 to vector<16xf32>
        %mul3A_475 = arith.mulf %get3A_472, %mul3A_474 : vector<16xf32>
        %broadcast_in_dim3A_476 = arith.constant 0 : i32
        %broadcast_in_dim3A_477 = vector.broadcast %broadcast_in_dim3A_476 : i32 to vector<16xi32>
        %add3A_478 = vector.broadcast %add3A_453 : i32 to vector<16xi32>
        %add3A_479 = arith.addi %broadcast_in_dim3A_477, %add3A_478 : vector<16xi32>
        %scatter3A_480 = arith.constant 0 : i32
        %scatter3A_481 = arith.constant 0 : i32
        %scatter3A_482 = arith.constant 0 : i32
        %scatter3A_483 = arith.constant 0 : i32
        %scatter3A_484 = tpu.memref_slice %arg7[%rem3A_211, %scatter3A_480, %scatter3A_481, %scatter3A_482, %scatter3A_483] : memref<3x4x4x8x129xf32, #tpu.memory_space<vmem>> -> memref<1x4x4x8x129xf32, #tpu.memory_space<vmem>>
        %scatter3A_485 = tpu.memref_squeeze %scatter3A_484 : memref<1x4x4x8x129xf32, #tpu.memory_space<vmem>> -> memref<4x4x8x129xf32, #tpu.memory_space<vmem>>
        tpu.vector_store_idx %scatter3A_485[%shift_right_logical3A_186, %broadcast_in_dim3A_224, %and3A_188, %add3A_479], %mul3A_465 : memref<4x4x8x129xf32, #tpu.memory_space<vmem>>[vector<16xi32>, vector<16xi32>, vector<16xi32>, vector<16xi32>], vector<16xf32>,
        %scatter3A_486 = arith.constant 0 : i32
        %scatter3A_487 = arith.constant 0 : i32
        %scatter3A_488 = arith.constant 0 : i32
        %scatter3A_489 = arith.constant 0 : i32
        %scatter3A_490 = tpu.memref_slice %arg7[%rem3A_211, %scatter3A_486, %scatter3A_487, %scatter3A_488, %scatter3A_489] : memref<3x4x4x8x129xf32, #tpu.memory_space<vmem>> -> memref<1x4x4x8x129xf32, #tpu.memory_space<vmem>>
        %scatter3A_491 = tpu.memref_squeeze %scatter3A_490 : memref<1x4x4x8x129xf32, #tpu.memory_space<vmem>> -> memref<4x4x8x129xf32, #tpu.memory_space<vmem>>
        tpu.vector_store_idx %scatter3A_491[%add3A_191, %broadcast_in_dim3A_224, %and3A_188, %add3A_479], %mul3A_475 : memref<4x4x8x129xf32, #tpu.memory_space<vmem>>[vector<16xi32>, vector<16xi32>, vector<16xi32>, vector<16xi32>], vector<16xf32>,
        %scan3A_492 = arith.constant 3 : i32
        %scan3A_493 = arith.addi %scan3A_363, %scan3A_492 : i32
        %mul3A_494 = arith.constant 1 : i32
        %mul3A_495 = arith.muli %scan3A_493, %mul3A_494 : i32
        %add3A_496 = arith.constant 0 : i32
        %add3A_497 = arith.addi %add3A_496, %mul3A_495 : i32
        %add3A_498 = arith.constant 128 : i32
        %add3A_499 = arith.addi %add3A_498, %add3A_497 : i32
        %get3A_500 = arith.constant 0 : i32
        %get3A_501 = arith.constant 0 : i32
        %get3A_502 = tpu.memref_slice %arg6[%rem3A_179, %scan3A_225, %get3A_500, %get3A_501] : memref<2x2x512x32xf32, #tpu.memory_space<vmem>> -> memref<1x1x512x32xf32, #tpu.memory_space<vmem>>
        %get3A_503 = tpu.memref_squeeze %get3A_502 : memref<1x1x512x32xf32, #tpu.memory_space<vmem>> -> memref<512x32xf32, #tpu.memory_space<vmem>>
        %get3A_504 = arith.index_cast %add3A_499 : i32 to index
        %get3A_505 = arith.constant 0 : index
        %get3A_506 = tpu.vector_load %get3A_503[%get3A_504, %get3A_505] {strides = array<i32>} : memref<512x32xf32, #tpu.memory_space<vmem>>, vector<16xf32>,
        %mul3A_507 = arith.constant 5.65685415 : f32
        %mul3A_508 = vector.broadcast %mul3A_507 : f32 to vector<16xf32>
        %mul3A_509 = arith.mulf %get3A_506, %mul3A_508 : vector<16xf32>
        %get3A_510 = arith.constant 0 : i32
        %get3A_511 = arith.constant 0 : i32
        %get3A_512 = tpu.memref_slice %arg6[%rem3A_179, %scan3A_225, %get3A_510, %get3A_511] : memref<2x2x512x32xf32, #tpu.memory_space<vmem>> -> memref<1x1x512x32xf32, #tpu.memory_space<vmem>>
        %get3A_513 = tpu.memref_squeeze %get3A_512 : memref<1x1x512x32xf32, #tpu.memory_space<vmem>> -> memref<512x32xf32, #tpu.memory_space<vmem>>
        %get3A_514 = arith.index_cast %add3A_499 : i32 to index
        %get3A_515 = arith.constant 16 : index
        %get3A_516 = tpu.vector_load %get3A_513[%get3A_514, %get3A_515] {strides = array<i32>} : memref<512x32xf32, #tpu.memory_space<vmem>>, vector<16xf32>,
        %mul3A_517 = arith.constant 5.65685415 : f32
        %mul3A_518 = vector.broadcast %mul3A_517 : f32 to vector<16xf32>
        %mul3A_519 = arith.mulf %get3A_516, %mul3A_518 : vector<16xf32>
        %broadcast_in_dim3A_520 = arith.constant 0 : i32
        %broadcast_in_dim3A_521 = vector.broadcast %broadcast_in_dim3A_520 : i32 to vector<16xi32>
        %add3A_522 = vector.broadcast %add3A_497 : i32 to vector<16xi32>
        %add3A_523 = arith.addi %broadcast_in_dim3A_521, %add3A_522 : vector<16xi32>
        %scatter3A_524 = arith.constant 0 : i32
        %scatter3A_525 = arith.constant 0 : i32
        %scatter3A_526 = arith.constant 0 : i32
        %scatter3A_527 = arith.constant 0 : i32
        %scatter3A_528 = tpu.memref_slice %arg7[%rem3A_211, %scatter3A_524, %scatter3A_525, %scatter3A_526, %scatter3A_527] : memref<3x4x4x8x129xf32, #tpu.memory_space<vmem>> -> memref<1x4x4x8x129xf32, #tpu.memory_space<vmem>>
        %scatter3A_529 = tpu.memref_squeeze %scatter3A_528 : memref<1x4x4x8x129xf32, #tpu.memory_space<vmem>> -> memref<4x4x8x129xf32, #tpu.memory_space<vmem>>
        tpu.vector_store_idx %scatter3A_529[%shift_right_logical3A_186, %broadcast_in_dim3A_224, %and3A_188, %add3A_523], %mul3A_509 : memref<4x4x8x129xf32, #tpu.memory_space<vmem>>[vector<16xi32>, vector<16xi32>, vector<16xi32>, vector<16xi32>], vector<16xf32>,
        %scatter3A_530 = arith.constant 0 : i32
        %scatter3A_531 = arith.constant 0 : i32
        %scatter3A_532 = arith.constant 0 : i32
        %scatter3A_533 = arith.constant 0 : i32
        %scatter3A_534 = tpu.memref_slice %arg7[%rem3A_211, %scatter3A_530, %scatter3A_531, %scatter3A_532, %scatter3A_533] : memref<3x4x4x8x129xf32, #tpu.memory_space<vmem>> -> memref<1x4x4x8x129xf32, #tpu.memory_space<vmem>>
        %scatter3A_535 = tpu.memref_squeeze %scatter3A_534 : memref<1x4x4x8x129xf32, #tpu.memory_space<vmem>> -> memref<4x4x8x129xf32, #tpu.memory_space<vmem>>
        tpu.vector_store_idx %scatter3A_535[%add3A_191, %broadcast_in_dim3A_224, %and3A_188, %add3A_523], %mul3A_519 : memref<4x4x8x129xf32, #tpu.memory_space<vmem>>[vector<16xi32>, vector<16xi32>, vector<16xi32>, vector<16xi32>], vector<16xf32>,
        %scan3A_536 = arith.constant 4 : i32
        %scan3A_537 = arith.addi %scan3A_363, %scan3A_536 : i32
        %mul3A_538 = arith.constant 1 : i32
        %mul3A_539 = arith.muli %scan3A_537, %mul3A_538 : i32
        %add3A_540 = arith.constant 0 : i32
        %add3A_541 = arith.addi %add3A_540, %mul3A_539 : i32
        %add3A_542 = arith.constant 128 : i32
        %add3A_543 = arith.addi %add3A_542, %add3A_541 : i32
        %get3A_544 = arith.constant 0 : i32
        %get3A_545 = arith.constant 0 : i32
        %get3A_546 = tpu.memref_slice %arg6[%rem3A_179, %scan3A_225, %get3A_544, %get3A_545] : memref<2x2x512x32xf32, #tpu.memory_space<vmem>> -> memref<1x1x512x32xf32, #tpu.memory_space<vmem>>
        %get3A_547 = tpu.memref_squeeze %get3A_546 : memref<1x1x512x32xf32, #tpu.memory_space<vmem>> -> memref<512x32xf32, #tpu.memory_space<vmem>>
        %get3A_548 = arith.index_cast %add3A_543 : i32 to index
        %get3A_549 = arith.constant 0 : index
        %get3A_550 = tpu.vector_load %get3A_547[%get3A_548, %get3A_549] {strides = array<i32>} : memref<512x32xf32, #tpu.memory_space<vmem>>, vector<16xf32>,
        %mul3A_551 = arith.constant 5.65685415 : f32
        %mul3A_552 = vector.broadcast %mul3A_551 : f32 to vector<16xf32>
        %mul3A_553 = arith.mulf %get3A_550, %mul3A_552 : vector<16xf32>
        %get3A_554 = arith.constant 0 : i32
        %get3A_555 = arith.constant 0 : i32
        %get3A_556 = tpu.memref_slice %arg6[%rem3A_179, %scan3A_225, %get3A_554, %get3A_555] : memref<2x2x512x32xf32, #tpu.memory_space<vmem>> -> memref<1x1x512x32xf32, #tpu.memory_space<vmem>>
        %get3A_557 = tpu.memref_squeeze %get3A_556 : memref<1x1x512x32xf32, #tpu.memory_space<vmem>> -> memref<512x32xf32, #tpu.memory_space<vmem>>
        %get3A_558 = arith.index_cast %add3A_543 : i32 to index
        %get3A_559 = arith.constant 16 : index
        %get3A_560 = tpu.vector_load %get3A_557[%get3A_558, %get3A_559] {strides = array<i32>} : memref<512x32xf32, #tpu.memory_space<vmem>>, vector<16xf32>,
        %mul3A_561 = arith.constant 5.65685415 : f32
        %mul3A_562 = vector.broadcast %mul3A_561 : f32 to vector<16xf32>
        %mul3A_563 = arith.mulf %get3A_560, %mul3A_562 : vector<16xf32>
        %broadcast_in_dim3A_564 = arith.constant 0 : i32
        %broadcast_in_dim3A_565 = vector.broadcast %broadcast_in_dim3A_564 : i32 to vector<16xi32>
        %add3A_566 = vector.broadcast %add3A_541 : i32 to vector<16xi32>
        %add3A_567 = arith.addi %broadcast_in_dim3A_565, %add3A_566 : vector<16xi32>
        %scatter3A_568 = arith.constant 0 : i32
        %scatter3A_569 = arith.constant 0 : i32
        %scatter3A_570 = arith.constant 0 : i32
        %scatter3A_571 = arith.constant 0 : i32
        %scatter3A_572 = tpu.memref_slice %arg7[%rem3A_211, %scatter3A_568, %scatter3A_569, %scatter3A_570, %scatter3A_571] : memref<3x4x4x8x129xf32, #tpu.memory_space<vmem>> -> memref<1x4x4x8x129xf32, #tpu.memory_space<vmem>>
        %scatter3A_573 = tpu.memref_squeeze %scatter3A_572 : memref<1x4x4x8x129xf32, #tpu.memory_space<vmem>> -> memref<4x4x8x129xf32, #tpu.memory_space<vmem>>
        tpu.vector_store_idx %scatter3A_573[%shift_right_logical3A_186, %broadcast_in_dim3A_224, %and3A_188, %add3A_567], %mul3A_553 : memref<4x4x8x129xf32, #tpu.memory_space<vmem>>[vector<16xi32>, vector<16xi32>, vector<16xi32>, vector<16xi32>], vector<16xf32>,
        %scatter3A_574 = arith.constant 0 : i32
        %scatter3A_575 = arith.constant 0 : i32
        %scatter3A_576 = arith.constant 0 : i32
        %scatter3A_577 = arith.constant 0 : i32
        %scatter3A_578 = tpu.memref_slice %arg7[%rem3A_211, %scatter3A_574, %scatter3A_575, %scatter3A_576, %scatter3A_577] : memref<3x4x4x8x129xf32, #tpu.memory_space<vmem>> -> memref<1x4x4x8x129xf32, #tpu.memory_space<vmem>>
        %scatter3A_579 = tpu.memref_squeeze %scatter3A_578 : memref<1x4x4x8x129xf32, #tpu.memory_space<vmem>> -> memref<4x4x8x129xf32, #tpu.memory_space<vmem>>
        tpu.vector_store_idx %scatter3A_579[%add3A_191, %broadcast_in_dim3A_224, %and3A_188, %add3A_567], %mul3A_563 : memref<4x4x8x129xf32, #tpu.memory_space<vmem>>[vector<16xi32>, vector<16xi32>, vector<16xi32>, vector<16xi32>], vector<16xf32>,
        %scan3A_580 = arith.constant 5 : i32
        %scan3A_581 = arith.addi %scan3A_363, %scan3A_580 : i32
        %mul3A_582 = arith.constant 1 : i32
        %mul3A_583 = arith.muli %scan3A_581, %mul3A_582 : i32
        %add3A_584 = arith.constant 0 : i32
        %add3A_585 = arith.addi %add3A_584, %mul3A_583 : i32
        %add3A_586 = arith.constant 128 : i32
        %add3A_587 = arith.addi %add3A_586, %add3A_585 : i32
        %get3A_588 = arith.constant 0 : i32
        %get3A_589 = arith.constant 0 : i32
        %get3A_590 = tpu.memref_slice %arg6[%rem3A_179, %scan3A_225, %get3A_588, %get3A_589] : memref<2x2x512x32xf32, #tpu.memory_space<vmem>> -> memref<1x1x512x32xf32, #tpu.memory_space<vmem>>
        %get3A_591 = tpu.memref_squeeze %get3A_590 : memref<1x1x512x32xf32, #tpu.memory_space<vmem>> -> memref<512x32xf32, #tpu.memory_space<vmem>>
        %get3A_592 = arith.index_cast %add3A_587 : i32 to index
        %get3A_593 = arith.constant 0 : index
        %get3A_594 = tpu.vector_load %get3A_591[%get3A_592, %get3A_593] {strides = array<i32>} : memref<512x32xf32, #tpu.memory_space<vmem>>, vector<16xf32>,
        %mul3A_595 = arith.constant 5.65685415 : f32
        %mul3A_596 = vector.broadcast %mul3A_595 : f32 to vector<16xf32>
        %mul3A_597 = arith.mulf %get3A_594, %mul3A_596 : vector<16xf32>
        %get3A_598 = arith.constant 0 : i32
        %get3A_599 = arith.constant 0 : i32
        %get3A_600 = tpu.memref_slice %arg6[%rem3A_179, %scan3A_225, %get3A_598, %get3A_599] : memref<2x2x512x32xf32, #tpu.memory_space<vmem>> -> memref<1x1x512x32xf32, #tpu.memory_space<vmem>>
        %get3A_601 = tpu.memref_squeeze %get3A_600 : memref<1x1x512x32xf32, #tpu.memory_space<vmem>> -> memref<512x32xf32, #tpu.memory_space<vmem>>
        %get3A_602 = arith.index_cast %add3A_587 : i32 to index
        %get3A_603 = arith.constant 16 : index
        %get3A_604 = tpu.vector_load %get3A_601[%get3A_602, %get3A_603] {strides = array<i32>} : memref<512x32xf32, #tpu.memory_space<vmem>>, vector<16xf32>,
        %mul3A_605 = arith.constant 5.65685415 : f32
        %mul3A_606 = vector.broadcast %mul3A_605 : f32 to vector<16xf32>
        %mul3A_607 = arith.mulf %get3A_604, %mul3A_606 : vector<16xf32>
        %broadcast_in_dim3A_608 = arith.constant 0 : i32
        %broadcast_in_dim3A_609 = vector.broadcast %broadcast_in_dim3A_608 : i32 to vector<16xi32>
        %add3A_610 = vector.broadcast %add3A_585 : i32 to vector<16xi32>
        %add3A_611 = arith.addi %broadcast_in_dim3A_609, %add3A_610 : vector<16xi32>
        %scatter3A_612 = arith.constant 0 : i32
        %scatter3A_613 = arith.constant 0 : i32
        %scatter3A_614 = arith.constant 0 : i32
        %scatter3A_615 = arith.constant 0 : i32
        %scatter3A_616 = tpu.memref_slice %arg7[%rem3A_211, %scatter3A_612, %scatter3A_613, %scatter3A_614, %scatter3A_615] : memref<3x4x4x8x129xf32, #tpu.memory_space<vmem>> -> memref<1x4x4x8x129xf32, #tpu.memory_space<vmem>>
        %scatter3A_617 = tpu.memref_squeeze %scatter3A_616 : memref<1x4x4x8x129xf32, #tpu.memory_space<vmem>> -> memref<4x4x8x129xf32, #tpu.memory_space<vmem>>
        tpu.vector_store_idx %scatter3A_617[%shift_right_logical3A_186, %broadcast_in_dim3A_224, %and3A_188, %add3A_611], %mul3A_597 : memref<4x4x8x129xf32, #tpu.memory_space<vmem>>[vector<16xi32>, vector<16xi32>, vector<16xi32>, vector<16xi32>], vector<16xf32>,
        %scatter3A_618 = arith.constant 0 : i32
        %scatter3A_619 = arith.constant 0 : i32
        %scatter3A_620 = arith.constant 0 : i32
        %scatter3A_621 = arith.constant 0 : i32
        %scatter3A_622 = tpu.memref_slice %arg7[%rem3A_211, %scatter3A_618, %scatter3A_619, %scatter3A_620, %scatter3A_621] : memref<3x4x4x8x129xf32, #tpu.memory_space<vmem>> -> memref<1x4x4x8x129xf32, #tpu.memory_space<vmem>>
        %scatter3A_623 = tpu.memref_squeeze %scatter3A_622 : memref<1x4x4x8x129xf32, #tpu.memory_space<vmem>> -> memref<4x4x8x129xf32, #tpu.memory_space<vmem>>
        tpu.vector_store_idx %scatter3A_623[%add3A_191, %broadcast_in_dim3A_224, %and3A_188, %add3A_611], %mul3A_607 : memref<4x4x8x129xf32, #tpu.memory_space<vmem>>[vector<16xi32>, vector<16xi32>, vector<16xi32>, vector<16xi32>], vector<16xf32>,
        %scan3A_624 = arith.constant 6 : i32
        %scan3A_625 = arith.addi %scan3A_363, %scan3A_624 : i32
        %mul3A_626 = arith.constant 1 : i32
        %mul3A_627 = arith.muli %scan3A_625, %mul3A_626 : i32
        %add3A_628 = arith.constant 0 : i32
        %add3A_629 = arith.addi %add3A_628, %mul3A_627 : i32
        %add3A_630 = arith.constant 128 : i32
        %add3A_631 = arith.addi %add3A_630, %add3A_629 : i32
        %get3A_632 = arith.constant 0 : i32
        %get3A_633 = arith.constant 0 : i32
        %get3A_634 = tpu.memref_slice %arg6[%rem3A_179, %scan3A_225, %get3A_632, %get3A_633] : memref<2x2x512x32xf32, #tpu.memory_space<vmem>> -> memref<1x1x512x32xf32, #tpu.memory_space<vmem>>
        %get3A_635 = tpu.memref_squeeze %get3A_634 : memref<1x1x512x32xf32, #tpu.memory_space<vmem>> -> memref<512x32xf32, #tpu.memory_space<vmem>>
        %get3A_636 = arith.index_cast %add3A_631 : i32 to index
        %get3A_637 = arith.constant 0 : index
        %get3A_638 = tpu.vector_load %get3A_635[%get3A_636, %get3A_637] {strides = array<i32>} : memref<512x32xf32, #tpu.memory_space<vmem>>, vector<16xf32>,
        %mul3A_639 = arith.constant 5.65685415 : f32
        %mul3A_640 = vector.broadcast %mul3A_639 : f32 to vector<16xf32>
        %mul3A_641 = arith.mulf %get3A_638, %mul3A_640 : vector<16xf32>
        %get3A_642 = arith.constant 0 : i32
        %get3A_643 = arith.constant 0 : i32
        %get3A_644 = tpu.memref_slice %arg6[%rem3A_179, %scan3A_225, %get3A_642, %get3A_643] : memref<2x2x512x32xf32, #tpu.memory_space<vmem>> -> memref<1x1x512x32xf32, #tpu.memory_space<vmem>>
        %get3A_645 = tpu.memref_squeeze %get3A_644 : memref<1x1x512x32xf32, #tpu.memory_space<vmem>> -> memref<512x32xf32, #tpu.memory_space<vmem>>
        %get3A_646 = arith.index_cast %add3A_631 : i32 to index
        %get3A_647 = arith.constant 16 : index
        %get3A_648 = tpu.vector_load %get3A_645[%get3A_646, %get3A_647] {strides = array<i32>} : memref<512x32xf32, #tpu.memory_space<vmem>>, vector<16xf32>,
        %mul3A_649 = arith.constant 5.65685415 : f32
        %mul3A_650 = vector.broadcast %mul3A_649 : f32 to vector<16xf32>
        %mul3A_651 = arith.mulf %get3A_648, %mul3A_650 : vector<16xf32>
        %broadcast_in_dim3A_652 = arith.constant 0 : i32
        %broadcast_in_dim3A_653 = vector.broadcast %broadcast_in_dim3A_652 : i32 to vector<16xi32>
        %add3A_654 = vector.broadcast %add3A_629 : i32 to vector<16xi32>
        %add3A_655 = arith.addi %broadcast_in_dim3A_653, %add3A_654 : vector<16xi32>
        %scatter3A_656 = arith.constant 0 : i32
        %scatter3A_657 = arith.constant 0 : i32
        %scatter3A_658 = arith.constant 0 : i32
        %scatter3A_659 = arith.constant 0 : i32
        %scatter3A_660 = tpu.memref_slice %arg7[%rem3A_211, %scatter3A_656, %scatter3A_657, %scatter3A_658, %scatter3A_659] : memref<3x4x4x8x129xf32, #tpu.memory_space<vmem>> -> memref<1x4x4x8x129xf32, #tpu.memory_space<vmem>>
        %scatter3A_661 = tpu.memref_squeeze %scatter3A_660 : memref<1x4x4x8x129xf32, #tpu.memory_space<vmem>> -> memref<4x4x8x129xf32, #tpu.memory_space<vmem>>
        tpu.vector_store_idx %scatter3A_661[%shift_right_logical3A_186, %broadcast_in_dim3A_224, %and3A_188, %add3A_655], %mul3A_641 : memref<4x4x8x129xf32, #tpu.memory_space<vmem>>[vector<16xi32>, vector<16xi32>, vector<16xi32>, vector<16xi32>], vector<16xf32>,
        %scatter3A_662 = arith.constant 0 : i32
        %scatter3A_663 = arith.constant 0 : i32
        %scatter3A_664 = arith.constant 0 : i32
        %scatter3A_665 = arith.constant 0 : i32
        %scatter3A_666 = tpu.memref_slice %arg7[%rem3A_211, %scatter3A_662, %scatter3A_663, %scatter3A_664, %scatter3A_665] : memref<3x4x4x8x129xf32, #tpu.memory_space<vmem>> -> memref<1x4x4x8x129xf32, #tpu.memory_space<vmem>>
        %scatter3A_667 = tpu.memref_squeeze %scatter3A_666 : memref<1x4x4x8x129xf32, #tpu.memory_space<vmem>> -> memref<4x4x8x129xf32, #tpu.memory_space<vmem>>
        tpu.vector_store_idx %scatter3A_667[%add3A_191, %broadcast_in_dim3A_224, %and3A_188, %add3A_655], %mul3A_651 : memref<4x4x8x129xf32, #tpu.memory_space<vmem>>[vector<16xi32>, vector<16xi32>, vector<16xi32>, vector<16xi32>], vector<16xf32>,
        %scan3A_668 = arith.constant 7 : i32
        %scan3A_669 = arith.addi %scan3A_363, %scan3A_668 : i32
        %mul3A_670 = arith.constant 1 : i32
        %mul3A_671 = arith.muli %scan3A_669, %mul3A_670 : i32
        %add3A_672 = arith.constant 0 : i32
        %add3A_673 = arith.addi %add3A_672, %mul3A_671 : i32
        %add3A_674 = arith.constant 128 : i32
        %add3A_675 = arith.addi %add3A_674, %add3A_673 : i32
        %get3A_676 = arith.constant 0 : i32
        %get3A_677 = arith.constant 0 : i32
        %get3A_678 = tpu.memref_slice %arg6[%rem3A_179, %scan3A_225, %get3A_676, %get3A_677] : memref<2x2x512x32xf32, #tpu.memory_space<vmem>> -> memref<1x1x512x32xf32, #tpu.memory_space<vmem>>
        %get3A_679 = tpu.memref_squeeze %get3A_678 : memref<1x1x512x32xf32, #tpu.memory_space<vmem>> -> memref<512x32xf32, #tpu.memory_space<vmem>>
        %get3A_680 = arith.index_cast %add3A_675 : i32 to index
        %get3A_681 = arith.constant 0 : index
        %get3A_682 = tpu.vector_load %get3A_679[%get3A_680, %get3A_681] {strides = array<i32>} : memref<512x32xf32, #tpu.memory_space<vmem>>, vector<16xf32>,
        %mul3A_683 = arith.constant 5.65685415 : f32
        %mul3A_684 = vector.broadcast %mul3A_683 : f32 to vector<16xf32>
        %mul3A_685 = arith.mulf %get3A_682, %mul3A_684 : vector<16xf32>
        %get3A_686 = arith.constant 0 : i32
        %get3A_687 = arith.constant 0 : i32
        %get3A_688 = tpu.memref_slice %arg6[%rem3A_179, %scan3A_225, %get3A_686, %get3A_687] : memref<2x2x512x32xf32, #tpu.memory_space<vmem>> -> memref<1x1x512x32xf32, #tpu.memory_space<vmem>>
        %get3A_689 = tpu.memref_squeeze %get3A_688 : memref<1x1x512x32xf32, #tpu.memory_space<vmem>> -> memref<512x32xf32, #tpu.memory_space<vmem>>
        %get3A_690 = arith.index_cast %add3A_675 : i32 to index
        %get3A_691 = arith.constant 16 : index
        %get3A_692 = tpu.vector_load %get3A_689[%get3A_690, %get3A_691] {strides = array<i32>} : memref<512x32xf32, #tpu.memory_space<vmem>>, vector<16xf32>,
        %mul3A_693 = arith.constant 5.65685415 : f32
        %mul3A_694 = vector.broadcast %mul3A_693 : f32 to vector<16xf32>
        %mul3A_695 = arith.mulf %get3A_692, %mul3A_694 : vector<16xf32>
        %broadcast_in_dim3A_696 = arith.constant 0 : i32
        %broadcast_in_dim3A_697 = vector.broadcast %broadcast_in_dim3A_696 : i32 to vector<16xi32>
        %add3A_698 = vector.broadcast %add3A_673 : i32 to vector<16xi32>
        %add3A_699 = arith.addi %broadcast_in_dim3A_697, %add3A_698 : vector<16xi32>
        %scatter3A_700 = arith.constant 0 : i32
        %scatter3A_701 = arith.constant 0 : i32
        %scatter3A_702 = arith.constant 0 : i32
        %scatter3A_703 = arith.constant 0 : i32
        %scatter3A_704 = tpu.memref_slice %arg7[%rem3A_211, %scatter3A_700, %scatter3A_701, %scatter3A_702, %scatter3A_703] : memref<3x4x4x8x129xf32, #tpu.memory_space<vmem>> -> memref<1x4x4x8x129xf32, #tpu.memory_space<vmem>>
        %scatter3A_705 = tpu.memref_squeeze %scatter3A_704 : memref<1x4x4x8x129xf32, #tpu.memory_space<vmem>> -> memref<4x4x8x129xf32, #tpu.memory_space<vmem>>
        tpu.vector_store_idx %scatter3A_705[%shift_right_logical3A_186, %broadcast_in_dim3A_224, %and3A_188, %add3A_699], %mul3A_685 : memref<4x4x8x129xf32, #tpu.memory_space<vmem>>[vector<16xi32>, vector<16xi32>, vector<16xi32>, vector<16xi32>], vector<16xf32>,
        %scatter3A_706 = arith.constant 0 : i32
        %scatter3A_707 = arith.constant 0 : i32
        %scatter3A_708 = arith.constant 0 : i32
        %scatter3A_709 = arith.constant 0 : i32
        %scatter3A_710 = tpu.memref_slice %arg7[%rem3A_211, %scatter3A_706, %scatter3A_707, %scatter3A_708, %scatter3A_709] : memref<3x4x4x8x129xf32, #tpu.memory_space<vmem>> -> memref<1x4x4x8x129xf32, #tpu.memory_space<vmem>>
        %scatter3A_711 = tpu.memref_squeeze %scatter3A_710 : memref<1x4x4x8x129xf32, #tpu.memory_space<vmem>> -> memref<4x4x8x129xf32, #tpu.memory_space<vmem>>
        tpu.vector_store_idx %scatter3A_711[%add3A_191, %broadcast_in_dim3A_224, %and3A_188, %add3A_699], %mul3A_695 : memref<4x4x8x129xf32, #tpu.memory_space<vmem>>[vector<16xi32>, vector<16xi32>, vector<16xi32>, vector<16xi32>], vector<16xf32>,
      }
      %scan3A_230 = arith.constant 128 : i32
      %broadcast_in_dim3A_231 = arith.constant 2 : i32
      %broadcast_in_dim3A_232 = vector.broadcast %broadcast_in_dim3A_231 : i32 to vector<16xi32>
      %scan3A_233 = arith.constant 0 : i32
      %scan3A_234 = arith.constant 0 : i32
      %scan3A_235 = arith.constant 128 : i32
      %scan3A_236 = arith.addi %scan3A_234, %scan3A_235 : i32
      %scan3A_237 = arith.constant 8 : i32
      scf.for %scan3A_363 = %scan3A_234 to %scan3A_236 step %scan3A_237  : i32 {
        %mul3A_364 = arith.constant 1 : i32
        %mul3A_365 = arith.muli %scan3A_363, %mul3A_364 : i32
        %add3A_366 = arith.constant 0 : i32
        %add3A_367 = arith.addi %add3A_366, %mul3A_365 : i32
        %add3A_368 = arith.constant 256 : i32
        %add3A_369 = arith.addi %add3A_368, %add3A_367 : i32
        %get3A = arith.constant 0 : i32
        %get3A_370 = arith.constant 0 : i32
        %get3A_371 = tpu.memref_slice %arg6[%rem3A_179, %scan3A_233, %get3A, %get3A_370] : memref<2x2x512x32xf32, #tpu.memory_space<vmem>> -> memref<1x1x512x32xf32, #tpu.memory_space<vmem>>
        %get3A_372 = tpu.memref_squeeze %get3A_371 : memref<1x1x512x32xf32, #tpu.memory_space<vmem>> -> memref<512x32xf32, #tpu.memory_space<vmem>>
        %get3A_373 = arith.index_cast %add3A_369 : i32 to index
        %get3A_374 = arith.constant 0 : index
        %get3A_375 = tpu.vector_load %get3A_372[%get3A_373, %get3A_374] {strides = array<i32>} : memref<512x32xf32, #tpu.memory_space<vmem>>, vector<16xf32>,
        %mul3A_376 = arith.constant 5.65685415 : f32
        %mul3A_377 = vector.broadcast %mul3A_376 : f32 to vector<16xf32>
        %mul3A_378 = arith.mulf %get3A_375, %mul3A_377 : vector<16xf32>
        %get3A_379 = arith.constant 0 : i32
        %get3A_380 = arith.constant 0 : i32
        %get3A_381 = tpu.memref_slice %arg6[%rem3A_179, %scan3A_233, %get3A_379, %get3A_380] : memref<2x2x512x32xf32, #tpu.memory_space<vmem>> -> memref<1x1x512x32xf32, #tpu.memory_space<vmem>>
        %get3A_382 = tpu.memref_squeeze %get3A_381 : memref<1x1x512x32xf32, #tpu.memory_space<vmem>> -> memref<512x32xf32, #tpu.memory_space<vmem>>
        %get3A_383 = arith.index_cast %add3A_369 : i32 to index
        %get3A_384 = arith.constant 16 : index
        %get3A_385 = tpu.vector_load %get3A_382[%get3A_383, %get3A_384] {strides = array<i32>} : memref<512x32xf32, #tpu.memory_space<vmem>>, vector<16xf32>,
        %mul3A_386 = arith.constant 5.65685415 : f32
        %mul3A_387 = vector.broadcast %mul3A_386 : f32 to vector<16xf32>
        %mul3A_388 = arith.mulf %get3A_385, %mul3A_387 : vector<16xf32>
        %broadcast_in_dim3A_389 = arith.constant 0 : i32
        %broadcast_in_dim3A_390 = vector.broadcast %broadcast_in_dim3A_389 : i32 to vector<16xi32>
        %add3A_391 = vector.broadcast %add3A_367 : i32 to vector<16xi32>
        %add3A_392 = arith.addi %broadcast_in_dim3A_390, %add3A_391 : vector<16xi32>
        %scatter3A = arith.constant 0 : i32
        %scatter3A_393 = arith.constant 0 : i32
        %scatter3A_394 = arith.constant 0 : i32
        %scatter3A_395 = arith.constant 0 : i32
        %scatter3A_396 = tpu.memref_slice %arg7[%rem3A_211, %scatter3A, %scatter3A_393, %scatter3A_394, %scatter3A_395] : memref<3x4x4x8x129xf32, #tpu.memory_space<vmem>> -> memref<1x4x4x8x129xf32, #tpu.memory_space<vmem>>
        %scatter3A_397 = tpu.memref_squeeze %scatter3A_396 : memref<1x4x4x8x129xf32, #tpu.memory_space<vmem>> -> memref<4x4x8x129xf32, #tpu.memory_space<vmem>>
        tpu.vector_store_idx %scatter3A_397[%shift_right_logical3A_186, %broadcast_in_dim3A_232, %and3A_188, %add3A_392], %mul3A_378 : memref<4x4x8x129xf32, #tpu.memory_space<vmem>>[vector<16xi32>, vector<16xi32>, vector<16xi32>, vector<16xi32>], vector<16xf32>,
        %scatter3A_398 = arith.constant 0 : i32
        %scatter3A_399 = arith.constant 0 : i32
        %scatter3A_400 = arith.constant 0 : i32
        %scatter3A_401 = arith.constant 0 : i32
        %scatter3A_402 = tpu.memref_slice %arg7[%rem3A_211, %scatter3A_398, %scatter3A_399, %scatter3A_400, %scatter3A_401] : memref<3x4x4x8x129xf32, #tpu.memory_space<vmem>> -> memref<1x4x4x8x129xf32, #tpu.memory_space<vmem>>
        %scatter3A_403 = tpu.memref_squeeze %scatter3A_402 : memref<1x4x4x8x129xf32, #tpu.memory_space<vmem>> -> memref<4x4x8x129xf32, #tpu.memory_space<vmem>>
        tpu.vector_store_idx %scatter3A_403[%add3A_191, %broadcast_in_dim3A_232, %and3A_188, %add3A_392], %mul3A_388 : memref<4x4x8x129xf32, #tpu.memory_space<vmem>>[vector<16xi32>, vector<16xi32>, vector<16xi32>, vector<16xi32>], vector<16xf32>,
        %scan3A_404 = arith.constant 1 : i32
        %scan3A_405 = arith.addi %scan3A_363, %scan3A_404 : i32
        %mul3A_406 = arith.constant 1 : i32
        %mul3A_407 = arith.muli %scan3A_405, %mul3A_406 : i32
        %add3A_408 = arith.constant 0 : i32
        %add3A_409 = arith.addi %add3A_408, %mul3A_407 : i32
        %add3A_410 = arith.constant 256 : i32
        %add3A_411 = arith.addi %add3A_410, %add3A_409 : i32
        %get3A_412 = arith.constant 0 : i32
        %get3A_413 = arith.constant 0 : i32
        %get3A_414 = tpu.memref_slice %arg6[%rem3A_179, %scan3A_233, %get3A_412, %get3A_413] : memref<2x2x512x32xf32, #tpu.memory_space<vmem>> -> memref<1x1x512x32xf32, #tpu.memory_space<vmem>>
        %get3A_415 = tpu.memref_squeeze %get3A_414 : memref<1x1x512x32xf32, #tpu.memory_space<vmem>> -> memref<512x32xf32, #tpu.memory_space<vmem>>
        %get3A_416 = arith.index_cast %add3A_411 : i32 to index
        %get3A_417 = arith.constant 0 : index
        %get3A_418 = tpu.vector_load %get3A_415[%get3A_416, %get3A_417] {strides = array<i32>} : memref<512x32xf32, #tpu.memory_space<vmem>>, vector<16xf32>,
        %mul3A_419 = arith.constant 5.65685415 : f32
        %mul3A_420 = vector.broadcast %mul3A_419 : f32 to vector<16xf32>
        %mul3A_421 = arith.mulf %get3A_418, %mul3A_420 : vector<16xf32>
        %get3A_422 = arith.constant 0 : i32
        %get3A_423 = arith.constant 0 : i32
        %get3A_424 = tpu.memref_slice %arg6[%rem3A_179, %scan3A_233, %get3A_422, %get3A_423] : memref<2x2x512x32xf32, #tpu.memory_space<vmem>> -> memref<1x1x512x32xf32, #tpu.memory_space<vmem>>
        %get3A_425 = tpu.memref_squeeze %get3A_424 : memref<1x1x512x32xf32, #tpu.memory_space<vmem>> -> memref<512x32xf32, #tpu.memory_space<vmem>>
        %get3A_426 = arith.index_cast %add3A_411 : i32 to index
        %get3A_427 = arith.constant 16 : index
        %get3A_428 = tpu.vector_load %get3A_425[%get3A_426, %get3A_427] {strides = array<i32>} : memref<512x32xf32, #tpu.memory_space<vmem>>, vector<16xf32>,
        %mul3A_429 = arith.constant 5.65685415 : f32
        %mul3A_430 = vector.broadcast %mul3A_429 : f32 to vector<16xf32>
        %mul3A_431 = arith.mulf %get3A_428, %mul3A_430 : vector<16xf32>
        %broadcast_in_dim3A_432 = arith.constant 0 : i32
        %broadcast_in_dim3A_433 = vector.broadcast %broadcast_in_dim3A_432 : i32 to vector<16xi32>
        %add3A_434 = vector.broadcast %add3A_409 : i32 to vector<16xi32>
        %add3A_435 = arith.addi %broadcast_in_dim3A_433, %add3A_434 : vector<16xi32>
        %scatter3A_436 = arith.constant 0 : i32
        %scatter3A_437 = arith.constant 0 : i32
        %scatter3A_438 = arith.constant 0 : i32
        %scatter3A_439 = arith.constant 0 : i32
        %scatter3A_440 = tpu.memref_slice %arg7[%rem3A_211, %scatter3A_436, %scatter3A_437, %scatter3A_438, %scatter3A_439] : memref<3x4x4x8x129xf32, #tpu.memory_space<vmem>> -> memref<1x4x4x8x129xf32, #tpu.memory_space<vmem>>
        %scatter3A_441 = tpu.memref_squeeze %scatter3A_440 : memref<1x4x4x8x129xf32, #tpu.memory_space<vmem>> -> memref<4x4x8x129xf32, #tpu.memory_space<vmem>>
        tpu.vector_store_idx %scatter3A_441[%shift_right_logical3A_186, %broadcast_in_dim3A_232, %and3A_188, %add3A_435], %mul3A_421 : memref<4x4x8x129xf32, #tpu.memory_space<vmem>>[vector<16xi32>, vector<16xi32>, vector<16xi32>, vector<16xi32>], vector<16xf32>,
        %scatter3A_442 = arith.constant 0 : i32
        %scatter3A_443 = arith.constant 0 : i32
        %scatter3A_444 = arith.constant 0 : i32
        %scatter3A_445 = arith.constant 0 : i32
        %scatter3A_446 = tpu.memref_slice %arg7[%rem3A_211, %scatter3A_442, %scatter3A_443, %scatter3A_444, %scatter3A_445] : memref<3x4x4x8x129xf32, #tpu.memory_space<vmem>> -> memref<1x4x4x8x129xf32, #tpu.memory_space<vmem>>
        %scatter3A_447 = tpu.memref_squeeze %scatter3A_446 : memref<1x4x4x8x129xf32, #tpu.memory_space<vmem>> -> memref<4x4x8x129xf32, #tpu.memory_space<vmem>>
        tpu.vector_store_idx %scatter3A_447[%add3A_191, %broadcast_in_dim3A_232, %and3A_188, %add3A_435], %mul3A_431 : memref<4x4x8x129xf32, #tpu.memory_space<vmem>>[vector<16xi32>, vector<16xi32>, vector<16xi32>, vector<16xi32>], vector<16xf32>,
        %scan3A_448 = arith.constant 2 : i32
        %scan3A_449 = arith.addi %scan3A_363, %scan3A_448 : i32
        %mul3A_450 = arith.constant 1 : i32
        %mul3A_451 = arith.muli %scan3A_449, %mul3A_450 : i32
        %add3A_452 = arith.constant 0 : i32
        %add3A_453 = arith.addi %add3A_452, %mul3A_451 : i32
        %add3A_454 = arith.constant 256 : i32
        %add3A_455 = arith.addi %add3A_454, %add3A_453 : i32
        %get3A_456 = arith.constant 0 : i32
        %get3A_457 = arith.constant 0 : i32
        %get3A_458 = tpu.memref_slice %arg6[%rem3A_179, %scan3A_233, %get3A_456, %get3A_457] : memref<2x2x512x32xf32, #tpu.memory_space<vmem>> -> memref<1x1x512x32xf32, #tpu.memory_space<vmem>>
        %get3A_459 = tpu.memref_squeeze %get3A_458 : memref<1x1x512x32xf32, #tpu.memory_space<vmem>> -> memref<512x32xf32, #tpu.memory_space<vmem>>
        %get3A_460 = arith.index_cast %add3A_455 : i32 to index
        %get3A_461 = arith.constant 0 : index
        %get3A_462 = tpu.vector_load %get3A_459[%get3A_460, %get3A_461] {strides = array<i32>} : memref<512x32xf32, #tpu.memory_space<vmem>>, vector<16xf32>,
        %mul3A_463 = arith.constant 5.65685415 : f32
        %mul3A_464 = vector.broadcast %mul3A_463 : f32 to vector<16xf32>
        %mul3A_465 = arith.mulf %get3A_462, %mul3A_464 : vector<16xf32>
        %get3A_466 = arith.constant 0 : i32
        %get3A_467 = arith.constant 0 : i32
        %get3A_468 = tpu.memref_slice %arg6[%rem3A_179, %scan3A_233, %get3A_466, %get3A_467] : memref<2x2x512x32xf32, #tpu.memory_space<vmem>> -> memref<1x1x512x32xf32, #tpu.memory_space<vmem>>
        %get3A_469 = tpu.memref_squeeze %get3A_468 : memref<1x1x512x32xf32, #tpu.memory_space<vmem>> -> memref<512x32xf32, #tpu.memory_space<vmem>>
        %get3A_470 = arith.index_cast %add3A_455 : i32 to index
        %get3A_471 = arith.constant 16 : index
        %get3A_472 = tpu.vector_load %get3A_469[%get3A_470, %get3A_471] {strides = array<i32>} : memref<512x32xf32, #tpu.memory_space<vmem>>, vector<16xf32>,
        %mul3A_473 = arith.constant 5.65685415 : f32
        %mul3A_474 = vector.broadcast %mul3A_473 : f32 to vector<16xf32>
        %mul3A_475 = arith.mulf %get3A_472, %mul3A_474 : vector<16xf32>
        %broadcast_in_dim3A_476 = arith.constant 0 : i32
        %broadcast_in_dim3A_477 = vector.broadcast %broadcast_in_dim3A_476 : i32 to vector<16xi32>
        %add3A_478 = vector.broadcast %add3A_453 : i32 to vector<16xi32>
        %add3A_479 = arith.addi %broadcast_in_dim3A_477, %add3A_478 : vector<16xi32>
        %scatter3A_480 = arith.constant 0 : i32
        %scatter3A_481 = arith.constant 0 : i32
        %scatter3A_482 = arith.constant 0 : i32
        %scatter3A_483 = arith.constant 0 : i32
        %scatter3A_484 = tpu.memref_slice %arg7[%rem3A_211, %scatter3A_480, %scatter3A_481, %scatter3A_482, %scatter3A_483] : memref<3x4x4x8x129xf32, #tpu.memory_space<vmem>> -> memref<1x4x4x8x129xf32, #tpu.memory_space<vmem>>
        %scatter3A_485 = tpu.memref_squeeze %scatter3A_484 : memref<1x4x4x8x129xf32, #tpu.memory_space<vmem>> -> memref<4x4x8x129xf32, #tpu.memory_space<vmem>>
        tpu.vector_store_idx %scatter3A_485[%shift_right_logical3A_186, %broadcast_in_dim3A_232, %and3A_188, %add3A_479], %mul3A_465 : memref<4x4x8x129xf32, #tpu.memory_space<vmem>>[vector<16xi32>, vector<16xi32>, vector<16xi32>, vector<16xi32>], vector<16xf32>,
        %scatter3A_486 = arith.constant 0 : i32
        %scatter3A_487 = arith.constant 0 : i32
        %scatter3A_488 = arith.constant 0 : i32
        %scatter3A_489 = arith.constant 0 : i32
        %scatter3A_490 = tpu.memref_slice %arg7[%rem3A_211, %scatter3A_486, %scatter3A_487, %scatter3A_488, %scatter3A_489] : memref<3x4x4x8x129xf32, #tpu.memory_space<vmem>> -> memref<1x4x4x8x129xf32, #tpu.memory_space<vmem>>
        %scatter3A_491 = tpu.memref_squeeze %scatter3A_490 : memref<1x4x4x8x129xf32, #tpu.memory_space<vmem>> -> memref<4x4x8x129xf32, #tpu.memory_space<vmem>>
        tpu.vector_store_idx %scatter3A_491[%add3A_191, %broadcast_in_dim3A_232, %and3A_188, %add3A_479], %mul3A_475 : memref<4x4x8x129xf32, #tpu.memory_space<vmem>>[vector<16xi32>, vector<16xi32>, vector<16xi32>, vector<16xi32>], vector<16xf32>,
        %scan3A_492 = arith.constant 3 : i32
        %scan3A_493 = arith.addi %scan3A_363, %scan3A_492 : i32
        %mul3A_494 = arith.constant 1 : i32
        %mul3A_495 = arith.muli %scan3A_493, %mul3A_494 : i32
        %add3A_496 = arith.constant 0 : i32
        %add3A_497 = arith.addi %add3A_496, %mul3A_495 : i32
        %add3A_498 = arith.constant 256 : i32
        %add3A_499 = arith.addi %add3A_498, %add3A_497 : i32
        %get3A_500 = arith.constant 0 : i32
        %get3A_501 = arith.constant 0 : i32
        %get3A_502 = tpu.memref_slice %arg6[%rem3A_179, %scan3A_233, %get3A_500, %get3A_501] : memref<2x2x512x32xf32, #tpu.memory_space<vmem>> -> memref<1x1x512x32xf32, #tpu.memory_space<vmem>>
        %get3A_503 = tpu.memref_squeeze %get3A_502 : memref<1x1x512x32xf32, #tpu.memory_space<vmem>> -> memref<512x32xf32, #tpu.memory_space<vmem>>
        %get3A_504 = arith.index_cast %add3A_499 : i32 to index
        %get3A_505 = arith.constant 0 : index
        %get3A_506 = tpu.vector_load %get3A_503[%get3A_504, %get3A_505] {strides = array<i32>} : memref<512x32xf32, #tpu.memory_space<vmem>>, vector<16xf32>,
        %mul3A_507 = arith.constant 5.65685415 : f32
        %mul3A_508 = vector.broadcast %mul3A_507 : f32 to vector<16xf32>
        %mul3A_509 = arith.mulf %get3A_506, %mul3A_508 : vector<16xf32>
        %get3A_510 = arith.constant 0 : i32
        %get3A_511 = arith.constant 0 : i32
        %get3A_512 = tpu.memref_slice %arg6[%rem3A_179, %scan3A_233, %get3A_510, %get3A_511] : memref<2x2x512x32xf32, #tpu.memory_space<vmem>> -> memref<1x1x512x32xf32, #tpu.memory_space<vmem>>
        %get3A_513 = tpu.memref_squeeze %get3A_512 : memref<1x1x512x32xf32, #tpu.memory_space<vmem>> -> memref<512x32xf32, #tpu.memory_space<vmem>>
        %get3A_514 = arith.index_cast %add3A_499 : i32 to index
        %get3A_515 = arith.constant 16 : index
        %get3A_516 = tpu.vector_load %get3A_513[%get3A_514, %get3A_515] {strides = array<i32>} : memref<512x32xf32, #tpu.memory_space<vmem>>, vector<16xf32>,
        %mul3A_517 = arith.constant 5.65685415 : f32
        %mul3A_518 = vector.broadcast %mul3A_517 : f32 to vector<16xf32>
        %mul3A_519 = arith.mulf %get3A_516, %mul3A_518 : vector<16xf32>
        %broadcast_in_dim3A_520 = arith.constant 0 : i32
        %broadcast_in_dim3A_521 = vector.broadcast %broadcast_in_dim3A_520 : i32 to vector<16xi32>
        %add3A_522 = vector.broadcast %add3A_497 : i32 to vector<16xi32>
        %add3A_523 = arith.addi %broadcast_in_dim3A_521, %add3A_522 : vector<16xi32>
        %scatter3A_524 = arith.constant 0 : i32
        %scatter3A_525 = arith.constant 0 : i32
        %scatter3A_526 = arith.constant 0 : i32
        %scatter3A_527 = arith.constant 0 : i32
        %scatter3A_528 = tpu.memref_slice %arg7[%rem3A_211, %scatter3A_524, %scatter3A_525, %scatter3A_526, %scatter3A_527] : memref<3x4x4x8x129xf32, #tpu.memory_space<vmem>> -> memref<1x4x4x8x129xf32, #tpu.memory_space<vmem>>
        %scatter3A_529 = tpu.memref_squeeze %scatter3A_528 : memref<1x4x4x8x129xf32, #tpu.memory_space<vmem>> -> memref<4x4x8x129xf32, #tpu.memory_space<vmem>>
        tpu.vector_store_idx %scatter3A_529[%shift_right_logical3A_186, %broadcast_in_dim3A_232, %and3A_188, %add3A_523], %mul3A_509 : memref<4x4x8x129xf32, #tpu.memory_space<vmem>>[vector<16xi32>, vector<16xi32>, vector<16xi32>, vector<16xi32>], vector<16xf32>,
        %scatter3A_530 = arith.constant 0 : i32
        %scatter3A_531 = arith.constant 0 : i32
        %scatter3A_532 = arith.constant 0 : i32
        %scatter3A_533 = arith.constant 0 : i32
        %scatter3A_534 = tpu.memref_slice %arg7[%rem3A_211, %scatter3A_530, %scatter3A_531, %scatter3A_532, %scatter3A_533] : memref<3x4x4x8x129xf32, #tpu.memory_space<vmem>> -> memref<1x4x4x8x129xf32, #tpu.memory_space<vmem>>
        %scatter3A_535 = tpu.memref_squeeze %scatter3A_534 : memref<1x4x4x8x129xf32, #tpu.memory_space<vmem>> -> memref<4x4x8x129xf32, #tpu.memory_space<vmem>>
        tpu.vector_store_idx %scatter3A_535[%add3A_191, %broadcast_in_dim3A_232, %and3A_188, %add3A_523], %mul3A_519 : memref<4x4x8x129xf32, #tpu.memory_space<vmem>>[vector<16xi32>, vector<16xi32>, vector<16xi32>, vector<16xi32>], vector<16xf32>,
        %scan3A_536 = arith.constant 4 : i32
        %scan3A_537 = arith.addi %scan3A_363, %scan3A_536 : i32
        %mul3A_538 = arith.constant 1 : i32
        %mul3A_539 = arith.muli %scan3A_537, %mul3A_538 : i32
        %add3A_540 = arith.constant 0 : i32
        %add3A_541 = arith.addi %add3A_540, %mul3A_539 : i32
        %add3A_542 = arith.constant 256 : i32
        %add3A_543 = arith.addi %add3A_542, %add3A_541 : i32
        %get3A_544 = arith.constant 0 : i32
        %get3A_545 = arith.constant 0 : i32
        %get3A_546 = tpu.memref_slice %arg6[%rem3A_179, %scan3A_233, %get3A_544, %get3A_545] : memref<2x2x512x32xf32, #tpu.memory_space<vmem>> -> memref<1x1x512x32xf32, #tpu.memory_space<vmem>>
        %get3A_547 = tpu.memref_squeeze %get3A_546 : memref<1x1x512x32xf32, #tpu.memory_space<vmem>> -> memref<512x32xf32, #tpu.memory_space<vmem>>
        %get3A_548 = arith.index_cast %add3A_543 : i32 to index
        %get3A_549 = arith.constant 0 : index
        %get3A_550 = tpu.vector_load %get3A_547[%get3A_548, %get3A_549] {strides = array<i32>} : memref<512x32xf32, #tpu.memory_space<vmem>>, vector<16xf32>,
        %mul3A_551 = arith.constant 5.65685415 : f32
        %mul3A_552 = vector.broadcast %mul3A_551 : f32 to vector<16xf32>
        %mul3A_553 = arith.mulf %get3A_550, %mul3A_552 : vector<16xf32>
        %get3A_554 = arith.constant 0 : i32
        %get3A_555 = arith.constant 0 : i32
        %get3A_556 = tpu.memref_slice %arg6[%rem3A_179, %scan3A_233, %get3A_554, %get3A_555] : memref<2x2x512x32xf32, #tpu.memory_space<vmem>> -> memref<1x1x512x32xf32, #tpu.memory_space<vmem>>
        %get3A_557 = tpu.memref_squeeze %get3A_556 : memref<1x1x512x32xf32, #tpu.memory_space<vmem>> -> memref<512x32xf32, #tpu.memory_space<vmem>>
        %get3A_558 = arith.index_cast %add3A_543 : i32 to index
        %get3A_559 = arith.constant 16 : index
        %get3A_560 = tpu.vector_load %get3A_557[%get3A_558, %get3A_559] {strides = array<i32>} : memref<512x32xf32, #tpu.memory_space<vmem>>, vector<16xf32>,
        %mul3A_561 = arith.constant 5.65685415 : f32
        %mul3A_562 = vector.broadcast %mul3A_561 : f32 to vector<16xf32>
        %mul3A_563 = arith.mulf %get3A_560, %mul3A_562 : vector<16xf32>
        %broadcast_in_dim3A_564 = arith.constant 0 : i32
        %broadcast_in_dim3A_565 = vector.broadcast %broadcast_in_dim3A_564 : i32 to vector<16xi32>
        %add3A_566 = vector.broadcast %add3A_541 : i32 to vector<16xi32>
        %add3A_567 = arith.addi %broadcast_in_dim3A_565, %add3A_566 : vector<16xi32>
        %scatter3A_568 = arith.constant 0 : i32
        %scatter3A_569 = arith.constant 0 : i32
        %scatter3A_570 = arith.constant 0 : i32
        %scatter3A_571 = arith.constant 0 : i32
        %scatter3A_572 = tpu.memref_slice %arg7[%rem3A_211, %scatter3A_568, %scatter3A_569, %scatter3A_570, %scatter3A_571] : memref<3x4x4x8x129xf32, #tpu.memory_space<vmem>> -> memref<1x4x4x8x129xf32, #tpu.memory_space<vmem>>
        %scatter3A_573 = tpu.memref_squeeze %scatter3A_572 : memref<1x4x4x8x129xf32, #tpu.memory_space<vmem>> -> memref<4x4x8x129xf32, #tpu.memory_space<vmem>>
        tpu.vector_store_idx %scatter3A_573[%shift_right_logical3A_186, %broadcast_in_dim3A_232, %and3A_188, %add3A_567], %mul3A_553 : memref<4x4x8x129xf32, #tpu.memory_space<vmem>>[vector<16xi32>, vector<16xi32>, vector<16xi32>, vector<16xi32>], vector<16xf32>,
        %scatter3A_574 = arith.constant 0 : i32
        %scatter3A_575 = arith.constant 0 : i32
        %scatter3A_576 = arith.constant 0 : i32
        %scatter3A_577 = arith.constant 0 : i32
        %scatter3A_578 = tpu.memref_slice %arg7[%rem3A_211, %scatter3A_574, %scatter3A_575, %scatter3A_576, %scatter3A_577] : memref<3x4x4x8x129xf32, #tpu.memory_space<vmem>> -> memref<1x4x4x8x129xf32, #tpu.memory_space<vmem>>
        %scatter3A_579 = tpu.memref_squeeze %scatter3A_578 : memref<1x4x4x8x129xf32, #tpu.memory_space<vmem>> -> memref<4x4x8x129xf32, #tpu.memory_space<vmem>>
        tpu.vector_store_idx %scatter3A_579[%add3A_191, %broadcast_in_dim3A_232, %and3A_188, %add3A_567], %mul3A_563 : memref<4x4x8x129xf32, #tpu.memory_space<vmem>>[vector<16xi32>, vector<16xi32>, vector<16xi32>, vector<16xi32>], vector<16xf32>,
        %scan3A_580 = arith.constant 5 : i32
        %scan3A_581 = arith.addi %scan3A_363, %scan3A_580 : i32
        %mul3A_582 = arith.constant 1 : i32
        %mul3A_583 = arith.muli %scan3A_581, %mul3A_582 : i32
        %add3A_584 = arith.constant 0 : i32
        %add3A_585 = arith.addi %add3A_584, %mul3A_583 : i32
        %add3A_586 = arith.constant 256 : i32
        %add3A_587 = arith.addi %add3A_586, %add3A_585 : i32
        %get3A_588 = arith.constant 0 : i32
        %get3A_589 = arith.constant 0 : i32
        %get3A_590 = tpu.memref_slice %arg6[%rem3A_179, %scan3A_233, %get3A_588, %get3A_589] : memref<2x2x512x32xf32, #tpu.memory_space<vmem>> -> memref<1x1x512x32xf32, #tpu.memory_space<vmem>>
        %get3A_591 = tpu.memref_squeeze %get3A_590 : memref<1x1x512x32xf32, #tpu.memory_space<vmem>> -> memref<512x32xf32, #tpu.memory_space<vmem>>
        %get3A_592 = arith.index_cast %add3A_587 : i32 to index
        %get3A_593 = arith.constant 0 : index
        %get3A_594 = tpu.vector_load %get3A_591[%get3A_592, %get3A_593] {strides = array<i32>} : memref<512x32xf32, #tpu.memory_space<vmem>>, vector<16xf32>,
        %mul3A_595 = arith.constant 5.65685415 : f32
        %mul3A_596 = vector.broadcast %mul3A_595 : f32 to vector<16xf32>
        %mul3A_597 = arith.mulf %get3A_594, %mul3A_596 : vector<16xf32>
        %get3A_598 = arith.constant 0 : i32
        %get3A_599 = arith.constant 0 : i32
        %get3A_600 = tpu.memref_slice %arg6[%rem3A_179, %scan3A_233, %get3A_598, %get3A_599] : memref<2x2x512x32xf32, #tpu.memory_space<vmem>> -> memref<1x1x512x32xf32, #tpu.memory_space<vmem>>
        %get3A_601 = tpu.memref_squeeze %get3A_600 : memref<1x1x512x32xf32, #tpu.memory_space<vmem>> -> memref<512x32xf32, #tpu.memory_space<vmem>>
        %get3A_602 = arith.index_cast %add3A_587 : i32 to index
        %get3A_603 = arith.constant 16 : index
        %get3A_604 = tpu.vector_load %get3A_601[%get3A_602, %get3A_603] {strides = array<i32>} : memref<512x32xf32, #tpu.memory_space<vmem>>, vector<16xf32>,
        %mul3A_605 = arith.constant 5.65685415 : f32
        %mul3A_606 = vector.broadcast %mul3A_605 : f32 to vector<16xf32>
        %mul3A_607 = arith.mulf %get3A_604, %mul3A_606 : vector<16xf32>
        %broadcast_in_dim3A_608 = arith.constant 0 : i32
        %broadcast_in_dim3A_609 = vector.broadcast %broadcast_in_dim3A_608 : i32 to vector<16xi32>
        %add3A_610 = vector.broadcast %add3A_585 : i32 to vector<16xi32>
        %add3A_611 = arith.addi %broadcast_in_dim3A_609, %add3A_610 : vector<16xi32>
        %scatter3A_612 = arith.constant 0 : i32
        %scatter3A_613 = arith.constant 0 : i32
        %scatter3A_614 = arith.constant 0 : i32
        %scatter3A_615 = arith.constant 0 : i32
        %scatter3A_616 = tpu.memref_slice %arg7[%rem3A_211, %scatter3A_612, %scatter3A_613, %scatter3A_614, %scatter3A_615] : memref<3x4x4x8x129xf32, #tpu.memory_space<vmem>> -> memref<1x4x4x8x129xf32, #tpu.memory_space<vmem>>
        %scatter3A_617 = tpu.memref_squeeze %scatter3A_616 : memref<1x4x4x8x129xf32, #tpu.memory_space<vmem>> -> memref<4x4x8x129xf32, #tpu.memory_space<vmem>>
        tpu.vector_store_idx %scatter3A_617[%shift_right_logical3A_186, %broadcast_in_dim3A_232, %and3A_188, %add3A_611], %mul3A_597 : memref<4x4x8x129xf32, #tpu.memory_space<vmem>>[vector<16xi32>, vector<16xi32>, vector<16xi32>, vector<16xi32>], vector<16xf32>,
        %scatter3A_618 = arith.constant 0 : i32
        %scatter3A_619 = arith.constant 0 : i32
        %scatter3A_620 = arith.constant 0 : i32
        %scatter3A_621 = arith.constant 0 : i32
        %scatter3A_622 = tpu.memref_slice %arg7[%rem3A_211, %scatter3A_618, %scatter3A_619, %scatter3A_620, %scatter3A_621] : memref<3x4x4x8x129xf32, #tpu.memory_space<vmem>> -> memref<1x4x4x8x129xf32, #tpu.memory_space<vmem>>
        %scatter3A_623 = tpu.memref_squeeze %scatter3A_622 : memref<1x4x4x8x129xf32, #tpu.memory_space<vmem>> -> memref<4x4x8x129xf32, #tpu.memory_space<vmem>>
        tpu.vector_store_idx %scatter3A_623[%add3A_191, %broadcast_in_dim3A_232, %and3A_188, %add3A_611], %mul3A_607 : memref<4x4x8x129xf32, #tpu.memory_space<vmem>>[vector<16xi32>, vector<16xi32>, vector<16xi32>, vector<16xi32>], vector<16xf32>,
        %scan3A_624 = arith.constant 6 : i32
        %scan3A_625 = arith.addi %scan3A_363, %scan3A_624 : i32
        %mul3A_626 = arith.constant 1 : i32
        %mul3A_627 = arith.muli %scan3A_625, %mul3A_626 : i32
        %add3A_628 = arith.constant 0 : i32
        %add3A_629 = arith.addi %add3A_628, %mul3A_627 : i32
        %add3A_630 = arith.constant 256 : i32
        %add3A_631 = arith.addi %add3A_630, %add3A_629 : i32
        %get3A_632 = arith.constant 0 : i32
        %get3A_633 = arith.constant 0 : i32
        %get3A_634 = tpu.memref_slice %arg6[%rem3A_179, %scan3A_233, %get3A_632, %get3A_633] : memref<2x2x512x32xf32, #tpu.memory_space<vmem>> -> memref<1x1x512x32xf32, #tpu.memory_space<vmem>>
        %get3A_635 = tpu.memref_squeeze %get3A_634 : memref<1x1x512x32xf32, #tpu.memory_space<vmem>> -> memref<512x32xf32, #tpu.memory_space<vmem>>
        %get3A_636 = arith.index_cast %add3A_631 : i32 to index
        %get3A_637 = arith.constant 0 : index
        %get3A_638 = tpu.vector_load %get3A_635[%get3A_636, %get3A_637] {strides = array<i32>} : memref<512x32xf32, #tpu.memory_space<vmem>>, vector<16xf32>,
        %mul3A_639 = arith.constant 5.65685415 : f32
        %mul3A_640 = vector.broadcast %mul3A_639 : f32 to vector<16xf32>
        %mul3A_641 = arith.mulf %get3A_638, %mul3A_640 : vector<16xf32>
        %get3A_642 = arith.constant 0 : i32
        %get3A_643 = arith.constant 0 : i32
        %get3A_644 = tpu.memref_slice %arg6[%rem3A_179, %scan3A_233, %get3A_642, %get3A_643] : memref<2x2x512x32xf32, #tpu.memory_space<vmem>> -> memref<1x1x512x32xf32, #tpu.memory_space<vmem>>
        %get3A_645 = tpu.memref_squeeze %get3A_644 : memref<1x1x512x32xf32, #tpu.memory_space<vmem>> -> memref<512x32xf32, #tpu.memory_space<vmem>>
        %get3A_646 = arith.index_cast %add3A_631 : i32 to index
        %get3A_647 = arith.constant 16 : index
        %get3A_648 = tpu.vector_load %get3A_645[%get3A_646, %get3A_647] {strides = array<i32>} : memref<512x32xf32, #tpu.memory_space<vmem>>, vector<16xf32>,
        %mul3A_649 = arith.constant 5.65685415 : f32
        %mul3A_650 = vector.broadcast %mul3A_649 : f32 to vector<16xf32>
        %mul3A_651 = arith.mulf %get3A_648, %mul3A_650 : vector<16xf32>
        %broadcast_in_dim3A_652 = arith.constant 0 : i32
        %broadcast_in_dim3A_653 = vector.broadcast %broadcast_in_dim3A_652 : i32 to vector<16xi32>
        %add3A_654 = vector.broadcast %add3A_629 : i32 to vector<16xi32>
        %add3A_655 = arith.addi %broadcast_in_dim3A_653, %add3A_654 : vector<16xi32>
        %scatter3A_656 = arith.constant 0 : i32
        %scatter3A_657 = arith.constant 0 : i32
        %scatter3A_658 = arith.constant 0 : i32
        %scatter3A_659 = arith.constant 0 : i32
        %scatter3A_660 = tpu.memref_slice %arg7[%rem3A_211, %scatter3A_656, %scatter3A_657, %scatter3A_658, %scatter3A_659] : memref<3x4x4x8x129xf32, #tpu.memory_space<vmem>> -> memref<1x4x4x8x129xf32, #tpu.memory_space<vmem>>
        %scatter3A_661 = tpu.memref_squeeze %scatter3A_660 : memref<1x4x4x8x129xf32, #tpu.memory_space<vmem>> -> memref<4x4x8x129xf32, #tpu.memory_space<vmem>>
        tpu.vector_store_idx %scatter3A_661[%shift_right_logical3A_186, %broadcast_in_dim3A_232, %and3A_188, %add3A_655], %mul3A_641 : memref<4x4x8x129xf32, #tpu.memory_space<vmem>>[vector<16xi32>, vector<16xi32>, vector<16xi32>, vector<16xi32>], vector<16xf32>,
        %scatter3A_662 = arith.constant 0 : i32
        %scatter3A_663 = arith.constant 0 : i32
        %scatter3A_664 = arith.constant 0 : i32
        %scatter3A_665 = arith.constant 0 : i32
        %scatter3A_666 = tpu.memref_slice %arg7[%rem3A_211, %scatter3A_662, %scatter3A_663, %scatter3A_664, %scatter3A_665] : memref<3x4x4x8x129xf32, #tpu.memory_space<vmem>> -> memref<1x4x4x8x129xf32, #tpu.memory_space<vmem>>
        %scatter3A_667 = tpu.memref_squeeze %scatter3A_666 : memref<1x4x4x8x129xf32, #tpu.memory_space<vmem>> -> memref<4x4x8x129xf32, #tpu.memory_space<vmem>>
        tpu.vector_store_idx %scatter3A_667[%add3A_191, %broadcast_in_dim3A_232, %and3A_188, %add3A_655], %mul3A_651 : memref<4x4x8x129xf32, #tpu.memory_space<vmem>>[vector<16xi32>, vector<16xi32>, vector<16xi32>, vector<16xi32>], vector<16xf32>,
        %scan3A_668 = arith.constant 7 : i32
        %scan3A_669 = arith.addi %scan3A_363, %scan3A_668 : i32
        %mul3A_670 = arith.constant 1 : i32
        %mul3A_671 = arith.muli %scan3A_669, %mul3A_670 : i32
        %add3A_672 = arith.constant 0 : i32
        %add3A_673 = arith.addi %add3A_672, %mul3A_671 : i32
        %add3A_674 = arith.constant 256 : i32
        %add3A_675 = arith.addi %add3A_674, %add3A_673 : i32
        %get3A_676 = arith.constant 0 : i32
        %get3A_677 = arith.constant 0 : i32
        %get3A_678 = tpu.memref_slice %arg6[%rem3A_179, %scan3A_233, %get3A_676, %get3A_677] : memref<2x2x512x32xf32, #tpu.memory_space<vmem>> -> memref<1x1x512x32xf32, #tpu.memory_space<vmem>>
        %get3A_679 = tpu.memref_squeeze %get3A_678 : memref<1x1x512x32xf32, #tpu.memory_space<vmem>> -> memref<512x32xf32, #tpu.memory_space<vmem>>
        %get3A_680 = arith.index_cast %add3A_675 : i32 to index
        %get3A_681 = arith.constant 0 : index
        %get3A_682 = tpu.vector_load %get3A_679[%get3A_680, %get3A_681] {strides = array<i32>} : memref<512x32xf32, #tpu.memory_space<vmem>>, vector<16xf32>,
        %mul3A_683 = arith.constant 5.65685415 : f32
        %mul3A_684 = vector.broadcast %mul3A_683 : f32 to vector<16xf32>
        %mul3A_685 = arith.mulf %get3A_682, %mul3A_684 : vector<16xf32>
        %get3A_686 = arith.constant 0 : i32
        %get3A_687 = arith.constant 0 : i32
        %get3A_688 = tpu.memref_slice %arg6[%rem3A_179, %scan3A_233, %get3A_686, %get3A_687] : memref<2x2x512x32xf32, #tpu.memory_space<vmem>> -> memref<1x1x512x32xf32, #tpu.memory_space<vmem>>
        %get3A_689 = tpu.memref_squeeze %get3A_688 : memref<1x1x512x32xf32, #tpu.memory_space<vmem>> -> memref<512x32xf32, #tpu.memory_space<vmem>>
        %get3A_690 = arith.index_cast %add3A_675 : i32 to index
        %get3A_691 = arith.constant 16 : index
        %get3A_692 = tpu.vector_load %get3A_689[%get3A_690, %get3A_691] {strides = array<i32>} : memref<512x32xf32, #tpu.memory_space<vmem>>, vector<16xf32>,
        %mul3A_693 = arith.constant 5.65685415 : f32
        %mul3A_694 = vector.broadcast %mul3A_693 : f32 to vector<16xf32>
        %mul3A_695 = arith.mulf %get3A_692, %mul3A_694 : vector<16xf32>
        %broadcast_in_dim3A_696 = arith.constant 0 : i32
        %broadcast_in_dim3A_697 = vector.broadcast %broadcast_in_dim3A_696 : i32 to vector<16xi32>
        %add3A_698 = vector.broadcast %add3A_673 : i32 to vector<16xi32>
        %add3A_699 = arith.addi %broadcast_in_dim3A_697, %add3A_698 : vector<16xi32>
        %scatter3A_700 = arith.constant 0 : i32
        %scatter3A_701 = arith.constant 0 : i32
        %scatter3A_702 = arith.constant 0 : i32
        %scatter3A_703 = arith.constant 0 : i32
        %scatter3A_704 = tpu.memref_slice %arg7[%rem3A_211, %scatter3A_700, %scatter3A_701, %scatter3A_702, %scatter3A_703] : memref<3x4x4x8x129xf32, #tpu.memory_space<vmem>> -> memref<1x4x4x8x129xf32, #tpu.memory_space<vmem>>
        %scatter3A_705 = tpu.memref_squeeze %scatter3A_704 : memref<1x4x4x8x129xf32, #tpu.memory_space<vmem>> -> memref<4x4x8x129xf32, #tpu.memory_space<vmem>>
        tpu.vector_store_idx %scatter3A_705[%shift_right_logical3A_186, %broadcast_in_dim3A_232, %and3A_188, %add3A_699], %mul3A_685 : memref<4x4x8x129xf32, #tpu.memory_space<vmem>>[vector<16xi32>, vector<16xi32>, vector<16xi32>, vector<16xi32>], vector<16xf32>,
        %scatter3A_706 = arith.constant 0 : i32
        %scatter3A_707 = arith.constant 0 : i32
        %scatter3A_708 = arith.constant 0 : i32
        %scatter3A_709 = arith.constant 0 : i32
        %scatter3A_710 = tpu.memref_slice %arg7[%rem3A_211, %scatter3A_706, %scatter3A_707, %scatter3A_708, %scatter3A_709] : memref<3x4x4x8x129xf32, #tpu.memory_space<vmem>> -> memref<1x4x4x8x129xf32, #tpu.memory_space<vmem>>
        %scatter3A_711 = tpu.memref_squeeze %scatter3A_710 : memref<1x4x4x8x129xf32, #tpu.memory_space<vmem>> -> memref<4x4x8x129xf32, #tpu.memory_space<vmem>>
        tpu.vector_store_idx %scatter3A_711[%add3A_191, %broadcast_in_dim3A_232, %and3A_188, %add3A_699], %mul3A_695 : memref<4x4x8x129xf32, #tpu.memory_space<vmem>>[vector<16xi32>, vector<16xi32>, vector<16xi32>, vector<16xi32>], vector<16xf32>,
      }
      %scan3A_238 = arith.constant 128 : i32
      %broadcast_in_dim3A_239 = arith.constant 3 : i32
      %broadcast_in_dim3A_240 = vector.broadcast %broadcast_in_dim3A_239 : i32 to vector<16xi32>
      %scan3A_241 = arith.constant 0 : i32
      %scan3A_242 = arith.constant 0 : i32
      %scan3A_243 = arith.constant 128 : i32
      %scan3A_244 = arith.addi %scan3A_242, %scan3A_243 : i32
      %scan3A_245 = arith.constant 8 : i32
      scf.for %scan3A_363 = %scan3A_242 to %scan3A_244 step %scan3A_245  : i32 {
        %mul3A_364 = arith.constant 1 : i32
        %mul3A_365 = arith.muli %scan3A_363, %mul3A_364 : i32
        %add3A_366 = arith.constant 0 : i32
        %add3A_367 = arith.addi %add3A_366, %mul3A_365 : i32
        %add3A_368 = arith.constant 384 : i32
        %add3A_369 = arith.addi %add3A_368, %add3A_367 : i32
        %get3A = arith.constant 0 : i32
        %get3A_370 = arith.constant 0 : i32
        %get3A_371 = tpu.memref_slice %arg6[%rem3A_179, %scan3A_241, %get3A, %get3A_370] : memref<2x2x512x32xf32, #tpu.memory_space<vmem>> -> memref<1x1x512x32xf32, #tpu.memory_space<vmem>>
        %get3A_372 = tpu.memref_squeeze %get3A_371 : memref<1x1x512x32xf32, #tpu.memory_space<vmem>> -> memref<512x32xf32, #tpu.memory_space<vmem>>
        %get3A_373 = arith.index_cast %add3A_369 : i32 to index
        %get3A_374 = arith.constant 0 : index
        %get3A_375 = tpu.vector_load %get3A_372[%get3A_373, %get3A_374] {strides = array<i32>} : memref<512x32xf32, #tpu.memory_space<vmem>>, vector<16xf32>,
        %mul3A_376 = arith.constant 5.65685415 : f32
        %mul3A_377 = vector.broadcast %mul3A_376 : f32 to vector<16xf32>
        %mul3A_378 = arith.mulf %get3A_375, %mul3A_377 : vector<16xf32>
        %get3A_379 = arith.constant 0 : i32
        %get3A_380 = arith.constant 0 : i32
        %get3A_381 = tpu.memref_slice %arg6[%rem3A_179, %scan3A_241, %get3A_379, %get3A_380] : memref<2x2x512x32xf32, #tpu.memory_space<vmem>> -> memref<1x1x512x32xf32, #tpu.memory_space<vmem>>
        %get3A_382 = tpu.memref_squeeze %get3A_381 : memref<1x1x512x32xf32, #tpu.memory_space<vmem>> -> memref<512x32xf32, #tpu.memory_space<vmem>>
        %get3A_383 = arith.index_cast %add3A_369 : i32 to index
        %get3A_384 = arith.constant 16 : index
        %get3A_385 = tpu.vector_load %get3A_382[%get3A_383, %get3A_384] {strides = array<i32>} : memref<512x32xf32, #tpu.memory_space<vmem>>, vector<16xf32>,
        %mul3A_386 = arith.constant 5.65685415 : f32
        %mul3A_387 = vector.broadcast %mul3A_386 : f32 to vector<16xf32>
        %mul3A_388 = arith.mulf %get3A_385, %mul3A_387 : vector<16xf32>
        %broadcast_in_dim3A_389 = arith.constant 0 : i32
        %broadcast_in_dim3A_390 = vector.broadcast %broadcast_in_dim3A_389 : i32 to vector<16xi32>
        %add3A_391 = vector.broadcast %add3A_367 : i32 to vector<16xi32>
        %add3A_392 = arith.addi %broadcast_in_dim3A_390, %add3A_391 : vector<16xi32>
        %scatter3A = arith.constant 0 : i32
        %scatter3A_393 = arith.constant 0 : i32
        %scatter3A_394 = arith.constant 0 : i32
        %scatter3A_395 = arith.constant 0 : i32
        %scatter3A_396 = tpu.memref_slice %arg7[%rem3A_211, %scatter3A, %scatter3A_393, %scatter3A_394, %scatter3A_395] : memref<3x4x4x8x129xf32, #tpu.memory_space<vmem>> -> memref<1x4x4x8x129xf32, #tpu.memory_space<vmem>>
        %scatter3A_397 = tpu.memref_squeeze %scatter3A_396 : memref<1x4x4x8x129xf32, #tpu.memory_space<vmem>> -> memref<4x4x8x129xf32, #tpu.memory_space<vmem>>
        tpu.vector_store_idx %scatter3A_397[%shift_right_logical3A_186, %broadcast_in_dim3A_240, %and3A_188, %add3A_392], %mul3A_378 : memref<4x4x8x129xf32, #tpu.memory_space<vmem>>[vector<16xi32>, vector<16xi32>, vector<16xi32>, vector<16xi32>], vector<16xf32>,
        %scatter3A_398 = arith.constant 0 : i32
        %scatter3A_399 = arith.constant 0 : i32
        %scatter3A_400 = arith.constant 0 : i32
        %scatter3A_401 = arith.constant 0 : i32
        %scatter3A_402 = tpu.memref_slice %arg7[%rem3A_211, %scatter3A_398, %scatter3A_399, %scatter3A_400, %scatter3A_401] : memref<3x4x4x8x129xf32, #tpu.memory_space<vmem>> -> memref<1x4x4x8x129xf32, #tpu.memory_space<vmem>>
        %scatter3A_403 = tpu.memref_squeeze %scatter3A_402 : memref<1x4x4x8x129xf32, #tpu.memory_space<vmem>> -> memref<4x4x8x129xf32, #tpu.memory_space<vmem>>
        tpu.vector_store_idx %scatter3A_403[%add3A_191, %broadcast_in_dim3A_240, %and3A_188, %add3A_392], %mul3A_388 : memref<4x4x8x129xf32, #tpu.memory_space<vmem>>[vector<16xi32>, vector<16xi32>, vector<16xi32>, vector<16xi32>], vector<16xf32>,
        %scan3A_404 = arith.constant 1 : i32
        %scan3A_405 = arith.addi %scan3A_363, %scan3A_404 : i32
        %mul3A_406 = arith.constant 1 : i32
        %mul3A_407 = arith.muli %scan3A_405, %mul3A_406 : i32
        %add3A_408 = arith.constant 0 : i32
        %add3A_409 = arith.addi %add3A_408, %mul3A_407 : i32
        %add3A_410 = arith.constant 384 : i32
        %add3A_411 = arith.addi %add3A_410, %add3A_409 : i32
        %get3A_412 = arith.constant 0 : i32
        %get3A_413 = arith.constant 0 : i32
        %get3A_414 = tpu.memref_slice %arg6[%rem3A_179, %scan3A_241, %get3A_412, %get3A_413] : memref<2x2x512x32xf32, #tpu.memory_space<vmem>> -> memref<1x1x512x32xf32, #tpu.memory_space<vmem>>
        %get3A_415 = tpu.memref_squeeze %get3A_414 : memref<1x1x512x32xf32, #tpu.memory_space<vmem>> -> memref<512x32xf32, #tpu.memory_space<vmem>>
        %get3A_416 = arith.index_cast %add3A_411 : i32 to index
        %get3A_417 = arith.constant 0 : index
        %get3A_418 = tpu.vector_load %get3A_415[%get3A_416, %get3A_417] {strides = array<i32>} : memref<512x32xf32, #tpu.memory_space<vmem>>, vector<16xf32>,
        %mul3A_419 = arith.constant 5.65685415 : f32
        %mul3A_420 = vector.broadcast %mul3A_419 : f32 to vector<16xf32>
        %mul3A_421 = arith.mulf %get3A_418, %mul3A_420 : vector<16xf32>
        %get3A_422 = arith.constant 0 : i32
        %get3A_423 = arith.constant 0 : i32
        %get3A_424 = tpu.memref_slice %arg6[%rem3A_179, %scan3A_241, %get3A_422, %get3A_423] : memref<2x2x512x32xf32, #tpu.memory_space<vmem>> -> memref<1x1x512x32xf32, #tpu.memory_space<vmem>>
        %get3A_425 = tpu.memref_squeeze %get3A_424 : memref<1x1x512x32xf32, #tpu.memory_space<vmem>> -> memref<512x32xf32, #tpu.memory_space<vmem>>
        %get3A_426 = arith.index_cast %add3A_411 : i32 to index
        %get3A_427 = arith.constant 16 : index
        %get3A_428 = tpu.vector_load %get3A_425[%get3A_426, %get3A_427] {strides = array<i32>} : memref<512x32xf32, #tpu.memory_space<vmem>>, vector<16xf32>,
        %mul3A_429 = arith.constant 5.65685415 : f32
        %mul3A_430 = vector.broadcast %mul3A_429 : f32 to vector<16xf32>
        %mul3A_431 = arith.mulf %get3A_428, %mul3A_430 : vector<16xf32>
        %broadcast_in_dim3A_432 = arith.constant 0 : i32
        %broadcast_in_dim3A_433 = vector.broadcast %broadcast_in_dim3A_432 : i32 to vector<16xi32>
        %add3A_434 = vector.broadcast %add3A_409 : i32 to vector<16xi32>
        %add3A_435 = arith.addi %broadcast_in_dim3A_433, %add3A_434 : vector<16xi32>
        %scatter3A_436 = arith.constant 0 : i32
        %scatter3A_437 = arith.constant 0 : i32
        %scatter3A_438 = arith.constant 0 : i32
        %scatter3A_439 = arith.constant 0 : i32
        %scatter3A_440 = tpu.memref_slice %arg7[%rem3A_211, %scatter3A_436, %scatter3A_437, %scatter3A_438, %scatter3A_439] : memref<3x4x4x8x129xf32, #tpu.memory_space<vmem>> -> memref<1x4x4x8x129xf32, #tpu.memory_space<vmem>>
        %scatter3A_441 = tpu.memref_squeeze %scatter3A_440 : memref<1x4x4x8x129xf32, #tpu.memory_space<vmem>> -> memref<4x4x8x129xf32, #tpu.memory_space<vmem>>
        tpu.vector_store_idx %scatter3A_441[%shift_right_logical3A_186, %broadcast_in_dim3A_240, %and3A_188, %add3A_435], %mul3A_421 : memref<4x4x8x129xf32, #tpu.memory_space<vmem>>[vector<16xi32>, vector<16xi32>, vector<16xi32>, vector<16xi32>], vector<16xf32>,
        %scatter3A_442 = arith.constant 0 : i32
        %scatter3A_443 = arith.constant 0 : i32
        %scatter3A_444 = arith.constant 0 : i32
        %scatter3A_445 = arith.constant 0 : i32
        %scatter3A_446 = tpu.memref_slice %arg7[%rem3A_211, %scatter3A_442, %scatter3A_443, %scatter3A_444, %scatter3A_445] : memref<3x4x4x8x129xf32, #tpu.memory_space<vmem>> -> memref<1x4x4x8x129xf32, #tpu.memory_space<vmem>>
        %scatter3A_447 = tpu.memref_squeeze %scatter3A_446 : memref<1x4x4x8x129xf32, #tpu.memory_space<vmem>> -> memref<4x4x8x129xf32, #tpu.memory_space<vmem>>
        tpu.vector_store_idx %scatter3A_447[%add3A_191, %broadcast_in_dim3A_240, %and3A_188, %add3A_435], %mul3A_431 : memref<4x4x8x129xf32, #tpu.memory_space<vmem>>[vector<16xi32>, vector<16xi32>, vector<16xi32>, vector<16xi32>], vector<16xf32>,
        %scan3A_448 = arith.constant 2 : i32
        %scan3A_449 = arith.addi %scan3A_363, %scan3A_448 : i32
        %mul3A_450 = arith.constant 1 : i32
        %mul3A_451 = arith.muli %scan3A_449, %mul3A_450 : i32
        %add3A_452 = arith.constant 0 : i32
        %add3A_453 = arith.addi %add3A_452, %mul3A_451 : i32
        %add3A_454 = arith.constant 384 : i32
        %add3A_455 = arith.addi %add3A_454, %add3A_453 : i32
        %get3A_456 = arith.constant 0 : i32
        %get3A_457 = arith.constant 0 : i32
        %get3A_458 = tpu.memref_slice %arg6[%rem3A_179, %scan3A_241, %get3A_456, %get3A_457] : memref<2x2x512x32xf32, #tpu.memory_space<vmem>> -> memref<1x1x512x32xf32, #tpu.memory_space<vmem>>
        %get3A_459 = tpu.memref_squeeze %get3A_458 : memref<1x1x512x32xf32, #tpu.memory_space<vmem>> -> memref<512x32xf32, #tpu.memory_space<vmem>>
        %get3A_460 = arith.index_cast %add3A_455 : i32 to index
        %get3A_461 = arith.constant 0 : index
        %get3A_462 = tpu.vector_load %get3A_459[%get3A_460, %get3A_461] {strides = array<i32>} : memref<512x32xf32, #tpu.memory_space<vmem>>, vector<16xf32>,
        %mul3A_463 = arith.constant 5.65685415 : f32
        %mul3A_464 = vector.broadcast %mul3A_463 : f32 to vector<16xf32>
        %mul3A_465 = arith.mulf %get3A_462, %mul3A_464 : vector<16xf32>
        %get3A_466 = arith.constant 0 : i32
        %get3A_467 = arith.constant 0 : i32
        %get3A_468 = tpu.memref_slice %arg6[%rem3A_179, %scan3A_241, %get3A_466, %get3A_467] : memref<2x2x512x32xf32, #tpu.memory_space<vmem>> -> memref<1x1x512x32xf32, #tpu.memory_space<vmem>>
        %get3A_469 = tpu.memref_squeeze %get3A_468 : memref<1x1x512x32xf32, #tpu.memory_space<vmem>> -> memref<512x32xf32, #tpu.memory_space<vmem>>
        %get3A_470 = arith.index_cast %add3A_455 : i32 to index
        %get3A_471 = arith.constant 16 : index
        %get3A_472 = tpu.vector_load %get3A_469[%get3A_470, %get3A_471] {strides = array<i32>} : memref<512x32xf32, #tpu.memory_space<vmem>>, vector<16xf32>,
        %mul3A_473 = arith.constant 5.65685415 : f32
        %mul3A_474 = vector.broadcast %mul3A_473 : f32 to vector<16xf32>
        %mul3A_475 = arith.mulf %get3A_472, %mul3A_474 : vector<16xf32>
        %broadcast_in_dim3A_476 = arith.constant 0 : i32
        %broadcast_in_dim3A_477 = vector.broadcast %broadcast_in_dim3A_476 : i32 to vector<16xi32>
        %add3A_478 = vector.broadcast %add3A_453 : i32 to vector<16xi32>
        %add3A_479 = arith.addi %broadcast_in_dim3A_477, %add3A_478 : vector<16xi32>
        %scatter3A_480 = arith.constant 0 : i32
        %scatter3A_481 = arith.constant 0 : i32
        %scatter3A_482 = arith.constant 0 : i32
        %scatter3A_483 = arith.constant 0 : i32
        %scatter3A_484 = tpu.memref_slice %arg7[%rem3A_211, %scatter3A_480, %scatter3A_481, %scatter3A_482, %scatter3A_483] : memref<3x4x4x8x129xf32, #tpu.memory_space<vmem>> -> memref<1x4x4x8x129xf32, #tpu.memory_space<vmem>>
        %scatter3A_485 = tpu.memref_squeeze %scatter3A_484 : memref<1x4x4x8x129xf32, #tpu.memory_space<vmem>> -> memref<4x4x8x129xf32, #tpu.memory_space<vmem>>
        tpu.vector_store_idx %scatter3A_485[%shift_right_logical3A_186, %broadcast_in_dim3A_240, %and3A_188, %add3A_479], %mul3A_465 : memref<4x4x8x129xf32, #tpu.memory_space<vmem>>[vector<16xi32>, vector<16xi32>, vector<16xi32>, vector<16xi32>], vector<16xf32>,
        %scatter3A_486 = arith.constant 0 : i32
        %scatter3A_487 = arith.constant 0 : i32
        %scatter3A_488 = arith.constant 0 : i32
        %scatter3A_489 = arith.constant 0 : i32
        %scatter3A_490 = tpu.memref_slice %arg7[%rem3A_211, %scatter3A_486, %scatter3A_487, %scatter3A_488, %scatter3A_489] : memref<3x4x4x8x129xf32, #tpu.memory_space<vmem>> -> memref<1x4x4x8x129xf32, #tpu.memory_space<vmem>>
        %scatter3A_491 = tpu.memref_squeeze %scatter3A_490 : memref<1x4x4x8x129xf32, #tpu.memory_space<vmem>> -> memref<4x4x8x129xf32, #tpu.memory_space<vmem>>
        tpu.vector_store_idx %scatter3A_491[%add3A_191, %broadcast_in_dim3A_240, %and3A_188, %add3A_479], %mul3A_475 : memref<4x4x8x129xf32, #tpu.memory_space<vmem>>[vector<16xi32>, vector<16xi32>, vector<16xi32>, vector<16xi32>], vector<16xf32>,
        %scan3A_492 = arith.constant 3 : i32
        %scan3A_493 = arith.addi %scan3A_363, %scan3A_492 : i32
        %mul3A_494 = arith.constant 1 : i32
        %mul3A_495 = arith.muli %scan3A_493, %mul3A_494 : i32
        %add3A_496 = arith.constant 0 : i32
        %add3A_497 = arith.addi %add3A_496, %mul3A_495 : i32
        %add3A_498 = arith.constant 384 : i32
        %add3A_499 = arith.addi %add3A_498, %add3A_497 : i32
        %get3A_500 = arith.constant 0 : i32
        %get3A_501 = arith.constant 0 : i32
        %get3A_502 = tpu.memref_slice %arg6[%rem3A_179, %scan3A_241, %get3A_500, %get3A_501] : memref<2x2x512x32xf32, #tpu.memory_space<vmem>> -> memref<1x1x512x32xf32, #tpu.memory_space<vmem>>
        %get3A_503 = tpu.memref_squeeze %get3A_502 : memref<1x1x512x32xf32, #tpu.memory_space<vmem>> -> memref<512x32xf32, #tpu.memory_space<vmem>>
        %get3A_504 = arith.index_cast %add3A_499 : i32 to index
        %get3A_505 = arith.constant 0 : index
        %get3A_506 = tpu.vector_load %get3A_503[%get3A_504, %get3A_505] {strides = array<i32>} : memref<512x32xf32, #tpu.memory_space<vmem>>, vector<16xf32>,
        %mul3A_507 = arith.constant 5.65685415 : f32
        %mul3A_508 = vector.broadcast %mul3A_507 : f32 to vector<16xf32>
        %mul3A_509 = arith.mulf %get3A_506, %mul3A_508 : vector<16xf32>
        %get3A_510 = arith.constant 0 : i32
        %get3A_511 = arith.constant 0 : i32
        %get3A_512 = tpu.memref_slice %arg6[%rem3A_179, %scan3A_241, %get3A_510, %get3A_511] : memref<2x2x512x32xf32, #tpu.memory_space<vmem>> -> memref<1x1x512x32xf32, #tpu.memory_space<vmem>>
        %get3A_513 = tpu.memref_squeeze %get3A_512 : memref<1x1x512x32xf32, #tpu.memory_space<vmem>> -> memref<512x32xf32, #tpu.memory_space<vmem>>
        %get3A_514 = arith.index_cast %add3A_499 : i32 to index
        %get3A_515 = arith.constant 16 : index
        %get3A_516 = tpu.vector_load %get3A_513[%get3A_514, %get3A_515] {strides = array<i32>} : memref<512x32xf32, #tpu.memory_space<vmem>>, vector<16xf32>,
        %mul3A_517 = arith.constant 5.65685415 : f32
        %mul3A_518 = vector.broadcast %mul3A_517 : f32 to vector<16xf32>
        %mul3A_519 = arith.mulf %get3A_516, %mul3A_518 : vector<16xf32>
        %broadcast_in_dim3A_520 = arith.constant 0 : i32
        %broadcast_in_dim3A_521 = vector.broadcast %broadcast_in_dim3A_520 : i32 to vector<16xi32>
        %add3A_522 = vector.broadcast %add3A_497 : i32 to vector<16xi32>
        %add3A_523 = arith.addi %broadcast_in_dim3A_521, %add3A_522 : vector<16xi32>
        %scatter3A_524 = arith.constant 0 : i32
        %scatter3A_525 = arith.constant 0 : i32
        %scatter3A_526 = arith.constant 0 : i32
        %scatter3A_527 = arith.constant 0 : i32
        %scatter3A_528 = tpu.memref_slice %arg7[%rem3A_211, %scatter3A_524, %scatter3A_525, %scatter3A_526, %scatter3A_527] : memref<3x4x4x8x129xf32, #tpu.memory_space<vmem>> -> memref<1x4x4x8x129xf32, #tpu.memory_space<vmem>>
        %scatter3A_529 = tpu.memref_squeeze %scatter3A_528 : memref<1x4x4x8x129xf32, #tpu.memory_space<vmem>> -> memref<4x4x8x129xf32, #tpu.memory_space<vmem>>
        tpu.vector_store_idx %scatter3A_529[%shift_right_logical3A_186, %broadcast_in_dim3A_240, %and3A_188, %add3A_523], %mul3A_509 : memref<4x4x8x129xf32, #tpu.memory_space<vmem>>[vector<16xi32>, vector<16xi32>, vector<16xi32>, vector<16xi32>], vector<16xf32>,
        %scatter3A_530 = arith.constant 0 : i32
        %scatter3A_531 = arith.constant 0 : i32
        %scatter3A_532 = arith.constant 0 : i32
        %scatter3A_533 = arith.constant 0 : i32
        %scatter3A_534 = tpu.memref_slice %arg7[%rem3A_211, %scatter3A_530, %scatter3A_531, %scatter3A_532, %scatter3A_533] : memref<3x4x4x8x129xf32, #tpu.memory_space<vmem>> -> memref<1x4x4x8x129xf32, #tpu.memory_space<vmem>>
        %scatter3A_535 = tpu.memref_squeeze %scatter3A_534 : memref<1x4x4x8x129xf32, #tpu.memory_space<vmem>> -> memref<4x4x8x129xf32, #tpu.memory_space<vmem>>
        tpu.vector_store_idx %scatter3A_535[%add3A_191, %broadcast_in_dim3A_240, %and3A_188, %add3A_523], %mul3A_519 : memref<4x4x8x129xf32, #tpu.memory_space<vmem>>[vector<16xi32>, vector<16xi32>, vector<16xi32>, vector<16xi32>], vector<16xf32>,
        %scan3A_536 = arith.constant 4 : i32
        %scan3A_537 = arith.addi %scan3A_363, %scan3A_536 : i32
        %mul3A_538 = arith.constant 1 : i32
        %mul3A_539 = arith.muli %scan3A_537, %mul3A_538 : i32
        %add3A_540 = arith.constant 0 : i32
        %add3A_541 = arith.addi %add3A_540, %mul3A_539 : i32
        %add3A_542 = arith.constant 384 : i32
        %add3A_543 = arith.addi %add3A_542, %add3A_541 : i32
        %get3A_544 = arith.constant 0 : i32
        %get3A_545 = arith.constant 0 : i32
        %get3A_546 = tpu.memref_slice %arg6[%rem3A_179, %scan3A_241, %get3A_544, %get3A_545] : memref<2x2x512x32xf32, #tpu.memory_space<vmem>> -> memref<1x1x512x32xf32, #tpu.memory_space<vmem>>
        %get3A_547 = tpu.memref_squeeze %get3A_546 : memref<1x1x512x32xf32, #tpu.memory_space<vmem>> -> memref<512x32xf32, #tpu.memory_space<vmem>>
        %get3A_548 = arith.index_cast %add3A_543 : i32 to index
        %get3A_549 = arith.constant 0 : index
        %get3A_550 = tpu.vector_load %get3A_547[%get3A_548, %get3A_549] {strides = array<i32>} : memref<512x32xf32, #tpu.memory_space<vmem>>, vector<16xf32>,
        %mul3A_551 = arith.constant 5.65685415 : f32
        %mul3A_552 = vector.broadcast %mul3A_551 : f32 to vector<16xf32>
        %mul3A_553 = arith.mulf %get3A_550, %mul3A_552 : vector<16xf32>
        %get3A_554 = arith.constant 0 : i32
        %get3A_555 = arith.constant 0 : i32
        %get3A_556 = tpu.memref_slice %arg6[%rem3A_179, %scan3A_241, %get3A_554, %get3A_555] : memref<2x2x512x32xf32, #tpu.memory_space<vmem>> -> memref<1x1x512x32xf32, #tpu.memory_space<vmem>>
        %get3A_557 = tpu.memref_squeeze %get3A_556 : memref<1x1x512x32xf32, #tpu.memory_space<vmem>> -> memref<512x32xf32, #tpu.memory_space<vmem>>
        %get3A_558 = arith.index_cast %add3A_543 : i32 to index
        %get3A_559 = arith.constant 16 : index
        %get3A_560 = tpu.vector_load %get3A_557[%get3A_558, %get3A_559] {strides = array<i32>} : memref<512x32xf32, #tpu.memory_space<vmem>>, vector<16xf32>,
        %mul3A_561 = arith.constant 5.65685415 : f32
        %mul3A_562 = vector.broadcast %mul3A_561 : f32 to vector<16xf32>
        %mul3A_563 = arith.mulf %get3A_560, %mul3A_562 : vector<16xf32>
        %broadcast_in_dim3A_564 = arith.constant 0 : i32
        %broadcast_in_dim3A_565 = vector.broadcast %broadcast_in_dim3A_564 : i32 to vector<16xi32>
        %add3A_566 = vector.broadcast %add3A_541 : i32 to vector<16xi32>
        %add3A_567 = arith.addi %broadcast_in_dim3A_565, %add3A_566 : vector<16xi32>
        %scatter3A_568 = arith.constant 0 : i32
        %scatter3A_569 = arith.constant 0 : i32
        %scatter3A_570 = arith.constant 0 : i32
        %scatter3A_571 = arith.constant 0 : i32
        %scatter3A_572 = tpu.memref_slice %arg7[%rem3A_211, %scatter3A_568, %scatter3A_569, %scatter3A_570, %scatter3A_571] : memref<3x4x4x8x129xf32, #tpu.memory_space<vmem>> -> memref<1x4x4x8x129xf32, #tpu.memory_space<vmem>>
        %scatter3A_573 = tpu.memref_squeeze %scatter3A_572 : memref<1x4x4x8x129xf32, #tpu.memory_space<vmem>> -> memref<4x4x8x129xf32, #tpu.memory_space<vmem>>
        tpu.vector_store_idx %scatter3A_573[%shift_right_logical3A_186, %broadcast_in_dim3A_240, %and3A_188, %add3A_567], %mul3A_553 : memref<4x4x8x129xf32, #tpu.memory_space<vmem>>[vector<16xi32>, vector<16xi32>, vector<16xi32>, vector<16xi32>], vector<16xf32>,
        %scatter3A_574 = arith.constant 0 : i32
        %scatter3A_575 = arith.constant 0 : i32
        %scatter3A_576 = arith.constant 0 : i32
        %scatter3A_577 = arith.constant 0 : i32
        %scatter3A_578 = tpu.memref_slice %arg7[%rem3A_211, %scatter3A_574, %scatter3A_575, %scatter3A_576, %scatter3A_577] : memref<3x4x4x8x129xf32, #tpu.memory_space<vmem>> -> memref<1x4x4x8x129xf32, #tpu.memory_space<vmem>>
        %scatter3A_579 = tpu.memref_squeeze %scatter3A_578 : memref<1x4x4x8x129xf32, #tpu.memory_space<vmem>> -> memref<4x4x8x129xf32, #tpu.memory_space<vmem>>
        tpu.vector_store_idx %scatter3A_579[%add3A_191, %broadcast_in_dim3A_240, %and3A_188, %add3A_567], %mul3A_563 : memref<4x4x8x129xf32, #tpu.memory_space<vmem>>[vector<16xi32>, vector<16xi32>, vector<16xi32>, vector<16xi32>], vector<16xf32>,
        %scan3A_580 = arith.constant 5 : i32
        %scan3A_581 = arith.addi %scan3A_363, %scan3A_580 : i32
        %mul3A_582 = arith.constant 1 : i32
        %mul3A_583 = arith.muli %scan3A_581, %mul3A_582 : i32
        %add3A_584 = arith.constant 0 : i32
        %add3A_585 = arith.addi %add3A_584, %mul3A_583 : i32
        %add3A_586 = arith.constant 384 : i32
        %add3A_587 = arith.addi %add3A_586, %add3A_585 : i32
        %get3A_588 = arith.constant 0 : i32
        %get3A_589 = arith.constant 0 : i32
        %get3A_590 = tpu.memref_slice %arg6[%rem3A_179, %scan3A_241, %get3A_588, %get3A_589] : memref<2x2x512x32xf32, #tpu.memory_space<vmem>> -> memref<1x1x512x32xf32, #tpu.memory_space<vmem>>
        %get3A_591 = tpu.memref_squeeze %get3A_590 : memref<1x1x512x32xf32, #tpu.memory_space<vmem>> -> memref<512x32xf32, #tpu.memory_space<vmem>>
        %get3A_592 = arith.index_cast %add3A_587 : i32 to index
        %get3A_593 = arith.constant 0 : index
        %get3A_594 = tpu.vector_load %get3A_591[%get3A_592, %get3A_593] {strides = array<i32>} : memref<512x32xf32, #tpu.memory_space<vmem>>, vector<16xf32>,
        %mul3A_595 = arith.constant 5.65685415 : f32
        %mul3A_596 = vector.broadcast %mul3A_595 : f32 to vector<16xf32>
        %mul3A_597 = arith.mulf %get3A_594, %mul3A_596 : vector<16xf32>
        %get3A_598 = arith.constant 0 : i32
        %get3A_599 = arith.constant 0 : i32
        %get3A_600 = tpu.memref_slice %arg6[%rem3A_179, %scan3A_241, %get3A_598, %get3A_599] : memref<2x2x512x32xf32, #tpu.memory_space<vmem>> -> memref<1x1x512x32xf32, #tpu.memory_space<vmem>>
        %get3A_601 = tpu.memref_squeeze %get3A_600 : memref<1x1x512x32xf32, #tpu.memory_space<vmem>> -> memref<512x32xf32, #tpu.memory_space<vmem>>
        %get3A_602 = arith.index_cast %add3A_587 : i32 to index
        %get3A_603 = arith.constant 16 : index
        %get3A_604 = tpu.vector_load %get3A_601[%get3A_602, %get3A_603] {strides = array<i32>} : memref<512x32xf32, #tpu.memory_space<vmem>>, vector<16xf32>,
        %mul3A_605 = arith.constant 5.65685415 : f32
        %mul3A_606 = vector.broadcast %mul3A_605 : f32 to vector<16xf32>
        %mul3A_607 = arith.mulf %get3A_604, %mul3A_606 : vector<16xf32>
        %broadcast_in_dim3A_608 = arith.constant 0 : i32
        %broadcast_in_dim3A_609 = vector.broadcast %broadcast_in_dim3A_608 : i32 to vector<16xi32>
        %add3A_610 = vector.broadcast %add3A_585 : i32 to vector<16xi32>
        %add3A_611 = arith.addi %broadcast_in_dim3A_609, %add3A_610 : vector<16xi32>
        %scatter3A_612 = arith.constant 0 : i32
        %scatter3A_613 = arith.constant 0 : i32
        %scatter3A_614 = arith.constant 0 : i32
        %scatter3A_615 = arith.constant 0 : i32
        %scatter3A_616 = tpu.memref_slice %arg7[%rem3A_211, %scatter3A_612, %scatter3A_613, %scatter3A_614, %scatter3A_615] : memref<3x4x4x8x129xf32, #tpu.memory_space<vmem>> -> memref<1x4x4x8x129xf32, #tpu.memory_space<vmem>>
        %scatter3A_617 = tpu.memref_squeeze %scatter3A_616 : memref<1x4x4x8x129xf32, #tpu.memory_space<vmem>> -> memref<4x4x8x129xf32, #tpu.memory_space<vmem>>
        tpu.vector_store_idx %scatter3A_617[%shift_right_logical3A_186, %broadcast_in_dim3A_240, %and3A_188, %add3A_611], %mul3A_597 : memref<4x4x8x129xf32, #tpu.memory_space<vmem>>[vector<16xi32>, vector<16xi32>, vector<16xi32>, vector<16xi32>], vector<16xf32>,
        %scatter3A_618 = arith.constant 0 : i32
        %scatter3A_619 = arith.constant 0 : i32
        %scatter3A_620 = arith.constant 0 : i32
        %scatter3A_621 = arith.constant 0 : i32
        %scatter3A_622 = tpu.memref_slice %arg7[%rem3A_211, %scatter3A_618, %scatter3A_619, %scatter3A_620, %scatter3A_621] : memref<3x4x4x8x129xf32, #tpu.memory_space<vmem>> -> memref<1x4x4x8x129xf32, #tpu.memory_space<vmem>>
        %scatter3A_623 = tpu.memref_squeeze %scatter3A_622 : memref<1x4x4x8x129xf32, #tpu.memory_space<vmem>> -> memref<4x4x8x129xf32, #tpu.memory_space<vmem>>
        tpu.vector_store_idx %scatter3A_623[%add3A_191, %broadcast_in_dim3A_240, %and3A_188, %add3A_611], %mul3A_607 : memref<4x4x8x129xf32, #tpu.memory_space<vmem>>[vector<16xi32>, vector<16xi32>, vector<16xi32>, vector<16xi32>], vector<16xf32>,
        %scan3A_624 = arith.constant 6 : i32
        %scan3A_625 = arith.addi %scan3A_363, %scan3A_624 : i32
        %mul3A_626 = arith.constant 1 : i32
        %mul3A_627 = arith.muli %scan3A_625, %mul3A_626 : i32
        %add3A_628 = arith.constant 0 : i32
        %add3A_629 = arith.addi %add3A_628, %mul3A_627 : i32
        %add3A_630 = arith.constant 384 : i32
        %add3A_631 = arith.addi %add3A_630, %add3A_629 : i32
        %get3A_632 = arith.constant 0 : i32
        %get3A_633 = arith.constant 0 : i32
        %get3A_634 = tpu.memref_slice %arg6[%rem3A_179, %scan3A_241, %get3A_632, %get3A_633] : memref<2x2x512x32xf32, #tpu.memory_space<vmem>> -> memref<1x1x512x32xf32, #tpu.memory_space<vmem>>
        %get3A_635 = tpu.memref_squeeze %get3A_634 : memref<1x1x512x32xf32, #tpu.memory_space<vmem>> -> memref<512x32xf32, #tpu.memory_space<vmem>>
        %get3A_636 = arith.index_cast %add3A_631 : i32 to index
        %get3A_637 = arith.constant 0 : index
        %get3A_638 = tpu.vector_load %get3A_635[%get3A_636, %get3A_637] {strides = array<i32>} : memref<512x32xf32, #tpu.memory_space<vmem>>, vector<16xf32>,
        %mul3A_639 = arith.constant 5.65685415 : f32
        %mul3A_640 = vector.broadcast %mul3A_639 : f32 to vector<16xf32>
        %mul3A_641 = arith.mulf %get3A_638, %mul3A_640 : vector<16xf32>
        %get3A_642 = arith.constant 0 : i32
        %get3A_643 = arith.constant 0 : i32
        %get3A_644 = tpu.memref_slice %arg6[%rem3A_179, %scan3A_241, %get3A_642, %get3A_643] : memref<2x2x512x32xf32, #tpu.memory_space<vmem>> -> memref<1x1x512x32xf32, #tpu.memory_space<vmem>>
        %get3A_645 = tpu.memref_squeeze %get3A_644 : memref<1x1x512x32xf32, #tpu.memory_space<vmem>> -> memref<512x32xf32, #tpu.memory_space<vmem>>
        %get3A_646 = arith.index_cast %add3A_631 : i32 to index
        %get3A_647 = arith.constant 16 : index
        %get3A_648 = tpu.vector_load %get3A_645[%get3A_646, %get3A_647] {strides = array<i32>} : memref<512x32xf32, #tpu.memory_space<vmem>>, vector<16xf32>,
        %mul3A_649 = arith.constant 5.65685415 : f32
        %mul3A_650 = vector.broadcast %mul3A_649 : f32 to vector<16xf32>
        %mul3A_651 = arith.mulf %get3A_648, %mul3A_650 : vector<16xf32>
        %broadcast_in_dim3A_652 = arith.constant 0 : i32
        %broadcast_in_dim3A_653 = vector.broadcast %broadcast_in_dim3A_652 : i32 to vector<16xi32>
        %add3A_654 = vector.broadcast %add3A_629 : i32 to vector<16xi32>
        %add3A_655 = arith.addi %broadcast_in_dim3A_653, %add3A_654 : vector<16xi32>
        %scatter3A_656 = arith.constant 0 : i32
        %scatter3A_657 = arith.constant 0 : i32
        %scatter3A_658 = arith.constant 0 : i32
        %scatter3A_659 = arith.constant 0 : i32
        %scatter3A_660 = tpu.memref_slice %arg7[%rem3A_211, %scatter3A_656, %scatter3A_657, %scatter3A_658, %scatter3A_659] : memref<3x4x4x8x129xf32, #tpu.memory_space<vmem>> -> memref<1x4x4x8x129xf32, #tpu.memory_space<vmem>>
        %scatter3A_661 = tpu.memref_squeeze %scatter3A_660 : memref<1x4x4x8x129xf32, #tpu.memory_space<vmem>> -> memref<4x4x8x129xf32, #tpu.memory_space<vmem>>
        tpu.vector_store_idx %scatter3A_661[%shift_right_logical3A_186, %broadcast_in_dim3A_240, %and3A_188, %add3A_655], %mul3A_641 : memref<4x4x8x129xf32, #tpu.memory_space<vmem>>[vector<16xi32>, vector<16xi32>, vector<16xi32>, vector<16xi32>], vector<16xf32>,
        %scatter3A_662 = arith.constant 0 : i32
        %scatter3A_663 = arith.constant 0 : i32
        %scatter3A_664 = arith.constant 0 : i32
        %scatter3A_665 = arith.constant 0 : i32
        %scatter3A_666 = tpu.memref_slice %arg7[%rem3A_211, %scatter3A_662, %scatter3A_663, %scatter3A_664, %scatter3A_665] : memref<3x4x4x8x129xf32, #tpu.memory_space<vmem>> -> memref<1x4x4x8x129xf32, #tpu.memory_space<vmem>>
        %scatter3A_667 = tpu.memref_squeeze %scatter3A_666 : memref<1x4x4x8x129xf32, #tpu.memory_space<vmem>> -> memref<4x4x8x129xf32, #tpu.memory_space<vmem>>
        tpu.vector_store_idx %scatter3A_667[%add3A_191, %broadcast_in_dim3A_240, %and3A_188, %add3A_655], %mul3A_651 : memref<4x4x8x129xf32, #tpu.memory_space<vmem>>[vector<16xi32>, vector<16xi32>, vector<16xi32>, vector<16xi32>], vector<16xf32>,
        %scan3A_668 = arith.constant 7 : i32
        %scan3A_669 = arith.addi %scan3A_363, %scan3A_668 : i32
        %mul3A_670 = arith.constant 1 : i32
        %mul3A_671 = arith.muli %scan3A_669, %mul3A_670 : i32
        %add3A_672 = arith.constant 0 : i32
        %add3A_673 = arith.addi %add3A_672, %mul3A_671 : i32
        %add3A_674 = arith.constant 384 : i32
        %add3A_675 = arith.addi %add3A_674, %add3A_673 : i32
        %get3A_676 = arith.constant 0 : i32
        %get3A_677 = arith.constant 0 : i32
        %get3A_678 = tpu.memref_slice %arg6[%rem3A_179, %scan3A_241, %get3A_676, %get3A_677] : memref<2x2x512x32xf32, #tpu.memory_space<vmem>> -> memref<1x1x512x32xf32, #tpu.memory_space<vmem>>
        %get3A_679 = tpu.memref_squeeze %get3A_678 : memref<1x1x512x32xf32, #tpu.memory_space<vmem>> -> memref<512x32xf32, #tpu.memory_space<vmem>>
        %get3A_680 = arith.index_cast %add3A_675 : i32 to index
        %get3A_681 = arith.constant 0 : index
        %get3A_682 = tpu.vector_load %get3A_679[%get3A_680, %get3A_681] {strides = array<i32>} : memref<512x32xf32, #tpu.memory_space<vmem>>, vector<16xf32>,
        %mul3A_683 = arith.constant 5.65685415 : f32
        %mul3A_684 = vector.broadcast %mul3A_683 : f32 to vector<16xf32>
        %mul3A_685 = arith.mulf %get3A_682, %mul3A_684 : vector<16xf32>
        %get3A_686 = arith.constant 0 : i32
        %get3A_687 = arith.constant 0 : i32
        %get3A_688 = tpu.memref_slice %arg6[%rem3A_179, %scan3A_241, %get3A_686, %get3A_687] : memref<2x2x512x32xf32, #tpu.memory_space<vmem>> -> memref<1x1x512x32xf32, #tpu.memory_space<vmem>>
        %get3A_689 = tpu.memref_squeeze %get3A_688 : memref<1x1x512x32xf32, #tpu.memory_space<vmem>> -> memref<512x32xf32, #tpu.memory_space<vmem>>
        %get3A_690 = arith.index_cast %add3A_675 : i32 to index
        %get3A_691 = arith.constant 16 : index
        %get3A_692 = tpu.vector_load %get3A_689[%get3A_690, %get3A_691] {strides = array<i32>} : memref<512x32xf32, #tpu.memory_space<vmem>>, vector<16xf32>,
        %mul3A_693 = arith.constant 5.65685415 : f32
        %mul3A_694 = vector.broadcast %mul3A_693 : f32 to vector<16xf32>
        %mul3A_695 = arith.mulf %get3A_692, %mul3A_694 : vector<16xf32>
        %broadcast_in_dim3A_696 = arith.constant 0 : i32
        %broadcast_in_dim3A_697 = vector.broadcast %broadcast_in_dim3A_696 : i32 to vector<16xi32>
        %add3A_698 = vector.broadcast %add3A_673 : i32 to vector<16xi32>
        %add3A_699 = arith.addi %broadcast_in_dim3A_697, %add3A_698 : vector<16xi32>
        %scatter3A_700 = arith.constant 0 : i32
        %scatter3A_701 = arith.constant 0 : i32
        %scatter3A_702 = arith.constant 0 : i32
        %scatter3A_703 = arith.constant 0 : i32
        %scatter3A_704 = tpu.memref_slice %arg7[%rem3A_211, %scatter3A_700, %scatter3A_701, %scatter3A_702, %scatter3A_703] : memref<3x4x4x8x129xf32, #tpu.memory_space<vmem>> -> memref<1x4x4x8x129xf32, #tpu.memory_space<vmem>>
        %scatter3A_705 = tpu.memref_squeeze %scatter3A_704 : memref<1x4x4x8x129xf32, #tpu.memory_space<vmem>> -> memref<4x4x8x129xf32, #tpu.memory_space<vmem>>
        tpu.vector_store_idx %scatter3A_705[%shift_right_logical3A_186, %broadcast_in_dim3A_240, %and3A_188, %add3A_699], %mul3A_685 : memref<4x4x8x129xf32, #tpu.memory_space<vmem>>[vector<16xi32>, vector<16xi32>, vector<16xi32>, vector<16xi32>], vector<16xf32>,
        %scatter3A_706 = arith.constant 0 : i32
        %scatter3A_707 = arith.constant 0 : i32
        %scatter3A_708 = arith.constant 0 : i32
        %scatter3A_709 = arith.constant 0 : i32
        %scatter3A_710 = tpu.memref_slice %arg7[%rem3A_211, %scatter3A_706, %scatter3A_707, %scatter3A_708, %scatter3A_709] : memref<3x4x4x8x129xf32, #tpu.memory_space<vmem>> -> memref<1x4x4x8x129xf32, #tpu.memory_space<vmem>>
        %scatter3A_711 = tpu.memref_squeeze %scatter3A_710 : memref<1x4x4x8x129xf32, #tpu.memory_space<vmem>> -> memref<4x4x8x129xf32, #tpu.memory_space<vmem>>
        tpu.vector_store_idx %scatter3A_711[%add3A_191, %broadcast_in_dim3A_240, %and3A_188, %add3A_699], %mul3A_695 : memref<4x4x8x129xf32, #tpu.memory_space<vmem>>[vector<16xi32>, vector<16xi32>, vector<16xi32>, vector<16xi32>], vector<16xf32>,
      }
      %scan3A_246 = arith.constant 128 : i32
      %mul3A_247 = arith.constant 4 : i32
      %mul3A_248 = arith.muli %add3A, %mul3A_247 : i32
      %dma_start3A_249 = arith.constant 0 : i32
      %dma_start3A_250 = arith.constant 0 : i32
      %dma_start3A_251 = arith.constant 0 : i32
      %dma_start3A_252 = arith.constant 0 : i32
      %dma_start3A_253 = tpu.memref_slice %arg7[%rem3A_211, %dma_start3A_249, %dma_start3A_250, %dma_start3A_251, %dma_start3A_252] : memref<3x4x4x8x129xf32, #tpu.memory_space<vmem>> -> memref<1x4x4x8x128xf32, #tpu.memory_space<vmem>>
      %dma_start3A_254 = tpu.memref_squeeze %dma_start3A_253 : memref<1x4x4x8x128xf32, #tpu.memory_space<vmem>> -> memref<4x4x8x128xf32, #tpu.memory_space<vmem>>
      %dma_start3A_255 = arith.constant 0 : i32
      %dma_start3A_256 = arith.constant 0 : i32
      %dma_start3A_257 = arith.constant 0 : i32
      %dma_start3A_258 = tpu.memref_slice %arg4[%add3A_209, %dma_start3A_255, %mul3A_248, %dma_start3A_256, %dma_start3A_257] : memref<200x4x128x8x128xf32, #tpu.memory_space<hbm>> -> memref<1x4x4x8x128xf32, #tpu.memory_space<hbm>>
      %dma_start3A_259 = tpu.memref_squeeze %dma_start3A_258 : memref<1x4x4x8x128xf32, #tpu.memory_space<hbm>> -> memref<4x4x8x128xf32, #tpu.memory_space<hbm>>
      %dma_start3A_260 = tpu.memref_slice %arg10[%rem3A_211] : memref<3x!tpu.dma_semaphore, #tpu.memory_space<semaphore_mem>> -> memref<1x!tpu.dma_semaphore, #tpu.memory_space<semaphore_mem>>
      %dma_start3A_261 = tpu.memref_squeeze %dma_start3A_260 : memref<1x!tpu.dma_semaphore, #tpu.memory_space<semaphore_mem>> -> memref<!tpu.dma_semaphore, #tpu.memory_space<semaphore_mem>>
      %dma_start3A_262 = arith.constant 0 : i32
      %dma_start3A_263 = arith.constant 0 : i32
      %dma_start3A_264 = arith.constant 0 : i32
      %dma_start3A_265 = tpu.memref_slice %arg4[%add3A_209, %dma_start3A_262, %mul3A_248, %dma_start3A_263, %dma_start3A_264] : memref<200x4x128x8x128xf32, #tpu.memory_space<hbm>> -> memref<1x4x4x8x128xf32, #tpu.memory_space<hbm>>
      %dma_start3A_266 = tpu.memref_squeeze %dma_start3A_265 : memref<1x4x4x8x128xf32, #tpu.memory_space<hbm>> -> memref<4x4x8x128xf32, #tpu.memory_space<hbm>>
      %dma_start3A_267 = arith.constant 0 : i32
      %dma_start3A_268 = arith.constant 0 : i32
      %dma_start3A_269 = arith.constant 0 : i32
      %dma_start3A_270 = arith.constant 0 : i32
      %dma_start3A_271 = tpu.memref_slice %arg7[%rem3A_211, %dma_start3A_267, %dma_start3A_268, %dma_start3A_269, %dma_start3A_270] : memref<3x4x4x8x129xf32, #tpu.memory_space<vmem>> -> memref<1x4x4x8x128xf32, #tpu.memory_space<vmem>>
      %dma_start3A_272 = tpu.memref_squeeze %dma_start3A_271 : memref<1x4x4x8x128xf32, #tpu.memory_space<vmem>> -> memref<4x4x8x128xf32, #tpu.memory_space<vmem>>
      tpu.enqueue_dma source(%dma_start3A_272 : memref<4x4x8x128xf32, #tpu.memory_space<vmem>>) target(%dma_start3A_266 : memref<4x4x8x128xf32, #tpu.memory_space<hbm>>) target_semaphore(%dma_start3A_261 : memref<!tpu.dma_semaphore, #tpu.memory_space<semaphore_mem>>)
      %dma_wait3A_273 = arith.constant 1 : i32
      %dma_wait3A_274 = arith.constant 1 : i32
      %dma_wait3A_275 = arith.constant 0 : i32
      %dma_wait3A_276 = arith.constant 0 : i32
      %dma_wait3A_277 = tpu.memref_slice %arg6[%rem3A_179, %dma_wait3A_274, %dma_wait3A_275, %dma_wait3A_276] : memref<2x2x512x32xf32, #tpu.memory_space<vmem>> -> memref<1x1x512x32xf32, #tpu.memory_space<vmem>>
      %dma_wait3A_278 = tpu.memref_squeeze %dma_wait3A_277 : memref<1x1x512x32xf32, #tpu.memory_space<vmem>> -> memref<512x32xf32, #tpu.memory_space<vmem>>
      %dma_wait3A_279 = arith.constant 0 : i32
      %dma_wait3A_280 = tpu.memref_slice %arg5[%rem3A_179, %dma_wait3A_273, %dma_wait3A_279] : memref<2x2x512xi32, #tpu.memory_space<vmem>> -> memref<1x1x512xi32, #tpu.memory_space<vmem>>
      %dma_wait3A_281 = tpu.memref_squeeze %dma_wait3A_280 : memref<1x1x512xi32, #tpu.memory_space<vmem>> -> memref<512xi32, #tpu.memory_space<vmem>>
      %dma_wait3A_282 = arith.constant 0 : i32
      %dma_wait3A_283 = arith.constant 0 : i32
      %dma_wait3A_284 = tpu.memref_slice %arg3[%dma_wait3A_282, %dma_wait3A_283] : memref<1000000x32xf32, #tpu.memory_space<hbm>> -> memref<1000000x32xf32, #tpu.memory_space<hbm>>
      %dma_wait3A_285 = tpu.memref_slice %arg9[%rem3A_179] : memref<2x!tpu.dma_semaphore, #tpu.memory_space<semaphore_mem>> -> memref<1x!tpu.dma_semaphore, #tpu.memory_space<semaphore_mem>>
      %dma_wait3A_286 = tpu.memref_squeeze %dma_wait3A_285 : memref<1x!tpu.dma_semaphore, #tpu.memory_space<semaphore_mem>> -> memref<!tpu.dma_semaphore, #tpu.memory_space<semaphore_mem>>
      tpu.wait_indirect_dma semaphore(%dma_wait3A_286 : memref<!tpu.dma_semaphore, #tpu.memory_space<semaphore_mem>>) src(%dma_wait3A_284 : memref<1000000x32xf32, #tpu.memory_space<hbm>>) dst(%dma_wait3A_278 : memref<512x32xf32, #tpu.memory_space<vmem>>)
      %add3A_287 = arith.constant 2 : i32
      %add3A_288 = arith.addi %add3A_178, %add3A_287 : i32
      %lt3A_289 = arith.constant 100 : i32
      %lt3A_290 = arith.cmpi slt, %add3A_288, %lt3A_289 : i32
      %convert_element_type3A_291 = arith.extui %lt3A_290 : i1 to i32
      %cond3A_292 = arith.constant 0 : i32
      %cond3A_293 = arith.cmpi ne, %convert_element_type3A_291, %cond3A_292 : i32
      scf.if %cond3A_293 {
        %add3A_363 = arith.constant 2 : i32
        %add3A_364 = arith.addi %add3A_178, %add3A_363 : i32
        %mul3A_365 = arith.constant 2 : i32
        %mul3A_366 = arith.muli %add3A_364, %mul3A_365 : i32
        %dma_start3A_367 = arith.constant 0 : i32
        %dma_start3A_368 = arith.constant 0 : i32
        %dma_start3A_369 = tpu.memref_slice %arg5[%rem3A_179, %dma_start3A_367, %dma_start3A_368] : memref<2x2x512xi32, #tpu.memory_space<vmem>> -> memref<1x2x512xi32, #tpu.memory_space<vmem>>
        %dma_start3A_370 = tpu.memref_squeeze %dma_start3A_369 : memref<1x2x512xi32, #tpu.memory_space<vmem>> -> memref<2x512xi32, #tpu.memory_space<vmem>>
        %dma_start3A_371 = tpu.memref_slice %arg2[%mul3A_366, %mul3A_2] : memref<200x16384xi32, #tpu.memory_space<hbm>> -> memref<2x512xi32, #tpu.memory_space<hbm>>
        %dma_start3A_372 = tpu.memref_slice %arg8[%rem3A_179] : memref<2x!tpu.dma_semaphore, #tpu.memory_space<semaphore_mem>> -> memref<1x!tpu.dma_semaphore, #tpu.memory_space<semaphore_mem>>
        %dma_start3A_373 = tpu.memref_squeeze %dma_start3A_372 : memref<1x!tpu.dma_semaphore, #tpu.memory_space<semaphore_mem>> -> memref<!tpu.dma_semaphore, #tpu.memory_space<semaphore_mem>>
        %dma_start3A_374 = arith.constant 0 : i32
        %dma_start3A_375 = arith.constant 0 : i32
        %dma_start3A_376 = tpu.memref_slice %arg5[%rem3A_179, %dma_start3A_374, %dma_start3A_375] : memref<2x2x512xi32, #tpu.memory_space<vmem>> -> memref<1x2x512xi32, #tpu.memory_space<vmem>>
        %dma_start3A_377 = tpu.memref_squeeze %dma_start3A_376 : memref<1x2x512xi32, #tpu.memory_space<vmem>> -> memref<2x512xi32, #tpu.memory_space<vmem>>
        %dma_start3A_378 = tpu.memref_slice %arg2[%mul3A_366, %mul3A_2] : memref<200x16384xi32, #tpu.memory_space<hbm>> -> memref<2x512xi32, #tpu.memory_space<hbm>>
        tpu.enqueue_dma source(%dma_start3A_378 : memref<2x512xi32, #tpu.memory_space<hbm>>) target(%dma_start3A_377 : memref<2x512xi32, #tpu.memory_space<vmem>>) target_semaphore(%dma_start3A_373 : memref<!tpu.dma_semaphore, #tpu.memory_space<semaphore_mem>>)
      } else {
      }
      %mul3A_294 = arith.constant 2 : i32
      %mul3A_295 = arith.muli %add3A_178, %mul3A_294 : i32
      %add3A_296 = arith.constant 1 : i32
      %add3A_297 = arith.addi %mul3A_295, %add3A_296 : i32
      %rem3A_298 = arith.constant 3 : i32
      %rem3A_299 = arith.remsi %add3A_297, %rem3A_298 : i32
      %ge3A_300 = arith.constant 3 : i32
      %ge3A_301 = arith.cmpi sge, %add3A_297, %ge3A_300 : i32
      %convert_element_type3A_302 = arith.extui %ge3A_301 : i1 to i32
      %cond3A_303 = arith.constant 0 : i32
      %cond3A_304 = arith.cmpi ne, %convert_element_type3A_302, %cond3A_303 : i32
      scf.if %cond3A_304 {
        %sub3A_363 = arith.constant 3 : i32
        %sub3A_364 = arith.subi %add3A_297, %sub3A_363 : i32
        %mul3A_365 = arith.constant 4 : i32
        %mul3A_366 = arith.muli %add3A, %mul3A_365 : i32
        %dma_wait3A_367 = arith.constant 0 : i32
        %dma_wait3A_368 = arith.constant 0 : i32
        %dma_wait3A_369 = arith.constant 0 : i32
        %dma_wait3A_370 = arith.constant 0 : i32
        %dma_wait3A_371 = tpu.memref_slice %arg7[%rem3A_299, %dma_wait3A_367, %dma_wait3A_368, %dma_wait3A_369, %dma_wait3A_370] : memref<3x4x4x8x129xf32, #tpu.memory_space<vmem>> -> memref<1x4x4x8x128xf32, #tpu.memory_space<vmem>>
        %dma_wait3A_372 = tpu.memref_squeeze %dma_wait3A_371 : memref<1x4x4x8x128xf32, #tpu.memory_space<vmem>> -> memref<4x4x8x128xf32, #tpu.memory_space<vmem>>
        %dma_wait3A_373 = arith.constant 0 : i32
        %dma_wait3A_374 = arith.constant 0 : i32
        %dma_wait3A_375 = arith.constant 0 : i32
        %dma_wait3A_376 = tpu.memref_slice %arg4[%sub3A_364, %dma_wait3A_373, %mul3A_366, %dma_wait3A_374, %dma_wait3A_375] : memref<200x4x128x8x128xf32, #tpu.memory_space<hbm>> -> memref<1x4x4x8x128xf32, #tpu.memory_space<hbm>>
        %dma_wait3A_377 = tpu.memref_squeeze %dma_wait3A_376 : memref<1x4x4x8x128xf32, #tpu.memory_space<hbm>> -> memref<4x4x8x128xf32, #tpu.memory_space<hbm>>
        %dma_wait3A_378 = tpu.memref_slice %arg10[%rem3A_299] : memref<3x!tpu.dma_semaphore, #tpu.memory_space<semaphore_mem>> -> memref<1x!tpu.dma_semaphore, #tpu.memory_space<semaphore_mem>>
        %dma_wait3A_379 = tpu.memref_squeeze %dma_wait3A_378 : memref<1x!tpu.dma_semaphore, #tpu.memory_space<semaphore_mem>> -> memref<!tpu.dma_semaphore, #tpu.memory_space<semaphore_mem>>
        %dma_wait3A_380 = arith.constant 0 : i32
        %dma_wait3A_381 = arith.constant 0 : i32
        %dma_wait3A_382 = arith.constant 0 : i32
        %dma_wait3A_383 = tpu.memref_slice %arg4[%sub3A_364, %dma_wait3A_380, %mul3A_366, %dma_wait3A_381, %dma_wait3A_382] : memref<200x4x128x8x128xf32, #tpu.memory_space<hbm>> -> memref<1x4x4x8x128xf32, #tpu.memory_space<hbm>>
        %dma_wait3A_384 = tpu.memref_squeeze %dma_wait3A_383 : memref<1x4x4x8x128xf32, #tpu.memory_space<hbm>> -> memref<4x4x8x128xf32, #tpu.memory_space<hbm>>
        %dma_wait3A_385 = arith.constant 0 : i32
        %dma_wait3A_386 = arith.constant 0 : i32
        %dma_wait3A_387 = arith.constant 0 : i32
        %dma_wait3A_388 = arith.constant 0 : i32
        %dma_wait3A_389 = tpu.memref_slice %arg7[%rem3A_299, %dma_wait3A_385, %dma_wait3A_386, %dma_wait3A_387, %dma_wait3A_388] : memref<3x4x4x8x129xf32, #tpu.memory_space<vmem>> -> memref<1x4x4x8x128xf32, #tpu.memory_space<vmem>>
        %dma_wait3A_390 = tpu.memref_squeeze %dma_wait3A_389 : memref<1x4x4x8x128xf32, #tpu.memory_space<vmem>> -> memref<4x4x8x128xf32, #tpu.memory_space<vmem>>
        tpu.wait_dma2 semaphore(%dma_wait3A_379 : memref<!tpu.dma_semaphore, #tpu.memory_space<semaphore_mem>>) src(%dma_wait3A_390 : memref<4x4x8x128xf32, #tpu.memory_space<vmem>>) dst(%dma_wait3A_384 : memref<4x4x8x128xf32, #tpu.memory_space<hbm>>)
      } else {
      }
      %broadcast_in_dim3A_305 = arith.constant 0 : i32
      %broadcast_in_dim3A_306 = vector.broadcast %broadcast_in_dim3A_305 : i32 to vector<16xi32>
      %scan3A_307 = arith.constant 1 : i32
      %scan3A_308 = arith.constant 0 : i32
      %scan3A_309 = arith.constant 128 : i32
      %scan3A_310 = arith.addi %scan3A_308, %scan3A_309 : i32
      %scan3A_311 = arith.constant 8 : i32
      scf.for %scan3A_363 = %scan3A_308 to %scan3A_310 step %scan3A_311  : i32 {
        %mul3A_364 = arith.constant 1 : i32
        %mul3A_365 = arith.muli %scan3A_363, %mul3A_364 : i32
        %add3A_366 = arith.constant 0 : i32
        %add3A_367 = arith.addi %add3A_366, %mul3A_365 : i32
        %add3A_368 = arith.constant 0 : i32
        %add3A_369 = arith.addi %add3A_368, %add3A_367 : i32
        %get3A = arith.constant 0 : i32
        %get3A_370 = arith.constant 0 : i32
        %get3A_371 = tpu.memref_slice %arg6[%rem3A_179, %scan3A_307, %get3A, %get3A_370] : memref<2x2x512x32xf32, #tpu.memory_space<vmem>> -> memref<1x1x512x32xf32, #tpu.memory_space<vmem>>
        %get3A_372 = tpu.memref_squeeze %get3A_371 : memref<1x1x512x32xf32, #tpu.memory_space<vmem>> -> memref<512x32xf32, #tpu.memory_space<vmem>>
        %get3A_373 = arith.index_cast %add3A_369 : i32 to index
        %get3A_374 = arith.constant 0 : index
        %get3A_375 = tpu.vector_load %get3A_372[%get3A_373, %get3A_374] {strides = array<i32>} : memref<512x32xf32, #tpu.memory_space<vmem>>, vector<16xf32>,
        %mul3A_376 = arith.constant 5.65685415 : f32
        %mul3A_377 = vector.broadcast %mul3A_376 : f32 to vector<16xf32>
        %mul3A_378 = arith.mulf %get3A_375, %mul3A_377 : vector<16xf32>
        %get3A_379 = arith.constant 0 : i32
        %get3A_380 = arith.constant 0 : i32
        %get3A_381 = tpu.memref_slice %arg6[%rem3A_179, %scan3A_307, %get3A_379, %get3A_380] : memref<2x2x512x32xf32, #tpu.memory_space<vmem>> -> memref<1x1x512x32xf32, #tpu.memory_space<vmem>>
        %get3A_382 = tpu.memref_squeeze %get3A_381 : memref<1x1x512x32xf32, #tpu.memory_space<vmem>> -> memref<512x32xf32, #tpu.memory_space<vmem>>
        %get3A_383 = arith.index_cast %add3A_369 : i32 to index
        %get3A_384 = arith.constant 16 : index
        %get3A_385 = tpu.vector_load %get3A_382[%get3A_383, %get3A_384] {strides = array<i32>} : memref<512x32xf32, #tpu.memory_space<vmem>>, vector<16xf32>,
        %mul3A_386 = arith.constant 5.65685415 : f32
        %mul3A_387 = vector.broadcast %mul3A_386 : f32 to vector<16xf32>
        %mul3A_388 = arith.mulf %get3A_385, %mul3A_387 : vector<16xf32>
        %broadcast_in_dim3A_389 = arith.constant 0 : i32
        %broadcast_in_dim3A_390 = vector.broadcast %broadcast_in_dim3A_389 : i32 to vector<16xi32>
        %add3A_391 = vector.broadcast %add3A_367 : i32 to vector<16xi32>
        %add3A_392 = arith.addi %broadcast_in_dim3A_390, %add3A_391 : vector<16xi32>
        %scatter3A = arith.constant 0 : i32
        %scatter3A_393 = arith.constant 0 : i32
        %scatter3A_394 = arith.constant 0 : i32
        %scatter3A_395 = arith.constant 0 : i32
        %scatter3A_396 = tpu.memref_slice %arg7[%rem3A_299, %scatter3A, %scatter3A_393, %scatter3A_394, %scatter3A_395] : memref<3x4x4x8x129xf32, #tpu.memory_space<vmem>> -> memref<1x4x4x8x129xf32, #tpu.memory_space<vmem>>
        %scatter3A_397 = tpu.memref_squeeze %scatter3A_396 : memref<1x4x4x8x129xf32, #tpu.memory_space<vmem>> -> memref<4x4x8x129xf32, #tpu.memory_space<vmem>>
        tpu.vector_store_idx %scatter3A_397[%shift_right_logical3A_186, %broadcast_in_dim3A_306, %and3A_188, %add3A_392], %mul3A_378 : memref<4x4x8x129xf32, #tpu.memory_space<vmem>>[vector<16xi32>, vector<16xi32>, vector<16xi32>, vector<16xi32>], vector<16xf32>,
        %scatter3A_398 = arith.constant 0 : i32
        %scatter3A_399 = arith.constant 0 : i32
        %scatter3A_400 = arith.constant 0 : i32
        %scatter3A_401 = arith.constant 0 : i32
        %scatter3A_402 = tpu.memref_slice %arg7[%rem3A_299, %scatter3A_398, %scatter3A_399, %scatter3A_400, %scatter3A_401] : memref<3x4x4x8x129xf32, #tpu.memory_space<vmem>> -> memref<1x4x4x8x129xf32, #tpu.memory_space<vmem>>
        %scatter3A_403 = tpu.memref_squeeze %scatter3A_402 : memref<1x4x4x8x129xf32, #tpu.memory_space<vmem>> -> memref<4x4x8x129xf32, #tpu.memory_space<vmem>>
        tpu.vector_store_idx %scatter3A_403[%add3A_191, %broadcast_in_dim3A_306, %and3A_188, %add3A_392], %mul3A_388 : memref<4x4x8x129xf32, #tpu.memory_space<vmem>>[vector<16xi32>, vector<16xi32>, vector<16xi32>, vector<16xi32>], vector<16xf32>,
        %scan3A_404 = arith.constant 1 : i32
        %scan3A_405 = arith.addi %scan3A_363, %scan3A_404 : i32
        %mul3A_406 = arith.constant 1 : i32
        %mul3A_407 = arith.muli %scan3A_405, %mul3A_406 : i32
        %add3A_408 = arith.constant 0 : i32
        %add3A_409 = arith.addi %add3A_408, %mul3A_407 : i32
        %add3A_410 = arith.constant 0 : i32
        %add3A_411 = arith.addi %add3A_410, %add3A_409 : i32
        %get3A_412 = arith.constant 0 : i32
        %get3A_413 = arith.constant 0 : i32
        %get3A_414 = tpu.memref_slice %arg6[%rem3A_179, %scan3A_307, %get3A_412, %get3A_413] : memref<2x2x512x32xf32, #tpu.memory_space<vmem>> -> memref<1x1x512x32xf32, #tpu.memory_space<vmem>>
        %get3A_415 = tpu.memref_squeeze %get3A_414 : memref<1x1x512x32xf32, #tpu.memory_space<vmem>> -> memref<512x32xf32, #tpu.memory_space<vmem>>
        %get3A_416 = arith.index_cast %add3A_411 : i32 to index
        %get3A_417 = arith.constant 0 : index
        %get3A_418 = tpu.vector_load %get3A_415[%get3A_416, %get3A_417] {strides = array<i32>} : memref<512x32xf32, #tpu.memory_space<vmem>>, vector<16xf32>,
        %mul3A_419 = arith.constant 5.65685415 : f32
        %mul3A_420 = vector.broadcast %mul3A_419 : f32 to vector<16xf32>
        %mul3A_421 = arith.mulf %get3A_418, %mul3A_420 : vector<16xf32>
        %get3A_422 = arith.constant 0 : i32
        %get3A_423 = arith.constant 0 : i32
        %get3A_424 = tpu.memref_slice %arg6[%rem3A_179, %scan3A_307, %get3A_422, %get3A_423] : memref<2x2x512x32xf32, #tpu.memory_space<vmem>> -> memref<1x1x512x32xf32, #tpu.memory_space<vmem>>
        %get3A_425 = tpu.memref_squeeze %get3A_424 : memref<1x1x512x32xf32, #tpu.memory_space<vmem>> -> memref<512x32xf32, #tpu.memory_space<vmem>>
        %get3A_426 = arith.index_cast %add3A_411 : i32 to index
        %get3A_427 = arith.constant 16 : index
        %get3A_428 = tpu.vector_load %get3A_425[%get3A_426, %get3A_427] {strides = array<i32>} : memref<512x32xf32, #tpu.memory_space<vmem>>, vector<16xf32>,
        %mul3A_429 = arith.constant 5.65685415 : f32
        %mul3A_430 = vector.broadcast %mul3A_429 : f32 to vector<16xf32>
        %mul3A_431 = arith.mulf %get3A_428, %mul3A_430 : vector<16xf32>
        %broadcast_in_dim3A_432 = arith.constant 0 : i32
        %broadcast_in_dim3A_433 = vector.broadcast %broadcast_in_dim3A_432 : i32 to vector<16xi32>
        %add3A_434 = vector.broadcast %add3A_409 : i32 to vector<16xi32>
        %add3A_435 = arith.addi %broadcast_in_dim3A_433, %add3A_434 : vector<16xi32>
        %scatter3A_436 = arith.constant 0 : i32
        %scatter3A_437 = arith.constant 0 : i32
        %scatter3A_438 = arith.constant 0 : i32
        %scatter3A_439 = arith.constant 0 : i32
        %scatter3A_440 = tpu.memref_slice %arg7[%rem3A_299, %scatter3A_436, %scatter3A_437, %scatter3A_438, %scatter3A_439] : memref<3x4x4x8x129xf32, #tpu.memory_space<vmem>> -> memref<1x4x4x8x129xf32, #tpu.memory_space<vmem>>
        %scatter3A_441 = tpu.memref_squeeze %scatter3A_440 : memref<1x4x4x8x129xf32, #tpu.memory_space<vmem>> -> memref<4x4x8x129xf32, #tpu.memory_space<vmem>>
        tpu.vector_store_idx %scatter3A_441[%shift_right_logical3A_186, %broadcast_in_dim3A_306, %and3A_188, %add3A_435], %mul3A_421 : memref<4x4x8x129xf32, #tpu.memory_space<vmem>>[vector<16xi32>, vector<16xi32>, vector<16xi32>, vector<16xi32>], vector<16xf32>,
        %scatter3A_442 = arith.constant 0 : i32
        %scatter3A_443 = arith.constant 0 : i32
        %scatter3A_444 = arith.constant 0 : i32
        %scatter3A_445 = arith.constant 0 : i32
        %scatter3A_446 = tpu.memref_slice %arg7[%rem3A_299, %scatter3A_442, %scatter3A_443, %scatter3A_444, %scatter3A_445] : memref<3x4x4x8x129xf32, #tpu.memory_space<vmem>> -> memref<1x4x4x8x129xf32, #tpu.memory_space<vmem>>
        %scatter3A_447 = tpu.memref_squeeze %scatter3A_446 : memref<1x4x4x8x129xf32, #tpu.memory_space<vmem>> -> memref<4x4x8x129xf32, #tpu.memory_space<vmem>>
        tpu.vector_store_idx %scatter3A_447[%add3A_191, %broadcast_in_dim3A_306, %and3A_188, %add3A_435], %mul3A_431 : memref<4x4x8x129xf32, #tpu.memory_space<vmem>>[vector<16xi32>, vector<16xi32>, vector<16xi32>, vector<16xi32>], vector<16xf32>,
        %scan3A_448 = arith.constant 2 : i32
        %scan3A_449 = arith.addi %scan3A_363, %scan3A_448 : i32
        %mul3A_450 = arith.constant 1 : i32
        %mul3A_451 = arith.muli %scan3A_449, %mul3A_450 : i32
        %add3A_452 = arith.constant 0 : i32
        %add3A_453 = arith.addi %add3A_452, %mul3A_451 : i32
        %add3A_454 = arith.constant 0 : i32
        %add3A_455 = arith.addi %add3A_454, %add3A_453 : i32
        %get3A_456 = arith.constant 0 : i32
        %get3A_457 = arith.constant 0 : i32
        %get3A_458 = tpu.memref_slice %arg6[%rem3A_179, %scan3A_307, %get3A_456, %get3A_457] : memref<2x2x512x32xf32, #tpu.memory_space<vmem>> -> memref<1x1x512x32xf32, #tpu.memory_space<vmem>>
        %get3A_459 = tpu.memref_squeeze %get3A_458 : memref<1x1x512x32xf32, #tpu.memory_space<vmem>> -> memref<512x32xf32, #tpu.memory_space<vmem>>
        %get3A_460 = arith.index_cast %add3A_455 : i32 to index
        %get3A_461 = arith.constant 0 : index
        %get3A_462 = tpu.vector_load %get3A_459[%get3A_460, %get3A_461] {strides = array<i32>} : memref<512x32xf32, #tpu.memory_space<vmem>>, vector<16xf32>,
        %mul3A_463 = arith.constant 5.65685415 : f32
        %mul3A_464 = vector.broadcast %mul3A_463 : f32 to vector<16xf32>
        %mul3A_465 = arith.mulf %get3A_462, %mul3A_464 : vector<16xf32>
        %get3A_466 = arith.constant 0 : i32
        %get3A_467 = arith.constant 0 : i32
        %get3A_468 = tpu.memref_slice %arg6[%rem3A_179, %scan3A_307, %get3A_466, %get3A_467] : memref<2x2x512x32xf32, #tpu.memory_space<vmem>> -> memref<1x1x512x32xf32, #tpu.memory_space<vmem>>
        %get3A_469 = tpu.memref_squeeze %get3A_468 : memref<1x1x512x32xf32, #tpu.memory_space<vmem>> -> memref<512x32xf32, #tpu.memory_space<vmem>>
        %get3A_470 = arith.index_cast %add3A_455 : i32 to index
        %get3A_471 = arith.constant 16 : index
        %get3A_472 = tpu.vector_load %get3A_469[%get3A_470, %get3A_471] {strides = array<i32>} : memref<512x32xf32, #tpu.memory_space<vmem>>, vector<16xf32>,
        %mul3A_473 = arith.constant 5.65685415 : f32
        %mul3A_474 = vector.broadcast %mul3A_473 : f32 to vector<16xf32>
        %mul3A_475 = arith.mulf %get3A_472, %mul3A_474 : vector<16xf32>
        %broadcast_in_dim3A_476 = arith.constant 0 : i32
        %broadcast_in_dim3A_477 = vector.broadcast %broadcast_in_dim3A_476 : i32 to vector<16xi32>
        %add3A_478 = vector.broadcast %add3A_453 : i32 to vector<16xi32>
        %add3A_479 = arith.addi %broadcast_in_dim3A_477, %add3A_478 : vector<16xi32>
        %scatter3A_480 = arith.constant 0 : i32
        %scatter3A_481 = arith.constant 0 : i32
        %scatter3A_482 = arith.constant 0 : i32
        %scatter3A_483 = arith.constant 0 : i32
        %scatter3A_484 = tpu.memref_slice %arg7[%rem3A_299, %scatter3A_480, %scatter3A_481, %scatter3A_482, %scatter3A_483] : memref<3x4x4x8x129xf32, #tpu.memory_space<vmem>> -> memref<1x4x4x8x129xf32, #tpu.memory_space<vmem>>
        %scatter3A_485 = tpu.memref_squeeze %scatter3A_484 : memref<1x4x4x8x129xf32, #tpu.memory_space<vmem>> -> memref<4x4x8x129xf32, #tpu.memory_space<vmem>>
        tpu.vector_store_idx %scatter3A_485[%shift_right_logical3A_186, %broadcast_in_dim3A_306, %and3A_188, %add3A_479], %mul3A_465 : memref<4x4x8x129xf32, #tpu.memory_space<vmem>>[vector<16xi32>, vector<16xi32>, vector<16xi32>, vector<16xi32>], vector<16xf32>,
        %scatter3A_486 = arith.constant 0 : i32
        %scatter3A_487 = arith.constant 0 : i32
        %scatter3A_488 = arith.constant 0 : i32
        %scatter3A_489 = arith.constant 0 : i32
        %scatter3A_490 = tpu.memref_slice %arg7[%rem3A_299, %scatter3A_486, %scatter3A_487, %scatter3A_488, %scatter3A_489] : memref<3x4x4x8x129xf32, #tpu.memory_space<vmem>> -> memref<1x4x4x8x129xf32, #tpu.memory_space<vmem>>
        %scatter3A_491 = tpu.memref_squeeze %scatter3A_490 : memref<1x4x4x8x129xf32, #tpu.memory_space<vmem>> -> memref<4x4x8x129xf32, #tpu.memory_space<vmem>>
        tpu.vector_store_idx %scatter3A_491[%add3A_191, %broadcast_in_dim3A_306, %and3A_188, %add3A_479], %mul3A_475 : memref<4x4x8x129xf32, #tpu.memory_space<vmem>>[vector<16xi32>, vector<16xi32>, vector<16xi32>, vector<16xi32>], vector<16xf32>,
        %scan3A_492 = arith.constant 3 : i32
        %scan3A_493 = arith.addi %scan3A_363, %scan3A_492 : i32
        %mul3A_494 = arith.constant 1 : i32
        %mul3A_495 = arith.muli %scan3A_493, %mul3A_494 : i32
        %add3A_496 = arith.constant 0 : i32
        %add3A_497 = arith.addi %add3A_496, %mul3A_495 : i32
        %add3A_498 = arith.constant 0 : i32
        %add3A_499 = arith.addi %add3A_498, %add3A_497 : i32
        %get3A_500 = arith.constant 0 : i32
        %get3A_501 = arith.constant 0 : i32
        %get3A_502 = tpu.memref_slice %arg6[%rem3A_179, %scan3A_307, %get3A_500, %get3A_501] : memref<2x2x512x32xf32, #tpu.memory_space<vmem>> -> memref<1x1x512x32xf32, #tpu.memory_space<vmem>>
        %get3A_503 = tpu.memref_squeeze %get3A_502 : memref<1x1x512x32xf32, #tpu.memory_space<vmem>> -> memref<512x32xf32, #tpu.memory_space<vmem>>
        %get3A_504 = arith.index_cast %add3A_499 : i32 to index
        %get3A_505 = arith.constant 0 : index
        %get3A_506 = tpu.vector_load %get3A_503[%get3A_504, %get3A_505] {strides = array<i32>} : memref<512x32xf32, #tpu.memory_space<vmem>>, vector<16xf32>,
        %mul3A_507 = arith.constant 5.65685415 : f32
        %mul3A_508 = vector.broadcast %mul3A_507 : f32 to vector<16xf32>
        %mul3A_509 = arith.mulf %get3A_506, %mul3A_508 : vector<16xf32>
        %get3A_510 = arith.constant 0 : i32
        %get3A_511 = arith.constant 0 : i32
        %get3A_512 = tpu.memref_slice %arg6[%rem3A_179, %scan3A_307, %get3A_510, %get3A_511] : memref<2x2x512x32xf32, #tpu.memory_space<vmem>> -> memref<1x1x512x32xf32, #tpu.memory_space<vmem>>
        %get3A_513 = tpu.memref_squeeze %get3A_512 : memref<1x1x512x32xf32, #tpu.memory_space<vmem>> -> memref<512x32xf32, #tpu.memory_space<vmem>>
        %get3A_514 = arith.index_cast %add3A_499 : i32 to index
        %get3A_515 = arith.constant 16 : index
        %get3A_516 = tpu.vector_load %get3A_513[%get3A_514, %get3A_515] {strides = array<i32>} : memref<512x32xf32, #tpu.memory_space<vmem>>, vector<16xf32>,
        %mul3A_517 = arith.constant 5.65685415 : f32
        %mul3A_518 = vector.broadcast %mul3A_517 : f32 to vector<16xf32>
        %mul3A_519 = arith.mulf %get3A_516, %mul3A_518 : vector<16xf32>
        %broadcast_in_dim3A_520 = arith.constant 0 : i32
        %broadcast_in_dim3A_521 = vector.broadcast %broadcast_in_dim3A_520 : i32 to vector<16xi32>
        %add3A_522 = vector.broadcast %add3A_497 : i32 to vector<16xi32>
        %add3A_523 = arith.addi %broadcast_in_dim3A_521, %add3A_522 : vector<16xi32>
        %scatter3A_524 = arith.constant 0 : i32
        %scatter3A_525 = arith.constant 0 : i32
        %scatter3A_526 = arith.constant 0 : i32
        %scatter3A_527 = arith.constant 0 : i32
        %scatter3A_528 = tpu.memref_slice %arg7[%rem3A_299, %scatter3A_524, %scatter3A_525, %scatter3A_526, %scatter3A_527] : memref<3x4x4x8x129xf32, #tpu.memory_space<vmem>> -> memref<1x4x4x8x129xf32, #tpu.memory_space<vmem>>
        %scatter3A_529 = tpu.memref_squeeze %scatter3A_528 : memref<1x4x4x8x129xf32, #tpu.memory_space<vmem>> -> memref<4x4x8x129xf32, #tpu.memory_space<vmem>>
        tpu.vector_store_idx %scatter3A_529[%shift_right_logical3A_186, %broadcast_in_dim3A_306, %and3A_188, %add3A_523], %mul3A_509 : memref<4x4x8x129xf32, #tpu.memory_space<vmem>>[vector<16xi32>, vector<16xi32>, vector<16xi32>, vector<16xi32>], vector<16xf32>,
        %scatter3A_530 = arith.constant 0 : i32
        %scatter3A_531 = arith.constant 0 : i32
        %scatter3A_532 = arith.constant 0 : i32
        %scatter3A_533 = arith.constant 0 : i32
        %scatter3A_534 = tpu.memref_slice %arg7[%rem3A_299, %scatter3A_530, %scatter3A_531, %scatter3A_532, %scatter3A_533] : memref<3x4x4x8x129xf32, #tpu.memory_space<vmem>> -> memref<1x4x4x8x129xf32, #tpu.memory_space<vmem>>
        %scatter3A_535 = tpu.memref_squeeze %scatter3A_534 : memref<1x4x4x8x129xf32, #tpu.memory_space<vmem>> -> memref<4x4x8x129xf32, #tpu.memory_space<vmem>>
        tpu.vector_store_idx %scatter3A_535[%add3A_191, %broadcast_in_dim3A_306, %and3A_188, %add3A_523], %mul3A_519 : memref<4x4x8x129xf32, #tpu.memory_space<vmem>>[vector<16xi32>, vector<16xi32>, vector<16xi32>, vector<16xi32>], vector<16xf32>,
        %scan3A_536 = arith.constant 4 : i32
        %scan3A_537 = arith.addi %scan3A_363, %scan3A_536 : i32
        %mul3A_538 = arith.constant 1 : i32
        %mul3A_539 = arith.muli %scan3A_537, %mul3A_538 : i32
        %add3A_540 = arith.constant 0 : i32
        %add3A_541 = arith.addi %add3A_540, %mul3A_539 : i32
        %add3A_542 = arith.constant 0 : i32
        %add3A_543 = arith.addi %add3A_542, %add3A_541 : i32
        %get3A_544 = arith.constant 0 : i32
        %get3A_545 = arith.constant 0 : i32
        %get3A_546 = tpu.memref_slice %arg6[%rem3A_179, %scan3A_307, %get3A_544, %get3A_545] : memref<2x2x512x32xf32, #tpu.memory_space<vmem>> -> memref<1x1x512x32xf32, #tpu.memory_space<vmem>>
        %get3A_547 = tpu.memref_squeeze %get3A_546 : memref<1x1x512x32xf32, #tpu.memory_space<vmem>> -> memref<512x32xf32, #tpu.memory_space<vmem>>
        %get3A_548 = arith.index_cast %add3A_543 : i32 to index
        %get3A_549 = arith.constant 0 : index
        %get3A_550 = tpu.vector_load %get3A_547[%get3A_548, %get3A_549] {strides = array<i32>} : memref<512x32xf32, #tpu.memory_space<vmem>>, vector<16xf32>,
        %mul3A_551 = arith.constant 5.65685415 : f32
        %mul3A_552 = vector.broadcast %mul3A_551 : f32 to vector<16xf32>
        %mul3A_553 = arith.mulf %get3A_550, %mul3A_552 : vector<16xf32>
        %get3A_554 = arith.constant 0 : i32
        %get3A_555 = arith.constant 0 : i32
        %get3A_556 = tpu.memref_slice %arg6[%rem3A_179, %scan3A_307, %get3A_554, %get3A_555] : memref<2x2x512x32xf32, #tpu.memory_space<vmem>> -> memref<1x1x512x32xf32, #tpu.memory_space<vmem>>
        %get3A_557 = tpu.memref_squeeze %get3A_556 : memref<1x1x512x32xf32, #tpu.memory_space<vmem>> -> memref<512x32xf32, #tpu.memory_space<vmem>>
        %get3A_558 = arith.index_cast %add3A_543 : i32 to index
        %get3A_559 = arith.constant 16 : index
        %get3A_560 = tpu.vector_load %get3A_557[%get3A_558, %get3A_559] {strides = array<i32>} : memref<512x32xf32, #tpu.memory_space<vmem>>, vector<16xf32>,
        %mul3A_561 = arith.constant 5.65685415 : f32
        %mul3A_562 = vector.broadcast %mul3A_561 : f32 to vector<16xf32>
        %mul3A_563 = arith.mulf %get3A_560, %mul3A_562 : vector<16xf32>
        %broadcast_in_dim3A_564 = arith.constant 0 : i32
        %broadcast_in_dim3A_565 = vector.broadcast %broadcast_in_dim3A_564 : i32 to vector<16xi32>
        %add3A_566 = vector.broadcast %add3A_541 : i32 to vector<16xi32>
        %add3A_567 = arith.addi %broadcast_in_dim3A_565, %add3A_566 : vector<16xi32>
        %scatter3A_568 = arith.constant 0 : i32
        %scatter3A_569 = arith.constant 0 : i32
        %scatter3A_570 = arith.constant 0 : i32
        %scatter3A_571 = arith.constant 0 : i32
        %scatter3A_572 = tpu.memref_slice %arg7[%rem3A_299, %scatter3A_568, %scatter3A_569, %scatter3A_570, %scatter3A_571] : memref<3x4x4x8x129xf32, #tpu.memory_space<vmem>> -> memref<1x4x4x8x129xf32, #tpu.memory_space<vmem>>
        %scatter3A_573 = tpu.memref_squeeze %scatter3A_572 : memref<1x4x4x8x129xf32, #tpu.memory_space<vmem>> -> memref<4x4x8x129xf32, #tpu.memory_space<vmem>>
        tpu.vector_store_idx %scatter3A_573[%shift_right_logical3A_186, %broadcast_in_dim3A_306, %and3A_188, %add3A_567], %mul3A_553 : memref<4x4x8x129xf32, #tpu.memory_space<vmem>>[vector<16xi32>, vector<16xi32>, vector<16xi32>, vector<16xi32>], vector<16xf32>,
        %scatter3A_574 = arith.constant 0 : i32
        %scatter3A_575 = arith.constant 0 : i32
        %scatter3A_576 = arith.constant 0 : i32
        %scatter3A_577 = arith.constant 0 : i32
        %scatter3A_578 = tpu.memref_slice %arg7[%rem3A_299, %scatter3A_574, %scatter3A_575, %scatter3A_576, %scatter3A_577] : memref<3x4x4x8x129xf32, #tpu.memory_space<vmem>> -> memref<1x4x4x8x129xf32, #tpu.memory_space<vmem>>
        %scatter3A_579 = tpu.memref_squeeze %scatter3A_578 : memref<1x4x4x8x129xf32, #tpu.memory_space<vmem>> -> memref<4x4x8x129xf32, #tpu.memory_space<vmem>>
        tpu.vector_store_idx %scatter3A_579[%add3A_191, %broadcast_in_dim3A_306, %and3A_188, %add3A_567], %mul3A_563 : memref<4x4x8x129xf32, #tpu.memory_space<vmem>>[vector<16xi32>, vector<16xi32>, vector<16xi32>, vector<16xi32>], vector<16xf32>,
        %scan3A_580 = arith.constant 5 : i32
        %scan3A_581 = arith.addi %scan3A_363, %scan3A_580 : i32
        %mul3A_582 = arith.constant 1 : i32
        %mul3A_583 = arith.muli %scan3A_581, %mul3A_582 : i32
        %add3A_584 = arith.constant 0 : i32
        %add3A_585 = arith.addi %add3A_584, %mul3A_583 : i32
        %add3A_586 = arith.constant 0 : i32
        %add3A_587 = arith.addi %add3A_586, %add3A_585 : i32
        %get3A_588 = arith.constant 0 : i32
        %get3A_589 = arith.constant 0 : i32
        %get3A_590 = tpu.memref_slice %arg6[%rem3A_179, %scan3A_307, %get3A_588, %get3A_589] : memref<2x2x512x32xf32, #tpu.memory_space<vmem>> -> memref<1x1x512x32xf32, #tpu.memory_space<vmem>>
        %get3A_591 = tpu.memref_squeeze %get3A_590 : memref<1x1x512x32xf32, #tpu.memory_space<vmem>> -> memref<512x32xf32, #tpu.memory_space<vmem>>
        %get3A_592 = arith.index_cast %add3A_587 : i32 to index
        %get3A_593 = arith.constant 0 : index
        %get3A_594 = tpu.vector_load %get3A_591[%get3A_592, %get3A_593] {strides = array<i32>} : memref<512x32xf32, #tpu.memory_space<vmem>>, vector<16xf32>,
        %mul3A_595 = arith.constant 5.65685415 : f32
        %mul3A_596 = vector.broadcast %mul3A_595 : f32 to vector<16xf32>
        %mul3A_597 = arith.mulf %get3A_594, %mul3A_596 : vector<16xf32>
        %get3A_598 = arith.constant 0 : i32
        %get3A_599 = arith.constant 0 : i32
        %get3A_600 = tpu.memref_slice %arg6[%rem3A_179, %scan3A_307, %get3A_598, %get3A_599] : memref<2x2x512x32xf32, #tpu.memory_space<vmem>> -> memref<1x1x512x32xf32, #tpu.memory_space<vmem>>
        %get3A_601 = tpu.memref_squeeze %get3A_600 : memref<1x1x512x32xf32, #tpu.memory_space<vmem>> -> memref<512x32xf32, #tpu.memory_space<vmem>>
        %get3A_602 = arith.index_cast %add3A_587 : i32 to index
        %get3A_603 = arith.constant 16 : index
        %get3A_604 = tpu.vector_load %get3A_601[%get3A_602, %get3A_603] {strides = array<i32>} : memref<512x32xf32, #tpu.memory_space<vmem>>, vector<16xf32>,
        %mul3A_605 = arith.constant 5.65685415 : f32
        %mul3A_606 = vector.broadcast %mul3A_605 : f32 to vector<16xf32>
        %mul3A_607 = arith.mulf %get3A_604, %mul3A_606 : vector<16xf32>
        %broadcast_in_dim3A_608 = arith.constant 0 : i32
        %broadcast_in_dim3A_609 = vector.broadcast %broadcast_in_dim3A_608 : i32 to vector<16xi32>
        %add3A_610 = vector.broadcast %add3A_585 : i32 to vector<16xi32>
        %add3A_611 = arith.addi %broadcast_in_dim3A_609, %add3A_610 : vector<16xi32>
        %scatter3A_612 = arith.constant 0 : i32
        %scatter3A_613 = arith.constant 0 : i32
        %scatter3A_614 = arith.constant 0 : i32
        %scatter3A_615 = arith.constant 0 : i32
        %scatter3A_616 = tpu.memref_slice %arg7[%rem3A_299, %scatter3A_612, %scatter3A_613, %scatter3A_614, %scatter3A_615] : memref<3x4x4x8x129xf32, #tpu.memory_space<vmem>> -> memref<1x4x4x8x129xf32, #tpu.memory_space<vmem>>
        %scatter3A_617 = tpu.memref_squeeze %scatter3A_616 : memref<1x4x4x8x129xf32, #tpu.memory_space<vmem>> -> memref<4x4x8x129xf32, #tpu.memory_space<vmem>>
        tpu.vector_store_idx %scatter3A_617[%shift_right_logical3A_186, %broadcast_in_dim3A_306, %and3A_188, %add3A_611], %mul3A_597 : memref<4x4x8x129xf32, #tpu.memory_space<vmem>>[vector<16xi32>, vector<16xi32>, vector<16xi32>, vector<16xi32>], vector<16xf32>,
        %scatter3A_618 = arith.constant 0 : i32
        %scatter3A_619 = arith.constant 0 : i32
        %scatter3A_620 = arith.constant 0 : i32
        %scatter3A_621 = arith.constant 0 : i32
        %scatter3A_622 = tpu.memref_slice %arg7[%rem3A_299, %scatter3A_618, %scatter3A_619, %scatter3A_620, %scatter3A_621] : memref<3x4x4x8x129xf32, #tpu.memory_space<vmem>> -> memref<1x4x4x8x129xf32, #tpu.memory_space<vmem>>
        %scatter3A_623 = tpu.memref_squeeze %scatter3A_622 : memref<1x4x4x8x129xf32, #tpu.memory_space<vmem>> -> memref<4x4x8x129xf32, #tpu.memory_space<vmem>>
        tpu.vector_store_idx %scatter3A_623[%add3A_191, %broadcast_in_dim3A_306, %and3A_188, %add3A_611], %mul3A_607 : memref<4x4x8x129xf32, #tpu.memory_space<vmem>>[vector<16xi32>, vector<16xi32>, vector<16xi32>, vector<16xi32>], vector<16xf32>,
        %scan3A_624 = arith.constant 6 : i32
        %scan3A_625 = arith.addi %scan3A_363, %scan3A_624 : i32
        %mul3A_626 = arith.constant 1 : i32
        %mul3A_627 = arith.muli %scan3A_625, %mul3A_626 : i32
        %add3A_628 = arith.constant 0 : i32
        %add3A_629 = arith.addi %add3A_628, %mul3A_627 : i32
        %add3A_630 = arith.constant 0 : i32
        %add3A_631 = arith.addi %add3A_630, %add3A_629 : i32
        %get3A_632 = arith.constant 0 : i32
        %get3A_633 = arith.constant 0 : i32
        %get3A_634 = tpu.memref_slice %arg6[%rem3A_179, %scan3A_307, %get3A_632, %get3A_633] : memref<2x2x512x32xf32, #tpu.memory_space<vmem>> -> memref<1x1x512x32xf32, #tpu.memory_space<vmem>>
        %get3A_635 = tpu.memref_squeeze %get3A_634 : memref<1x1x512x32xf32, #tpu.memory_space<vmem>> -> memref<512x32xf32, #tpu.memory_space<vmem>>
        %get3A_636 = arith.index_cast %add3A_631 : i32 to index
        %get3A_637 = arith.constant 0 : index
        %get3A_638 = tpu.vector_load %get3A_635[%get3A_636, %get3A_637] {strides = array<i32>} : memref<512x32xf32, #tpu.memory_space<vmem>>, vector<16xf32>,
        %mul3A_639 = arith.constant 5.65685415 : f32
        %mul3A_640 = vector.broadcast %mul3A_639 : f32 to vector<16xf32>
        %mul3A_641 = arith.mulf %get3A_638, %mul3A_640 : vector<16xf32>
        %get3A_642 = arith.constant 0 : i32
        %get3A_643 = arith.constant 0 : i32
        %get3A_644 = tpu.memref_slice %arg6[%rem3A_179, %scan3A_307, %get3A_642, %get3A_643] : memref<2x2x512x32xf32, #tpu.memory_space<vmem>> -> memref<1x1x512x32xf32, #tpu.memory_space<vmem>>
        %get3A_645 = tpu.memref_squeeze %get3A_644 : memref<1x1x512x32xf32, #tpu.memory_space<vmem>> -> memref<512x32xf32, #tpu.memory_space<vmem>>
        %get3A_646 = arith.index_cast %add3A_631 : i32 to index
        %get3A_647 = arith.constant 16 : index
        %get3A_648 = tpu.vector_load %get3A_645[%get3A_646, %get3A_647] {strides = array<i32>} : memref<512x32xf32, #tpu.memory_space<vmem>>, vector<16xf32>,
        %mul3A_649 = arith.constant 5.65685415 : f32
        %mul3A_650 = vector.broadcast %mul3A_649 : f32 to vector<16xf32>
        %mul3A_651 = arith.mulf %get3A_648, %mul3A_650 : vector<16xf32>
        %broadcast_in_dim3A_652 = arith.constant 0 : i32
        %broadcast_in_dim3A_653 = vector.broadcast %broadcast_in_dim3A_652 : i32 to vector<16xi32>
        %add3A_654 = vector.broadcast %add3A_629 : i32 to vector<16xi32>
        %add3A_655 = arith.addi %broadcast_in_dim3A_653, %add3A_654 : vector<16xi32>
        %scatter3A_656 = arith.constant 0 : i32
        %scatter3A_657 = arith.constant 0 : i32
        %scatter3A_658 = arith.constant 0 : i32
        %scatter3A_659 = arith.constant 0 : i32
        %scatter3A_660 = tpu.memref_slice %arg7[%rem3A_299, %scatter3A_656, %scatter3A_657, %scatter3A_658, %scatter3A_659] : memref<3x4x4x8x129xf32, #tpu.memory_space<vmem>> -> memref<1x4x4x8x129xf32, #tpu.memory_space<vmem>>
        %scatter3A_661 = tpu.memref_squeeze %scatter3A_660 : memref<1x4x4x8x129xf32, #tpu.memory_space<vmem>> -> memref<4x4x8x129xf32, #tpu.memory_space<vmem>>
        tpu.vector_store_idx %scatter3A_661[%shift_right_logical3A_186, %broadcast_in_dim3A_306, %and3A_188, %add3A_655], %mul3A_641 : memref<4x4x8x129xf32, #tpu.memory_space<vmem>>[vector<16xi32>, vector<16xi32>, vector<16xi32>, vector<16xi32>], vector<16xf32>,
        %scatter3A_662 = arith.constant 0 : i32
        %scatter3A_663 = arith.constant 0 : i32
        %scatter3A_664 = arith.constant 0 : i32
        %scatter3A_665 = arith.constant 0 : i32
        %scatter3A_666 = tpu.memref_slice %arg7[%rem3A_299, %scatter3A_662, %scatter3A_663, %scatter3A_664, %scatter3A_665] : memref<3x4x4x8x129xf32, #tpu.memory_space<vmem>> -> memref<1x4x4x8x129xf32, #tpu.memory_space<vmem>>
        %scatter3A_667 = tpu.memref_squeeze %scatter3A_666 : memref<1x4x4x8x129xf32, #tpu.memory_space<vmem>> -> memref<4x4x8x129xf32, #tpu.memory_space<vmem>>
        tpu.vector_store_idx %scatter3A_667[%add3A_191, %broadcast_in_dim3A_306, %and3A_188, %add3A_655], %mul3A_651 : memref<4x4x8x129xf32, #tpu.memory_space<vmem>>[vector<16xi32>, vector<16xi32>, vector<16xi32>, vector<16xi32>], vector<16xf32>,
        %scan3A_668 = arith.constant 7 : i32
        %scan3A_669 = arith.addi %scan3A_363, %scan3A_668 : i32
        %mul3A_670 = arith.constant 1 : i32
        %mul3A_671 = arith.muli %scan3A_669, %mul3A_670 : i32
        %add3A_672 = arith.constant 0 : i32
        %add3A_673 = arith.addi %add3A_672, %mul3A_671 : i32
        %add3A_674 = arith.constant 0 : i32
        %add3A_675 = arith.addi %add3A_674, %add3A_673 : i32
        %get3A_676 = arith.constant 0 : i32
        %get3A_677 = arith.constant 0 : i32
        %get3A_678 = tpu.memref_slice %arg6[%rem3A_179, %scan3A_307, %get3A_676, %get3A_677] : memref<2x2x512x32xf32, #tpu.memory_space<vmem>> -> memref<1x1x512x32xf32, #tpu.memory_space<vmem>>
        %get3A_679 = tpu.memref_squeeze %get3A_678 : memref<1x1x512x32xf32, #tpu.memory_space<vmem>> -> memref<512x32xf32, #tpu.memory_space<vmem>>
        %get3A_680 = arith.index_cast %add3A_675 : i32 to index
        %get3A_681 = arith.constant 0 : index
        %get3A_682 = tpu.vector_load %get3A_679[%get3A_680, %get3A_681] {strides = array<i32>} : memref<512x32xf32, #tpu.memory_space<vmem>>, vector<16xf32>,
        %mul3A_683 = arith.constant 5.65685415 : f32
        %mul3A_684 = vector.broadcast %mul3A_683 : f32 to vector<16xf32>
        %mul3A_685 = arith.mulf %get3A_682, %mul3A_684 : vector<16xf32>
        %get3A_686 = arith.constant 0 : i32
        %get3A_687 = arith.constant 0 : i32
        %get3A_688 = tpu.memref_slice %arg6[%rem3A_179, %scan3A_307, %get3A_686, %get3A_687] : memref<2x2x512x32xf32, #tpu.memory_space<vmem>> -> memref<1x1x512x32xf32, #tpu.memory_space<vmem>>
        %get3A_689 = tpu.memref_squeeze %get3A_688 : memref<1x1x512x32xf32, #tpu.memory_space<vmem>> -> memref<512x32xf32, #tpu.memory_space<vmem>>
        %get3A_690 = arith.index_cast %add3A_675 : i32 to index
        %get3A_691 = arith.constant 16 : index
        %get3A_692 = tpu.vector_load %get3A_689[%get3A_690, %get3A_691] {strides = array<i32>} : memref<512x32xf32, #tpu.memory_space<vmem>>, vector<16xf32>,
        %mul3A_693 = arith.constant 5.65685415 : f32
        %mul3A_694 = vector.broadcast %mul3A_693 : f32 to vector<16xf32>
        %mul3A_695 = arith.mulf %get3A_692, %mul3A_694 : vector<16xf32>
        %broadcast_in_dim3A_696 = arith.constant 0 : i32
        %broadcast_in_dim3A_697 = vector.broadcast %broadcast_in_dim3A_696 : i32 to vector<16xi32>
        %add3A_698 = vector.broadcast %add3A_673 : i32 to vector<16xi32>
        %add3A_699 = arith.addi %broadcast_in_dim3A_697, %add3A_698 : vector<16xi32>
        %scatter3A_700 = arith.constant 0 : i32
        %scatter3A_701 = arith.constant 0 : i32
        %scatter3A_702 = arith.constant 0 : i32
        %scatter3A_703 = arith.constant 0 : i32
        %scatter3A_704 = tpu.memref_slice %arg7[%rem3A_299, %scatter3A_700, %scatter3A_701, %scatter3A_702, %scatter3A_703] : memref<3x4x4x8x129xf32, #tpu.memory_space<vmem>> -> memref<1x4x4x8x129xf32, #tpu.memory_space<vmem>>
        %scatter3A_705 = tpu.memref_squeeze %scatter3A_704 : memref<1x4x4x8x129xf32, #tpu.memory_space<vmem>> -> memref<4x4x8x129xf32, #tpu.memory_space<vmem>>
        tpu.vector_store_idx %scatter3A_705[%shift_right_logical3A_186, %broadcast_in_dim3A_306, %and3A_188, %add3A_699], %mul3A_685 : memref<4x4x8x129xf32, #tpu.memory_space<vmem>>[vector<16xi32>, vector<16xi32>, vector<16xi32>, vector<16xi32>], vector<16xf32>,
        %scatter3A_706 = arith.constant 0 : i32
        %scatter3A_707 = arith.constant 0 : i32
        %scatter3A_708 = arith.constant 0 : i32
        %scatter3A_709 = arith.constant 0 : i32
        %scatter3A_710 = tpu.memref_slice %arg7[%rem3A_299, %scatter3A_706, %scatter3A_707, %scatter3A_708, %scatter3A_709] : memref<3x4x4x8x129xf32, #tpu.memory_space<vmem>> -> memref<1x4x4x8x129xf32, #tpu.memory_space<vmem>>
        %scatter3A_711 = tpu.memref_squeeze %scatter3A_710 : memref<1x4x4x8x129xf32, #tpu.memory_space<vmem>> -> memref<4x4x8x129xf32, #tpu.memory_space<vmem>>
        tpu.vector_store_idx %scatter3A_711[%add3A_191, %broadcast_in_dim3A_306, %and3A_188, %add3A_699], %mul3A_695 : memref<4x4x8x129xf32, #tpu.memory_space<vmem>>[vector<16xi32>, vector<16xi32>, vector<16xi32>, vector<16xi32>], vector<16xf32>,
      }
      %scan3A_312 = arith.constant 128 : i32
      %broadcast_in_dim3A_313 = arith.constant 1 : i32
      %broadcast_in_dim3A_314 = vector.broadcast %broadcast_in_dim3A_313 : i32 to vector<16xi32>
      %scan3A_315 = arith.constant 1 : i32
      %scan3A_316 = arith.constant 0 : i32
      %scan3A_317 = arith.constant 128 : i32
      %scan3A_318 = arith.addi %scan3A_316, %scan3A_317 : i32
      %scan3A_319 = arith.constant 8 : i32
      scf.for %scan3A_363 = %scan3A_316 to %scan3A_318 step %scan3A_319  : i32 {
        %mul3A_364 = arith.constant 1 : i32
        %mul3A_365 = arith.muli %scan3A_363, %mul3A_364 : i32
        %add3A_366 = arith.constant 0 : i32
        %add3A_367 = arith.addi %add3A_366, %mul3A_365 : i32
        %add3A_368 = arith.constant 128 : i32
        %add3A_369 = arith.addi %add3A_368, %add3A_367 : i32
        %get3A = arith.constant 0 : i32
        %get3A_370 = arith.constant 0 : i32
        %get3A_371 = tpu.memref_slice %arg6[%rem3A_179, %scan3A_315, %get3A, %get3A_370] : memref<2x2x512x32xf32, #tpu.memory_space<vmem>> -> memref<1x1x512x32xf32, #tpu.memory_space<vmem>>
        %get3A_372 = tpu.memref_squeeze %get3A_371 : memref<1x1x512x32xf32, #tpu.memory_space<vmem>> -> memref<512x32xf32, #tpu.memory_space<vmem>>
        %get3A_373 = arith.index_cast %add3A_369 : i32 to index
        %get3A_374 = arith.constant 0 : index
        %get3A_375 = tpu.vector_load %get3A_372[%get3A_373, %get3A_374] {strides = array<i32>} : memref<512x32xf32, #tpu.memory_space<vmem>>, vector<16xf32>,
        %mul3A_376 = arith.constant 5.65685415 : f32
        %mul3A_377 = vector.broadcast %mul3A_376 : f32 to vector<16xf32>
        %mul3A_378 = arith.mulf %get3A_375, %mul3A_377 : vector<16xf32>
        %get3A_379 = arith.constant 0 : i32
        %get3A_380 = arith.constant 0 : i32
        %get3A_381 = tpu.memref_slice %arg6[%rem3A_179, %scan3A_315, %get3A_379, %get3A_380] : memref<2x2x512x32xf32, #tpu.memory_space<vmem>> -> memref<1x1x512x32xf32, #tpu.memory_space<vmem>>
        %get3A_382 = tpu.memref_squeeze %get3A_381 : memref<1x1x512x32xf32, #tpu.memory_space<vmem>> -> memref<512x32xf32, #tpu.memory_space<vmem>>
        %get3A_383 = arith.index_cast %add3A_369 : i32 to index
        %get3A_384 = arith.constant 16 : index
        %get3A_385 = tpu.vector_load %get3A_382[%get3A_383, %get3A_384] {strides = array<i32>} : memref<512x32xf32, #tpu.memory_space<vmem>>, vector<16xf32>,
        %mul3A_386 = arith.constant 5.65685415 : f32
        %mul3A_387 = vector.broadcast %mul3A_386 : f32 to vector<16xf32>
        %mul3A_388 = arith.mulf %get3A_385, %mul3A_387 : vector<16xf32>
        %broadcast_in_dim3A_389 = arith.constant 0 : i32
        %broadcast_in_dim3A_390 = vector.broadcast %broadcast_in_dim3A_389 : i32 to vector<16xi32>
        %add3A_391 = vector.broadcast %add3A_367 : i32 to vector<16xi32>
        %add3A_392 = arith.addi %broadcast_in_dim3A_390, %add3A_391 : vector<16xi32>
        %scatter3A = arith.constant 0 : i32
        %scatter3A_393 = arith.constant 0 : i32
        %scatter3A_394 = arith.constant 0 : i32
        %scatter3A_395 = arith.constant 0 : i32
        %scatter3A_396 = tpu.memref_slice %arg7[%rem3A_299, %scatter3A, %scatter3A_393, %scatter3A_394, %scatter3A_395] : memref<3x4x4x8x129xf32, #tpu.memory_space<vmem>> -> memref<1x4x4x8x129xf32, #tpu.memory_space<vmem>>
        %scatter3A_397 = tpu.memref_squeeze %scatter3A_396 : memref<1x4x4x8x129xf32, #tpu.memory_space<vmem>> -> memref<4x4x8x129xf32, #tpu.memory_space<vmem>>
        tpu.vector_store_idx %scatter3A_397[%shift_right_logical3A_186, %broadcast_in_dim3A_314, %and3A_188, %add3A_392], %mul3A_378 : memref<4x4x8x129xf32, #tpu.memory_space<vmem>>[vector<16xi32>, vector<16xi32>, vector<16xi32>, vector<16xi32>], vector<16xf32>,
        %scatter3A_398 = arith.constant 0 : i32
        %scatter3A_399 = arith.constant 0 : i32
        %scatter3A_400 = arith.constant 0 : i32
        %scatter3A_401 = arith.constant 0 : i32
        %scatter3A_402 = tpu.memref_slice %arg7[%rem3A_299, %scatter3A_398, %scatter3A_399, %scatter3A_400, %scatter3A_401] : memref<3x4x4x8x129xf32, #tpu.memory_space<vmem>> -> memref<1x4x4x8x129xf32, #tpu.memory_space<vmem>>
        %scatter3A_403 = tpu.memref_squeeze %scatter3A_402 : memref<1x4x4x8x129xf32, #tpu.memory_space<vmem>> -> memref<4x4x8x129xf32, #tpu.memory_space<vmem>>
        tpu.vector_store_idx %scatter3A_403[%add3A_191, %broadcast_in_dim3A_314, %and3A_188, %add3A_392], %mul3A_388 : memref<4x4x8x129xf32, #tpu.memory_space<vmem>>[vector<16xi32>, vector<16xi32>, vector<16xi32>, vector<16xi32>], vector<16xf32>,
        %scan3A_404 = arith.constant 1 : i32
        %scan3A_405 = arith.addi %scan3A_363, %scan3A_404 : i32
        %mul3A_406 = arith.constant 1 : i32
        %mul3A_407 = arith.muli %scan3A_405, %mul3A_406 : i32
        %add3A_408 = arith.constant 0 : i32
        %add3A_409 = arith.addi %add3A_408, %mul3A_407 : i32
        %add3A_410 = arith.constant 128 : i32
        %add3A_411 = arith.addi %add3A_410, %add3A_409 : i32
        %get3A_412 = arith.constant 0 : i32
        %get3A_413 = arith.constant 0 : i32
        %get3A_414 = tpu.memref_slice %arg6[%rem3A_179, %scan3A_315, %get3A_412, %get3A_413] : memref<2x2x512x32xf32, #tpu.memory_space<vmem>> -> memref<1x1x512x32xf32, #tpu.memory_space<vmem>>
        %get3A_415 = tpu.memref_squeeze %get3A_414 : memref<1x1x512x32xf32, #tpu.memory_space<vmem>> -> memref<512x32xf32, #tpu.memory_space<vmem>>
        %get3A_416 = arith.index_cast %add3A_411 : i32 to index
        %get3A_417 = arith.constant 0 : index
        %get3A_418 = tpu.vector_load %get3A_415[%get3A_416, %get3A_417] {strides = array<i32>} : memref<512x32xf32, #tpu.memory_space<vmem>>, vector<16xf32>,
        %mul3A_419 = arith.constant 5.65685415 : f32
        %mul3A_420 = vector.broadcast %mul3A_419 : f32 to vector<16xf32>
        %mul3A_421 = arith.mulf %get3A_418, %mul3A_420 : vector<16xf32>
        %get3A_422 = arith.constant 0 : i32
        %get3A_423 = arith.constant 0 : i32
        %get3A_424 = tpu.memref_slice %arg6[%rem3A_179, %scan3A_315, %get3A_422, %get3A_423] : memref<2x2x512x32xf32, #tpu.memory_space<vmem>> -> memref<1x1x512x32xf32, #tpu.memory_space<vmem>>
        %get3A_425 = tpu.memref_squeeze %get3A_424 : memref<1x1x512x32xf32, #tpu.memory_space<vmem>> -> memref<512x32xf32, #tpu.memory_space<vmem>>
        %get3A_426 = arith.index_cast %add3A_411 : i32 to index
        %get3A_427 = arith.constant 16 : index
        %get3A_428 = tpu.vector_load %get3A_425[%get3A_426, %get3A_427] {strides = array<i32>} : memref<512x32xf32, #tpu.memory_space<vmem>>, vector<16xf32>,
        %mul3A_429 = arith.constant 5.65685415 : f32
        %mul3A_430 = vector.broadcast %mul3A_429 : f32 to vector<16xf32>
        %mul3A_431 = arith.mulf %get3A_428, %mul3A_430 : vector<16xf32>
        %broadcast_in_dim3A_432 = arith.constant 0 : i32
        %broadcast_in_dim3A_433 = vector.broadcast %broadcast_in_dim3A_432 : i32 to vector<16xi32>
        %add3A_434 = vector.broadcast %add3A_409 : i32 to vector<16xi32>
        %add3A_435 = arith.addi %broadcast_in_dim3A_433, %add3A_434 : vector<16xi32>
        %scatter3A_436 = arith.constant 0 : i32
        %scatter3A_437 = arith.constant 0 : i32
        %scatter3A_438 = arith.constant 0 : i32
        %scatter3A_439 = arith.constant 0 : i32
        %scatter3A_440 = tpu.memref_slice %arg7[%rem3A_299, %scatter3A_436, %scatter3A_437, %scatter3A_438, %scatter3A_439] : memref<3x4x4x8x129xf32, #tpu.memory_space<vmem>> -> memref<1x4x4x8x129xf32, #tpu.memory_space<vmem>>
        %scatter3A_441 = tpu.memref_squeeze %scatter3A_440 : memref<1x4x4x8x129xf32, #tpu.memory_space<vmem>> -> memref<4x4x8x129xf32, #tpu.memory_space<vmem>>
        tpu.vector_store_idx %scatter3A_441[%shift_right_logical3A_186, %broadcast_in_dim3A_314, %and3A_188, %add3A_435], %mul3A_421 : memref<4x4x8x129xf32, #tpu.memory_space<vmem>>[vector<16xi32>, vector<16xi32>, vector<16xi32>, vector<16xi32>], vector<16xf32>,
        %scatter3A_442 = arith.constant 0 : i32
        %scatter3A_443 = arith.constant 0 : i32
        %scatter3A_444 = arith.constant 0 : i32
        %scatter3A_445 = arith.constant 0 : i32
        %scatter3A_446 = tpu.memref_slice %arg7[%rem3A_299, %scatter3A_442, %scatter3A_443, %scatter3A_444, %scatter3A_445] : memref<3x4x4x8x129xf32, #tpu.memory_space<vmem>> -> memref<1x4x4x8x129xf32, #tpu.memory_space<vmem>>
        %scatter3A_447 = tpu.memref_squeeze %scatter3A_446 : memref<1x4x4x8x129xf32, #tpu.memory_space<vmem>> -> memref<4x4x8x129xf32, #tpu.memory_space<vmem>>
        tpu.vector_store_idx %scatter3A_447[%add3A_191, %broadcast_in_dim3A_314, %and3A_188, %add3A_435], %mul3A_431 : memref<4x4x8x129xf32, #tpu.memory_space<vmem>>[vector<16xi32>, vector<16xi32>, vector<16xi32>, vector<16xi32>], vector<16xf32>,
        %scan3A_448 = arith.constant 2 : i32
        %scan3A_449 = arith.addi %scan3A_363, %scan3A_448 : i32
        %mul3A_450 = arith.constant 1 : i32
        %mul3A_451 = arith.muli %scan3A_449, %mul3A_450 : i32
        %add3A_452 = arith.constant 0 : i32
        %add3A_453 = arith.addi %add3A_452, %mul3A_451 : i32
        %add3A_454 = arith.constant 128 : i32
        %add3A_455 = arith.addi %add3A_454, %add3A_453 : i32
        %get3A_456 = arith.constant 0 : i32
        %get3A_457 = arith.constant 0 : i32
        %get3A_458 = tpu.memref_slice %arg6[%rem3A_179, %scan3A_315, %get3A_456, %get3A_457] : memref<2x2x512x32xf32, #tpu.memory_space<vmem>> -> memref<1x1x512x32xf32, #tpu.memory_space<vmem>>
        %get3A_459 = tpu.memref_squeeze %get3A_458 : memref<1x1x512x32xf32, #tpu.memory_space<vmem>> -> memref<512x32xf32, #tpu.memory_space<vmem>>
        %get3A_460 = arith.index_cast %add3A_455 : i32 to index
        %get3A_461 = arith.constant 0 : index
        %get3A_462 = tpu.vector_load %get3A_459[%get3A_460, %get3A_461] {strides = array<i32>} : memref<512x32xf32, #tpu.memory_space<vmem>>, vector<16xf32>,
        %mul3A_463 = arith.constant 5.65685415 : f32
        %mul3A_464 = vector.broadcast %mul3A_463 : f32 to vector<16xf32>
        %mul3A_465 = arith.mulf %get3A_462, %mul3A_464 : vector<16xf32>
        %get3A_466 = arith.constant 0 : i32
        %get3A_467 = arith.constant 0 : i32
        %get3A_468 = tpu.memref_slice %arg6[%rem3A_179, %scan3A_315, %get3A_466, %get3A_467] : memref<2x2x512x32xf32, #tpu.memory_space<vmem>> -> memref<1x1x512x32xf32, #tpu.memory_space<vmem>>
        %get3A_469 = tpu.memref_squeeze %get3A_468 : memref<1x1x512x32xf32, #tpu.memory_space<vmem>> -> memref<512x32xf32, #tpu.memory_space<vmem>>
        %get3A_470 = arith.index_cast %add3A_455 : i32 to index
        %get3A_471 = arith.constant 16 : index
        %get3A_472 = tpu.vector_load %get3A_469[%get3A_470, %get3A_471] {strides = array<i32>} : memref<512x32xf32, #tpu.memory_space<vmem>>, vector<16xf32>,
        %mul3A_473 = arith.constant 5.65685415 : f32
        %mul3A_474 = vector.broadcast %mul3A_473 : f32 to vector<16xf32>
        %mul3A_475 = arith.mulf %get3A_472, %mul3A_474 : vector<16xf32>
        %broadcast_in_dim3A_476 = arith.constant 0 : i32
        %broadcast_in_dim3A_477 = vector.broadcast %broadcast_in_dim3A_476 : i32 to vector<16xi32>
        %add3A_478 = vector.broadcast %add3A_453 : i32 to vector<16xi32>
        %add3A_479 = arith.addi %broadcast_in_dim3A_477, %add3A_478 : vector<16xi32>
        %scatter3A_480 = arith.constant 0 : i32
        %scatter3A_481 = arith.constant 0 : i32
        %scatter3A_482 = arith.constant 0 : i32
        %scatter3A_483 = arith.constant 0 : i32
        %scatter3A_484 = tpu.memref_slice %arg7[%rem3A_299, %scatter3A_480, %scatter3A_481, %scatter3A_482, %scatter3A_483] : memref<3x4x4x8x129xf32, #tpu.memory_space<vmem>> -> memref<1x4x4x8x129xf32, #tpu.memory_space<vmem>>
        %scatter3A_485 = tpu.memref_squeeze %scatter3A_484 : memref<1x4x4x8x129xf32, #tpu.memory_space<vmem>> -> memref<4x4x8x129xf32, #tpu.memory_space<vmem>>
        tpu.vector_store_idx %scatter3A_485[%shift_right_logical3A_186, %broadcast_in_dim3A_314, %and3A_188, %add3A_479], %mul3A_465 : memref<4x4x8x129xf32, #tpu.memory_space<vmem>>[vector<16xi32>, vector<16xi32>, vector<16xi32>, vector<16xi32>], vector<16xf32>,
        %scatter3A_486 = arith.constant 0 : i32
        %scatter3A_487 = arith.constant 0 : i32
        %scatter3A_488 = arith.constant 0 : i32
        %scatter3A_489 = arith.constant 0 : i32
        %scatter3A_490 = tpu.memref_slice %arg7[%rem3A_299, %scatter3A_486, %scatter3A_487, %scatter3A_488, %scatter3A_489] : memref<3x4x4x8x129xf32, #tpu.memory_space<vmem>> -> memref<1x4x4x8x129xf32, #tpu.memory_space<vmem>>
        %scatter3A_491 = tpu.memref_squeeze %scatter3A_490 : memref<1x4x4x8x129xf32, #tpu.memory_space<vmem>> -> memref<4x4x8x129xf32, #tpu.memory_space<vmem>>
        tpu.vector_store_idx %scatter3A_491[%add3A_191, %broadcast_in_dim3A_314, %and3A_188, %add3A_479], %mul3A_475 : memref<4x4x8x129xf32, #tpu.memory_space<vmem>>[vector<16xi32>, vector<16xi32>, vector<16xi32>, vector<16xi32>], vector<16xf32>,
        %scan3A_492 = arith.constant 3 : i32
        %scan3A_493 = arith.addi %scan3A_363, %scan3A_492 : i32
        %mul3A_494 = arith.constant 1 : i32
        %mul3A_495 = arith.muli %scan3A_493, %mul3A_494 : i32
        %add3A_496 = arith.constant 0 : i32
        %add3A_497 = arith.addi %add3A_496, %mul3A_495 : i32
        %add3A_498 = arith.constant 128 : i32
        %add3A_499 = arith.addi %add3A_498, %add3A_497 : i32
        %get3A_500 = arith.constant 0 : i32
        %get3A_501 = arith.constant 0 : i32
        %get3A_502 = tpu.memref_slice %arg6[%rem3A_179, %scan3A_315, %get3A_500, %get3A_501] : memref<2x2x512x32xf32, #tpu.memory_space<vmem>> -> memref<1x1x512x32xf32, #tpu.memory_space<vmem>>
        %get3A_503 = tpu.memref_squeeze %get3A_502 : memref<1x1x512x32xf32, #tpu.memory_space<vmem>> -> memref<512x32xf32, #tpu.memory_space<vmem>>
        %get3A_504 = arith.index_cast %add3A_499 : i32 to index
        %get3A_505 = arith.constant 0 : index
        %get3A_506 = tpu.vector_load %get3A_503[%get3A_504, %get3A_505] {strides = array<i32>} : memref<512x32xf32, #tpu.memory_space<vmem>>, vector<16xf32>,
        %mul3A_507 = arith.constant 5.65685415 : f32
        %mul3A_508 = vector.broadcast %mul3A_507 : f32 to vector<16xf32>
        %mul3A_509 = arith.mulf %get3A_506, %mul3A_508 : vector<16xf32>
        %get3A_510 = arith.constant 0 : i32
        %get3A_511 = arith.constant 0 : i32
        %get3A_512 = tpu.memref_slice %arg6[%rem3A_179, %scan3A_315, %get3A_510, %get3A_511] : memref<2x2x512x32xf32, #tpu.memory_space<vmem>> -> memref<1x1x512x32xf32, #tpu.memory_space<vmem>>
        %get3A_513 = tpu.memref_squeeze %get3A_512 : memref<1x1x512x32xf32, #tpu.memory_space<vmem>> -> memref<512x32xf32, #tpu.memory_space<vmem>>
        %get3A_514 = arith.index_cast %add3A_499 : i32 to index
        %get3A_515 = arith.constant 16 : index
        %get3A_516 = tpu.vector_load %get3A_513[%get3A_514, %get3A_515] {strides = array<i32>} : memref<512x32xf32, #tpu.memory_space<vmem>>, vector<16xf32>,
        %mul3A_517 = arith.constant 5.65685415 : f32
        %mul3A_518 = vector.broadcast %mul3A_517 : f32 to vector<16xf32>
        %mul3A_519 = arith.mulf %get3A_516, %mul3A_518 : vector<16xf32>
        %broadcast_in_dim3A_520 = arith.constant 0 : i32
        %broadcast_in_dim3A_521 = vector.broadcast %broadcast_in_dim3A_520 : i32 to vector<16xi32>
        %add3A_522 = vector.broadcast %add3A_497 : i32 to vector<16xi32>
        %add3A_523 = arith.addi %broadcast_in_dim3A_521, %add3A_522 : vector<16xi32>
        %scatter3A_524 = arith.constant 0 : i32
        %scatter3A_525 = arith.constant 0 : i32
        %scatter3A_526 = arith.constant 0 : i32
        %scatter3A_527 = arith.constant 0 : i32
        %scatter3A_528 = tpu.memref_slice %arg7[%rem3A_299, %scatter3A_524, %scatter3A_525, %scatter3A_526, %scatter3A_527] : memref<3x4x4x8x129xf32, #tpu.memory_space<vmem>> -> memref<1x4x4x8x129xf32, #tpu.memory_space<vmem>>
        %scatter3A_529 = tpu.memref_squeeze %scatter3A_528 : memref<1x4x4x8x129xf32, #tpu.memory_space<vmem>> -> memref<4x4x8x129xf32, #tpu.memory_space<vmem>>
        tpu.vector_store_idx %scatter3A_529[%shift_right_logical3A_186, %broadcast_in_dim3A_314, %and3A_188, %add3A_523], %mul3A_509 : memref<4x4x8x129xf32, #tpu.memory_space<vmem>>[vector<16xi32>, vector<16xi32>, vector<16xi32>, vector<16xi32>], vector<16xf32>,
        %scatter3A_530 = arith.constant 0 : i32
        %scatter3A_531 = arith.constant 0 : i32
        %scatter3A_532 = arith.constant 0 : i32
        %scatter3A_533 = arith.constant 0 : i32
        %scatter3A_534 = tpu.memref_slice %arg7[%rem3A_299, %scatter3A_530, %scatter3A_531, %scatter3A_532, %scatter3A_533] : memref<3x4x4x8x129xf32, #tpu.memory_space<vmem>> -> memref<1x4x4x8x129xf32, #tpu.memory_space<vmem>>
        %scatter3A_535 = tpu.memref_squeeze %scatter3A_534 : memref<1x4x4x8x129xf32, #tpu.memory_space<vmem>> -> memref<4x4x8x129xf32, #tpu.memory_space<vmem>>
        tpu.vector_store_idx %scatter3A_535[%add3A_191, %broadcast_in_dim3A_314, %and3A_188, %add3A_523], %mul3A_519 : memref<4x4x8x129xf32, #tpu.memory_space<vmem>>[vector<16xi32>, vector<16xi32>, vector<16xi32>, vector<16xi32>], vector<16xf32>,
        %scan3A_536 = arith.constant 4 : i32
        %scan3A_537 = arith.addi %scan3A_363, %scan3A_536 : i32
        %mul3A_538 = arith.constant 1 : i32
        %mul3A_539 = arith.muli %scan3A_537, %mul3A_538 : i32
        %add3A_540 = arith.constant 0 : i32
        %add3A_541 = arith.addi %add3A_540, %mul3A_539 : i32
        %add3A_542 = arith.constant 128 : i32
        %add3A_543 = arith.addi %add3A_542, %add3A_541 : i32
        %get3A_544 = arith.constant 0 : i32
        %get3A_545 = arith.constant 0 : i32
        %get3A_546 = tpu.memref_slice %arg6[%rem3A_179, %scan3A_315, %get3A_544, %get3A_545] : memref<2x2x512x32xf32, #tpu.memory_space<vmem>> -> memref<1x1x512x32xf32, #tpu.memory_space<vmem>>
        %get3A_547 = tpu.memref_squeeze %get3A_546 : memref<1x1x512x32xf32, #tpu.memory_space<vmem>> -> memref<512x32xf32, #tpu.memory_space<vmem>>
        %get3A_548 = arith.index_cast %add3A_543 : i32 to index
        %get3A_549 = arith.constant 0 : index
        %get3A_550 = tpu.vector_load %get3A_547[%get3A_548, %get3A_549] {strides = array<i32>} : memref<512x32xf32, #tpu.memory_space<vmem>>, vector<16xf32>,
        %mul3A_551 = arith.constant 5.65685415 : f32
        %mul3A_552 = vector.broadcast %mul3A_551 : f32 to vector<16xf32>
        %mul3A_553 = arith.mulf %get3A_550, %mul3A_552 : vector<16xf32>
        %get3A_554 = arith.constant 0 : i32
        %get3A_555 = arith.constant 0 : i32
        %get3A_556 = tpu.memref_slice %arg6[%rem3A_179, %scan3A_315, %get3A_554, %get3A_555] : memref<2x2x512x32xf32, #tpu.memory_space<vmem>> -> memref<1x1x512x32xf32, #tpu.memory_space<vmem>>
        %get3A_557 = tpu.memref_squeeze %get3A_556 : memref<1x1x512x32xf32, #tpu.memory_space<vmem>> -> memref<512x32xf32, #tpu.memory_space<vmem>>
        %get3A_558 = arith.index_cast %add3A_543 : i32 to index
        %get3A_559 = arith.constant 16 : index
        %get3A_560 = tpu.vector_load %get3A_557[%get3A_558, %get3A_559] {strides = array<i32>} : memref<512x32xf32, #tpu.memory_space<vmem>>, vector<16xf32>,
        %mul3A_561 = arith.constant 5.65685415 : f32
        %mul3A_562 = vector.broadcast %mul3A_561 : f32 to vector<16xf32>
        %mul3A_563 = arith.mulf %get3A_560, %mul3A_562 : vector<16xf32>
        %broadcast_in_dim3A_564 = arith.constant 0 : i32
        %broadcast_in_dim3A_565 = vector.broadcast %broadcast_in_dim3A_564 : i32 to vector<16xi32>
        %add3A_566 = vector.broadcast %add3A_541 : i32 to vector<16xi32>
        %add3A_567 = arith.addi %broadcast_in_dim3A_565, %add3A_566 : vector<16xi32>
        %scatter3A_568 = arith.constant 0 : i32
        %scatter3A_569 = arith.constant 0 : i32
        %scatter3A_570 = arith.constant 0 : i32
        %scatter3A_571 = arith.constant 0 : i32
        %scatter3A_572 = tpu.memref_slice %arg7[%rem3A_299, %scatter3A_568, %scatter3A_569, %scatter3A_570, %scatter3A_571] : memref<3x4x4x8x129xf32, #tpu.memory_space<vmem>> -> memref<1x4x4x8x129xf32, #tpu.memory_space<vmem>>
        %scatter3A_573 = tpu.memref_squeeze %scatter3A_572 : memref<1x4x4x8x129xf32, #tpu.memory_space<vmem>> -> memref<4x4x8x129xf32, #tpu.memory_space<vmem>>
        tpu.vector_store_idx %scatter3A_573[%shift_right_logical3A_186, %broadcast_in_dim3A_314, %and3A_188, %add3A_567], %mul3A_553 : memref<4x4x8x129xf32, #tpu.memory_space<vmem>>[vector<16xi32>, vector<16xi32>, vector<16xi32>, vector<16xi32>], vector<16xf32>,
        %scatter3A_574 = arith.constant 0 : i32
        %scatter3A_575 = arith.constant 0 : i32
        %scatter3A_576 = arith.constant 0 : i32
        %scatter3A_577 = arith.constant 0 : i32
        %scatter3A_578 = tpu.memref_slice %arg7[%rem3A_299, %scatter3A_574, %scatter3A_575, %scatter3A_576, %scatter3A_577] : memref<3x4x4x8x129xf32, #tpu.memory_space<vmem>> -> memref<1x4x4x8x129xf32, #tpu.memory_space<vmem>>
        %scatter3A_579 = tpu.memref_squeeze %scatter3A_578 : memref<1x4x4x8x129xf32, #tpu.memory_space<vmem>> -> memref<4x4x8x129xf32, #tpu.memory_space<vmem>>
        tpu.vector_store_idx %scatter3A_579[%add3A_191, %broadcast_in_dim3A_314, %and3A_188, %add3A_567], %mul3A_563 : memref<4x4x8x129xf32, #tpu.memory_space<vmem>>[vector<16xi32>, vector<16xi32>, vector<16xi32>, vector<16xi32>], vector<16xf32>,
        %scan3A_580 = arith.constant 5 : i32
        %scan3A_581 = arith.addi %scan3A_363, %scan3A_580 : i32
        %mul3A_582 = arith.constant 1 : i32
        %mul3A_583 = arith.muli %scan3A_581, %mul3A_582 : i32
        %add3A_584 = arith.constant 0 : i32
        %add3A_585 = arith.addi %add3A_584, %mul3A_583 : i32
        %add3A_586 = arith.constant 128 : i32
        %add3A_587 = arith.addi %add3A_586, %add3A_585 : i32
        %get3A_588 = arith.constant 0 : i32
        %get3A_589 = arith.constant 0 : i32
        %get3A_590 = tpu.memref_slice %arg6[%rem3A_179, %scan3A_315, %get3A_588, %get3A_589] : memref<2x2x512x32xf32, #tpu.memory_space<vmem>> -> memref<1x1x512x32xf32, #tpu.memory_space<vmem>>
        %get3A_591 = tpu.memref_squeeze %get3A_590 : memref<1x1x512x32xf32, #tpu.memory_space<vmem>> -> memref<512x32xf32, #tpu.memory_space<vmem>>
        %get3A_592 = arith.index_cast %add3A_587 : i32 to index
        %get3A_593 = arith.constant 0 : index
        %get3A_594 = tpu.vector_load %get3A_591[%get3A_592, %get3A_593] {strides = array<i32>} : memref<512x32xf32, #tpu.memory_space<vmem>>, vector<16xf32>,
        %mul3A_595 = arith.constant 5.65685415 : f32
        %mul3A_596 = vector.broadcast %mul3A_595 : f32 to vector<16xf32>
        %mul3A_597 = arith.mulf %get3A_594, %mul3A_596 : vector<16xf32>
        %get3A_598 = arith.constant 0 : i32
        %get3A_599 = arith.constant 0 : i32
        %get3A_600 = tpu.memref_slice %arg6[%rem3A_179, %scan3A_315, %get3A_598, %get3A_599] : memref<2x2x512x32xf32, #tpu.memory_space<vmem>> -> memref<1x1x512x32xf32, #tpu.memory_space<vmem>>
        %get3A_601 = tpu.memref_squeeze %get3A_600 : memref<1x1x512x32xf32, #tpu.memory_space<vmem>> -> memref<512x32xf32, #tpu.memory_space<vmem>>
        %get3A_602 = arith.index_cast %add3A_587 : i32 to index
        %get3A_603 = arith.constant 16 : index
        %get3A_604 = tpu.vector_load %get3A_601[%get3A_602, %get3A_603] {strides = array<i32>} : memref<512x32xf32, #tpu.memory_space<vmem>>, vector<16xf32>,
        %mul3A_605 = arith.constant 5.65685415 : f32
        %mul3A_606 = vector.broadcast %mul3A_605 : f32 to vector<16xf32>
        %mul3A_607 = arith.mulf %get3A_604, %mul3A_606 : vector<16xf32>
        %broadcast_in_dim3A_608 = arith.constant 0 : i32
        %broadcast_in_dim3A_609 = vector.broadcast %broadcast_in_dim3A_608 : i32 to vector<16xi32>
        %add3A_610 = vector.broadcast %add3A_585 : i32 to vector<16xi32>
        %add3A_611 = arith.addi %broadcast_in_dim3A_609, %add3A_610 : vector<16xi32>
        %scatter3A_612 = arith.constant 0 : i32
        %scatter3A_613 = arith.constant 0 : i32
        %scatter3A_614 = arith.constant 0 : i32
        %scatter3A_615 = arith.constant 0 : i32
        %scatter3A_616 = tpu.memref_slice %arg7[%rem3A_299, %scatter3A_612, %scatter3A_613, %scatter3A_614, %scatter3A_615] : memref<3x4x4x8x129xf32, #tpu.memory_space<vmem>> -> memref<1x4x4x8x129xf32, #tpu.memory_space<vmem>>
        %scatter3A_617 = tpu.memref_squeeze %scatter3A_616 : memref<1x4x4x8x129xf32, #tpu.memory_space<vmem>> -> memref<4x4x8x129xf32, #tpu.memory_space<vmem>>
        tpu.vector_store_idx %scatter3A_617[%shift_right_logical3A_186, %broadcast_in_dim3A_314, %and3A_188, %add3A_611], %mul3A_597 : memref<4x4x8x129xf32, #tpu.memory_space<vmem>>[vector<16xi32>, vector<16xi32>, vector<16xi32>, vector<16xi32>], vector<16xf32>,
        %scatter3A_618 = arith.constant 0 : i32
        %scatter3A_619 = arith.constant 0 : i32
        %scatter3A_620 = arith.constant 0 : i32
        %scatter3A_621 = arith.constant 0 : i32
        %scatter3A_622 = tpu.memref_slice %arg7[%rem3A_299, %scatter3A_618, %scatter3A_619, %scatter3A_620, %scatter3A_621] : memref<3x4x4x8x129xf32, #tpu.memory_space<vmem>> -> memref<1x4x4x8x129xf32, #tpu.memory_space<vmem>>
        %scatter3A_623 = tpu.memref_squeeze %scatter3A_622 : memref<1x4x4x8x129xf32, #tpu.memory_space<vmem>> -> memref<4x4x8x129xf32, #tpu.memory_space<vmem>>
        tpu.vector_store_idx %scatter3A_623[%add3A_191, %broadcast_in_dim3A_314, %and3A_188, %add3A_611], %mul3A_607 : memref<4x4x8x129xf32, #tpu.memory_space<vmem>>[vector<16xi32>, vector<16xi32>, vector<16xi32>, vector<16xi32>], vector<16xf32>,
        %scan3A_624 = arith.constant 6 : i32
        %scan3A_625 = arith.addi %scan3A_363, %scan3A_624 : i32
        %mul3A_626 = arith.constant 1 : i32
        %mul3A_627 = arith.muli %scan3A_625, %mul3A_626 : i32
        %add3A_628 = arith.constant 0 : i32
        %add3A_629 = arith.addi %add3A_628, %mul3A_627 : i32
        %add3A_630 = arith.constant 128 : i32
        %add3A_631 = arith.addi %add3A_630, %add3A_629 : i32
        %get3A_632 = arith.constant 0 : i32
        %get3A_633 = arith.constant 0 : i32
        %get3A_634 = tpu.memref_slice %arg6[%rem3A_179, %scan3A_315, %get3A_632, %get3A_633] : memref<2x2x512x32xf32, #tpu.memory_space<vmem>> -> memref<1x1x512x32xf32, #tpu.memory_space<vmem>>
        %get3A_635 = tpu.memref_squeeze %get3A_634 : memref<1x1x512x32xf32, #tpu.memory_space<vmem>> -> memref<512x32xf32, #tpu.memory_space<vmem>>
        %get3A_636 = arith.index_cast %add3A_631 : i32 to index
        %get3A_637 = arith.constant 0 : index
        %get3A_638 = tpu.vector_load %get3A_635[%get3A_636, %get3A_637] {strides = array<i32>} : memref<512x32xf32, #tpu.memory_space<vmem>>, vector<16xf32>,
        %mul3A_639 = arith.constant 5.65685415 : f32
        %mul3A_640 = vector.broadcast %mul3A_639 : f32 to vector<16xf32>
        %mul3A_641 = arith.mulf %get3A_638, %mul3A_640 : vector<16xf32>
        %get3A_642 = arith.constant 0 : i32
        %get3A_643 = arith.constant 0 : i32
        %get3A_644 = tpu.memref_slice %arg6[%rem3A_179, %scan3A_315, %get3A_642, %get3A_643] : memref<2x2x512x32xf32, #tpu.memory_space<vmem>> -> memref<1x1x512x32xf32, #tpu.memory_space<vmem>>
        %get3A_645 = tpu.memref_squeeze %get3A_644 : memref<1x1x512x32xf32, #tpu.memory_space<vmem>> -> memref<512x32xf32, #tpu.memory_space<vmem>>
        %get3A_646 = arith.index_cast %add3A_631 : i32 to index
        %get3A_647 = arith.constant 16 : index
        %get3A_648 = tpu.vector_load %get3A_645[%get3A_646, %get3A_647] {strides = array<i32>} : memref<512x32xf32, #tpu.memory_space<vmem>>, vector<16xf32>,
        %mul3A_649 = arith.constant 5.65685415 : f32
        %mul3A_650 = vector.broadcast %mul3A_649 : f32 to vector<16xf32>
        %mul3A_651 = arith.mulf %get3A_648, %mul3A_650 : vector<16xf32>
        %broadcast_in_dim3A_652 = arith.constant 0 : i32
        %broadcast_in_dim3A_653 = vector.broadcast %broadcast_in_dim3A_652 : i32 to vector<16xi32>
        %add3A_654 = vector.broadcast %add3A_629 : i32 to vector<16xi32>
        %add3A_655 = arith.addi %broadcast_in_dim3A_653, %add3A_654 : vector<16xi32>
        %scatter3A_656 = arith.constant 0 : i32
        %scatter3A_657 = arith.constant 0 : i32
        %scatter3A_658 = arith.constant 0 : i32
        %scatter3A_659 = arith.constant 0 : i32
        %scatter3A_660 = tpu.memref_slice %arg7[%rem3A_299, %scatter3A_656, %scatter3A_657, %scatter3A_658, %scatter3A_659] : memref<3x4x4x8x129xf32, #tpu.memory_space<vmem>> -> memref<1x4x4x8x129xf32, #tpu.memory_space<vmem>>
        %scatter3A_661 = tpu.memref_squeeze %scatter3A_660 : memref<1x4x4x8x129xf32, #tpu.memory_space<vmem>> -> memref<4x4x8x129xf32, #tpu.memory_space<vmem>>
        tpu.vector_store_idx %scatter3A_661[%shift_right_logical3A_186, %broadcast_in_dim3A_314, %and3A_188, %add3A_655], %mul3A_641 : memref<4x4x8x129xf32, #tpu.memory_space<vmem>>[vector<16xi32>, vector<16xi32>, vector<16xi32>, vector<16xi32>], vector<16xf32>,
        %scatter3A_662 = arith.constant 0 : i32
        %scatter3A_663 = arith.constant 0 : i32
        %scatter3A_664 = arith.constant 0 : i32
        %scatter3A_665 = arith.constant 0 : i32
        %scatter3A_666 = tpu.memref_slice %arg7[%rem3A_299, %scatter3A_662, %scatter3A_663, %scatter3A_664, %scatter3A_665] : memref<3x4x4x8x129xf32, #tpu.memory_space<vmem>> -> memref<1x4x4x8x129xf32, #tpu.memory_space<vmem>>
        %scatter3A_667 = tpu.memref_squeeze %scatter3A_666 : memref<1x4x4x8x129xf32, #tpu.memory_space<vmem>> -> memref<4x4x8x129xf32, #tpu.memory_space<vmem>>
        tpu.vector_store_idx %scatter3A_667[%add3A_191, %broadcast_in_dim3A_314, %and3A_188, %add3A_655], %mul3A_651 : memref<4x4x8x129xf32, #tpu.memory_space<vmem>>[vector<16xi32>, vector<16xi32>, vector<16xi32>, vector<16xi32>], vector<16xf32>,
        %scan3A_668 = arith.constant 7 : i32
        %scan3A_669 = arith.addi %scan3A_363, %scan3A_668 : i32
        %mul3A_670 = arith.constant 1 : i32
        %mul3A_671 = arith.muli %scan3A_669, %mul3A_670 : i32
        %add3A_672 = arith.constant 0 : i32
        %add3A_673 = arith.addi %add3A_672, %mul3A_671 : i32
        %add3A_674 = arith.constant 128 : i32
        %add3A_675 = arith.addi %add3A_674, %add3A_673 : i32
        %get3A_676 = arith.constant 0 : i32
        %get3A_677 = arith.constant 0 : i32
        %get3A_678 = tpu.memref_slice %arg6[%rem3A_179, %scan3A_315, %get3A_676, %get3A_677] : memref<2x2x512x32xf32, #tpu.memory_space<vmem>> -> memref<1x1x512x32xf32, #tpu.memory_space<vmem>>
        %get3A_679 = tpu.memref_squeeze %get3A_678 : memref<1x1x512x32xf32, #tpu.memory_space<vmem>> -> memref<512x32xf32, #tpu.memory_space<vmem>>
        %get3A_680 = arith.index_cast %add3A_675 : i32 to index
        %get3A_681 = arith.constant 0 : index
        %get3A_682 = tpu.vector_load %get3A_679[%get3A_680, %get3A_681] {strides = array<i32>} : memref<512x32xf32, #tpu.memory_space<vmem>>, vector<16xf32>,
        %mul3A_683 = arith.constant 5.65685415 : f32
        %mul3A_684 = vector.broadcast %mul3A_683 : f32 to vector<16xf32>
        %mul3A_685 = arith.mulf %get3A_682, %mul3A_684 : vector<16xf32>
        %get3A_686 = arith.constant 0 : i32
        %get3A_687 = arith.constant 0 : i32
        %get3A_688 = tpu.memref_slice %arg6[%rem3A_179, %scan3A_315, %get3A_686, %get3A_687] : memref<2x2x512x32xf32, #tpu.memory_space<vmem>> -> memref<1x1x512x32xf32, #tpu.memory_space<vmem>>
        %get3A_689 = tpu.memref_squeeze %get3A_688 : memref<1x1x512x32xf32, #tpu.memory_space<vmem>> -> memref<512x32xf32, #tpu.memory_space<vmem>>
        %get3A_690 = arith.index_cast %add3A_675 : i32 to index
        %get3A_691 = arith.constant 16 : index
        %get3A_692 = tpu.vector_load %get3A_689[%get3A_690, %get3A_691] {strides = array<i32>} : memref<512x32xf32, #tpu.memory_space<vmem>>, vector<16xf32>,
        %mul3A_693 = arith.constant 5.65685415 : f32
        %mul3A_694 = vector.broadcast %mul3A_693 : f32 to vector<16xf32>
        %mul3A_695 = arith.mulf %get3A_692, %mul3A_694 : vector<16xf32>
        %broadcast_in_dim3A_696 = arith.constant 0 : i32
        %broadcast_in_dim3A_697 = vector.broadcast %broadcast_in_dim3A_696 : i32 to vector<16xi32>
        %add3A_698 = vector.broadcast %add3A_673 : i32 to vector<16xi32>
        %add3A_699 = arith.addi %broadcast_in_dim3A_697, %add3A_698 : vector<16xi32>
        %scatter3A_700 = arith.constant 0 : i32
        %scatter3A_701 = arith.constant 0 : i32
        %scatter3A_702 = arith.constant 0 : i32
        %scatter3A_703 = arith.constant 0 : i32
        %scatter3A_704 = tpu.memref_slice %arg7[%rem3A_299, %scatter3A_700, %scatter3A_701, %scatter3A_702, %scatter3A_703] : memref<3x4x4x8x129xf32, #tpu.memory_space<vmem>> -> memref<1x4x4x8x129xf32, #tpu.memory_space<vmem>>
        %scatter3A_705 = tpu.memref_squeeze %scatter3A_704 : memref<1x4x4x8x129xf32, #tpu.memory_space<vmem>> -> memref<4x4x8x129xf32, #tpu.memory_space<vmem>>
        tpu.vector_store_idx %scatter3A_705[%shift_right_logical3A_186, %broadcast_in_dim3A_314, %and3A_188, %add3A_699], %mul3A_685 : memref<4x4x8x129xf32, #tpu.memory_space<vmem>>[vector<16xi32>, vector<16xi32>, vector<16xi32>, vector<16xi32>], vector<16xf32>,
        %scatter3A_706 = arith.constant 0 : i32
        %scatter3A_707 = arith.constant 0 : i32
        %scatter3A_708 = arith.constant 0 : i32
        %scatter3A_709 = arith.constant 0 : i32
        %scatter3A_710 = tpu.memref_slice %arg7[%rem3A_299, %scatter3A_706, %scatter3A_707, %scatter3A_708, %scatter3A_709] : memref<3x4x4x8x129xf32, #tpu.memory_space<vmem>> -> memref<1x4x4x8x129xf32, #tpu.memory_space<vmem>>
        %scatter3A_711 = tpu.memref_squeeze %scatter3A_710 : memref<1x4x4x8x129xf32, #tpu.memory_space<vmem>> -> memref<4x4x8x129xf32, #tpu.memory_space<vmem>>
        tpu.vector_store_idx %scatter3A_711[%add3A_191, %broadcast_in_dim3A_314, %and3A_188, %add3A_699], %mul3A_695 : memref<4x4x8x129xf32, #tpu.memory_space<vmem>>[vector<16xi32>, vector<16xi32>, vector<16xi32>, vector<16xi32>], vector<16xf32>,
      }
      %scan3A_320 = arith.constant 128 : i32
      %broadcast_in_dim3A_321 = arith.constant 2 : i32
      %broadcast_in_dim3A_322 = vector.broadcast %broadcast_in_dim3A_321 : i32 to vector<16xi32>
      %scan3A_323 = arith.constant 1 : i32
      %scan3A_324 = arith.constant 0 : i32
      %scan3A_325 = arith.constant 128 : i32
      %scan3A_326 = arith.addi %scan3A_324, %scan3A_325 : i32
      %scan3A_327 = arith.constant 8 : i32
      scf.for %scan3A_363 = %scan3A_324 to %scan3A_326 step %scan3A_327  : i32 {
        %mul3A_364 = arith.constant 1 : i32
        %mul3A_365 = arith.muli %scan3A_363, %mul3A_364 : i32
        %add3A_366 = arith.constant 0 : i32
        %add3A_367 = arith.addi %add3A_366, %mul3A_365 : i32
        %add3A_368 = arith.constant 256 : i32
        %add3A_369 = arith.addi %add3A_368, %add3A_367 : i32
        %get3A = arith.constant 0 : i32
        %get3A_370 = arith.constant 0 : i32
        %get3A_371 = tpu.memref_slice %arg6[%rem3A_179, %scan3A_323, %get3A, %get3A_370] : memref<2x2x512x32xf32, #tpu.memory_space<vmem>> -> memref<1x1x512x32xf32, #tpu.memory_space<vmem>>
        %get3A_372 = tpu.memref_squeeze %get3A_371 : memref<1x1x512x32xf32, #tpu.memory_space<vmem>> -> memref<512x32xf32, #tpu.memory_space<vmem>>
        %get3A_373 = arith.index_cast %add3A_369 : i32 to index
        %get3A_374 = arith.constant 0 : index
        %get3A_375 = tpu.vector_load %get3A_372[%get3A_373, %get3A_374] {strides = array<i32>} : memref<512x32xf32, #tpu.memory_space<vmem>>, vector<16xf32>,
        %mul3A_376 = arith.constant 5.65685415 : f32
        %mul3A_377 = vector.broadcast %mul3A_376 : f32 to vector<16xf32>
        %mul3A_378 = arith.mulf %get3A_375, %mul3A_377 : vector<16xf32>
        %get3A_379 = arith.constant 0 : i32
        %get3A_380 = arith.constant 0 : i32
        %get3A_381 = tpu.memref_slice %arg6[%rem3A_179, %scan3A_323, %get3A_379, %get3A_380] : memref<2x2x512x32xf32, #tpu.memory_space<vmem>> -> memref<1x1x512x32xf32, #tpu.memory_space<vmem>>
        %get3A_382 = tpu.memref_squeeze %get3A_381 : memref<1x1x512x32xf32, #tpu.memory_space<vmem>> -> memref<512x32xf32, #tpu.memory_space<vmem>>
        %get3A_383 = arith.index_cast %add3A_369 : i32 to index
        %get3A_384 = arith.constant 16 : index
        %get3A_385 = tpu.vector_load %get3A_382[%get3A_383, %get3A_384] {strides = array<i32>} : memref<512x32xf32, #tpu.memory_space<vmem>>, vector<16xf32>,
        %mul3A_386 = arith.constant 5.65685415 : f32
        %mul3A_387 = vector.broadcast %mul3A_386 : f32 to vector<16xf32>
        %mul3A_388 = arith.mulf %get3A_385, %mul3A_387 : vector<16xf32>
        %broadcast_in_dim3A_389 = arith.constant 0 : i32
        %broadcast_in_dim3A_390 = vector.broadcast %broadcast_in_dim3A_389 : i32 to vector<16xi32>
        %add3A_391 = vector.broadcast %add3A_367 : i32 to vector<16xi32>
        %add3A_392 = arith.addi %broadcast_in_dim3A_390, %add3A_391 : vector<16xi32>
        %scatter3A = arith.constant 0 : i32
        %scatter3A_393 = arith.constant 0 : i32
        %scatter3A_394 = arith.constant 0 : i32
        %scatter3A_395 = arith.constant 0 : i32
        %scatter3A_396 = tpu.memref_slice %arg7[%rem3A_299, %scatter3A, %scatter3A_393, %scatter3A_394, %scatter3A_395] : memref<3x4x4x8x129xf32, #tpu.memory_space<vmem>> -> memref<1x4x4x8x129xf32, #tpu.memory_space<vmem>>
        %scatter3A_397 = tpu.memref_squeeze %scatter3A_396 : memref<1x4x4x8x129xf32, #tpu.memory_space<vmem>> -> memref<4x4x8x129xf32, #tpu.memory_space<vmem>>
        tpu.vector_store_idx %scatter3A_397[%shift_right_logical3A_186, %broadcast_in_dim3A_322, %and3A_188, %add3A_392], %mul3A_378 : memref<4x4x8x129xf32, #tpu.memory_space<vmem>>[vector<16xi32>, vector<16xi32>, vector<16xi32>, vector<16xi32>], vector<16xf32>,
        %scatter3A_398 = arith.constant 0 : i32
        %scatter3A_399 = arith.constant 0 : i32
        %scatter3A_400 = arith.constant 0 : i32
        %scatter3A_401 = arith.constant 0 : i32
        %scatter3A_402 = tpu.memref_slice %arg7[%rem3A_299, %scatter3A_398, %scatter3A_399, %scatter3A_400, %scatter3A_401] : memref<3x4x4x8x129xf32, #tpu.memory_space<vmem>> -> memref<1x4x4x8x129xf32, #tpu.memory_space<vmem>>
        %scatter3A_403 = tpu.memref_squeeze %scatter3A_402 : memref<1x4x4x8x129xf32, #tpu.memory_space<vmem>> -> memref<4x4x8x129xf32, #tpu.memory_space<vmem>>
        tpu.vector_store_idx %scatter3A_403[%add3A_191, %broadcast_in_dim3A_322, %and3A_188, %add3A_392], %mul3A_388 : memref<4x4x8x129xf32, #tpu.memory_space<vmem>>[vector<16xi32>, vector<16xi32>, vector<16xi32>, vector<16xi32>], vector<16xf32>,
        %scan3A_404 = arith.constant 1 : i32
        %scan3A_405 = arith.addi %scan3A_363, %scan3A_404 : i32
        %mul3A_406 = arith.constant 1 : i32
        %mul3A_407 = arith.muli %scan3A_405, %mul3A_406 : i32
        %add3A_408 = arith.constant 0 : i32
        %add3A_409 = arith.addi %add3A_408, %mul3A_407 : i32
        %add3A_410 = arith.constant 256 : i32
        %add3A_411 = arith.addi %add3A_410, %add3A_409 : i32
        %get3A_412 = arith.constant 0 : i32
        %get3A_413 = arith.constant 0 : i32
        %get3A_414 = tpu.memref_slice %arg6[%rem3A_179, %scan3A_323, %get3A_412, %get3A_413] : memref<2x2x512x32xf32, #tpu.memory_space<vmem>> -> memref<1x1x512x32xf32, #tpu.memory_space<vmem>>
        %get3A_415 = tpu.memref_squeeze %get3A_414 : memref<1x1x512x32xf32, #tpu.memory_space<vmem>> -> memref<512x32xf32, #tpu.memory_space<vmem>>
        %get3A_416 = arith.index_cast %add3A_411 : i32 to index
        %get3A_417 = arith.constant 0 : index
        %get3A_418 = tpu.vector_load %get3A_415[%get3A_416, %get3A_417] {strides = array<i32>} : memref<512x32xf32, #tpu.memory_space<vmem>>, vector<16xf32>,
        %mul3A_419 = arith.constant 5.65685415 : f32
        %mul3A_420 = vector.broadcast %mul3A_419 : f32 to vector<16xf32>
        %mul3A_421 = arith.mulf %get3A_418, %mul3A_420 : vector<16xf32>
        %get3A_422 = arith.constant 0 : i32
        %get3A_423 = arith.constant 0 : i32
        %get3A_424 = tpu.memref_slice %arg6[%rem3A_179, %scan3A_323, %get3A_422, %get3A_423] : memref<2x2x512x32xf32, #tpu.memory_space<vmem>> -> memref<1x1x512x32xf32, #tpu.memory_space<vmem>>
        %get3A_425 = tpu.memref_squeeze %get3A_424 : memref<1x1x512x32xf32, #tpu.memory_space<vmem>> -> memref<512x32xf32, #tpu.memory_space<vmem>>
        %get3A_426 = arith.index_cast %add3A_411 : i32 to index
        %get3A_427 = arith.constant 16 : index
        %get3A_428 = tpu.vector_load %get3A_425[%get3A_426, %get3A_427] {strides = array<i32>} : memref<512x32xf32, #tpu.memory_space<vmem>>, vector<16xf32>,
        %mul3A_429 = arith.constant 5.65685415 : f32
        %mul3A_430 = vector.broadcast %mul3A_429 : f32 to vector<16xf32>
        %mul3A_431 = arith.mulf %get3A_428, %mul3A_430 : vector<16xf32>
        %broadcast_in_dim3A_432 = arith.constant 0 : i32
        %broadcast_in_dim3A_433 = vector.broadcast %broadcast_in_dim3A_432 : i32 to vector<16xi32>
        %add3A_434 = vector.broadcast %add3A_409 : i32 to vector<16xi32>
        %add3A_435 = arith.addi %broadcast_in_dim3A_433, %add3A_434 : vector<16xi32>
        %scatter3A_436 = arith.constant 0 : i32
        %scatter3A_437 = arith.constant 0 : i32
        %scatter3A_438 = arith.constant 0 : i32
        %scatter3A_439 = arith.constant 0 : i32
        %scatter3A_440 = tpu.memref_slice %arg7[%rem3A_299, %scatter3A_436, %scatter3A_437, %scatter3A_438, %scatter3A_439] : memref<3x4x4x8x129xf32, #tpu.memory_space<vmem>> -> memref<1x4x4x8x129xf32, #tpu.memory_space<vmem>>
        %scatter3A_441 = tpu.memref_squeeze %scatter3A_440 : memref<1x4x4x8x129xf32, #tpu.memory_space<vmem>> -> memref<4x4x8x129xf32, #tpu.memory_space<vmem>>
        tpu.vector_store_idx %scatter3A_441[%shift_right_logical3A_186, %broadcast_in_dim3A_322, %and3A_188, %add3A_435], %mul3A_421 : memref<4x4x8x129xf32, #tpu.memory_space<vmem>>[vector<16xi32>, vector<16xi32>, vector<16xi32>, vector<16xi32>], vector<16xf32>,
        %scatter3A_442 = arith.constant 0 : i32
        %scatter3A_443 = arith.constant 0 : i32
        %scatter3A_444 = arith.constant 0 : i32
        %scatter3A_445 = arith.constant 0 : i32
        %scatter3A_446 = tpu.memref_slice %arg7[%rem3A_299, %scatter3A_442, %scatter3A_443, %scatter3A_444, %scatter3A_445] : memref<3x4x4x8x129xf32, #tpu.memory_space<vmem>> -> memref<1x4x4x8x129xf32, #tpu.memory_space<vmem>>
        %scatter3A_447 = tpu.memref_squeeze %scatter3A_446 : memref<1x4x4x8x129xf32, #tpu.memory_space<vmem>> -> memref<4x4x8x129xf32, #tpu.memory_space<vmem>>
        tpu.vector_store_idx %scatter3A_447[%add3A_191, %broadcast_in_dim3A_322, %and3A_188, %add3A_435], %mul3A_431 : memref<4x4x8x129xf32, #tpu.memory_space<vmem>>[vector<16xi32>, vector<16xi32>, vector<16xi32>, vector<16xi32>], vector<16xf32>,
        %scan3A_448 = arith.constant 2 : i32
        %scan3A_449 = arith.addi %scan3A_363, %scan3A_448 : i32
        %mul3A_450 = arith.constant 1 : i32
        %mul3A_451 = arith.muli %scan3A_449, %mul3A_450 : i32
        %add3A_452 = arith.constant 0 : i32
        %add3A_453 = arith.addi %add3A_452, %mul3A_451 : i32
        %add3A_454 = arith.constant 256 : i32
        %add3A_455 = arith.addi %add3A_454, %add3A_453 : i32
        %get3A_456 = arith.constant 0 : i32
        %get3A_457 = arith.constant 0 : i32
        %get3A_458 = tpu.memref_slice %arg6[%rem3A_179, %scan3A_323, %get3A_456, %get3A_457] : memref<2x2x512x32xf32, #tpu.memory_space<vmem>> -> memref<1x1x512x32xf32, #tpu.memory_space<vmem>>
        %get3A_459 = tpu.memref_squeeze %get3A_458 : memref<1x1x512x32xf32, #tpu.memory_space<vmem>> -> memref<512x32xf32, #tpu.memory_space<vmem>>
        %get3A_460 = arith.index_cast %add3A_455 : i32 to index
        %get3A_461 = arith.constant 0 : index
        %get3A_462 = tpu.vector_load %get3A_459[%get3A_460, %get3A_461] {strides = array<i32>} : memref<512x32xf32, #tpu.memory_space<vmem>>, vector<16xf32>,
        %mul3A_463 = arith.constant 5.65685415 : f32
        %mul3A_464 = vector.broadcast %mul3A_463 : f32 to vector<16xf32>
        %mul3A_465 = arith.mulf %get3A_462, %mul3A_464 : vector<16xf32>
        %get3A_466 = arith.constant 0 : i32
        %get3A_467 = arith.constant 0 : i32
        %get3A_468 = tpu.memref_slice %arg6[%rem3A_179, %scan3A_323, %get3A_466, %get3A_467] : memref<2x2x512x32xf32, #tpu.memory_space<vmem>> -> memref<1x1x512x32xf32, #tpu.memory_space<vmem>>
        %get3A_469 = tpu.memref_squeeze %get3A_468 : memref<1x1x512x32xf32, #tpu.memory_space<vmem>> -> memref<512x32xf32, #tpu.memory_space<vmem>>
        %get3A_470 = arith.index_cast %add3A_455 : i32 to index
        %get3A_471 = arith.constant 16 : index
        %get3A_472 = tpu.vector_load %get3A_469[%get3A_470, %get3A_471] {strides = array<i32>} : memref<512x32xf32, #tpu.memory_space<vmem>>, vector<16xf32>,
        %mul3A_473 = arith.constant 5.65685415 : f32
        %mul3A_474 = vector.broadcast %mul3A_473 : f32 to vector<16xf32>
        %mul3A_475 = arith.mulf %get3A_472, %mul3A_474 : vector<16xf32>
        %broadcast_in_dim3A_476 = arith.constant 0 : i32
        %broadcast_in_dim3A_477 = vector.broadcast %broadcast_in_dim3A_476 : i32 to vector<16xi32>
        %add3A_478 = vector.broadcast %add3A_453 : i32 to vector<16xi32>
        %add3A_479 = arith.addi %broadcast_in_dim3A_477, %add3A_478 : vector<16xi32>
        %scatter3A_480 = arith.constant 0 : i32
        %scatter3A_481 = arith.constant 0 : i32
        %scatter3A_482 = arith.constant 0 : i32
        %scatter3A_483 = arith.constant 0 : i32
        %scatter3A_484 = tpu.memref_slice %arg7[%rem3A_299, %scatter3A_480, %scatter3A_481, %scatter3A_482, %scatter3A_483] : memref<3x4x4x8x129xf32, #tpu.memory_space<vmem>> -> memref<1x4x4x8x129xf32, #tpu.memory_space<vmem>>
        %scatter3A_485 = tpu.memref_squeeze %scatter3A_484 : memref<1x4x4x8x129xf32, #tpu.memory_space<vmem>> -> memref<4x4x8x129xf32, #tpu.memory_space<vmem>>
        tpu.vector_store_idx %scatter3A_485[%shift_right_logical3A_186, %broadcast_in_dim3A_322, %and3A_188, %add3A_479], %mul3A_465 : memref<4x4x8x129xf32, #tpu.memory_space<vmem>>[vector<16xi32>, vector<16xi32>, vector<16xi32>, vector<16xi32>], vector<16xf32>,
        %scatter3A_486 = arith.constant 0 : i32
        %scatter3A_487 = arith.constant 0 : i32
        %scatter3A_488 = arith.constant 0 : i32
        %scatter3A_489 = arith.constant 0 : i32
        %scatter3A_490 = tpu.memref_slice %arg7[%rem3A_299, %scatter3A_486, %scatter3A_487, %scatter3A_488, %scatter3A_489] : memref<3x4x4x8x129xf32, #tpu.memory_space<vmem>> -> memref<1x4x4x8x129xf32, #tpu.memory_space<vmem>>
        %scatter3A_491 = tpu.memref_squeeze %scatter3A_490 : memref<1x4x4x8x129xf32, #tpu.memory_space<vmem>> -> memref<4x4x8x129xf32, #tpu.memory_space<vmem>>
        tpu.vector_store_idx %scatter3A_491[%add3A_191, %broadcast_in_dim3A_322, %and3A_188, %add3A_479], %mul3A_475 : memref<4x4x8x129xf32, #tpu.memory_space<vmem>>[vector<16xi32>, vector<16xi32>, vector<16xi32>, vector<16xi32>], vector<16xf32>,
        %scan3A_492 = arith.constant 3 : i32
        %scan3A_493 = arith.addi %scan3A_363, %scan3A_492 : i32
        %mul3A_494 = arith.constant 1 : i32
        %mul3A_495 = arith.muli %scan3A_493, %mul3A_494 : i32
        %add3A_496 = arith.constant 0 : i32
        %add3A_497 = arith.addi %add3A_496, %mul3A_495 : i32
        %add3A_498 = arith.constant 256 : i32
        %add3A_499 = arith.addi %add3A_498, %add3A_497 : i32
        %get3A_500 = arith.constant 0 : i32
        %get3A_501 = arith.constant 0 : i32
        %get3A_502 = tpu.memref_slice %arg6[%rem3A_179, %scan3A_323, %get3A_500, %get3A_501] : memref<2x2x512x32xf32, #tpu.memory_space<vmem>> -> memref<1x1x512x32xf32, #tpu.memory_space<vmem>>
        %get3A_503 = tpu.memref_squeeze %get3A_502 : memref<1x1x512x32xf32, #tpu.memory_space<vmem>> -> memref<512x32xf32, #tpu.memory_space<vmem>>
        %get3A_504 = arith.index_cast %add3A_499 : i32 to index
        %get3A_505 = arith.constant 0 : index
        %get3A_506 = tpu.vector_load %get3A_503[%get3A_504, %get3A_505] {strides = array<i32>} : memref<512x32xf32, #tpu.memory_space<vmem>>, vector<16xf32>,
        %mul3A_507 = arith.constant 5.65685415 : f32
        %mul3A_508 = vector.broadcast %mul3A_507 : f32 to vector<16xf32>
        %mul3A_509 = arith.mulf %get3A_506, %mul3A_508 : vector<16xf32>
        %get3A_510 = arith.constant 0 : i32
        %get3A_511 = arith.constant 0 : i32
        %get3A_512 = tpu.memref_slice %arg6[%rem3A_179, %scan3A_323, %get3A_510, %get3A_511] : memref<2x2x512x32xf32, #tpu.memory_space<vmem>> -> memref<1x1x512x32xf32, #tpu.memory_space<vmem>>
        %get3A_513 = tpu.memref_squeeze %get3A_512 : memref<1x1x512x32xf32, #tpu.memory_space<vmem>> -> memref<512x32xf32, #tpu.memory_space<vmem>>
        %get3A_514 = arith.index_cast %add3A_499 : i32 to index
        %get3A_515 = arith.constant 16 : index
        %get3A_516 = tpu.vector_load %get3A_513[%get3A_514, %get3A_515] {strides = array<i32>} : memref<512x32xf32, #tpu.memory_space<vmem>>, vector<16xf32>,
        %mul3A_517 = arith.constant 5.65685415 : f32
        %mul3A_518 = vector.broadcast %mul3A_517 : f32 to vector<16xf32>
        %mul3A_519 = arith.mulf %get3A_516, %mul3A_518 : vector<16xf32>
        %broadcast_in_dim3A_520 = arith.constant 0 : i32
        %broadcast_in_dim3A_521 = vector.broadcast %broadcast_in_dim3A_520 : i32 to vector<16xi32>
        %add3A_522 = vector.broadcast %add3A_497 : i32 to vector<16xi32>
        %add3A_523 = arith.addi %broadcast_in_dim3A_521, %add3A_522 : vector<16xi32>
        %scatter3A_524 = arith.constant 0 : i32
        %scatter3A_525 = arith.constant 0 : i32
        %scatter3A_526 = arith.constant 0 : i32
        %scatter3A_527 = arith.constant 0 : i32
        %scatter3A_528 = tpu.memref_slice %arg7[%rem3A_299, %scatter3A_524, %scatter3A_525, %scatter3A_526, %scatter3A_527] : memref<3x4x4x8x129xf32, #tpu.memory_space<vmem>> -> memref<1x4x4x8x129xf32, #tpu.memory_space<vmem>>
        %scatter3A_529 = tpu.memref_squeeze %scatter3A_528 : memref<1x4x4x8x129xf32, #tpu.memory_space<vmem>> -> memref<4x4x8x129xf32, #tpu.memory_space<vmem>>
        tpu.vector_store_idx %scatter3A_529[%shift_right_logical3A_186, %broadcast_in_dim3A_322, %and3A_188, %add3A_523], %mul3A_509 : memref<4x4x8x129xf32, #tpu.memory_space<vmem>>[vector<16xi32>, vector<16xi32>, vector<16xi32>, vector<16xi32>], vector<16xf32>,
        %scatter3A_530 = arith.constant 0 : i32
        %scatter3A_531 = arith.constant 0 : i32
        %scatter3A_532 = arith.constant 0 : i32
        %scatter3A_533 = arith.constant 0 : i32
        %scatter3A_534 = tpu.memref_slice %arg7[%rem3A_299, %scatter3A_530, %scatter3A_531, %scatter3A_532, %scatter3A_533] : memref<3x4x4x8x129xf32, #tpu.memory_space<vmem>> -> memref<1x4x4x8x129xf32, #tpu.memory_space<vmem>>
        %scatter3A_535 = tpu.memref_squeeze %scatter3A_534 : memref<1x4x4x8x129xf32, #tpu.memory_space<vmem>> -> memref<4x4x8x129xf32, #tpu.memory_space<vmem>>
        tpu.vector_store_idx %scatter3A_535[%add3A_191, %broadcast_in_dim3A_322, %and3A_188, %add3A_523], %mul3A_519 : memref<4x4x8x129xf32, #tpu.memory_space<vmem>>[vector<16xi32>, vector<16xi32>, vector<16xi32>, vector<16xi32>], vector<16xf32>,
        %scan3A_536 = arith.constant 4 : i32
        %scan3A_537 = arith.addi %scan3A_363, %scan3A_536 : i32
        %mul3A_538 = arith.constant 1 : i32
        %mul3A_539 = arith.muli %scan3A_537, %mul3A_538 : i32
        %add3A_540 = arith.constant 0 : i32
        %add3A_541 = arith.addi %add3A_540, %mul3A_539 : i32
        %add3A_542 = arith.constant 256 : i32
        %add3A_543 = arith.addi %add3A_542, %add3A_541 : i32
        %get3A_544 = arith.constant 0 : i32
        %get3A_545 = arith.constant 0 : i32
        %get3A_546 = tpu.memref_slice %arg6[%rem3A_179, %scan3A_323, %get3A_544, %get3A_545] : memref<2x2x512x32xf32, #tpu.memory_space<vmem>> -> memref<1x1x512x32xf32, #tpu.memory_space<vmem>>
        %get3A_547 = tpu.memref_squeeze %get3A_546 : memref<1x1x512x32xf32, #tpu.memory_space<vmem>> -> memref<512x32xf32, #tpu.memory_space<vmem>>
        %get3A_548 = arith.index_cast %add3A_543 : i32 to index
        %get3A_549 = arith.constant 0 : index
        %get3A_550 = tpu.vector_load %get3A_547[%get3A_548, %get3A_549] {strides = array<i32>} : memref<512x32xf32, #tpu.memory_space<vmem>>, vector<16xf32>,
        %mul3A_551 = arith.constant 5.65685415 : f32
        %mul3A_552 = vector.broadcast %mul3A_551 : f32 to vector<16xf32>
        %mul3A_553 = arith.mulf %get3A_550, %mul3A_552 : vector<16xf32>
        %get3A_554 = arith.constant 0 : i32
        %get3A_555 = arith.constant 0 : i32
        %get3A_556 = tpu.memref_slice %arg6[%rem3A_179, %scan3A_323, %get3A_554, %get3A_555] : memref<2x2x512x32xf32, #tpu.memory_space<vmem>> -> memref<1x1x512x32xf32, #tpu.memory_space<vmem>>
        %get3A_557 = tpu.memref_squeeze %get3A_556 : memref<1x1x512x32xf32, #tpu.memory_space<vmem>> -> memref<512x32xf32, #tpu.memory_space<vmem>>
        %get3A_558 = arith.index_cast %add3A_543 : i32 to index
        %get3A_559 = arith.constant 16 : index
        %get3A_560 = tpu.vector_load %get3A_557[%get3A_558, %get3A_559] {strides = array<i32>} : memref<512x32xf32, #tpu.memory_space<vmem>>, vector<16xf32>,
        %mul3A_561 = arith.constant 5.65685415 : f32
        %mul3A_562 = vector.broadcast %mul3A_561 : f32 to vector<16xf32>
        %mul3A_563 = arith.mulf %get3A_560, %mul3A_562 : vector<16xf32>
        %broadcast_in_dim3A_564 = arith.constant 0 : i32
        %broadcast_in_dim3A_565 = vector.broadcast %broadcast_in_dim3A_564 : i32 to vector<16xi32>
        %add3A_566 = vector.broadcast %add3A_541 : i32 to vector<16xi32>
        %add3A_567 = arith.addi %broadcast_in_dim3A_565, %add3A_566 : vector<16xi32>
        %scatter3A_568 = arith.constant 0 : i32
        %scatter3A_569 = arith.constant 0 : i32
        %scatter3A_570 = arith.constant 0 : i32
        %scatter3A_571 = arith.constant 0 : i32
        %scatter3A_572 = tpu.memref_slice %arg7[%rem3A_299, %scatter3A_568, %scatter3A_569, %scatter3A_570, %scatter3A_571] : memref<3x4x4x8x129xf32, #tpu.memory_space<vmem>> -> memref<1x4x4x8x129xf32, #tpu.memory_space<vmem>>
        %scatter3A_573 = tpu.memref_squeeze %scatter3A_572 : memref<1x4x4x8x129xf32, #tpu.memory_space<vmem>> -> memref<4x4x8x129xf32, #tpu.memory_space<vmem>>
        tpu.vector_store_idx %scatter3A_573[%shift_right_logical3A_186, %broadcast_in_dim3A_322, %and3A_188, %add3A_567], %mul3A_553 : memref<4x4x8x129xf32, #tpu.memory_space<vmem>>[vector<16xi32>, vector<16xi32>, vector<16xi32>, vector<16xi32>], vector<16xf32>,
        %scatter3A_574 = arith.constant 0 : i32
        %scatter3A_575 = arith.constant 0 : i32
        %scatter3A_576 = arith.constant 0 : i32
        %scatter3A_577 = arith.constant 0 : i32
        %scatter3A_578 = tpu.memref_slice %arg7[%rem3A_299, %scatter3A_574, %scatter3A_575, %scatter3A_576, %scatter3A_577] : memref<3x4x4x8x129xf32, #tpu.memory_space<vmem>> -> memref<1x4x4x8x129xf32, #tpu.memory_space<vmem>>
        %scatter3A_579 = tpu.memref_squeeze %scatter3A_578 : memref<1x4x4x8x129xf32, #tpu.memory_space<vmem>> -> memref<4x4x8x129xf32, #tpu.memory_space<vmem>>
        tpu.vector_store_idx %scatter3A_579[%add3A_191, %broadcast_in_dim3A_322, %and3A_188, %add3A_567], %mul3A_563 : memref<4x4x8x129xf32, #tpu.memory_space<vmem>>[vector<16xi32>, vector<16xi32>, vector<16xi32>, vector<16xi32>], vector<16xf32>,
        %scan3A_580 = arith.constant 5 : i32
        %scan3A_581 = arith.addi %scan3A_363, %scan3A_580 : i32
        %mul3A_582 = arith.constant 1 : i32
        %mul3A_583 = arith.muli %scan3A_581, %mul3A_582 : i32
        %add3A_584 = arith.constant 0 : i32
        %add3A_585 = arith.addi %add3A_584, %mul3A_583 : i32
        %add3A_586 = arith.constant 256 : i32
        %add3A_587 = arith.addi %add3A_586, %add3A_585 : i32
        %get3A_588 = arith.constant 0 : i32
        %get3A_589 = arith.constant 0 : i32
        %get3A_590 = tpu.memref_slice %arg6[%rem3A_179, %scan3A_323, %get3A_588, %get3A_589] : memref<2x2x512x32xf32, #tpu.memory_space<vmem>> -> memref<1x1x512x32xf32, #tpu.memory_space<vmem>>
        %get3A_591 = tpu.memref_squeeze %get3A_590 : memref<1x1x512x32xf32, #tpu.memory_space<vmem>> -> memref<512x32xf32, #tpu.memory_space<vmem>>
        %get3A_592 = arith.index_cast %add3A_587 : i32 to index
        %get3A_593 = arith.constant 0 : index
        %get3A_594 = tpu.vector_load %get3A_591[%get3A_592, %get3A_593] {strides = array<i32>} : memref<512x32xf32, #tpu.memory_space<vmem>>, vector<16xf32>,
        %mul3A_595 = arith.constant 5.65685415 : f32
        %mul3A_596 = vector.broadcast %mul3A_595 : f32 to vector<16xf32>
        %mul3A_597 = arith.mulf %get3A_594, %mul3A_596 : vector<16xf32>
        %get3A_598 = arith.constant 0 : i32
        %get3A_599 = arith.constant 0 : i32
        %get3A_600 = tpu.memref_slice %arg6[%rem3A_179, %scan3A_323, %get3A_598, %get3A_599] : memref<2x2x512x32xf32, #tpu.memory_space<vmem>> -> memref<1x1x512x32xf32, #tpu.memory_space<vmem>>
        %get3A_601 = tpu.memref_squeeze %get3A_600 : memref<1x1x512x32xf32, #tpu.memory_space<vmem>> -> memref<512x32xf32, #tpu.memory_space<vmem>>
        %get3A_602 = arith.index_cast %add3A_587 : i32 to index
        %get3A_603 = arith.constant 16 : index
        %get3A_604 = tpu.vector_load %get3A_601[%get3A_602, %get3A_603] {strides = array<i32>} : memref<512x32xf32, #tpu.memory_space<vmem>>, vector<16xf32>,
        %mul3A_605 = arith.constant 5.65685415 : f32
        %mul3A_606 = vector.broadcast %mul3A_605 : f32 to vector<16xf32>
        %mul3A_607 = arith.mulf %get3A_604, %mul3A_606 : vector<16xf32>
        %broadcast_in_dim3A_608 = arith.constant 0 : i32
        %broadcast_in_dim3A_609 = vector.broadcast %broadcast_in_dim3A_608 : i32 to vector<16xi32>
        %add3A_610 = vector.broadcast %add3A_585 : i32 to vector<16xi32>
        %add3A_611 = arith.addi %broadcast_in_dim3A_609, %add3A_610 : vector<16xi32>
        %scatter3A_612 = arith.constant 0 : i32
        %scatter3A_613 = arith.constant 0 : i32
        %scatter3A_614 = arith.constant 0 : i32
        %scatter3A_615 = arith.constant 0 : i32
        %scatter3A_616 = tpu.memref_slice %arg7[%rem3A_299, %scatter3A_612, %scatter3A_613, %scatter3A_614, %scatter3A_615] : memref<3x4x4x8x129xf32, #tpu.memory_space<vmem>> -> memref<1x4x4x8x129xf32, #tpu.memory_space<vmem>>
        %scatter3A_617 = tpu.memref_squeeze %scatter3A_616 : memref<1x4x4x8x129xf32, #tpu.memory_space<vmem>> -> memref<4x4x8x129xf32, #tpu.memory_space<vmem>>
        tpu.vector_store_idx %scatter3A_617[%shift_right_logical3A_186, %broadcast_in_dim3A_322, %and3A_188, %add3A_611], %mul3A_597 : memref<4x4x8x129xf32, #tpu.memory_space<vmem>>[vector<16xi32>, vector<16xi32>, vector<16xi32>, vector<16xi32>], vector<16xf32>,
        %scatter3A_618 = arith.constant 0 : i32
        %scatter3A_619 = arith.constant 0 : i32
        %scatter3A_620 = arith.constant 0 : i32
        %scatter3A_621 = arith.constant 0 : i32
        %scatter3A_622 = tpu.memref_slice %arg7[%rem3A_299, %scatter3A_618, %scatter3A_619, %scatter3A_620, %scatter3A_621] : memref<3x4x4x8x129xf32, #tpu.memory_space<vmem>> -> memref<1x4x4x8x129xf32, #tpu.memory_space<vmem>>
        %scatter3A_623 = tpu.memref_squeeze %scatter3A_622 : memref<1x4x4x8x129xf32, #tpu.memory_space<vmem>> -> memref<4x4x8x129xf32, #tpu.memory_space<vmem>>
        tpu.vector_store_idx %scatter3A_623[%add3A_191, %broadcast_in_dim3A_322, %and3A_188, %add3A_611], %mul3A_607 : memref<4x4x8x129xf32, #tpu.memory_space<vmem>>[vector<16xi32>, vector<16xi32>, vector<16xi32>, vector<16xi32>], vector<16xf32>,
        %scan3A_624 = arith.constant 6 : i32
        %scan3A_625 = arith.addi %scan3A_363, %scan3A_624 : i32
        %mul3A_626 = arith.constant 1 : i32
        %mul3A_627 = arith.muli %scan3A_625, %mul3A_626 : i32
        %add3A_628 = arith.constant 0 : i32
        %add3A_629 = arith.addi %add3A_628, %mul3A_627 : i32
        %add3A_630 = arith.constant 256 : i32
        %add3A_631 = arith.addi %add3A_630, %add3A_629 : i32
        %get3A_632 = arith.constant 0 : i32
        %get3A_633 = arith.constant 0 : i32
        %get3A_634 = tpu.memref_slice %arg6[%rem3A_179, %scan3A_323, %get3A_632, %get3A_633] : memref<2x2x512x32xf32, #tpu.memory_space<vmem>> -> memref<1x1x512x32xf32, #tpu.memory_space<vmem>>
        %get3A_635 = tpu.memref_squeeze %get3A_634 : memref<1x1x512x32xf32, #tpu.memory_space<vmem>> -> memref<512x32xf32, #tpu.memory_space<vmem>>
        %get3A_636 = arith.index_cast %add3A_631 : i32 to index
        %get3A_637 = arith.constant 0 : index
        %get3A_638 = tpu.vector_load %get3A_635[%get3A_636, %get3A_637] {strides = array<i32>} : memref<512x32xf32, #tpu.memory_space<vmem>>, vector<16xf32>,
        %mul3A_639 = arith.constant 5.65685415 : f32
        %mul3A_640 = vector.broadcast %mul3A_639 : f32 to vector<16xf32>
        %mul3A_641 = arith.mulf %get3A_638, %mul3A_640 : vector<16xf32>
        %get3A_642 = arith.constant 0 : i32
        %get3A_643 = arith.constant 0 : i32
        %get3A_644 = tpu.memref_slice %arg6[%rem3A_179, %scan3A_323, %get3A_642, %get3A_643] : memref<2x2x512x32xf32, #tpu.memory_space<vmem>> -> memref<1x1x512x32xf32, #tpu.memory_space<vmem>>
        %get3A_645 = tpu.memref_squeeze %get3A_644 : memref<1x1x512x32xf32, #tpu.memory_space<vmem>> -> memref<512x32xf32, #tpu.memory_space<vmem>>
        %get3A_646 = arith.index_cast %add3A_631 : i32 to index
        %get3A_647 = arith.constant 16 : index
        %get3A_648 = tpu.vector_load %get3A_645[%get3A_646, %get3A_647] {strides = array<i32>} : memref<512x32xf32, #tpu.memory_space<vmem>>, vector<16xf32>,
        %mul3A_649 = arith.constant 5.65685415 : f32
        %mul3A_650 = vector.broadcast %mul3A_649 : f32 to vector<16xf32>
        %mul3A_651 = arith.mulf %get3A_648, %mul3A_650 : vector<16xf32>
        %broadcast_in_dim3A_652 = arith.constant 0 : i32
        %broadcast_in_dim3A_653 = vector.broadcast %broadcast_in_dim3A_652 : i32 to vector<16xi32>
        %add3A_654 = vector.broadcast %add3A_629 : i32 to vector<16xi32>
        %add3A_655 = arith.addi %broadcast_in_dim3A_653, %add3A_654 : vector<16xi32>
        %scatter3A_656 = arith.constant 0 : i32
        %scatter3A_657 = arith.constant 0 : i32
        %scatter3A_658 = arith.constant 0 : i32
        %scatter3A_659 = arith.constant 0 : i32
        %scatter3A_660 = tpu.memref_slice %arg7[%rem3A_299, %scatter3A_656, %scatter3A_657, %scatter3A_658, %scatter3A_659] : memref<3x4x4x8x129xf32, #tpu.memory_space<vmem>> -> memref<1x4x4x8x129xf32, #tpu.memory_space<vmem>>
        %scatter3A_661 = tpu.memref_squeeze %scatter3A_660 : memref<1x4x4x8x129xf32, #tpu.memory_space<vmem>> -> memref<4x4x8x129xf32, #tpu.memory_space<vmem>>
        tpu.vector_store_idx %scatter3A_661[%shift_right_logical3A_186, %broadcast_in_dim3A_322, %and3A_188, %add3A_655], %mul3A_641 : memref<4x4x8x129xf32, #tpu.memory_space<vmem>>[vector<16xi32>, vector<16xi32>, vector<16xi32>, vector<16xi32>], vector<16xf32>,
        %scatter3A_662 = arith.constant 0 : i32
        %scatter3A_663 = arith.constant 0 : i32
        %scatter3A_664 = arith.constant 0 : i32
        %scatter3A_665 = arith.constant 0 : i32
        %scatter3A_666 = tpu.memref_slice %arg7[%rem3A_299, %scatter3A_662, %scatter3A_663, %scatter3A_664, %scatter3A_665] : memref<3x4x4x8x129xf32, #tpu.memory_space<vmem>> -> memref<1x4x4x8x129xf32, #tpu.memory_space<vmem>>
        %scatter3A_667 = tpu.memref_squeeze %scatter3A_666 : memref<1x4x4x8x129xf32, #tpu.memory_space<vmem>> -> memref<4x4x8x129xf32, #tpu.memory_space<vmem>>
        tpu.vector_store_idx %scatter3A_667[%add3A_191, %broadcast_in_dim3A_322, %and3A_188, %add3A_655], %mul3A_651 : memref<4x4x8x129xf32, #tpu.memory_space<vmem>>[vector<16xi32>, vector<16xi32>, vector<16xi32>, vector<16xi32>], vector<16xf32>,
        %scan3A_668 = arith.constant 7 : i32
        %scan3A_669 = arith.addi %scan3A_363, %scan3A_668 : i32
        %mul3A_670 = arith.constant 1 : i32
        %mul3A_671 = arith.muli %scan3A_669, %mul3A_670 : i32
        %add3A_672 = arith.constant 0 : i32
        %add3A_673 = arith.addi %add3A_672, %mul3A_671 : i32
        %add3A_674 = arith.constant 256 : i32
        %add3A_675 = arith.addi %add3A_674, %add3A_673 : i32
        %get3A_676 = arith.constant 0 : i32
        %get3A_677 = arith.constant 0 : i32
        %get3A_678 = tpu.memref_slice %arg6[%rem3A_179, %scan3A_323, %get3A_676, %get3A_677] : memref<2x2x512x32xf32, #tpu.memory_space<vmem>> -> memref<1x1x512x32xf32, #tpu.memory_space<vmem>>
        %get3A_679 = tpu.memref_squeeze %get3A_678 : memref<1x1x512x32xf32, #tpu.memory_space<vmem>> -> memref<512x32xf32, #tpu.memory_space<vmem>>
        %get3A_680 = arith.index_cast %add3A_675 : i32 to index
        %get3A_681 = arith.constant 0 : index
        %get3A_682 = tpu.vector_load %get3A_679[%get3A_680, %get3A_681] {strides = array<i32>} : memref<512x32xf32, #tpu.memory_space<vmem>>, vector<16xf32>,
        %mul3A_683 = arith.constant 5.65685415 : f32
        %mul3A_684 = vector.broadcast %mul3A_683 : f32 to vector<16xf32>
        %mul3A_685 = arith.mulf %get3A_682, %mul3A_684 : vector<16xf32>
        %get3A_686 = arith.constant 0 : i32
        %get3A_687 = arith.constant 0 : i32
        %get3A_688 = tpu.memref_slice %arg6[%rem3A_179, %scan3A_323, %get3A_686, %get3A_687] : memref<2x2x512x32xf32, #tpu.memory_space<vmem>> -> memref<1x1x512x32xf32, #tpu.memory_space<vmem>>
        %get3A_689 = tpu.memref_squeeze %get3A_688 : memref<1x1x512x32xf32, #tpu.memory_space<vmem>> -> memref<512x32xf32, #tpu.memory_space<vmem>>
        %get3A_690 = arith.index_cast %add3A_675 : i32 to index
        %get3A_691 = arith.constant 16 : index
        %get3A_692 = tpu.vector_load %get3A_689[%get3A_690, %get3A_691] {strides = array<i32>} : memref<512x32xf32, #tpu.memory_space<vmem>>, vector<16xf32>,
        %mul3A_693 = arith.constant 5.65685415 : f32
        %mul3A_694 = vector.broadcast %mul3A_693 : f32 to vector<16xf32>
        %mul3A_695 = arith.mulf %get3A_692, %mul3A_694 : vector<16xf32>
        %broadcast_in_dim3A_696 = arith.constant 0 : i32
        %broadcast_in_dim3A_697 = vector.broadcast %broadcast_in_dim3A_696 : i32 to vector<16xi32>
        %add3A_698 = vector.broadcast %add3A_673 : i32 to vector<16xi32>
        %add3A_699 = arith.addi %broadcast_in_dim3A_697, %add3A_698 : vector<16xi32>
        %scatter3A_700 = arith.constant 0 : i32
        %scatter3A_701 = arith.constant 0 : i32
        %scatter3A_702 = arith.constant 0 : i32
        %scatter3A_703 = arith.constant 0 : i32
        %scatter3A_704 = tpu.memref_slice %arg7[%rem3A_299, %scatter3A_700, %scatter3A_701, %scatter3A_702, %scatter3A_703] : memref<3x4x4x8x129xf32, #tpu.memory_space<vmem>> -> memref<1x4x4x8x129xf32, #tpu.memory_space<vmem>>
        %scatter3A_705 = tpu.memref_squeeze %scatter3A_704 : memref<1x4x4x8x129xf32, #tpu.memory_space<vmem>> -> memref<4x4x8x129xf32, #tpu.memory_space<vmem>>
        tpu.vector_store_idx %scatter3A_705[%shift_right_logical3A_186, %broadcast_in_dim3A_322, %and3A_188, %add3A_699], %mul3A_685 : memref<4x4x8x129xf32, #tpu.memory_space<vmem>>[vector<16xi32>, vector<16xi32>, vector<16xi32>, vector<16xi32>], vector<16xf32>,
        %scatter3A_706 = arith.constant 0 : i32
        %scatter3A_707 = arith.constant 0 : i32
        %scatter3A_708 = arith.constant 0 : i32
        %scatter3A_709 = arith.constant 0 : i32
        %scatter3A_710 = tpu.memref_slice %arg7[%rem3A_299, %scatter3A_706, %scatter3A_707, %scatter3A_708, %scatter3A_709] : memref<3x4x4x8x129xf32, #tpu.memory_space<vmem>> -> memref<1x4x4x8x129xf32, #tpu.memory_space<vmem>>
        %scatter3A_711 = tpu.memref_squeeze %scatter3A_710 : memref<1x4x4x8x129xf32, #tpu.memory_space<vmem>> -> memref<4x4x8x129xf32, #tpu.memory_space<vmem>>
        tpu.vector_store_idx %scatter3A_711[%add3A_191, %broadcast_in_dim3A_322, %and3A_188, %add3A_699], %mul3A_695 : memref<4x4x8x129xf32, #tpu.memory_space<vmem>>[vector<16xi32>, vector<16xi32>, vector<16xi32>, vector<16xi32>], vector<16xf32>,
      }
      %scan3A_328 = arith.constant 128 : i32
      %broadcast_in_dim3A_329 = arith.constant 3 : i32
      %broadcast_in_dim3A_330 = vector.broadcast %broadcast_in_dim3A_329 : i32 to vector<16xi32>
      %scan3A_331 = arith.constant 1 : i32
      %scan3A_332 = arith.constant 0 : i32
      %scan3A_333 = arith.constant 128 : i32
      %scan3A_334 = arith.addi %scan3A_332, %scan3A_333 : i32
      %scan3A_335 = arith.constant 8 : i32
      scf.for %scan3A_363 = %scan3A_332 to %scan3A_334 step %scan3A_335  : i32 {
        %mul3A_364 = arith.constant 1 : i32
        %mul3A_365 = arith.muli %scan3A_363, %mul3A_364 : i32
        %add3A_366 = arith.constant 0 : i32
        %add3A_367 = arith.addi %add3A_366, %mul3A_365 : i32
        %add3A_368 = arith.constant 384 : i32
        %add3A_369 = arith.addi %add3A_368, %add3A_367 : i32
        %get3A = arith.constant 0 : i32
        %get3A_370 = arith.constant 0 : i32
        %get3A_371 = tpu.memref_slice %arg6[%rem3A_179, %scan3A_331, %get3A, %get3A_370] : memref<2x2x512x32xf32, #tpu.memory_space<vmem>> -> memref<1x1x512x32xf32, #tpu.memory_space<vmem>>
        %get3A_372 = tpu.memref_squeeze %get3A_371 : memref<1x1x512x32xf32, #tpu.memory_space<vmem>> -> memref<512x32xf32, #tpu.memory_space<vmem>>
        %get3A_373 = arith.index_cast %add3A_369 : i32 to index
        %get3A_374 = arith.constant 0 : index
        %get3A_375 = tpu.vector_load %get3A_372[%get3A_373, %get3A_374] {strides = array<i32>} : memref<512x32xf32, #tpu.memory_space<vmem>>, vector<16xf32>,
        %mul3A_376 = arith.constant 5.65685415 : f32
        %mul3A_377 = vector.broadcast %mul3A_376 : f32 to vector<16xf32>
        %mul3A_378 = arith.mulf %get3A_375, %mul3A_377 : vector<16xf32>
        %get3A_379 = arith.constant 0 : i32
        %get3A_380 = arith.constant 0 : i32
        %get3A_381 = tpu.memref_slice %arg6[%rem3A_179, %scan3A_331, %get3A_379, %get3A_380] : memref<2x2x512x32xf32, #tpu.memory_space<vmem>> -> memref<1x1x512x32xf32, #tpu.memory_space<vmem>>
        %get3A_382 = tpu.memref_squeeze %get3A_381 : memref<1x1x512x32xf32, #tpu.memory_space<vmem>> -> memref<512x32xf32, #tpu.memory_space<vmem>>
        %get3A_383 = arith.index_cast %add3A_369 : i32 to index
        %get3A_384 = arith.constant 16 : index
        %get3A_385 = tpu.vector_load %get3A_382[%get3A_383, %get3A_384] {strides = array<i32>} : memref<512x32xf32, #tpu.memory_space<vmem>>, vector<16xf32>,
        %mul3A_386 = arith.constant 5.65685415 : f32
        %mul3A_387 = vector.broadcast %mul3A_386 : f32 to vector<16xf32>
        %mul3A_388 = arith.mulf %get3A_385, %mul3A_387 : vector<16xf32>
        %broadcast_in_dim3A_389 = arith.constant 0 : i32
        %broadcast_in_dim3A_390 = vector.broadcast %broadcast_in_dim3A_389 : i32 to vector<16xi32>
        %add3A_391 = vector.broadcast %add3A_367 : i32 to vector<16xi32>
        %add3A_392 = arith.addi %broadcast_in_dim3A_390, %add3A_391 : vector<16xi32>
        %scatter3A = arith.constant 0 : i32
        %scatter3A_393 = arith.constant 0 : i32
        %scatter3A_394 = arith.constant 0 : i32
        %scatter3A_395 = arith.constant 0 : i32
        %scatter3A_396 = tpu.memref_slice %arg7[%rem3A_299, %scatter3A, %scatter3A_393, %scatter3A_394, %scatter3A_395] : memref<3x4x4x8x129xf32, #tpu.memory_space<vmem>> -> memref<1x4x4x8x129xf32, #tpu.memory_space<vmem>>
        %scatter3A_397 = tpu.memref_squeeze %scatter3A_396 : memref<1x4x4x8x129xf32, #tpu.memory_space<vmem>> -> memref<4x4x8x129xf32, #tpu.memory_space<vmem>>
        tpu.vector_store_idx %scatter3A_397[%shift_right_logical3A_186, %broadcast_in_dim3A_330, %and3A_188, %add3A_392], %mul3A_378 : memref<4x4x8x129xf32, #tpu.memory_space<vmem>>[vector<16xi32>, vector<16xi32>, vector<16xi32>, vector<16xi32>], vector<16xf32>,
        %scatter3A_398 = arith.constant 0 : i32
        %scatter3A_399 = arith.constant 0 : i32
        %scatter3A_400 = arith.constant 0 : i32
        %scatter3A_401 = arith.constant 0 : i32
        %scatter3A_402 = tpu.memref_slice %arg7[%rem3A_299, %scatter3A_398, %scatter3A_399, %scatter3A_400, %scatter3A_401] : memref<3x4x4x8x129xf32, #tpu.memory_space<vmem>> -> memref<1x4x4x8x129xf32, #tpu.memory_space<vmem>>
        %scatter3A_403 = tpu.memref_squeeze %scatter3A_402 : memref<1x4x4x8x129xf32, #tpu.memory_space<vmem>> -> memref<4x4x8x129xf32, #tpu.memory_space<vmem>>
        tpu.vector_store_idx %scatter3A_403[%add3A_191, %broadcast_in_dim3A_330, %and3A_188, %add3A_392], %mul3A_388 : memref<4x4x8x129xf32, #tpu.memory_space<vmem>>[vector<16xi32>, vector<16xi32>, vector<16xi32>, vector<16xi32>], vector<16xf32>,
        %scan3A_404 = arith.constant 1 : i32
        %scan3A_405 = arith.addi %scan3A_363, %scan3A_404 : i32
        %mul3A_406 = arith.constant 1 : i32
        %mul3A_407 = arith.muli %scan3A_405, %mul3A_406 : i32
        %add3A_408 = arith.constant 0 : i32
        %add3A_409 = arith.addi %add3A_408, %mul3A_407 : i32
        %add3A_410 = arith.constant 384 : i32
        %add3A_411 = arith.addi %add3A_410, %add3A_409 : i32
        %get3A_412 = arith.constant 0 : i32
        %get3A_413 = arith.constant 0 : i32
        %get3A_414 = tpu.memref_slice %arg6[%rem3A_179, %scan3A_331, %get3A_412, %get3A_413] : memref<2x2x512x32xf32, #tpu.memory_space<vmem>> -> memref<1x1x512x32xf32, #tpu.memory_space<vmem>>
        %get3A_415 = tpu.memref_squeeze %get3A_414 : memref<1x1x512x32xf32, #tpu.memory_space<vmem>> -> memref<512x32xf32, #tpu.memory_space<vmem>>
        %get3A_416 = arith.index_cast %add3A_411 : i32 to index
        %get3A_417 = arith.constant 0 : index
        %get3A_418 = tpu.vector_load %get3A_415[%get3A_416, %get3A_417] {strides = array<i32>} : memref<512x32xf32, #tpu.memory_space<vmem>>, vector<16xf32>,
        %mul3A_419 = arith.constant 5.65685415 : f32
        %mul3A_420 = vector.broadcast %mul3A_419 : f32 to vector<16xf32>
        %mul3A_421 = arith.mulf %get3A_418, %mul3A_420 : vector<16xf32>
        %get3A_422 = arith.constant 0 : i32
        %get3A_423 = arith.constant 0 : i32
        %get3A_424 = tpu.memref_slice %arg6[%rem3A_179, %scan3A_331, %get3A_422, %get3A_423] : memref<2x2x512x32xf32, #tpu.memory_space<vmem>> -> memref<1x1x512x32xf32, #tpu.memory_space<vmem>>
        %get3A_425 = tpu.memref_squeeze %get3A_424 : memref<1x1x512x32xf32, #tpu.memory_space<vmem>> -> memref<512x32xf32, #tpu.memory_space<vmem>>
        %get3A_426 = arith.index_cast %add3A_411 : i32 to index
        %get3A_427 = arith.constant 16 : index
        %get3A_428 = tpu.vector_load %get3A_425[%get3A_426, %get3A_427] {strides = array<i32>} : memref<512x32xf32, #tpu.memory_space<vmem>>, vector<16xf32>,
        %mul3A_429 = arith.constant 5.65685415 : f32
        %mul3A_430 = vector.broadcast %mul3A_429 : f32 to vector<16xf32>
        %mul3A_431 = arith.mulf %get3A_428, %mul3A_430 : vector<16xf32>
        %broadcast_in_dim3A_432 = arith.constant 0 : i32
        %broadcast_in_dim3A_433 = vector.broadcast %broadcast_in_dim3A_432 : i32 to vector<16xi32>
        %add3A_434 = vector.broadcast %add3A_409 : i32 to vector<16xi32>
        %add3A_435 = arith.addi %broadcast_in_dim3A_433, %add3A_434 : vector<16xi32>
        %scatter3A_436 = arith.constant 0 : i32
        %scatter3A_437 = arith.constant 0 : i32
        %scatter3A_438 = arith.constant 0 : i32
        %scatter3A_439 = arith.constant 0 : i32
        %scatter3A_440 = tpu.memref_slice %arg7[%rem3A_299, %scatter3A_436, %scatter3A_437, %scatter3A_438, %scatter3A_439] : memref<3x4x4x8x129xf32, #tpu.memory_space<vmem>> -> memref<1x4x4x8x129xf32, #tpu.memory_space<vmem>>
        %scatter3A_441 = tpu.memref_squeeze %scatter3A_440 : memref<1x4x4x8x129xf32, #tpu.memory_space<vmem>> -> memref<4x4x8x129xf32, #tpu.memory_space<vmem>>
        tpu.vector_store_idx %scatter3A_441[%shift_right_logical3A_186, %broadcast_in_dim3A_330, %and3A_188, %add3A_435], %mul3A_421 : memref<4x4x8x129xf32, #tpu.memory_space<vmem>>[vector<16xi32>, vector<16xi32>, vector<16xi32>, vector<16xi32>], vector<16xf32>,
        %scatter3A_442 = arith.constant 0 : i32
        %scatter3A_443 = arith.constant 0 : i32
        %scatter3A_444 = arith.constant 0 : i32
        %scatter3A_445 = arith.constant 0 : i32
        %scatter3A_446 = tpu.memref_slice %arg7[%rem3A_299, %scatter3A_442, %scatter3A_443, %scatter3A_444, %scatter3A_445] : memref<3x4x4x8x129xf32, #tpu.memory_space<vmem>> -> memref<1x4x4x8x129xf32, #tpu.memory_space<vmem>>
        %scatter3A_447 = tpu.memref_squeeze %scatter3A_446 : memref<1x4x4x8x129xf32, #tpu.memory_space<vmem>> -> memref<4x4x8x129xf32, #tpu.memory_space<vmem>>
        tpu.vector_store_idx %scatter3A_447[%add3A_191, %broadcast_in_dim3A_330, %and3A_188, %add3A_435], %mul3A_431 : memref<4x4x8x129xf32, #tpu.memory_space<vmem>>[vector<16xi32>, vector<16xi32>, vector<16xi32>, vector<16xi32>], vector<16xf32>,
        %scan3A_448 = arith.constant 2 : i32
        %scan3A_449 = arith.addi %scan3A_363, %scan3A_448 : i32
        %mul3A_450 = arith.constant 1 : i32
        %mul3A_451 = arith.muli %scan3A_449, %mul3A_450 : i32
        %add3A_452 = arith.constant 0 : i32
        %add3A_453 = arith.addi %add3A_452, %mul3A_451 : i32
        %add3A_454 = arith.constant 384 : i32
        %add3A_455 = arith.addi %add3A_454, %add3A_453 : i32
        %get3A_456 = arith.constant 0 : i32
        %get3A_457 = arith.constant 0 : i32
        %get3A_458 = tpu.memref_slice %arg6[%rem3A_179, %scan3A_331, %get3A_456, %get3A_457] : memref<2x2x512x32xf32, #tpu.memory_space<vmem>> -> memref<1x1x512x32xf32, #tpu.memory_space<vmem>>
        %get3A_459 = tpu.memref_squeeze %get3A_458 : memref<1x1x512x32xf32, #tpu.memory_space<vmem>> -> memref<512x32xf32, #tpu.memory_space<vmem>>
        %get3A_460 = arith.index_cast %add3A_455 : i32 to index
        %get3A_461 = arith.constant 0 : index
        %get3A_462 = tpu.vector_load %get3A_459[%get3A_460, %get3A_461] {strides = array<i32>} : memref<512x32xf32, #tpu.memory_space<vmem>>, vector<16xf32>,
        %mul3A_463 = arith.constant 5.65685415 : f32
        %mul3A_464 = vector.broadcast %mul3A_463 : f32 to vector<16xf32>
        %mul3A_465 = arith.mulf %get3A_462, %mul3A_464 : vector<16xf32>
        %get3A_466 = arith.constant 0 : i32
        %get3A_467 = arith.constant 0 : i32
        %get3A_468 = tpu.memref_slice %arg6[%rem3A_179, %scan3A_331, %get3A_466, %get3A_467] : memref<2x2x512x32xf32, #tpu.memory_space<vmem>> -> memref<1x1x512x32xf32, #tpu.memory_space<vmem>>
        %get3A_469 = tpu.memref_squeeze %get3A_468 : memref<1x1x512x32xf32, #tpu.memory_space<vmem>> -> memref<512x32xf32, #tpu.memory_space<vmem>>
        %get3A_470 = arith.index_cast %add3A_455 : i32 to index
        %get3A_471 = arith.constant 16 : index
        %get3A_472 = tpu.vector_load %get3A_469[%get3A_470, %get3A_471] {strides = array<i32>} : memref<512x32xf32, #tpu.memory_space<vmem>>, vector<16xf32>,
        %mul3A_473 = arith.constant 5.65685415 : f32
        %mul3A_474 = vector.broadcast %mul3A_473 : f32 to vector<16xf32>
        %mul3A_475 = arith.mulf %get3A_472, %mul3A_474 : vector<16xf32>
        %broadcast_in_dim3A_476 = arith.constant 0 : i32
        %broadcast_in_dim3A_477 = vector.broadcast %broadcast_in_dim3A_476 : i32 to vector<16xi32>
        %add3A_478 = vector.broadcast %add3A_453 : i32 to vector<16xi32>
        %add3A_479 = arith.addi %broadcast_in_dim3A_477, %add3A_478 : vector<16xi32>
        %scatter3A_480 = arith.constant 0 : i32
        %scatter3A_481 = arith.constant 0 : i32
        %scatter3A_482 = arith.constant 0 : i32
        %scatter3A_483 = arith.constant 0 : i32
        %scatter3A_484 = tpu.memref_slice %arg7[%rem3A_299, %scatter3A_480, %scatter3A_481, %scatter3A_482, %scatter3A_483] : memref<3x4x4x8x129xf32, #tpu.memory_space<vmem>> -> memref<1x4x4x8x129xf32, #tpu.memory_space<vmem>>
        %scatter3A_485 = tpu.memref_squeeze %scatter3A_484 : memref<1x4x4x8x129xf32, #tpu.memory_space<vmem>> -> memref<4x4x8x129xf32, #tpu.memory_space<vmem>>
        tpu.vector_store_idx %scatter3A_485[%shift_right_logical3A_186, %broadcast_in_dim3A_330, %and3A_188, %add3A_479], %mul3A_465 : memref<4x4x8x129xf32, #tpu.memory_space<vmem>>[vector<16xi32>, vector<16xi32>, vector<16xi32>, vector<16xi32>], vector<16xf32>,
        %scatter3A_486 = arith.constant 0 : i32
        %scatter3A_487 = arith.constant 0 : i32
        %scatter3A_488 = arith.constant 0 : i32
        %scatter3A_489 = arith.constant 0 : i32
        %scatter3A_490 = tpu.memref_slice %arg7[%rem3A_299, %scatter3A_486, %scatter3A_487, %scatter3A_488, %scatter3A_489] : memref<3x4x4x8x129xf32, #tpu.memory_space<vmem>> -> memref<1x4x4x8x129xf32, #tpu.memory_space<vmem>>
        %scatter3A_491 = tpu.memref_squeeze %scatter3A_490 : memref<1x4x4x8x129xf32, #tpu.memory_space<vmem>> -> memref<4x4x8x129xf32, #tpu.memory_space<vmem>>
        tpu.vector_store_idx %scatter3A_491[%add3A_191, %broadcast_in_dim3A_330, %and3A_188, %add3A_479], %mul3A_475 : memref<4x4x8x129xf32, #tpu.memory_space<vmem>>[vector<16xi32>, vector<16xi32>, vector<16xi32>, vector<16xi32>], vector<16xf32>,
        %scan3A_492 = arith.constant 3 : i32
        %scan3A_493 = arith.addi %scan3A_363, %scan3A_492 : i32
        %mul3A_494 = arith.constant 1 : i32
        %mul3A_495 = arith.muli %scan3A_493, %mul3A_494 : i32
        %add3A_496 = arith.constant 0 : i32
        %add3A_497 = arith.addi %add3A_496, %mul3A_495 : i32
        %add3A_498 = arith.constant 384 : i32
        %add3A_499 = arith.addi %add3A_498, %add3A_497 : i32
        %get3A_500 = arith.constant 0 : i32
        %get3A_501 = arith.constant 0 : i32
        %get3A_502 = tpu.memref_slice %arg6[%rem3A_179, %scan3A_331, %get3A_500, %get3A_501] : memref<2x2x512x32xf32, #tpu.memory_space<vmem>> -> memref<1x1x512x32xf32, #tpu.memory_space<vmem>>
        %get3A_503 = tpu.memref_squeeze %get3A_502 : memref<1x1x512x32xf32, #tpu.memory_space<vmem>> -> memref<512x32xf32, #tpu.memory_space<vmem>>
        %get3A_504 = arith.index_cast %add3A_499 : i32 to index
        %get3A_505 = arith.constant 0 : index
        %get3A_506 = tpu.vector_load %get3A_503[%get3A_504, %get3A_505] {strides = array<i32>} : memref<512x32xf32, #tpu.memory_space<vmem>>, vector<16xf32>,
        %mul3A_507 = arith.constant 5.65685415 : f32
        %mul3A_508 = vector.broadcast %mul3A_507 : f32 to vector<16xf32>
        %mul3A_509 = arith.mulf %get3A_506, %mul3A_508 : vector<16xf32>
        %get3A_510 = arith.constant 0 : i32
        %get3A_511 = arith.constant 0 : i32
        %get3A_512 = tpu.memref_slice %arg6[%rem3A_179, %scan3A_331, %get3A_510, %get3A_511] : memref<2x2x512x32xf32, #tpu.memory_space<vmem>> -> memref<1x1x512x32xf32, #tpu.memory_space<vmem>>
        %get3A_513 = tpu.memref_squeeze %get3A_512 : memref<1x1x512x32xf32, #tpu.memory_space<vmem>> -> memref<512x32xf32, #tpu.memory_space<vmem>>
        %get3A_514 = arith.index_cast %add3A_499 : i32 to index
        %get3A_515 = arith.constant 16 : index
        %get3A_516 = tpu.vector_load %get3A_513[%get3A_514, %get3A_515] {strides = array<i32>} : memref<512x32xf32, #tpu.memory_space<vmem>>, vector<16xf32>,
        %mul3A_517 = arith.constant 5.65685415 : f32
        %mul3A_518 = vector.broadcast %mul3A_517 : f32 to vector<16xf32>
        %mul3A_519 = arith.mulf %get3A_516, %mul3A_518 : vector<16xf32>
        %broadcast_in_dim3A_520 = arith.constant 0 : i32
        %broadcast_in_dim3A_521 = vector.broadcast %broadcast_in_dim3A_520 : i32 to vector<16xi32>
        %add3A_522 = vector.broadcast %add3A_497 : i32 to vector<16xi32>
        %add3A_523 = arith.addi %broadcast_in_dim3A_521, %add3A_522 : vector<16xi32>
        %scatter3A_524 = arith.constant 0 : i32
        %scatter3A_525 = arith.constant 0 : i32
        %scatter3A_526 = arith.constant 0 : i32
        %scatter3A_527 = arith.constant 0 : i32
        %scatter3A_528 = tpu.memref_slice %arg7[%rem3A_299, %scatter3A_524, %scatter3A_525, %scatter3A_526, %scatter3A_527] : memref<3x4x4x8x129xf32, #tpu.memory_space<vmem>> -> memref<1x4x4x8x129xf32, #tpu.memory_space<vmem>>
        %scatter3A_529 = tpu.memref_squeeze %scatter3A_528 : memref<1x4x4x8x129xf32, #tpu.memory_space<vmem>> -> memref<4x4x8x129xf32, #tpu.memory_space<vmem>>
        tpu.vector_store_idx %scatter3A_529[%shift_right_logical3A_186, %broadcast_in_dim3A_330, %and3A_188, %add3A_523], %mul3A_509 : memref<4x4x8x129xf32, #tpu.memory_space<vmem>>[vector<16xi32>, vector<16xi32>, vector<16xi32>, vector<16xi32>], vector<16xf32>,
        %scatter3A_530 = arith.constant 0 : i32
        %scatter3A_531 = arith.constant 0 : i32
        %scatter3A_532 = arith.constant 0 : i32
        %scatter3A_533 = arith.constant 0 : i32
        %scatter3A_534 = tpu.memref_slice %arg7[%rem3A_299, %scatter3A_530, %scatter3A_531, %scatter3A_532, %scatter3A_533] : memref<3x4x4x8x129xf32, #tpu.memory_space<vmem>> -> memref<1x4x4x8x129xf32, #tpu.memory_space<vmem>>
        %scatter3A_535 = tpu.memref_squeeze %scatter3A_534 : memref<1x4x4x8x129xf32, #tpu.memory_space<vmem>> -> memref<4x4x8x129xf32, #tpu.memory_space<vmem>>
        tpu.vector_store_idx %scatter3A_535[%add3A_191, %broadcast_in_dim3A_330, %and3A_188, %add3A_523], %mul3A_519 : memref<4x4x8x129xf32, #tpu.memory_space<vmem>>[vector<16xi32>, vector<16xi32>, vector<16xi32>, vector<16xi32>], vector<16xf32>,
        %scan3A_536 = arith.constant 4 : i32
        %scan3A_537 = arith.addi %scan3A_363, %scan3A_536 : i32
        %mul3A_538 = arith.constant 1 : i32
        %mul3A_539 = arith.muli %scan3A_537, %mul3A_538 : i32
        %add3A_540 = arith.constant 0 : i32
        %add3A_541 = arith.addi %add3A_540, %mul3A_539 : i32
        %add3A_542 = arith.constant 384 : i32
        %add3A_543 = arith.addi %add3A_542, %add3A_541 : i32
        %get3A_544 = arith.constant 0 : i32
        %get3A_545 = arith.constant 0 : i32
        %get3A_546 = tpu.memref_slice %arg6[%rem3A_179, %scan3A_331, %get3A_544, %get3A_545] : memref<2x2x512x32xf32, #tpu.memory_space<vmem>> -> memref<1x1x512x32xf32, #tpu.memory_space<vmem>>
        %get3A_547 = tpu.memref_squeeze %get3A_546 : memref<1x1x512x32xf32, #tpu.memory_space<vmem>> -> memref<512x32xf32, #tpu.memory_space<vmem>>
        %get3A_548 = arith.index_cast %add3A_543 : i32 to index
        %get3A_549 = arith.constant 0 : index
        %get3A_550 = tpu.vector_load %get3A_547[%get3A_548, %get3A_549] {strides = array<i32>} : memref<512x32xf32, #tpu.memory_space<vmem>>, vector<16xf32>,
        %mul3A_551 = arith.constant 5.65685415 : f32
        %mul3A_552 = vector.broadcast %mul3A_551 : f32 to vector<16xf32>
        %mul3A_553 = arith.mulf %get3A_550, %mul3A_552 : vector<16xf32>
        %get3A_554 = arith.constant 0 : i32
        %get3A_555 = arith.constant 0 : i32
        %get3A_556 = tpu.memref_slice %arg6[%rem3A_179, %scan3A_331, %get3A_554, %get3A_555] : memref<2x2x512x32xf32, #tpu.memory_space<vmem>> -> memref<1x1x512x32xf32, #tpu.memory_space<vmem>>
        %get3A_557 = tpu.memref_squeeze %get3A_556 : memref<1x1x512x32xf32, #tpu.memory_space<vmem>> -> memref<512x32xf32, #tpu.memory_space<vmem>>
        %get3A_558 = arith.index_cast %add3A_543 : i32 to index
        %get3A_559 = arith.constant 16 : index
        %get3A_560 = tpu.vector_load %get3A_557[%get3A_558, %get3A_559] {strides = array<i32>} : memref<512x32xf32, #tpu.memory_space<vmem>>, vector<16xf32>,
        %mul3A_561 = arith.constant 5.65685415 : f32
        %mul3A_562 = vector.broadcast %mul3A_561 : f32 to vector<16xf32>
        %mul3A_563 = arith.mulf %get3A_560, %mul3A_562 : vector<16xf32>
        %broadcast_in_dim3A_564 = arith.constant 0 : i32
        %broadcast_in_dim3A_565 = vector.broadcast %broadcast_in_dim3A_564 : i32 to vector<16xi32>
        %add3A_566 = vector.broadcast %add3A_541 : i32 to vector<16xi32>
        %add3A_567 = arith.addi %broadcast_in_dim3A_565, %add3A_566 : vector<16xi32>
        %scatter3A_568 = arith.constant 0 : i32
        %scatter3A_569 = arith.constant 0 : i32
        %scatter3A_570 = arith.constant 0 : i32
        %scatter3A_571 = arith.constant 0 : i32
        %scatter3A_572 = tpu.memref_slice %arg7[%rem3A_299, %scatter3A_568, %scatter3A_569, %scatter3A_570, %scatter3A_571] : memref<3x4x4x8x129xf32, #tpu.memory_space<vmem>> -> memref<1x4x4x8x129xf32, #tpu.memory_space<vmem>>
        %scatter3A_573 = tpu.memref_squeeze %scatter3A_572 : memref<1x4x4x8x129xf32, #tpu.memory_space<vmem>> -> memref<4x4x8x129xf32, #tpu.memory_space<vmem>>
        tpu.vector_store_idx %scatter3A_573[%shift_right_logical3A_186, %broadcast_in_dim3A_330, %and3A_188, %add3A_567], %mul3A_553 : memref<4x4x8x129xf32, #tpu.memory_space<vmem>>[vector<16xi32>, vector<16xi32>, vector<16xi32>, vector<16xi32>], vector<16xf32>,
        %scatter3A_574 = arith.constant 0 : i32
        %scatter3A_575 = arith.constant 0 : i32
        %scatter3A_576 = arith.constant 0 : i32
        %scatter3A_577 = arith.constant 0 : i32
        %scatter3A_578 = tpu.memref_slice %arg7[%rem3A_299, %scatter3A_574, %scatter3A_575, %scatter3A_576, %scatter3A_577] : memref<3x4x4x8x129xf32, #tpu.memory_space<vmem>> -> memref<1x4x4x8x129xf32, #tpu.memory_space<vmem>>
        %scatter3A_579 = tpu.memref_squeeze %scatter3A_578 : memref<1x4x4x8x129xf32, #tpu.memory_space<vmem>> -> memref<4x4x8x129xf32, #tpu.memory_space<vmem>>
        tpu.vector_store_idx %scatter3A_579[%add3A_191, %broadcast_in_dim3A_330, %and3A_188, %add3A_567], %mul3A_563 : memref<4x4x8x129xf32, #tpu.memory_space<vmem>>[vector<16xi32>, vector<16xi32>, vector<16xi32>, vector<16xi32>], vector<16xf32>,
        %scan3A_580 = arith.constant 5 : i32
        %scan3A_581 = arith.addi %scan3A_363, %scan3A_580 : i32
        %mul3A_582 = arith.constant 1 : i32
        %mul3A_583 = arith.muli %scan3A_581, %mul3A_582 : i32
        %add3A_584 = arith.constant 0 : i32
        %add3A_585 = arith.addi %add3A_584, %mul3A_583 : i32
        %add3A_586 = arith.constant 384 : i32
        %add3A_587 = arith.addi %add3A_586, %add3A_585 : i32
        %get3A_588 = arith.constant 0 : i32
        %get3A_589 = arith.constant 0 : i32
        %get3A_590 = tpu.memref_slice %arg6[%rem3A_179, %scan3A_331, %get3A_588, %get3A_589] : memref<2x2x512x32xf32, #tpu.memory_space<vmem>> -> memref<1x1x512x32xf32, #tpu.memory_space<vmem>>
        %get3A_591 = tpu.memref_squeeze %get3A_590 : memref<1x1x512x32xf32, #tpu.memory_space<vmem>> -> memref<512x32xf32, #tpu.memory_space<vmem>>
        %get3A_592 = arith.index_cast %add3A_587 : i32 to index
        %get3A_593 = arith.constant 0 : index
        %get3A_594 = tpu.vector_load %get3A_591[%get3A_592, %get3A_593] {strides = array<i32>} : memref<512x32xf32, #tpu.memory_space<vmem>>, vector<16xf32>,
        %mul3A_595 = arith.constant 5.65685415 : f32
        %mul3A_596 = vector.broadcast %mul3A_595 : f32 to vector<16xf32>
        %mul3A_597 = arith.mulf %get3A_594, %mul3A_596 : vector<16xf32>
        %get3A_598 = arith.constant 0 : i32
        %get3A_599 = arith.constant 0 : i32
        %get3A_600 = tpu.memref_slice %arg6[%rem3A_179, %scan3A_331, %get3A_598, %get3A_599] : memref<2x2x512x32xf32, #tpu.memory_space<vmem>> -> memref<1x1x512x32xf32, #tpu.memory_space<vmem>>
        %get3A_601 = tpu.memref_squeeze %get3A_600 : memref<1x1x512x32xf32, #tpu.memory_space<vmem>> -> memref<512x32xf32, #tpu.memory_space<vmem>>
        %get3A_602 = arith.index_cast %add3A_587 : i32 to index
        %get3A_603 = arith.constant 16 : index
        %get3A_604 = tpu.vector_load %get3A_601[%get3A_602, %get3A_603] {strides = array<i32>} : memref<512x32xf32, #tpu.memory_space<vmem>>, vector<16xf32>,
        %mul3A_605 = arith.constant 5.65685415 : f32
        %mul3A_606 = vector.broadcast %mul3A_605 : f32 to vector<16xf32>
        %mul3A_607 = arith.mulf %get3A_604, %mul3A_606 : vector<16xf32>
        %broadcast_in_dim3A_608 = arith.constant 0 : i32
        %broadcast_in_dim3A_609 = vector.broadcast %broadcast_in_dim3A_608 : i32 to vector<16xi32>
        %add3A_610 = vector.broadcast %add3A_585 : i32 to vector<16xi32>
        %add3A_611 = arith.addi %broadcast_in_dim3A_609, %add3A_610 : vector<16xi32>
        %scatter3A_612 = arith.constant 0 : i32
        %scatter3A_613 = arith.constant 0 : i32
        %scatter3A_614 = arith.constant 0 : i32
        %scatter3A_615 = arith.constant 0 : i32
        %scatter3A_616 = tpu.memref_slice %arg7[%rem3A_299, %scatter3A_612, %scatter3A_613, %scatter3A_614, %scatter3A_615] : memref<3x4x4x8x129xf32, #tpu.memory_space<vmem>> -> memref<1x4x4x8x129xf32, #tpu.memory_space<vmem>>
        %scatter3A_617 = tpu.memref_squeeze %scatter3A_616 : memref<1x4x4x8x129xf32, #tpu.memory_space<vmem>> -> memref<4x4x8x129xf32, #tpu.memory_space<vmem>>
        tpu.vector_store_idx %scatter3A_617[%shift_right_logical3A_186, %broadcast_in_dim3A_330, %and3A_188, %add3A_611], %mul3A_597 : memref<4x4x8x129xf32, #tpu.memory_space<vmem>>[vector<16xi32>, vector<16xi32>, vector<16xi32>, vector<16xi32>], vector<16xf32>,
        %scatter3A_618 = arith.constant 0 : i32
        %scatter3A_619 = arith.constant 0 : i32
        %scatter3A_620 = arith.constant 0 : i32
        %scatter3A_621 = arith.constant 0 : i32
        %scatter3A_622 = tpu.memref_slice %arg7[%rem3A_299, %scatter3A_618, %scatter3A_619, %scatter3A_620, %scatter3A_621] : memref<3x4x4x8x129xf32, #tpu.memory_space<vmem>> -> memref<1x4x4x8x129xf32, #tpu.memory_space<vmem>>
        %scatter3A_623 = tpu.memref_squeeze %scatter3A_622 : memref<1x4x4x8x129xf32, #tpu.memory_space<vmem>> -> memref<4x4x8x129xf32, #tpu.memory_space<vmem>>
        tpu.vector_store_idx %scatter3A_623[%add3A_191, %broadcast_in_dim3A_330, %and3A_188, %add3A_611], %mul3A_607 : memref<4x4x8x129xf32, #tpu.memory_space<vmem>>[vector<16xi32>, vector<16xi32>, vector<16xi32>, vector<16xi32>], vector<16xf32>,
        %scan3A_624 = arith.constant 6 : i32
        %scan3A_625 = arith.addi %scan3A_363, %scan3A_624 : i32
        %mul3A_626 = arith.constant 1 : i32
        %mul3A_627 = arith.muli %scan3A_625, %mul3A_626 : i32
        %add3A_628 = arith.constant 0 : i32
        %add3A_629 = arith.addi %add3A_628, %mul3A_627 : i32
        %add3A_630 = arith.constant 384 : i32
        %add3A_631 = arith.addi %add3A_630, %add3A_629 : i32
        %get3A_632 = arith.constant 0 : i32
        %get3A_633 = arith.constant 0 : i32
        %get3A_634 = tpu.memref_slice %arg6[%rem3A_179, %scan3A_331, %get3A_632, %get3A_633] : memref<2x2x512x32xf32, #tpu.memory_space<vmem>> -> memref<1x1x512x32xf32, #tpu.memory_space<vmem>>
        %get3A_635 = tpu.memref_squeeze %get3A_634 : memref<1x1x512x32xf32, #tpu.memory_space<vmem>> -> memref<512x32xf32, #tpu.memory_space<vmem>>
        %get3A_636 = arith.index_cast %add3A_631 : i32 to index
        %get3A_637 = arith.constant 0 : index
        %get3A_638 = tpu.vector_load %get3A_635[%get3A_636, %get3A_637] {strides = array<i32>} : memref<512x32xf32, #tpu.memory_space<vmem>>, vector<16xf32>,
        %mul3A_639 = arith.constant 5.65685415 : f32
        %mul3A_640 = vector.broadcast %mul3A_639 : f32 to vector<16xf32>
        %mul3A_641 = arith.mulf %get3A_638, %mul3A_640 : vector<16xf32>
        %get3A_642 = arith.constant 0 : i32
        %get3A_643 = arith.constant 0 : i32
        %get3A_644 = tpu.memref_slice %arg6[%rem3A_179, %scan3A_331, %get3A_642, %get3A_643] : memref<2x2x512x32xf32, #tpu.memory_space<vmem>> -> memref<1x1x512x32xf32, #tpu.memory_space<vmem>>
        %get3A_645 = tpu.memref_squeeze %get3A_644 : memref<1x1x512x32xf32, #tpu.memory_space<vmem>> -> memref<512x32xf32, #tpu.memory_space<vmem>>
        %get3A_646 = arith.index_cast %add3A_631 : i32 to index
        %get3A_647 = arith.constant 16 : index
        %get3A_648 = tpu.vector_load %get3A_645[%get3A_646, %get3A_647] {strides = array<i32>} : memref<512x32xf32, #tpu.memory_space<vmem>>, vector<16xf32>,
        %mul3A_649 = arith.constant 5.65685415 : f32
        %mul3A_650 = vector.broadcast %mul3A_649 : f32 to vector<16xf32>
        %mul3A_651 = arith.mulf %get3A_648, %mul3A_650 : vector<16xf32>
        %broadcast_in_dim3A_652 = arith.constant 0 : i32
        %broadcast_in_dim3A_653 = vector.broadcast %broadcast_in_dim3A_652 : i32 to vector<16xi32>
        %add3A_654 = vector.broadcast %add3A_629 : i32 to vector<16xi32>
        %add3A_655 = arith.addi %broadcast_in_dim3A_653, %add3A_654 : vector<16xi32>
        %scatter3A_656 = arith.constant 0 : i32
        %scatter3A_657 = arith.constant 0 : i32
        %scatter3A_658 = arith.constant 0 : i32
        %scatter3A_659 = arith.constant 0 : i32
        %scatter3A_660 = tpu.memref_slice %arg7[%rem3A_299, %scatter3A_656, %scatter3A_657, %scatter3A_658, %scatter3A_659] : memref<3x4x4x8x129xf32, #tpu.memory_space<vmem>> -> memref<1x4x4x8x129xf32, #tpu.memory_space<vmem>>
        %scatter3A_661 = tpu.memref_squeeze %scatter3A_660 : memref<1x4x4x8x129xf32, #tpu.memory_space<vmem>> -> memref<4x4x8x129xf32, #tpu.memory_space<vmem>>
        tpu.vector_store_idx %scatter3A_661[%shift_right_logical3A_186, %broadcast_in_dim3A_330, %and3A_188, %add3A_655], %mul3A_641 : memref<4x4x8x129xf32, #tpu.memory_space<vmem>>[vector<16xi32>, vector<16xi32>, vector<16xi32>, vector<16xi32>], vector<16xf32>,
        %scatter3A_662 = arith.constant 0 : i32
        %scatter3A_663 = arith.constant 0 : i32
        %scatter3A_664 = arith.constant 0 : i32
        %scatter3A_665 = arith.constant 0 : i32
        %scatter3A_666 = tpu.memref_slice %arg7[%rem3A_299, %scatter3A_662, %scatter3A_663, %scatter3A_664, %scatter3A_665] : memref<3x4x4x8x129xf32, #tpu.memory_space<vmem>> -> memref<1x4x4x8x129xf32, #tpu.memory_space<vmem>>
        %scatter3A_667 = tpu.memref_squeeze %scatter3A_666 : memref<1x4x4x8x129xf32, #tpu.memory_space<vmem>> -> memref<4x4x8x129xf32, #tpu.memory_space<vmem>>
        tpu.vector_store_idx %scatter3A_667[%add3A_191, %broadcast_in_dim3A_330, %and3A_188, %add3A_655], %mul3A_651 : memref<4x4x8x129xf32, #tpu.memory_space<vmem>>[vector<16xi32>, vector<16xi32>, vector<16xi32>, vector<16xi32>], vector<16xf32>,
        %scan3A_668 = arith.constant 7 : i32
        %scan3A_669 = arith.addi %scan3A_363, %scan3A_668 : i32
        %mul3A_670 = arith.constant 1 : i32
        %mul3A_671 = arith.muli %scan3A_669, %mul3A_670 : i32
        %add3A_672 = arith.constant 0 : i32
        %add3A_673 = arith.addi %add3A_672, %mul3A_671 : i32
        %add3A_674 = arith.constant 384 : i32
        %add3A_675 = arith.addi %add3A_674, %add3A_673 : i32
        %get3A_676 = arith.constant 0 : i32
        %get3A_677 = arith.constant 0 : i32
        %get3A_678 = tpu.memref_slice %arg6[%rem3A_179, %scan3A_331, %get3A_676, %get3A_677] : memref<2x2x512x32xf32, #tpu.memory_space<vmem>> -> memref<1x1x512x32xf32, #tpu.memory_space<vmem>>
        %get3A_679 = tpu.memref_squeeze %get3A_678 : memref<1x1x512x32xf32, #tpu.memory_space<vmem>> -> memref<512x32xf32, #tpu.memory_space<vmem>>
        %get3A_680 = arith.index_cast %add3A_675 : i32 to index
        %get3A_681 = arith.constant 0 : index
        %get3A_682 = tpu.vector_load %get3A_679[%get3A_680, %get3A_681] {strides = array<i32>} : memref<512x32xf32, #tpu.memory_space<vmem>>, vector<16xf32>,
        %mul3A_683 = arith.constant 5.65685415 : f32
        %mul3A_684 = vector.broadcast %mul3A_683 : f32 to vector<16xf32>
        %mul3A_685 = arith.mulf %get3A_682, %mul3A_684 : vector<16xf32>
        %get3A_686 = arith.constant 0 : i32
        %get3A_687 = arith.constant 0 : i32
        %get3A_688 = tpu.memref_slice %arg6[%rem3A_179, %scan3A_331, %get3A_686, %get3A_687] : memref<2x2x512x32xf32, #tpu.memory_space<vmem>> -> memref<1x1x512x32xf32, #tpu.memory_space<vmem>>
        %get3A_689 = tpu.memref_squeeze %get3A_688 : memref<1x1x512x32xf32, #tpu.memory_space<vmem>> -> memref<512x32xf32, #tpu.memory_space<vmem>>
        %get3A_690 = arith.index_cast %add3A_675 : i32 to index
        %get3A_691 = arith.constant 16 : index
        %get3A_692 = tpu.vector_load %get3A_689[%get3A_690, %get3A_691] {strides = array<i32>} : memref<512x32xf32, #tpu.memory_space<vmem>>, vector<16xf32>,
        %mul3A_693 = arith.constant 5.65685415 : f32
        %mul3A_694 = vector.broadcast %mul3A_693 : f32 to vector<16xf32>
        %mul3A_695 = arith.mulf %get3A_692, %mul3A_694 : vector<16xf32>
        %broadcast_in_dim3A_696 = arith.constant 0 : i32
        %broadcast_in_dim3A_697 = vector.broadcast %broadcast_in_dim3A_696 : i32 to vector<16xi32>
        %add3A_698 = vector.broadcast %add3A_673 : i32 to vector<16xi32>
        %add3A_699 = arith.addi %broadcast_in_dim3A_697, %add3A_698 : vector<16xi32>
        %scatter3A_700 = arith.constant 0 : i32
        %scatter3A_701 = arith.constant 0 : i32
        %scatter3A_702 = arith.constant 0 : i32
        %scatter3A_703 = arith.constant 0 : i32
        %scatter3A_704 = tpu.memref_slice %arg7[%rem3A_299, %scatter3A_700, %scatter3A_701, %scatter3A_702, %scatter3A_703] : memref<3x4x4x8x129xf32, #tpu.memory_space<vmem>> -> memref<1x4x4x8x129xf32, #tpu.memory_space<vmem>>
        %scatter3A_705 = tpu.memref_squeeze %scatter3A_704 : memref<1x4x4x8x129xf32, #tpu.memory_space<vmem>> -> memref<4x4x8x129xf32, #tpu.memory_space<vmem>>
        tpu.vector_store_idx %scatter3A_705[%shift_right_logical3A_186, %broadcast_in_dim3A_330, %and3A_188, %add3A_699], %mul3A_685 : memref<4x4x8x129xf32, #tpu.memory_space<vmem>>[vector<16xi32>, vector<16xi32>, vector<16xi32>, vector<16xi32>], vector<16xf32>,
        %scatter3A_706 = arith.constant 0 : i32
        %scatter3A_707 = arith.constant 0 : i32
        %scatter3A_708 = arith.constant 0 : i32
        %scatter3A_709 = arith.constant 0 : i32
        %scatter3A_710 = tpu.memref_slice %arg7[%rem3A_299, %scatter3A_706, %scatter3A_707, %scatter3A_708, %scatter3A_709] : memref<3x4x4x8x129xf32, #tpu.memory_space<vmem>> -> memref<1x4x4x8x129xf32, #tpu.memory_space<vmem>>
        %scatter3A_711 = tpu.memref_squeeze %scatter3A_710 : memref<1x4x4x8x129xf32, #tpu.memory_space<vmem>> -> memref<4x4x8x129xf32, #tpu.memory_space<vmem>>
        tpu.vector_store_idx %scatter3A_711[%add3A_191, %broadcast_in_dim3A_330, %and3A_188, %add3A_699], %mul3A_695 : memref<4x4x8x129xf32, #tpu.memory_space<vmem>>[vector<16xi32>, vector<16xi32>, vector<16xi32>, vector<16xi32>], vector<16xf32>,
      }
      %scan3A_336 = arith.constant 128 : i32
      %mul3A_337 = arith.constant 4 : i32
      %mul3A_338 = arith.muli %add3A, %mul3A_337 : i32
      %dma_start3A_339 = arith.constant 0 : i32
      %dma_start3A_340 = arith.constant 0 : i32
      %dma_start3A_341 = arith.constant 0 : i32
      %dma_start3A_342 = arith.constant 0 : i32
      %dma_start3A_343 = tpu.memref_slice %arg7[%rem3A_299, %dma_start3A_339, %dma_start3A_340, %dma_start3A_341, %dma_start3A_342] : memref<3x4x4x8x129xf32, #tpu.memory_space<vmem>> -> memref<1x4x4x8x128xf32, #tpu.memory_space<vmem>>
      %dma_start3A_344 = tpu.memref_squeeze %dma_start3A_343 : memref<1x4x4x8x128xf32, #tpu.memory_space<vmem>> -> memref<4x4x8x128xf32, #tpu.memory_space<vmem>>
      %dma_start3A_345 = arith.constant 0 : i32
      %dma_start3A_346 = arith.constant 0 : i32
      %dma_start3A_347 = arith.constant 0 : i32
      %dma_start3A_348 = tpu.memref_slice %arg4[%add3A_297, %dma_start3A_345, %mul3A_338, %dma_start3A_346, %dma_start3A_347] : memref<200x4x128x8x128xf32, #tpu.memory_space<hbm>> -> memref<1x4x4x8x128xf32, #tpu.memory_space<hbm>>
      %dma_start3A_349 = tpu.memref_squeeze %dma_start3A_348 : memref<1x4x4x8x128xf32, #tpu.memory_space<hbm>> -> memref<4x4x8x128xf32, #tpu.memory_space<hbm>>
      %dma_start3A_350 = tpu.memref_slice %arg10[%rem3A_299] : memref<3x!tpu.dma_semaphore, #tpu.memory_space<semaphore_mem>> -> memref<1x!tpu.dma_semaphore, #tpu.memory_space<semaphore_mem>>
      %dma_start3A_351 = tpu.memref_squeeze %dma_start3A_350 : memref<1x!tpu.dma_semaphore, #tpu.memory_space<semaphore_mem>> -> memref<!tpu.dma_semaphore, #tpu.memory_space<semaphore_mem>>
      %dma_start3A_352 = arith.constant 0 : i32
      %dma_start3A_353 = arith.constant 0 : i32
      %dma_start3A_354 = arith.constant 0 : i32
      %dma_start3A_355 = tpu.memref_slice %arg4[%add3A_297, %dma_start3A_352, %mul3A_338, %dma_start3A_353, %dma_start3A_354] : memref<200x4x128x8x128xf32, #tpu.memory_space<hbm>> -> memref<1x4x4x8x128xf32, #tpu.memory_space<hbm>>
      %dma_start3A_356 = tpu.memref_squeeze %dma_start3A_355 : memref<1x4x4x8x128xf32, #tpu.memory_space<hbm>> -> memref<4x4x8x128xf32, #tpu.memory_space<hbm>>
      %dma_start3A_357 = arith.constant 0 : i32
      %dma_start3A_358 = arith.constant 0 : i32
      %dma_start3A_359 = arith.constant 0 : i32
      %dma_start3A_360 = arith.constant 0 : i32
      %dma_start3A_361 = tpu.memref_slice %arg7[%rem3A_299, %dma_start3A_357, %dma_start3A_358, %dma_start3A_359, %dma_start3A_360] : memref<3x4x4x8x129xf32, #tpu.memory_space<vmem>> -> memref<1x4x4x8x128xf32, #tpu.memory_space<vmem>>
      %dma_start3A_362 = tpu.memref_squeeze %dma_start3A_361 : memref<1x4x4x8x128xf32, #tpu.memory_space<vmem>> -> memref<4x4x8x128xf32, #tpu.memory_space<vmem>>
      tpu.enqueue_dma source(%dma_start3A_362 : memref<4x4x8x128xf32, #tpu.memory_space<vmem>>) target(%dma_start3A_356 : memref<4x4x8x128xf32, #tpu.memory_space<hbm>>) target_semaphore(%dma_start3A_351 : memref<!tpu.dma_semaphore, #tpu.memory_space<semaphore_mem>>)
    }
    %scan3A_86 = arith.constant 100 : i32
    %mul3A_87 = arith.constant 4 : i32
    %mul3A_88 = arith.muli %add3A, %mul3A_87 : i32
    %dma_wait3A_89 = arith.constant 2 : i32
    %dma_wait3A_90 = arith.constant 197 : i32
    %dma_wait3A_91 = arith.constant 2 : i32
    %dma_wait3A_92 = arith.constant 0 : i32
    %dma_wait3A_93 = arith.constant 0 : i32
    %dma_wait3A_94 = arith.constant 0 : i32
    %dma_wait3A_95 = arith.constant 0 : i32
    %dma_wait3A_96 = tpu.memref_slice %arg7[%dma_wait3A_89, %dma_wait3A_92, %dma_wait3A_93, %dma_wait3A_94, %dma_wait3A_95] : memref<3x4x4x8x129xf32, #tpu.memory_space<vmem>> -> memref<1x4x4x8x128xf32, #tpu.memory_space<vmem>>
    %dma_wait3A_97 = tpu.memref_squeeze %dma_wait3A_96 : memref<1x4x4x8x128xf32, #tpu.memory_space<vmem>> -> memref<4x4x8x128xf32, #tpu.memory_space<vmem>>
    %dma_wait3A_98 = arith.constant 0 : i32
    %dma_wait3A_99 = arith.constant 0 : i32
    %dma_wait3A_100 = arith.constant 0 : i32
    %dma_wait3A_101 = tpu.memref_slice %arg4[%dma_wait3A_90, %dma_wait3A_98, %mul3A_88, %dma_wait3A_99, %dma_wait3A_100] : memref<200x4x128x8x128xf32, #tpu.memory_space<hbm>> -> memref<1x4x4x8x128xf32, #tpu.memory_space<hbm>>
    %dma_wait3A_102 = tpu.memref_squeeze %dma_wait3A_101 : memref<1x4x4x8x128xf32, #tpu.memory_space<hbm>> -> memref<4x4x8x128xf32, #tpu.memory_space<hbm>>
    %dma_wait3A_103 = tpu.memref_slice %arg10[%dma_wait3A_91] : memref<3x!tpu.dma_semaphore, #tpu.memory_space<semaphore_mem>> -> memref<1x!tpu.dma_semaphore, #tpu.memory_space<semaphore_mem>>
    %dma_wait3A_104 = tpu.memref_squeeze %dma_wait3A_103 : memref<1x!tpu.dma_semaphore, #tpu.memory_space<semaphore_mem>> -> memref<!tpu.dma_semaphore, #tpu.memory_space<semaphore_mem>>
    %dma_wait3A_105 = arith.constant 0 : i32
    %dma_wait3A_106 = arith.constant 0 : i32
    %dma_wait3A_107 = arith.constant 0 : i32
    %dma_wait3A_108 = tpu.memref_slice %arg4[%dma_wait3A_90, %dma_wait3A_105, %mul3A_88, %dma_wait3A_106, %dma_wait3A_107] : memref<200x4x128x8x128xf32, #tpu.memory_space<hbm>> -> memref<1x4x4x8x128xf32, #tpu.memory_space<hbm>>
    %dma_wait3A_109 = tpu.memref_squeeze %dma_wait3A_108 : memref<1x4x4x8x128xf32, #tpu.memory_space<hbm>> -> memref<4x4x8x128xf32, #tpu.memory_space<hbm>>
    %dma_wait3A_110 = arith.constant 0 : i32
    %dma_wait3A_111 = arith.constant 0 : i32
    %dma_wait3A_112 = arith.constant 0 : i32
    %dma_wait3A_113 = arith.constant 0 : i32
    %dma_wait3A_114 = tpu.memref_slice %arg7[%dma_wait3A_89, %dma_wait3A_110, %dma_wait3A_111, %dma_wait3A_112, %dma_wait3A_113] : memref<3x4x4x8x129xf32, #tpu.memory_space<vmem>> -> memref<1x4x4x8x128xf32, #tpu.memory_space<vmem>>
    %dma_wait3A_115 = tpu.memref_squeeze %dma_wait3A_114 : memref<1x4x4x8x128xf32, #tpu.memory_space<vmem>> -> memref<4x4x8x128xf32, #tpu.memory_space<vmem>>
    tpu.wait_dma2 semaphore(%dma_wait3A_104 : memref<!tpu.dma_semaphore, #tpu.memory_space<semaphore_mem>>) src(%dma_wait3A_115 : memref<4x4x8x128xf32, #tpu.memory_space<vmem>>) dst(%dma_wait3A_109 : memref<4x4x8x128xf32, #tpu.memory_space<hbm>>)
    %mul3A_116 = arith.constant 4 : i32
    %mul3A_117 = arith.muli %add3A, %mul3A_116 : i32
    %dma_wait3A_118 = arith.constant 0 : i32
    %dma_wait3A_119 = arith.constant 198 : i32
    %dma_wait3A_120 = arith.constant 0 : i32
    %dma_wait3A_121 = arith.constant 0 : i32
    %dma_wait3A_122 = arith.constant 0 : i32
    %dma_wait3A_123 = arith.constant 0 : i32
    %dma_wait3A_124 = arith.constant 0 : i32
    %dma_wait3A_125 = tpu.memref_slice %arg7[%dma_wait3A_118, %dma_wait3A_121, %dma_wait3A_122, %dma_wait3A_123, %dma_wait3A_124] : memref<3x4x4x8x129xf32, #tpu.memory_space<vmem>> -> memref<1x4x4x8x128xf32, #tpu.memory_space<vmem>>
    %dma_wait3A_126 = tpu.memref_squeeze %dma_wait3A_125 : memref<1x4x4x8x128xf32, #tpu.memory_space<vmem>> -> memref<4x4x8x128xf32, #tpu.memory_space<vmem>>
    %dma_wait3A_127 = arith.constant 0 : i32
    %dma_wait3A_128 = arith.constant 0 : i32
    %dma_wait3A_129 = arith.constant 0 : i32
    %dma_wait3A_130 = tpu.memref_slice %arg4[%dma_wait3A_119, %dma_wait3A_127, %mul3A_117, %dma_wait3A_128, %dma_wait3A_129] : memref<200x4x128x8x128xf32, #tpu.memory_space<hbm>> -> memref<1x4x4x8x128xf32, #tpu.memory_space<hbm>>
    %dma_wait3A_131 = tpu.memref_squeeze %dma_wait3A_130 : memref<1x4x4x8x128xf32, #tpu.memory_space<hbm>> -> memref<4x4x8x128xf32, #tpu.memory_space<hbm>>
    %dma_wait3A_132 = tpu.memref_slice %arg10[%dma_wait3A_120] : memref<3x!tpu.dma_semaphore, #tpu.memory_space<semaphore_mem>> -> memref<1x!tpu.dma_semaphore, #tpu.memory_space<semaphore_mem>>
    %dma_wait3A_133 = tpu.memref_squeeze %dma_wait3A_132 : memref<1x!tpu.dma_semaphore, #tpu.memory_space<semaphore_mem>> -> memref<!tpu.dma_semaphore, #tpu.memory_space<semaphore_mem>>
    %dma_wait3A_134 = arith.constant 0 : i32
    %dma_wait3A_135 = arith.constant 0 : i32
    %dma_wait3A_136 = arith.constant 0 : i32
    %dma_wait3A_137 = tpu.memref_slice %arg4[%dma_wait3A_119, %dma_wait3A_134, %mul3A_117, %dma_wait3A_135, %dma_wait3A_136] : memref<200x4x128x8x128xf32, #tpu.memory_space<hbm>> -> memref<1x4x4x8x128xf32, #tpu.memory_space<hbm>>
    %dma_wait3A_138 = tpu.memref_squeeze %dma_wait3A_137 : memref<1x4x4x8x128xf32, #tpu.memory_space<hbm>> -> memref<4x4x8x128xf32, #tpu.memory_space<hbm>>
    %dma_wait3A_139 = arith.constant 0 : i32
    %dma_wait3A_140 = arith.constant 0 : i32
    %dma_wait3A_141 = arith.constant 0 : i32
    %dma_wait3A_142 = arith.constant 0 : i32
    %dma_wait3A_143 = tpu.memref_slice %arg7[%dma_wait3A_118, %dma_wait3A_139, %dma_wait3A_140, %dma_wait3A_141, %dma_wait3A_142] : memref<3x4x4x8x129xf32, #tpu.memory_space<vmem>> -> memref<1x4x4x8x128xf32, #tpu.memory_space<vmem>>
    %dma_wait3A_144 = tpu.memref_squeeze %dma_wait3A_143 : memref<1x4x4x8x128xf32, #tpu.memory_space<vmem>> -> memref<4x4x8x128xf32, #tpu.memory_space<vmem>>
    tpu.wait_dma2 semaphore(%dma_wait3A_133 : memref<!tpu.dma_semaphore, #tpu.memory_space<semaphore_mem>>) src(%dma_wait3A_144 : memref<4x4x8x128xf32, #tpu.memory_space<vmem>>) dst(%dma_wait3A_138 : memref<4x4x8x128xf32, #tpu.memory_space<hbm>>)
    %mul3A_145 = arith.constant 4 : i32
    %mul3A_146 = arith.muli %add3A, %mul3A_145 : i32
    %dma_wait3A_147 = arith.constant 1 : i32
    %dma_wait3A_148 = arith.constant 199 : i32
    %dma_wait3A_149 = arith.constant 1 : i32
    %dma_wait3A_150 = arith.constant 0 : i32
    %dma_wait3A_151 = arith.constant 0 : i32
    %dma_wait3A_152 = arith.constant 0 : i32
    %dma_wait3A_153 = arith.constant 0 : i32
    %dma_wait3A_154 = tpu.memref_slice %arg7[%dma_wait3A_147, %dma_wait3A_150, %dma_wait3A_151, %dma_wait3A_152, %dma_wait3A_153] : memref<3x4x4x8x129xf32, #tpu.memory_space<vmem>> -> memref<1x4x4x8x128xf32, #tpu.memory_space<vmem>>
    %dma_wait3A_155 = tpu.memref_squeeze %dma_wait3A_154 : memref<1x4x4x8x128xf32, #tpu.memory_space<vmem>> -> memref<4x4x8x128xf32, #tpu.memory_space<vmem>>
    %dma_wait3A_156 = arith.constant 0 : i32
    %dma_wait3A_157 = arith.constant 0 : i32
    %dma_wait3A_158 = arith.constant 0 : i32
    %dma_wait3A_159 = tpu.memref_slice %arg4[%dma_wait3A_148, %dma_wait3A_156, %mul3A_146, %dma_wait3A_157, %dma_wait3A_158] : memref<200x4x128x8x128xf32, #tpu.memory_space<hbm>> -> memref<1x4x4x8x128xf32, #tpu.memory_space<hbm>>
    %dma_wait3A_160 = tpu.memref_squeeze %dma_wait3A_159 : memref<1x4x4x8x128xf32, #tpu.memory_space<hbm>> -> memref<4x4x8x128xf32, #tpu.memory_space<hbm>>
    %dma_wait3A_161 = tpu.memref_slice %arg10[%dma_wait3A_149] : memref<3x!tpu.dma_semaphore, #tpu.memory_space<semaphore_mem>> -> memref<1x!tpu.dma_semaphore, #tpu.memory_space<semaphore_mem>>
    %dma_wait3A_162 = tpu.memref_squeeze %dma_wait3A_161 : memref<1x!tpu.dma_semaphore, #tpu.memory_space<semaphore_mem>> -> memref<!tpu.dma_semaphore, #tpu.memory_space<semaphore_mem>>
    %dma_wait3A_163 = arith.constant 0 : i32
    %dma_wait3A_164 = arith.constant 0 : i32
    %dma_wait3A_165 = arith.constant 0 : i32
    %dma_wait3A_166 = tpu.memref_slice %arg4[%dma_wait3A_148, %dma_wait3A_163, %mul3A_146, %dma_wait3A_164, %dma_wait3A_165] : memref<200x4x128x8x128xf32, #tpu.memory_space<hbm>> -> memref<1x4x4x8x128xf32, #tpu.memory_space<hbm>>
    %dma_wait3A_167 = tpu.memref_squeeze %dma_wait3A_166 : memref<1x4x4x8x128xf32, #tpu.memory_space<hbm>> -> memref<4x4x8x128xf32, #tpu.memory_space<hbm>>
    %dma_wait3A_168 = arith.constant 0 : i32
    %dma_wait3A_169 = arith.constant 0 : i32
    %dma_wait3A_170 = arith.constant 0 : i32
    %dma_wait3A_171 = arith.constant 0 : i32
    %dma_wait3A_172 = tpu.memref_slice %arg7[%dma_wait3A_147, %dma_wait3A_168, %dma_wait3A_169, %dma_wait3A_170, %dma_wait3A_171] : memref<3x4x4x8x129xf32, #tpu.memory_space<vmem>> -> memref<1x4x4x8x128xf32, #tpu.memory_space<vmem>>
    %dma_wait3A_173 = tpu.memref_squeeze %dma_wait3A_172 : memref<1x4x4x8x128xf32, #tpu.memory_space<vmem>> -> memref<4x4x8x128xf32, #tpu.memory_space<vmem>>
    tpu.wait_dma2 semaphore(%dma_wait3A_162 : memref<!tpu.dma_semaphore, #tpu.memory_space<semaphore_mem>>) src(%dma_wait3A_173 : memref<4x4x8x128xf32, #tpu.memory_space<vmem>>) dst(%dma_wait3A_167 : memref<4x4x8x128xf32, #tpu.memory_space<hbm>>)
    return
  }
}

</mosaic_0001>

<sc_bundles>
// kernel: _embed.3.cloned.1.call-start
scs
__scs_entry_jumppad:
0x0: {  	(pc) =	sbr.rel $0x88, $3  }
0x1: {  	(tag) =	ssettag $0x0;
	lr =	simm.s32 $0x1  }
0x2: {  	[smem:$0x3F9F] =	sst lr;
	_ =	strace $0xD0000000  }
0x3: {  	_ = 	snop  }
0x4: {  	_ = 	snop  }
0x5: {  	_ = 	snop  }
0x6: {  	_ = 	snop  }
0x7: {  	_ = 	snop  }
__scs_overlays_trampoline_lowered:
0x8: {  	[smem:$0x3FAE] =	sst s0  }
0x9: {  	[smem:$0x3FAF] =	sst s1  }
0xa: {  	[smem:$0x3FB0] =	sst s2  }
0xb: {  	[smem:$0x3FB1] =	sst s3  }
0xc: {  	[smem:$0x3FB2] =	sst s4  }
0xd: {  	[smem:$0x3FB3] =	sst s5  }
0xe: {  	[smem:$0x3FB4] =	sst s6  }
0xf: {  	[smem:$0x3FB5] =	sst s7  }
0x10: {  	[smem:$0x3FB6] =	sst s8  }
0x11: {  	[smem:$0x3FB7] =	sst s9;
	s0 =	simm.s32 @!p0 $0x0  }
0x12: {  	s1 =	sld [smem:$0x3F9D];
	s0 =	simm.s32 @p0 $0x1  }
0x13: {  	[smem:$0x3FB8] =	sst s0;
	s0 =	simm.s32 @!p1 $0x0  }
0x14: {  	s2 =	sld [smem:$0x3F9C];
	s0 =	simm.s32 @p1 $0x1  }
0x15: {  	[smem:$0x3FB9] =	sst s0;
	s0 =	simm.s32 @!p2 $0x0  }
0x16: {  	s3 =	sld [smem:$0x3FDB];
	s0 =	simm.s32 @p2 $0x1  }
0x17: {  	s4 =	simm.s32 $0x1BF5;
	[smem:$0x3FBB] =	sst s0  }
0x18: {  	s0 =	sld [smem:$0x3F9E];
	_ =	swait.ge [sflag:s4], $0x0  }
0x19: {  	s7 =	sld [smem:$0x3F9F]  }
0x1a: {  	s8 =	sadd.s32 $0xFFFFE003, lr  }
0x1b: {  	s9 =	sadd.s32 $0xFFFFFEF7, lr;
	s5 =	simm.s32 $0xFFFFFFFF;
	p2 =	slt.u32 s8, $0xFFFFF086  }
0x1c: {  	p1 =	slt.u32 s9, $0xF7A;
	s5 =	simm.s32 @!p2 $0x0  }
0x1d: {  	s5 =	simm.s32 @p1 $0x1;
	p0 =	seq.s32 s7, s2  }
0x1e: {  	s7 =	smul.u32 @!p0 $0xF7A, s2;
	p2 =	seq.s32 @!p0 s5, $0x0  }
0x1f: {  	s9 =	smul.u32 $0xF7A, s1;
	s8 =	simm.s32 @!p0 $0x1BF5;
	p2 =	por !p2, p0  }
0x20: {  	[sflag:s8] =	ssyncset.s32 @!p0 $0xFFFFF086;
	s6 =	sadd.s32 @!p0 s3, s7;
	s7 =	simm.s32 @!p0 $0x108  }
0x21: {  	s3 =	sadd.s32 s3, s9;
	s6 =	sadd.s32 @!p0 $0x88, s6;
	s7 =	simm.s32 @p2 $0x1082  }
0x22: {  	[simem:s7], [sflag:s8] =	dma.local @!p0 [hbm:s6], $0xF7A  }
0x23: {  	s9 =	sor.u32 $0xD0000000, s2;
	s6 =	simm.s32 $0x108;
	_ =	swait.ge @!p0 [sflag:s8], $0x0  }
0x24: {  	s3 =	sadd.s32 $0x88, s3;
	s6 =	simm.s32 @!p1 $0x1082;
	[sflag:s4] =	ssyncset.s32 $0xFFFFF086  }
0x25: {  	[simem:s6], [sflag:s4] =	dma.local [hbm:s3], $0xF7A  }
0x26: {  	[smem:$0x3F9F] =	sst s1;
	(tag) =	ssettag s2;
	_ =	strace s9  }
0x27: {  	s1 =	sld [smem:$0x3FAF]  }
0x28: {  	s2 =	sld [smem:$0x3FB0]  }
0x29: {  	s4 =	sld [smem:$0x3FB2]  }
0x2a: {  	p0 =	seq.s32 s5, $0x0;
	s5 =	sld [smem:$0x3FB3]  }
0x2b: {  	s6 =	sld [smem:$0x3FB4]  }
0x2c: {  	s7 =	sld [smem:$0x3FB5]  }
0x2d: {  	s3 =	simm.s32 $0x108;
	s8 =	sld [smem:$0x3FB6]  }
0x2e: {  	s3 =	simm.s32 @!p0 $0x1082;
	s9 =	sld [smem:$0x3FB7]  }
0x2f: {  	lr =	sadd.s32 s0, s3;
	s0 =	sld [smem:$0x3FAE]  }
0x30: {  	s3 =	sld [smem:$0x3FB1]  }
0x31: {  	[smem:$0x3FBA] =	sst s10  }
0x32: {  	s10 =	sld [smem:$0x3FB8];
	_ =	sdelay $0x3  }
0x33: {  	p0 =	seq.s32 s10, $0x1;
	s10 =	sld [smem:$0x3FBA];
	_ =	sdelay $0x3  }
0x34: {  	[smem:$0x3FBA] =	sst s10  }
0x35: {  	s10 =	sld [smem:$0x3FB9];
	_ =	sdelay $0x3  }
0x36: {  	p1 =	seq.s32 s10, $0x1;
	s10 =	sld [smem:$0x3FBA];
	_ =	sdelay $0x3  }
0x37: {  	[smem:$0x3FBA] =	sst s10  }
0x38: {  	s10 =	sld [smem:$0x3FBB]  }
0x39: {  	_ = 	snop;
	(pc) =	sbr.ind lr, $3  }
0x3a: {  	_ = 	snop  }
0x3b: {  	_ = 	snop  }
0x3c: {  	p2 =	seq.s32 s10, $0x1;
	s10 =	sld [smem:$0x3FBA]  }
0x3d: {  	_ =	shalt  }
0x3e: {  	_ =	shalt  }
0x3f: {  	_ =	shalt  }
0x40: {  	_ =	shalt  }
0x41: {  	_ =	shalt  }
0x42: {  	_ =	shalt  }
0x43: {  	_ =	shalt  }
0x44: {  	_ =	shalt  }
0x45: {  	_ =	shalt  }
0x46: {  	_ =	shalt  }
0x47: {  	_ =	shalt  }
0x48: {  	_ =	shalt  }
0x49: {  	_ =	shalt  }
0x4a: {  	_ =	shalt  }
0x4b: {  	_ =	shalt  }
0x4c: {  	_ =	shalt  }
0x4d: {  	_ =	shalt  }
0x4e: {  	_ =	shalt  }
0x4f: {  	_ =	shalt  }
0x50: {  	_ =	shalt  }
0x51: {  	_ =	shalt  }
0x52: {  	_ =	shalt  }
0x53: {  	_ =	shalt  }
0x54: {  	_ =	shalt  }
0x55: {  	_ =	shalt  }
0x56: {  	_ =	shalt  }
0x57: {  	_ =	shalt  }
0x58: {  	_ =	shalt  }
0x59: {  	_ =	shalt  }
0x5a: {  	_ =	shalt  }
0x5b: {  	_ =	shalt  }
0x5c: {  	_ =	shalt  }
0x5d: {  	_ =	shalt  }
0x5e: {  	_ =	shalt  }
0x5f: {  	_ =	shalt  }
0x60: {  	_ =	shalt  }
0x61: {  	_ =	shalt  }
0x62: {  	_ =	shalt  }
0x63: {  	_ =	shalt  }
0x64: {  	_ =	shalt  }
0x65: {  	_ =	shalt  }
0x66: {  	_ =	shalt  }
0x67: {  	_ =	shalt  }
0x68: {  	_ =	shalt  }
0x69: {  	_ =	shalt  }
0x6a: {  	_ =	shalt  }
0x6b: {  	_ =	shalt  }
0x6c: {  	_ =	shalt  }
0x6d: {  	_ =	shalt  }
0x6e: {  	_ =	shalt  }
0x6f: {  	_ =	shalt  }
0x70: {  	_ =	shalt  }
0x71: {  	_ =	shalt  }
0x72: {  	_ =	shalt  }
0x73: {  	_ =	shalt  }
0x74: {  	_ =	shalt  }
0x75: {  	_ =	shalt  }
0x76: {  	_ =	shalt  }
0x77: {  	_ =	shalt  }
0x78: {  	_ =	shalt  }
0x79: {  	_ =	shalt  }
0x7a: {  	_ =	shalt  }
0x7b: {  	_ =	shalt  }
0x7c: {  	_ =	shalt  }
0x7d: {  	_ =	shalt  }
0x7e: {  	_ =	shalt  }
0x7f: {  	_ =	shalt  }
0x80: {  	_ =	shalt  }
0x81: {  	_ =	shalt  }
0x82: {  	_ =	shalt  }
0x83: {  	_ =	shalt  }
0x84: {  	_ =	shalt  }
0x85: {  	_ =	shalt  }
0x86: {  	_ =	shalt  }
0x87: {  	_ =	shalt  }
.Lfunc_end0:
.L_simem_size_0:
called_computation_lowered:
.L_overlay_start_0:
0x88: {  	s2 =	sld [smem:$0x3FD9]  }
0x89: {  	s3 =	sld [smem:$0x3FFE];
	_ =	sdelay $0x1  }
0x8a: {  	s1 =	srdreg.scid  }
0x8b: {  	s0 =	sand.u32 $0x1, s1  }
0x8c: {  	s17 =	sshll.u32 s0, $0xA;
	s2 =	sadd.s32 s3, s2  }
0x8d: {  	s2 =	sadd.s32 s2, s17  }
0x8e: {  	[smem:$0x3FC6] =	sst s2  }
0x8f: {  	_ = 	snop  }
0x90: {  	s2 =	sld [smem:$0x3FD0];
	(tm) =	ssettm $0x1  }
0x91: {  	s18 =	sld [smem:$0x3FFB];
	_ =	sdelay $0x3  }
0x92: {  	_ =	strace s18  }
0x93: {  	s3 =	sld [smem:$0x3FFC];
	_ =	sdelay $0x3  }
0x94: {  	_ =	strace s3  }
0x95: {  	s3 =	sld [smem:$0x3FFD];
	_ =	sdelay $0x3  }
0x96: {  	_ =	strace s3  }
0x97: {  	_ =	strace $0x8FFFFFFF  }
0x98: {  	s19 =	sld [smem:$0x3FDB];
	_ =	sdelay $0x1  }
0x99: {  	s4 =	simm.s32 $_scs_section_size  }
0x9a: {  	s5 =	simm.s32 $_size__tile_overlayer_lowered;
	s6 =	simm.s32 $_tile_overlayer_lowered  }
0x9b: {  	s22 =	simm.s32 $0x1BFF;
	s21 =	sshll.u32 s6, $0x1;
	s3 =	sadd.s32 s4, s19  }
0x9c: {  	s7 =	simm.s32 $0x0;
	s20 =	sshll.u32 s5, $0x1;
	s5 =	sadd.s32 s21, s3  }
0x9d: {  	[timem:s7], [sflag:s22] =	dma.local [hbm:s5], s20  }
0x9e: {  	_ =	swait.ge [sflag:s22], s20  }
0x9f: {  	s4 =	ssub.s32 $0x0, s20;
	[sflag:s22] =	ssyncset.done $0x0  }
0xa0: {  	[sflag:s22] =	ssyncadd.s32 s4;
	_ =	sdelay $0x1  }
0xa1: {  	s23 =	simm.s32 $0x1B8B  }
0xa2: {  	_ =	swait.ge [sflag:s23], $0x1  }
0xa3: {  	[sflag:s23] =	ssyncset.done $0x0  }
0xa4: {  	s25 =	simm.s32 $0x1B8E;
	s24 =	sld [smem:$0x3FFE];
	[sflag:s23] =	ssyncadd.s32 $0xFFFFFFFF  }
0xa5: {  	s26 =	simm.s32 $execute0_lowered;
	[smem:$0x3FD2] =	sst s25  }
0xa6: {  	s5 =	sshll.u32 s26, $0x1;
	_ =	strace $0x80000046;
	[dreg:$0x1] =	wrdreg $0xFFFFFFFF  }
0xa7: {  	s28 =	simm.s32 $_size_execute0_lowered;
	s3 =	sadd.s32 s3, s5;
	[dreg:$0x0] =	wrdreg $0x0  }
0xa8: {  	s5 =	sshll.u32 s28, $0x1;
	[dreg:$0x2] =	wrdreg s3  }
0xa9: {  	[dreg:$0x3] =	wrdreg s5  }
0xaa: {  	[dreg:$0x4] =	wrdreg $0xC0  }
0xab: {  	_ =	task [dreg:s7], $0x5FFFF  }
0xac: {  	[dreg:$0x1] =	wrdreg $0xFFFFFFFF  }
0xad: {  	[dreg:$0x0] =	wrdreg $0x60  }
0xae: {  	[dreg:$0x2] =	wrdreg s24  }
0xaf: {  	[dreg:$0x3] =	wrdreg s2  }
0xb0: {  	[dreg:$0x4] =	wrdreg $0x9  }
0xb1: {  	_ =	task.clear_ibuf [dreg:s7], $0x5FFFF;
	_ =	strace $0x90000046  }
0xb2: {  	s29 =	simm.s32 $0x9;
	_ =	strace $0x80000048  }
0xb3: {  	_ =	swait.ge [sflag:s29], $0x1  }
0xb4: {  	[sflag:s29] =	ssyncadd.s32 $0xFFFFFFFF  }
0xb5: {  	_ =	strace $0x90000048  }
0xb6: {  	_ =	sfence  }
0xb7: {  	s30 =	sld [smem:$0x0];
	_ =	sdelay $0x2  }
0xb8: {  	s31 =	sshll.u32 s1, $0xD;
	s1 =	sshrl.u32 s1, $0x2  }
0xb9: {  	s3 =	sand.u32 $0x4000, s31;
	s1 =	sadd.s32 s1, s30  }
0xba: {  	s0 =	sor.u32 s3, s0;
	s1 =	sshll.u32 s1, $0x11  }
0xbb: {  	s0 =	sor.u32 s1, s0  }
0xbc: {  	s0 =	sadd.s32 $0x8F2B, s0  }
0xbd: {  	[sflag:s0] =	ssyncadd.remote.s32 $0x1  }
0xbe: {  	_ =	sfence.sel $0xFFFF  }
0xbf: {  	[dreg:$0x0] =	wrdreg $0xFFFFFFFF;
	(pc) =	sbr.abs _section_cstart, $3  }
0xc0: {  	[dreg:$0x1] =	wrdreg $0xFFFFFFFF  }
0xc1: {  	_ =	task.clear_ibuf [dreg:s7], $0x2FFFF;
	_ =	strace $0x9FFFFFFF  }
0xc2: {  	(tm) =	ssettm $0x7FFFFFFF  }
0xc3: {  	_ =	shalt  }
tec
execute0_lowered:
.L_overlay_start_1:
0x0: {  	(tag) =	ssettag $0x1  }
0x1: {  	vm13 =	vcmask $0x300;
	v0 =	vimm.s32 $0x14B8  }
0x2: {  	vm14 =	vcmask $0x704;
	vm12 =	vcmask $0xB08;
	v3 =	vimm.s32 $0x36B9  }
0x3: {  	vm11 =	vcmask $0xF0C;
	v0 =	vsel vm13, $0x0, v0;
	v3 =	vsel vm13, $0x2201, v3  }
0x4: {  	vm10 =	vcmask $0x1310;
	v0 =	vsel vm14, $0x88, v0;
	v3 =	vsel vm14, $0x2289, v3  }
0x5: {  	vm9 =	vcmask $0x1714;
	v0 =	vsel vm12, $0x110, v0;
	v3 =	vsel vm12, $0x2311, v3  }
0x6: {  	vm8 =	vcmask $0x1B18;
	v0 =	vsel vm11, $0x198, v0;
	v3 =	vsel vm11, $0x2399, v3  }
0x7: {  	vm7 =	vcmask $0x1F1C;
	v0 =	vsel vm10, $0x220, v0;
	v3 =	vsel vm10, $0x2421, v3  }
0x8: {  	vm6 =	vcmask $0x2320;
	v0 =	vsel vm9, $0x2A8, v0;
	v3 =	vsel vm9, $0x24A9, v3  }
0x9: {  	vm5 =	vcmask $0x2724;
	v0 =	vsel vm8, $0x330, v0;
	v3 =	vsel vm8, $0x2531, v3  }
0xa: {  	vm4 =	vcmask $0x2B28;
	v0 =	vsel vm7, $0x3B8, v0;
	v3 =	vsel vm7, $0x25B9, v3  }
0xb: {  	vm3 =	vcmask $0x2F2C;
	v0 =	vsel vm6, $0x1100, v0;
	v3 =	vsel vm6, $0x3301, v3  }
0xc: {  	vm2 =	vcmask $0x3330;
	v0 =	vsel vm5, $0x1188, v0;
	v3 =	vsel vm5, $0x3389, v3  }
0xd: {  	vm1 =	vcmask $0x3734;
	v0 =	vsel vm4, $0x1210, v0;
	v3 =	vsel vm4, $0x3411, v3  }
0xe: {  	v1 =	vimm.s32 $0x0;
	v0 =	vsel vm3, $0x1298, v0;
	v3 =	vsel vm3, $0x3499, v3  }
0xf: {  	vm0 =	vcmask $0x3B38;
	v0 =	vsel vm2, $0x1320, v0;
	v3 =	vsel vm2, $0x3521, v3  }
0x10: {  	v2 =	vsel vm1, $0x13A8, v0;
	v0 =	vsel vm13, $0x3, v1;
	v1 =	vimm.s32 $0x36B8  }
0x11: {  	v7 =	vsel vm0, $0x1430, v2;
	v2 =	vimm.s32 $0x14B9;
	v1 =	vsel vm13, $0x2200, v1  }
0x12: {  	v3 =	vsel vm1, $0x35A9, v3;
	v2 =	vsel vm13, $0x1, v2;
	v1 =	vsel vm14, $0x2288, v1  }
0x13: {  	v11 =	vsel vm0, $0x3631, v3;
	v2 =	vsel vm14, $0x89, v2;
	v1 =	vsel vm12, $0x2310, v1  }
0x14: {  	v3 =	vimm.s32 $0x14BB;
	v2 =	vsel vm12, $0x111, v2;
	v1 =	vsel vm11, $0x2398, v1  }
0x15: {  	v3 =	vsel vm13, $0x3, v3;
	v2 =	vsel vm11, $0x199, v2;
	v1 =	vsel vm10, $0x2420, v1  }
0x16: {  	v3 =	vsel vm14, $0x8B, v3;
	v2 =	vsel vm10, $0x221, v2;
	v1 =	vsel vm9, $0x24A8, v1  }
0x17: {  	v3 =	vsel vm12, $0x113, v3;
	v2 =	vsel vm9, $0x2A9, v2;
	v1 =	vsel vm8, $0x2530, v1  }
0x18: {  	v3 =	vsel vm11, $0x19B, v3;
	v2 =	vsel vm8, $0x331, v2;
	v1 =	vsel vm7, $0x25B8, v1  }
0x19: {  	v3 =	vsel vm10, $0x223, v3;
	v2 =	vsel vm7, $0x3B9, v2;
	v1 =	vsel vm6, $0x3300, v1  }
0x1a: {  	v3 =	vsel vm9, $0x2AB, v3;
	v2 =	vsel vm6, $0x1101, v2;
	v1 =	vsel vm5, $0x3388, v1  }
0x1b: {  	v3 =	vsel vm8, $0x333, v3;
	v2 =	vsel vm5, $0x1189, v2;
	v1 =	vsel vm4, $0x3410, v1  }
0x1c: {  	v3 =	vsel vm7, $0x3BB, v3;
	v2 =	vsel vm4, $0x1211, v2;
	v1 =	vsel vm3, $0x3498, v1  }
0x1d: {  	v3 =	vsel vm6, $0x1103, v3;
	v2 =	vsel vm3, $0x1299, v2;
	v1 =	vsel vm2, $0x3520, v1  }
0x1e: {  	v3 =	vsel vm5, $0x118B, v3;
	v2 =	vsel vm2, $0x1321, v2;
	v1 =	vsel vm1, $0x35A8, v1  }
0x1f: {  	v2 =	vsel vm1, $0x13A9, v2;
	v8 =	vsel vm0, $0x3630, v1;
	v1 =	vimm.s32 $0x14BA  }
0x20: {  	v10 =	vsel vm0, $0x1431, v2;
	v2 =	vimm.s32 $0x36BA;
	v1 =	vsel vm13, $0x2, v1  }
0x21: {  	v3 =	vsel vm4, $0x1213, v3;
	v2 =	vsel vm13, $0x2202, v2;
	v1 =	vsel vm14, $0x8A, v1  }
0x22: {  	v3 =	vsel vm3, $0x129B, v3;
	v2 =	vsel vm14, $0x228A, v2;
	v1 =	vsel vm12, $0x112, v1  }
0x23: {  	v3 =	vsel vm2, $0x1323, v3;
	v2 =	vsel vm12, $0x2312, v2;
	v1 =	vsel vm11, $0x19A, v1  }
0x24: {  	v3 =	vsel vm1, $0x13AB, v3;
	v2 =	vsel vm11, $0x239A, v2;
	v1 =	vsel vm10, $0x222, v1  }
0x25: {  	v14 =	vsel vm0, $0x1433, v3;
	v2 =	vsel vm10, $0x2422, v2;
	v1 =	vsel vm9, $0x2AA, v1  }
0x26: {  	v3 =	vimm.s32 $0x36BC;
	v2 =	vsel vm9, $0x24AA, v2;
	v1 =	vsel vm8, $0x332, v1  }
0x27: {  	v3 =	vsel vm13, $0x2204, v3;
	v2 =	vsel vm8, $0x2532, v2;
	v1 =	vsel vm7, $0x3BA, v1  }
0x28: {  	v3 =	vsel vm14, $0x228C, v3;
	v2 =	vsel vm7, $0x25BA, v2;
	v1 =	vsel vm6, $0x1102, v1  }
0x29: {  	v3 =	vsel vm12, $0x2314, v3;
	v2 =	vsel vm6, $0x3302, v2;
	v1 =	vsel vm5, $0x118A, v1  }
0x2a: {  	v3 =	vsel vm11, $0x239C, v3;
	v2 =	vsel vm5, $0x338A, v2;
	v1 =	vsel vm4, $0x1212, v1  }
0x2b: {  	v3 =	vsel vm10, $0x2424, v3;
	v2 =	vsel vm4, $0x3412, v2;
	v1 =	vsel vm3, $0x129A, v1  }
0x2c: {  	v3 =	vsel vm9, $0x24AC, v3;
	v2 =	vsel vm3, $0x349A, v2;
	v1 =	vsel vm2, $0x1322, v1  }
0x2d: {  	v3 =	vsel vm8, $0x2534, v3;
	v2 =	vsel vm2, $0x3522, v2;
	v1 =	vsel vm1, $0x13AA, v1  }
0x2e: {  	v2 =	vsel vm1, $0x35AA, v2;
	v12 =	vsel vm0, $0x1432, v1;
	v1 =	vimm.s32 $0x36BB  }
0x2f: {  	v13 =	vsel vm0, $0x3632, v2;
	v2 =	vimm.s32 $0x14BC;
	v1 =	vsel vm13, $0x2203, v1  }
0x30: {  	v3 =	vsel vm7, $0x25BC, v3;
	v2 =	vsel vm13, $0x4, v2;
	v1 =	vsel vm14, $0x228B, v1  }
0x31: {  	v3 =	vsel vm6, $0x3304, v3;
	v2 =	vsel vm14, $0x8C, v2;
	v1 =	vsel vm12, $0x2313, v1  }
0x32: {  	v3 =	vsel vm5, $0x338C, v3;
	v2 =	vsel vm12, $0x114, v2;
	v1 =	vsel vm11, $0x239B, v1  }
0x33: {  	v3 =	vsel vm4, $0x3414, v3;
	v2 =	vsel vm11, $0x19C, v2;
	v1 =	vsel vm10, $0x2423, v1  }
0x34: {  	v3 =	vsel vm3, $0x349C, v3;
	v2 =	vsel vm10, $0x224, v2;
	v1 =	vsel vm9, $0x24AB, v1  }
0x35: {  	v3 =	vsel vm2, $0x3524, v3;
	v2 =	vsel vm9, $0x2AC, v2;
	v1 =	vsel vm8, $0x2533, v1  }
0x36: {  	v3 =	vsel vm1, $0x35AC, v3;
	v2 =	vsel vm8, $0x334, v2;
	v1 =	vsel vm7, $0x25BB, v1  }
0x37: {  	v17 =	vsel vm0, $0x3634, v3;
	v2 =	vsel vm7, $0x3BC, v2;
	v1 =	vsel vm6, $0x3303, v1  }
0x38: {  	v3 =	vimm.s32 $0x14BE;
	v2 =	vsel vm6, $0x1104, v2;
	v1 =	vsel vm5, $0x338B, v1  }
0x39: {  	v3 =	vsel vm13, $0x6, v3;
	v2 =	vsel vm5, $0x118C, v2;
	v1 =	vsel vm4, $0x3413, v1  }
0x3a: {  	v3 =	vsel vm14, $0x8E, v3;
	v2 =	vsel vm4, $0x1214, v2;
	v1 =	vsel vm3, $0x349B, v1  }
0x3b: {  	v3 =	vsel vm12, $0x116, v3;
	v2 =	vsel vm3, $0x129C, v2;
	v1 =	vsel vm2, $0x3523, v1  }
0x3c: {  	v3 =	vsel vm11, $0x19E, v3;
	v2 =	vsel vm2, $0x1324, v2;
	v1 =	vsel vm1, $0x35AB, v1  }
0x3d: {  	v2 =	vsel vm1, $0x13AC, v2;
	v15 =	vsel vm0, $0x3633, v1;
	v1 =	vimm.s32 $0x14BD  }
0x3e: {  	v16 =	vsel vm0, $0x1434, v2;
	v2 =	vimm.s32 $0x36BD;
	v1 =	vsel vm13, $0x5, v1  }
0x3f: {  	v3 =	vsel vm10, $0x226, v3;
	v2 =	vsel vm13, $0x2205, v2;
	v1 =	vsel vm14, $0x8D, v1  }
0x40: {  	v3 =	vsel vm9, $0x2AE, v3;
	v2 =	vsel vm14, $0x228D, v2;
	v1 =	vsel vm12, $0x115, v1  }
0x41: {  	v3 =	vsel vm8, $0x336, v3;
	v2 =	vsel vm12, $0x2315, v2;
	v1 =	vsel vm11, $0x19D, v1  }
0x42: {  	v3 =	vsel vm7, $0x3BE, v3;
	v2 =	vsel vm11, $0x239D, v2;
	v1 =	vsel vm10, $0x225, v1  }
0x43: {  	v3 =	vsel vm6, $0x1106, v3;
	v2 =	vsel vm10, $0x2425, v2;
	v1 =	vsel vm9, $0x2AD, v1  }
0x44: {  	v3 =	vsel vm5, $0x118E, v3;
	v2 =	vsel vm9, $0x24AD, v2;
	v1 =	vsel vm8, $0x335, v1  }
0x45: {  	v3 =	vsel vm4, $0x1216, v3;
	v2 =	vsel vm8, $0x2535, v2;
	v1 =	vsel vm7, $0x3BD, v1  }
0x46: {  	v3 =	vsel vm3, $0x129E, v3;
	v2 =	vsel vm7, $0x25BD, v2;
	v1 =	vsel vm6, $0x1105, v1  }
0x47: {  	v3 =	vsel vm2, $0x1326, v3;
	v2 =	vsel vm6, $0x3305, v2;
	v1 =	vsel vm5, $0x118D, v1  }
0x48: {  	v3 =	vsel vm1, $0x13AE, v3;
	v2 =	vsel vm5, $0x338D, v2;
	v1 =	vsel vm4, $0x1215, v1  }
0x49: {  	v20 =	vsel vm0, $0x1436, v3;
	v2 =	vsel vm4, $0x3415, v2;
	v1 =	vsel vm3, $0x129D, v1  }
0x4a: {  	v3 =	vimm.s32 $0x36BF;
	v2 =	vsel vm3, $0x349D, v2;
	v1 =	vsel vm2, $0x1325, v1  }
0x4b: {  	v3 =	vsel vm13, $0x2207, v3;
	v2 =	vsel vm2, $0x3525, v2;
	v1 =	vsel vm1, $0x13AD, v1  }
0x4c: {  	v2 =	vsel vm1, $0x35AD, v2;
	v18 =	vsel vm0, $0x1435, v1;
	v1 =	vimm.s32 $0x36BE  }
0x4d: {  	v19 =	vsel vm0, $0x3635, v2;
	v2 =	vimm.s32 $0x14BF;
	v1 =	vsel vm13, $0x2206, v1  }
0x4e: {  	v3 =	vsel vm14, $0x228F, v3;
	v2 =	vsel vm13, $0x7, v2;
	v1 =	vsel vm14, $0x228E, v1  }
0x4f: {  	v3 =	vsel vm12, $0x2317, v3;
	v2 =	vsel vm14, $0x8F, v2;
	v1 =	vsel vm12, $0x2316, v1  }
0x50: {  	v3 =	vsel vm11, $0x239F, v3;
	v2 =	vsel vm12, $0x117, v2;
	v1 =	vsel vm11, $0x239E, v1  }
0x51: {  	v3 =	vsel vm10, $0x2427, v3;
	v2 =	vsel vm11, $0x19F, v2;
	v1 =	vsel vm10, $0x2426, v1  }
0x52: {  	v3 =	vsel vm9, $0x24AF, v3;
	v2 =	vsel vm10, $0x227, v2;
	v1 =	vsel vm9, $0x24AE, v1  }
0x53: {  	v3 =	vsel vm8, $0x2537, v3;
	v2 =	vsel vm9, $0x2AF, v2;
	v1 =	vsel vm8, $0x2536, v1  }
0x54: {  	v3 =	vsel vm7, $0x25BF, v3;
	v2 =	vsel vm8, $0x337, v2;
	v1 =	vsel vm7, $0x25BE, v1  }
0x55: {  	v3 =	vsel vm6, $0x3307, v3;
	v2 =	vsel vm7, $0x3BF, v2;
	v1 =	vsel vm6, $0x3306, v1  }
0x56: {  	v3 =	vsel vm5, $0x338F, v3;
	v2 =	vsel vm6, $0x1107, v2;
	v1 =	vsel vm5, $0x338E, v1  }
0x57: {  	v3 =	vsel vm4, $0x3417, v3;
	v2 =	vsel vm5, $0x118F, v2;
	v1 =	vsel vm4, $0x3416, v1  }
0x58: {  	v3 =	vsel vm3, $0x349F, v3;
	v2 =	vsel vm4, $0x1217, v2;
	v1 =	vsel vm3, $0x349E, v1  }
0x59: {  	v3 =	vsel vm2, $0x3527, v3;
	v2 =	vsel vm3, $0x129F, v2;
	v1 =	vsel vm2, $0x3526, v1  }
0x5a: {  	v3 =	vsel vm1, $0x35AF, v3;
	v2 =	vsel vm2, $0x1327, v2;
	v1 =	vsel vm1, $0x35AE, v1  }
0x5b: {  	v23 =	vsel vm0, $0x3637, v3;
	v2 =	vsel vm1, $0x13AF, v2;
	v21 =	vsel vm0, $0x3636, v1  }
0x5c: {  	v1 =	vimm.s32 $0x18F8;
	v22 =	vsel vm0, $0x1437, v2;
	v2 =	vimm.s32 $0x3AF8  }
0x5d: {  	v3 =	vimm.s32 $0x18F9;
	v1 =	vsel vm13, $0x440, v1;
	v2 =	vsel vm13, $0x2640, v2  }
0x5e: {  	v3 =	vsel vm13, $0x441, v3;
	v1 =	vsel vm14, $0x4C8, v1;
	v2 =	vsel vm14, $0x26C8, v2  }
0x5f: {  	v3 =	vsel vm14, $0x4C9, v3;
	v1 =	vsel vm12, $0x550, v1;
	v2 =	vsel vm12, $0x2750, v2  }
0x60: {  	v3 =	vsel vm12, $0x551, v3;
	v1 =	vsel vm11, $0x5D8, v1;
	v2 =	vsel vm11, $0x27D8, v2  }
0x61: {  	v3 =	vsel vm11, $0x5D9, v3;
	v1 =	vsel vm10, $0x660, v1;
	v2 =	vsel vm10, $0x2860, v2  }
0x62: {  	v3 =	vsel vm10, $0x661, v3;
	v1 =	vsel vm9, $0x6E8, v1;
	v2 =	vsel vm9, $0x28E8, v2  }
0x63: {  	v3 =	vsel vm9, $0x6E9, v3;
	v1 =	vsel vm8, $0x770, v1;
	v2 =	vsel vm8, $0x2970, v2  }
0x64: {  	v3 =	vsel vm8, $0x771, v3;
	v1 =	vsel vm7, $0x7F8, v1;
	v2 =	vsel vm7, $0x29F8, v2  }
0x65: {  	v3 =	vsel vm7, $0x7F9, v3;
	v1 =	vsel vm6, $0x1540, v1;
	v2 =	vsel vm6, $0x3740, v2  }
0x66: {  	v3 =	vsel vm6, $0x1541, v3;
	v1 =	vsel vm5, $0x15C8, v1;
	v2 =	vsel vm5, $0x37C8, v2  }
0x67: {  	v3 =	vsel vm5, $0x15C9, v3;
	v1 =	vsel vm4, $0x1650, v1;
	v2 =	vsel vm4, $0x3850, v2  }
0x68: {  	v3 =	vsel vm4, $0x1651, v3;
	v1 =	vsel vm3, $0x16D8, v1;
	v2 =	vsel vm3, $0x38D8, v2  }
0x69: {  	v3 =	vsel vm3, $0x16D9, v3;
	v1 =	vsel vm2, $0x1760, v1;
	v2 =	vsel vm2, $0x3960, v2  }
0x6a: {  	v3 =	vsel vm2, $0x1761, v3;
	v1 =	vsel vm1, $0x17E8, v1;
	v2 =	vsel vm1, $0x39E8, v2  }
0x6b: {  	v3 =	vsel vm1, $0x17E9, v3;
	v24 =	vsel vm0, $0x1870, v1;
	v1 =	vsel vm0, $0x3A70, v2  }
0x6c: {  	[tilespmem:$0x1FEA0] =	vst v1;
	v1 =	vsel vm0, $0x1871, v3  }
0x6d: {  	[tilespmem:$0x1FEB0] =	vst v1;
	v1 =	vimm.s32 $0x3AF9  }
0x6e: {  	v2 =	vimm.s32 $0x18FA;
	v1 =	vsel vm13, $0x2641, v1  }
0x6f: {  	v3 =	vimm.s32 $0x3AFA;
	v2 =	vsel vm13, $0x442, v2;
	v1 =	vsel vm14, $0x26C9, v1  }
0x70: {  	v3 =	vsel vm13, $0x2642, v3;
	v2 =	vsel vm14, $0x4CA, v2;
	v1 =	vsel vm12, $0x2751, v1  }
0x71: {  	v3 =	vsel vm14, $0x26CA, v3;
	v2 =	vsel vm12, $0x552, v2;
	v1 =	vsel vm11, $0x27D9, v1  }
0x72: {  	v3 =	vsel vm12, $0x2752, v3;
	v2 =	vsel vm11, $0x5DA, v2;
	v1 =	vsel vm10, $0x2861, v1  }
0x73: {  	v3 =	vsel vm11, $0x27DA, v3;
	v2 =	vsel vm10, $0x662, v2;
	v1 =	vsel vm9, $0x28E9, v1  }
0x74: {  	v3 =	vsel vm10, $0x2862, v3;
	v2 =	vsel vm9, $0x6EA, v2;
	v1 =	vsel vm8, $0x2971, v1  }
0x75: {  	v3 =	vsel vm9, $0x28EA, v3;
	v2 =	vsel vm8, $0x772, v2;
	v1 =	vsel vm7, $0x29F9, v1  }
0x76: {  	v3 =	vsel vm8, $0x2972, v3;
	v2 =	vsel vm7, $0x7FA, v2;
	v1 =	vsel vm6, $0x3741, v1  }
0x77: {  	v3 =	vsel vm7, $0x29FA, v3;
	v2 =	vsel vm6, $0x1542, v2;
	v1 =	vsel vm5, $0x37C9, v1  }
0x78: {  	v3 =	vsel vm6, $0x3742, v3;
	v2 =	vsel vm5, $0x15CA, v2;
	v1 =	vsel vm4, $0x3851, v1  }
0x79: {  	v3 =	vsel vm5, $0x37CA, v3;
	v2 =	vsel vm4, $0x1652, v2;
	v1 =	vsel vm3, $0x38D9, v1  }
0x7a: {  	v3 =	vsel vm4, $0x3852, v3;
	v2 =	vsel vm3, $0x16DA, v2;
	v1 =	vsel vm2, $0x3961, v1  }
0x7b: {  	v3 =	vsel vm3, $0x38DA, v3;
	v2 =	vsel vm2, $0x1762, v2;
	v1 =	vsel vm1, $0x39E9, v1  }
0x7c: {  	v3 =	vsel vm2, $0x3962, v3;
	v2 =	vsel vm1, $0x17EA, v2;
	v1 =	vsel vm0, $0x3A71, v1  }
0x7d: {  	v3 =	vsel vm1, $0x39EA, v3;
	[tilespmem:$0x1FEC0] =	vst v1;
	v1 =	vsel vm0, $0x1872, v2  }
0x7e: {  	[tilespmem:$0x1FED0] =	vst v1;
	v1 =	vsel vm0, $0x3A72, v3  }
0x7f: {  	v2 =	vimm.s32 $0x3AFB;
	v3 =	vimm.s32 $0x18FC;
	[tilespmem:$0x1FEE0] =	vst v1;
	v1 =	vimm.s32 $0x18FB  }
0x80: {  	v2 =	vsel vm13, $0x2643, v2;
	v3 =	vsel vm13, $0x444, v3;
	v1 =	vsel vm13, $0x443, v1  }
0x81: {  	v2 =	vsel vm14, $0x26CB, v2;
	v3 =	vsel vm14, $0x4CC, v3;
	v1 =	vsel vm14, $0x4CB, v1  }
0x82: {  	v2 =	vsel vm12, $0x2753, v2;
	v3 =	vsel vm12, $0x554, v3;
	v1 =	vsel vm12, $0x553, v1  }
0x83: {  	v2 =	vsel vm11, $0x27DB, v2;
	v3 =	vsel vm11, $0x5DC, v3;
	v1 =	vsel vm11, $0x5DB, v1  }
0x84: {  	v2 =	vsel vm10, $0x2863, v2;
	v3 =	vsel vm10, $0x664, v3;
	v1 =	vsel vm10, $0x663, v1  }
0x85: {  	v2 =	vsel vm9, $0x28EB, v2;
	v3 =	vsel vm9, $0x6EC, v3;
	v1 =	vsel vm9, $0x6EB, v1  }
0x86: {  	v2 =	vsel vm8, $0x2973, v2;
	v3 =	vsel vm8, $0x774, v3;
	v1 =	vsel vm8, $0x773, v1  }
0x87: {  	v2 =	vsel vm7, $0x29FB, v2;
	v3 =	vsel vm7, $0x7FC, v3;
	v1 =	vsel vm7, $0x7FB, v1  }
0x88: {  	v2 =	vsel vm6, $0x3743, v2;
	v3 =	vsel vm6, $0x1544, v3;
	v1 =	vsel vm6, $0x1543, v1  }
0x89: {  	v2 =	vsel vm5, $0x37CB, v2;
	v3 =	vsel vm5, $0x15CC, v3;
	v1 =	vsel vm5, $0x15CB, v1  }
0x8a: {  	v2 =	vsel vm4, $0x3853, v2;
	v3 =	vsel vm4, $0x1654, v3;
	v1 =	vsel vm4, $0x1653, v1  }
0x8b: {  	v2 =	vsel vm3, $0x38DB, v2;
	v3 =	vsel vm3, $0x16DC, v3;
	v1 =	vsel vm3, $0x16DB, v1  }
0x8c: {  	v2 =	vsel vm2, $0x3963, v2;
	v3 =	vsel vm2, $0x1764, v3;
	v1 =	vsel vm2, $0x1763, v1  }
0x8d: {  	v2 =	vsel vm1, $0x39EB, v2;
	v3 =	vsel vm1, $0x17EC, v3;
	v1 =	vsel vm1, $0x17EB, v1  }
0x8e: {  	v25 =	vsel vm0, $0x1874, v3;
	v3 =	vimm.s32 $0x3AFD;
	v1 =	vsel vm0, $0x1873, v1  }
0x8f: {  	v3 =	vsel vm13, $0x2645, v3;
	[tilespmem:$0x1FEF0] =	vst v1;
	v1 =	vsel vm0, $0x3A73, v2;
	v2 =	vimm.s32 $0x18FD  }
0x90: {  	v3 =	vsel vm14, $0x26CD, v3;
	[tilespmem:$0x1FF00] =	vst v1;
	v1 =	vimm.s32 $0x3AFC;
	v2 =	vsel vm13, $0x445, v2  }
0x91: {  	v3 =	vsel vm12, $0x2755, v3;
	v1 =	vsel vm13, $0x2644, v1;
	v2 =	vsel vm14, $0x4CD, v2  }
0x92: {  	v3 =	vsel vm11, $0x27DD, v3;
	v1 =	vsel vm14, $0x26CC, v1;
	v2 =	vsel vm12, $0x555, v2  }
0x93: {  	v3 =	vsel vm10, $0x2865, v3;
	v1 =	vsel vm12, $0x2754, v1;
	v2 =	vsel vm11, $0x5DD, v2  }
0x94: {  	v3 =	vsel vm9, $0x28ED, v3;
	v1 =	vsel vm11, $0x27DC, v1;
	v2 =	vsel vm10, $0x665, v2  }
0x95: {  	v3 =	vsel vm8, $0x2975, v3;
	v1 =	vsel vm10, $0x2864, v1;
	v2 =	vsel vm9, $0x6ED, v2  }
0x96: {  	v3 =	vsel vm7, $0x29FD, v3;
	v1 =	vsel vm9, $0x28EC, v1;
	v2 =	vsel vm8, $0x775, v2  }
0x97: {  	v3 =	vsel vm6, $0x3745, v3;
	v1 =	vsel vm8, $0x2974, v1;
	v2 =	vsel vm7, $0x7FD, v2  }
0x98: {  	v3 =	vsel vm5, $0x37CD, v3;
	v1 =	vsel vm7, $0x29FC, v1;
	v2 =	vsel vm6, $0x1545, v2  }
0x99: {  	v3 =	vsel vm4, $0x3855, v3;
	v1 =	vsel vm6, $0x3744, v1;
	v2 =	vsel vm5, $0x15CD, v2  }
0x9a: {  	v3 =	vsel vm3, $0x38DD, v3;
	v1 =	vsel vm5, $0x37CC, v1;
	v2 =	vsel vm4, $0x1655, v2  }
0x9b: {  	v3 =	vsel vm2, $0x3965, v3;
	v1 =	vsel vm4, $0x3854, v1;
	v2 =	vsel vm3, $0x16DD, v2  }
0x9c: {  	v3 =	vsel vm1, $0x39ED, v3;
	v1 =	vsel vm3, $0x38DC, v1;
	v2 =	vsel vm2, $0x1765, v2  }
0x9d: {  	v28 =	vsel vm0, $0x3A75, v3;
	v3 =	vimm.s32 $0x18FF;
	v1 =	vsel vm2, $0x3964, v1  }
0x9e: {  	v2 =	vsel vm1, $0x17ED, v2;
	v3 =	vsel vm13, $0x447, v3;
	v1 =	vsel vm1, $0x39EC, v1  }
0x9f: {  	v27 =	vsel vm0, $0x1875, v2;
	v2 =	vimm.s32 $0x3AFE;
	v3 =	vsel vm14, $0x4CF, v3  }
0xa0: {  	v26 =	vsel vm0, $0x3A74, v1;
	v1 =	vimm.s32 $0x18FE;
	v2 =	vsel vm13, $0x2646, v2  }
0xa1: {  	v3 =	vsel vm12, $0x557, v3;
	v1 =	vsel vm13, $0x446, v1;
	v2 =	vsel vm14, $0x26CE, v2  }
0xa2: {  	v3 =	vsel vm11, $0x5DF, v3;
	v1 =	vsel vm14, $0x4CE, v1;
	v2 =	vsel vm12, $0x2756, v2  }
0xa3: {  	v3 =	vsel vm10, $0x667, v3;
	v1 =	vsel vm12, $0x556, v1;
	v2 =	vsel vm11, $0x27DE, v2  }
0xa4: {  	v3 =	vsel vm9, $0x6EF, v3;
	v1 =	vsel vm11, $0x5DE, v1;
	v2 =	vsel vm10, $0x2866, v2  }
0xa5: {  	v3 =	vsel vm8, $0x777, v3;
	v1 =	vsel vm10, $0x666, v1;
	v2 =	vsel vm9, $0x28EE, v2  }
0xa6: {  	v3 =	vsel vm7, $0x7FF, v3;
	v1 =	vsel vm9, $0x6EE, v1;
	v2 =	vsel vm8, $0x2976, v2  }
0xa7: {  	v3 =	vsel vm6, $0x1547, v3;
	v1 =	vsel vm8, $0x776, v1;
	v2 =	vsel vm7, $0x29FE, v2  }
0xa8: {  	v3 =	vsel vm5, $0x15CF, v3;
	v1 =	vsel vm7, $0x7FE, v1;
	v2 =	vsel vm6, $0x3746, v2  }
0xa9: {  	v3 =	vsel vm4, $0x1657, v3;
	v1 =	vsel vm6, $0x1546, v1;
	v2 =	vsel vm5, $0x37CE, v2  }
0xaa: {  	v3 =	vsel vm3, $0x16DF, v3;
	v1 =	vsel vm5, $0x15CE, v1;
	v2 =	vsel vm4, $0x3856, v2  }
0xab: {  	v3 =	vsel vm2, $0x1767, v3;
	v1 =	vsel vm4, $0x1656, v1;
	v2 =	vsel vm3, $0x38DE, v2  }
0xac: {  	v3 =	vsel vm1, $0x17EF, v3;
	v1 =	vsel vm3, $0x16DE, v1;
	v2 =	vsel vm2, $0x3966, v2  }
0xad: {  	v31 =	vsel vm0, $0x1877, v3;
	v3 =	vimm.s32 $0x3F38;
	v1 =	vsel vm2, $0x1766, v1  }
0xae: {  	v2 =	vsel vm1, $0x39EE, v2;
	v3 =	vsel vm13, $0x2A80, v3;
	v1 =	vsel vm1, $0x17EE, v1  }
0xaf: {  	v30 =	vsel vm0, $0x3A76, v2;
	v2 =	vimm.s32 $0x1D38;
	v3 =	vsel vm14, $0x2B08, v3  }
0xb0: {  	v29 =	vsel vm0, $0x1876, v1;
	v1 =	vimm.s32 $0x3AFF;
	v2 =	vsel vm13, $0x880, v2  }
0xb1: {  	v3 =	vsel vm12, $0x2B90, v3;
	v1 =	vsel vm13, $0x2647, v1;
	v2 =	vsel vm14, $0x908, v2  }
0xb2: {  	v3 =	vsel vm11, $0x2C18, v3;
	v1 =	vsel vm14, $0x26CF, v1;
	v2 =	vsel vm12, $0x990, v2  }
0xb3: {  	v3 =	vsel vm10, $0x2CA0, v3;
	v1 =	vsel vm12, $0x2757, v1;
	v2 =	vsel vm11, $0xA18, v2  }
0xb4: {  	v3 =	vsel vm9, $0x2D28, v3;
	v1 =	vsel vm11, $0x27DF, v1;
	v2 =	vsel vm10, $0xAA0, v2  }
0xb5: {  	v3 =	vsel vm8, $0x2DB0, v3;
	v1 =	vsel vm10, $0x2867, v1;
	v2 =	vsel vm9, $0xB28, v2  }
0xb6: {  	v3 =	vsel vm7, $0x2E38, v3;
	v1 =	vsel vm9, $0x28EF, v1;
	v2 =	vsel vm8, $0xBB0, v2  }
0xb7: {  	v3 =	vsel vm6, $0x3B80, v3;
	v1 =	vsel vm8, $0x2977, v1;
	v2 =	vsel vm7, $0xC38, v2  }
0xb8: {  	v3 =	vsel vm5, $0x3C08, v3;
	v1 =	vsel vm7, $0x29FF, v1;
	v2 =	vsel vm6, $0x1980, v2  }
0xb9: {  	v3 =	vsel vm4, $0x3C90, v3;
	v1 =	vsel vm6, $0x3747, v1;
	v2 =	vsel vm5, $0x1A08, v2  }
0xba: {  	v3 =	vsel vm3, $0x3D18, v3;
	v1 =	vsel vm5, $0x37CF, v1;
	v2 =	vsel vm4, $0x1A90, v2  }
0xbb: {  	v3 =	vsel vm2, $0x3DA0, v3;
	v1 =	vsel vm4, $0x3857, v1;
	v2 =	vsel vm3, $0x1B18, v2  }
0xbc: {  	v3 =	vsel vm1, $0x3E28, v3;
	v1 =	vsel vm3, $0x38DF, v1;
	v2 =	vsel vm2, $0x1BA0, v2  }
0xbd: {  	v34 =	vsel vm0, $0x3EB0, v3;
	v3 =	vimm.s32 $0x1D3A;
	v1 =	vsel vm2, $0x3967, v1  }
0xbe: {  	v2 =	vsel vm1, $0x1C28, v2;
	v3 =	vsel vm13, $0x882, v3;
	v1 =	vsel vm1, $0x39EF, v1  }
0xbf: {  	v33 =	vsel vm0, $0x1CB0, v2;
	v2 =	vimm.s32 $0x3F39;
	v3 =	vsel vm14, $0x90A, v3  }
0xc0: {  	v32 =	vsel vm0, $0x3A77, v1;
	v1 =	vimm.s32 $0x1D39;
	v2 =	vsel vm13, $0x2A81, v2  }
0xc1: {  	v3 =	vsel vm12, $0x992, v3;
	v1 =	vsel vm13, $0x881, v1;
	v2 =	vsel vm14, $0x2B09, v2  }
0xc2: {  	v3 =	vsel vm11, $0xA1A, v3;
	v1 =	vsel vm14, $0x909, v1;
	v2 =	vsel vm12, $0x2B91, v2  }
0xc3: {  	v3 =	vsel vm10, $0xAA2, v3;
	v1 =	vsel vm12, $0x991, v1;
	v2 =	vsel vm11, $0x2C19, v2  }
0xc4: {  	v3 =	vsel vm9, $0xB2A, v3;
	v1 =	vsel vm11, $0xA19, v1;
	v2 =	vsel vm10, $0x2CA1, v2  }
0xc5: {  	v3 =	vsel vm8, $0xBB2, v3;
	v1 =	vsel vm10, $0xAA1, v1;
	v2 =	vsel vm9, $0x2D29, v2  }
0xc6: {  	v3 =	vsel vm7, $0xC3A, v3;
	v1 =	vsel vm9, $0xB29, v1;
	v2 =	vsel vm8, $0x2DB1, v2  }
0xc7: {  	v3 =	vsel vm6, $0x1982, v3;
	v1 =	vsel vm8, $0xBB1, v1;
	v2 =	vsel vm7, $0x2E39, v2  }
0xc8: {  	v3 =	vsel vm5, $0x1A0A, v3;
	v1 =	vsel vm7, $0xC39, v1;
	v2 =	vsel vm6, $0x3B81, v2  }
0xc9: {  	v3 =	vsel vm4, $0x1A92, v3;
	v1 =	vsel vm6, $0x1981, v1;
	v2 =	vsel vm5, $0x3C09, v2  }
0xca: {  	v3 =	vsel vm3, $0x1B1A, v3;
	v1 =	vsel vm5, $0x1A09, v1;
	v2 =	vsel vm4, $0x3C91, v2  }
0xcb: {  	v3 =	vsel vm2, $0x1BA2, v3;
	v1 =	vsel vm4, $0x1A91, v1;
	v2 =	vsel vm3, $0x3D19, v2  }
0xcc: {  	v3 =	vsel vm1, $0x1C2A, v3;
	v1 =	vsel vm3, $0x1B19, v1;
	v2 =	vsel vm2, $0x3DA1, v2  }
0xcd: {  	v37 =	vsel vm0, $0x1CB2, v3;
	v3 =	vimm.s32 $0x3F3B;
	v1 =	vsel vm2, $0x1BA1, v1  }
0xce: {  	v2 =	vsel vm1, $0x3E29, v2;
	v3 =	vsel vm13, $0x2A83, v3;
	v1 =	vsel vm1, $0x1C29, v1  }
0xcf: {  	v36 =	vsel vm0, $0x3EB1, v2;
	v2 =	vimm.s32 $0x1D3B;
	v3 =	vsel vm14, $0x2B0B, v3  }
0xd0: {  	v35 =	vsel vm0, $0x1CB1, v1;
	v1 =	vimm.s32 $0x3F3A;
	v2 =	vsel vm13, $0x883, v2  }
0xd1: {  	v3 =	vsel vm12, $0x2B93, v3;
	v1 =	vsel vm13, $0x2A82, v1;
	v2 =	vsel vm14, $0x90B, v2  }
0xd2: {  	v3 =	vsel vm11, $0x2C1B, v3;
	v1 =	vsel vm14, $0x2B0A, v1;
	v2 =	vsel vm12, $0x993, v2  }
0xd3: {  	v3 =	vsel vm10, $0x2CA3, v3;
	v1 =	vsel vm12, $0x2B92, v1;
	v2 =	vsel vm11, $0xA1B, v2  }
0xd4: {  	v3 =	vsel vm9, $0x2D2B, v3;
	v1 =	vsel vm11, $0x2C1A, v1;
	v2 =	vsel vm10, $0xAA3, v2  }
0xd5: {  	v3 =	vsel vm8, $0x2DB3, v3;
	v1 =	vsel vm10, $0x2CA2, v1;
	v2 =	vsel vm9, $0xB2B, v2  }
0xd6: {  	v3 =	vsel vm7, $0x2E3B, v3;
	v1 =	vsel vm9, $0x2D2A, v1;
	v2 =	vsel vm8, $0xBB3, v2  }
0xd7: {  	v3 =	vsel vm6, $0x3B83, v3;
	v1 =	vsel vm8, $0x2DB2, v1;
	v2 =	vsel vm7, $0xC3B, v2  }
0xd8: {  	v3 =	vsel vm5, $0x3C0B, v3;
	v1 =	vsel vm7, $0x2E3A, v1;
	v2 =	vsel vm6, $0x1983, v2  }
0xd9: {  	v3 =	vsel vm4, $0x3C93, v3;
	v1 =	vsel vm6, $0x3B82, v1;
	v2 =	vsel vm5, $0x1A0B, v2  }
0xda: {  	v3 =	vsel vm3, $0x3D1B, v3;
	v1 =	vsel vm5, $0x3C0A, v1;
	v2 =	vsel vm4, $0x1A93, v2  }
0xdb: {  	v3 =	vsel vm2, $0x3DA3, v3;
	v1 =	vsel vm4, $0x3C92, v1;
	v2 =	vsel vm3, $0x1B1B, v2  }
0xdc: {  	v3 =	vsel vm1, $0x3E2B, v3;
	v1 =	vsel vm3, $0x3D1A, v1;
	v2 =	vsel vm2, $0x1BA3, v2  }
0xdd: {  	v40 =	vsel vm0, $0x3EB3, v3;
	v3 =	vimm.s32 $0x1D3D;
	v1 =	vsel vm2, $0x3DA2, v1  }
0xde: {  	v2 =	vsel vm1, $0x1C2B, v2;
	v3 =	vsel vm13, $0x885, v3;
	v1 =	vsel vm1, $0x3E2A, v1  }
0xdf: {  	v39 =	vsel vm0, $0x1CB3, v2;
	v2 =	vimm.s32 $0x3F3C;
	v3 =	vsel vm14, $0x90D, v3  }
0xe0: {  	v38 =	vsel vm0, $0x3EB2, v1;
	v1 =	vimm.s32 $0x1D3C;
	v2 =	vsel vm13, $0x2A84, v2  }
0xe1: {  	v3 =	vsel vm12, $0x995, v3;
	v1 =	vsel vm13, $0x884, v1;
	v2 =	vsel vm14, $0x2B0C, v2  }
0xe2: {  	v3 =	vsel vm11, $0xA1D, v3;
	v1 =	vsel vm14, $0x90C, v1;
	v2 =	vsel vm12, $0x2B94, v2  }
0xe3: {  	v3 =	vsel vm10, $0xAA5, v3;
	v1 =	vsel vm12, $0x994, v1;
	v2 =	vsel vm11, $0x2C1C, v2  }
0xe4: {  	v3 =	vsel vm9, $0xB2D, v3;
	v1 =	vsel vm11, $0xA1C, v1;
	v2 =	vsel vm10, $0x2CA4, v2  }
0xe5: {  	v3 =	vsel vm8, $0xBB5, v3;
	v1 =	vsel vm10, $0xAA4, v1;
	v2 =	vsel vm9, $0x2D2C, v2  }
0xe6: {  	v3 =	vsel vm7, $0xC3D, v3;
	v1 =	vsel vm9, $0xB2C, v1;
	v2 =	vsel vm8, $0x2DB4, v2  }
0xe7: {  	v3 =	vsel vm6, $0x1985, v3;
	v1 =	vsel vm8, $0xBB4, v1;
	v2 =	vsel vm7, $0x2E3C, v2  }
0xe8: {  	v3 =	vsel vm5, $0x1A0D, v3;
	v1 =	vsel vm7, $0xC3C, v1;
	v2 =	vsel vm6, $0x3B84, v2  }
0xe9: {  	v3 =	vsel vm4, $0x1A95, v3;
	v1 =	vsel vm6, $0x1984, v1;
	v2 =	vsel vm5, $0x3C0C, v2  }
0xea: {  	v3 =	vsel vm3, $0x1B1D, v3;
	v1 =	vsel vm5, $0x1A0C, v1;
	v2 =	vsel vm4, $0x3C94, v2  }
0xeb: {  	v3 =	vsel vm2, $0x1BA5, v3;
	v1 =	vsel vm4, $0x1A94, v1;
	v2 =	vsel vm3, $0x3D1C, v2  }
0xec: {  	v3 =	vsel vm1, $0x1C2D, v3;
	v1 =	vsel vm3, $0x1B1C, v1;
	v2 =	vsel vm2, $0x3DA4, v2  }
0xed: {  	v43 =	vsel vm0, $0x1CB5, v3;
	v3 =	vimm.s32 $0x3F3E;
	v1 =	vsel vm2, $0x1BA4, v1  }
0xee: {  	v2 =	vsel vm1, $0x3E2C, v2;
	v3 =	vsel vm13, $0x2A86, v3;
	v1 =	vsel vm1, $0x1C2C, v1  }
0xef: {  	v42 =	vsel vm0, $0x3EB4, v2;
	v2 =	vimm.s32 $0x1D3E;
	v3 =	vsel vm14, $0x2B0E, v3  }
0xf0: {  	v41 =	vsel vm0, $0x1CB4, v1;
	v1 =	vimm.s32 $0x3F3D;
	v2 =	vsel vm13, $0x886, v2  }
0xf1: {  	v3 =	vsel vm12, $0x2B96, v3;
	v1 =	vsel vm13, $0x2A85, v1;
	v2 =	vsel vm14, $0x90E, v2  }
0xf2: {  	v3 =	vsel vm11, $0x2C1E, v3;
	v1 =	vsel vm14, $0x2B0D, v1;
	v2 =	vsel vm12, $0x996, v2  }
0xf3: {  	v3 =	vsel vm10, $0x2CA6, v3;
	v1 =	vsel vm12, $0x2B95, v1;
	v2 =	vsel vm11, $0xA1E, v2  }
0xf4: {  	v3 =	vsel vm9, $0x2D2E, v3;
	v1 =	vsel vm11, $0x2C1D, v1;
	v2 =	vsel vm10, $0xAA6, v2  }
0xf5: {  	v3 =	vsel vm8, $0x2DB6, v3;
	v1 =	vsel vm10, $0x2CA5, v1;
	v2 =	vsel vm9, $0xB2E, v2  }
0xf6: {  	v3 =	vsel vm7, $0x2E3E, v3;
	v1 =	vsel vm9, $0x2D2D, v1;
	v2 =	vsel vm8, $0xBB6, v2  }
0xf7: {  	v3 =	vsel vm6, $0x3B86, v3;
	v1 =	vsel vm8, $0x2DB5, v1;
	v2 =	vsel vm7, $0xC3E, v2  }
0xf8: {  	v3 =	vsel vm5, $0x3C0E, v3;
	v1 =	vsel vm7, $0x2E3D, v1;
	v2 =	vsel vm6, $0x1986, v2  }
0xf9: {  	v3 =	vsel vm4, $0x3C96, v3;
	v1 =	vsel vm6, $0x3B85, v1;
	v2 =	vsel vm5, $0x1A0E, v2  }
0xfa: {  	v3 =	vsel vm3, $0x3D1E, v3;
	v1 =	vsel vm5, $0x3C0D, v1;
	v2 =	vsel vm4, $0x1A96, v2  }
0xfb: {  	v3 =	vsel vm2, $0x3DA6, v3;
	v1 =	vsel vm4, $0x3C95, v1;
	v2 =	vsel vm3, $0x1B1E, v2  }
0xfc: {  	v3 =	vsel vm1, $0x3E2E, v3;
	v1 =	vsel vm3, $0x3D1D, v1;
	v2 =	vsel vm2, $0x1BA6, v2  }
0xfd: {  	v46 =	vsel vm0, $0x3EB6, v3;
	v3 =	vimm.s32 $0x2178;
	v1 =	vsel vm2, $0x3DA5, v1  }
0xfe: {  	v2 =	vsel vm1, $0x1C2E, v2;
	v3 =	vsel vm13, $0xCC0, v3;
	v1 =	vsel vm1, $0x3E2D, v1  }
0xff: {  	v45 =	vsel vm0, $0x1CB6, v2;
	v2 =	vimm.s32 $0x3F3F;
	v3 =	vsel vm14, $0xD48, v3  }
0x100: {  	v44 =	vsel vm0, $0x3EB5, v1;
	v1 =	vimm.s32 $0x1D3F;
	v2 =	vsel vm13, $0x2A87, v2  }
0x101: {  	v3 =	vsel vm12, $0xDD0, v3;
	v1 =	vsel vm13, $0x887, v1;
	v2 =	vsel vm14, $0x2B0F, v2  }
0x102: {  	v3 =	vsel vm11, $0xE58, v3;
	v1 =	vsel vm14, $0x90F, v1;
	v2 =	vsel vm12, $0x2B97, v2  }
0x103: {  	v3 =	vsel vm10, $0xEE0, v3;
	v1 =	vsel vm12, $0x997, v1;
	v2 =	vsel vm11, $0x2C1F, v2  }
0x104: {  	v3 =	vsel vm9, $0xF68, v3;
	v1 =	vsel vm11, $0xA1F, v1;
	v2 =	vsel vm10, $0x2CA7, v2  }
0x105: {  	v3 =	vsel vm8, $0xFF0, v3;
	v1 =	vsel vm10, $0xAA7, v1;
	v2 =	vsel vm9, $0x2D2F, v2  }
0x106: {  	v3 =	vsel vm7, $0x1078, v3;
	v1 =	vsel vm9, $0xB2F, v1;
	v2 =	vsel vm8, $0x2DB7, v2  }
0x107: {  	v3 =	vsel vm6, $0x1DC0, v3;
	v1 =	vsel vm8, $0xBB7, v1;
	v2 =	vsel vm7, $0x2E3F, v2  }
0x108: {  	v3 =	vsel vm5, $0x1E48, v3;
	v1 =	vsel vm7, $0xC3F, v1;
	v2 =	vsel vm6, $0x3B87, v2  }
0x109: {  	v3 =	vsel vm4, $0x1ED0, v3;
	v1 =	vsel vm6, $0x1987, v1;
	v2 =	vsel vm5, $0x3C0F, v2  }
0x10a: {  	v3 =	vsel vm3, $0x1F58, v3;
	v1 =	vsel vm5, $0x1A0F, v1;
	v2 =	vsel vm4, $0x3C97, v2  }
0x10b: {  	v3 =	vsel vm2, $0x1FE0, v3;
	v1 =	vsel vm4, $0x1A97, v1;
	v2 =	vsel vm3, $0x3D1F, v2  }
0x10c: {  	v3 =	vsel vm1, $0x2068, v3;
	v1 =	vsel vm3, $0x1B1F, v1;
	v2 =	vsel vm2, $0x3DA7, v2  }
0x10d: {  	v49 =	vsel vm0, $0x20F0, v3;
	v3 =	vimm.s32 $0x4379;
	v1 =	vsel vm2, $0x1BA7, v1  }
0x10e: {  	v2 =	vsel vm1, $0x3E2F, v2;
	v3 =	vsel vm13, $0x2EC1, v3;
	v1 =	vsel vm1, $0x1C2F, v1  }
0x10f: {  	v48 =	vsel vm0, $0x3EB7, v2;
	v2 =	vimm.s32 $0x2179;
	v3 =	vsel vm14, $0x2F49, v3  }
0x110: {  	v47 =	vsel vm0, $0x1CB7, v1;
	v1 =	vimm.s32 $0x4378;
	v2 =	vsel vm13, $0xCC1, v2  }
0x111: {  	v3 =	vsel vm12, $0x2FD1, v3;
	v1 =	vsel vm13, $0x2EC0, v1;
	v2 =	vsel vm14, $0xD49, v2  }
0x112: {  	v3 =	vsel vm11, $0x3059, v3;
	v1 =	vsel vm14, $0x2F48, v1;
	v2 =	vsel vm12, $0xDD1, v2  }
0x113: {  	v3 =	vsel vm10, $0x30E1, v3;
	v1 =	vsel vm12, $0x2FD0, v1;
	v2 =	vsel vm11, $0xE59, v2  }
0x114: {  	v3 =	vsel vm9, $0x3169, v3;
	v1 =	vsel vm11, $0x3058, v1;
	v2 =	vsel vm10, $0xEE1, v2  }
0x115: {  	v3 =	vsel vm8, $0x31F1, v3;
	v1 =	vsel vm10, $0x30E0, v1;
	v2 =	vsel vm9, $0xF69, v2  }
0x116: {  	v3 =	vsel vm7, $0x3279, v3;
	v1 =	vsel vm9, $0x3168, v1;
	v2 =	vsel vm8, $0xFF1, v2  }
0x117: {  	v3 =	vsel vm6, $0x3FC1, v3;
	v1 =	vsel vm8, $0x31F0, v1;
	v2 =	vsel vm7, $0x1079, v2  }
0x118: {  	v3 =	vsel vm5, $0x4049, v3;
	v1 =	vsel vm7, $0x3278, v1;
	v2 =	vsel vm6, $0x1DC1, v2  }
0x119: {  	v3 =	vsel vm4, $0x40D1, v3;
	v1 =	vsel vm6, $0x3FC0, v1;
	v2 =	vsel vm5, $0x1E49, v2  }
0x11a: {  	v3 =	vsel vm3, $0x4159, v3;
	v1 =	vsel vm5, $0x4048, v1;
	v2 =	vsel vm4, $0x1ED1, v2  }
0x11b: {  	v3 =	vsel vm2, $0x41E1, v3;
	v1 =	vsel vm4, $0x40D0, v1;
	v2 =	vsel vm3, $0x1F59, v2  }
0x11c: {  	v3 =	vsel vm1, $0x4269, v3;
	v1 =	vsel vm3, $0x4158, v1;
	v2 =	vsel vm2, $0x1FE1, v2  }
0x11d: {  	v52 =	vsel vm0, $0x42F1, v3;
	v3 =	vimm.s32 $0x217B;
	v1 =	vsel vm2, $0x41E0, v1  }
0x11e: {  	v2 =	vsel vm1, $0x2069, v2;
	v3 =	vsel vm13, $0xCC3, v3;
	v1 =	vsel vm1, $0x4268, v1  }
0x11f: {  	v51 =	vsel vm0, $0x20F1, v2;
	v2 =	vimm.s32 $0x437A;
	v3 =	vsel vm14, $0xD4B, v3  }
0x120: {  	v50 =	vsel vm0, $0x42F0, v1;
	v1 =	vimm.s32 $0x217A;
	v2 =	vsel vm13, $0x2EC2, v2  }
0x121: {  	v3 =	vsel vm12, $0xDD3, v3;
	v1 =	vsel vm13, $0xCC2, v1;
	v2 =	vsel vm14, $0x2F4A, v2  }
0x122: {  	v3 =	vsel vm11, $0xE5B, v3;
	v1 =	vsel vm14, $0xD4A, v1;
	v2 =	vsel vm12, $0x2FD2, v2  }
0x123: {  	v3 =	vsel vm10, $0xEE3, v3;
	v1 =	vsel vm12, $0xDD2, v1;
	v2 =	vsel vm11, $0x305A, v2  }
0x124: {  	v3 =	vsel vm9, $0xF6B, v3;
	v1 =	vsel vm11, $0xE5A, v1;
	v2 =	vsel vm10, $0x30E2, v2  }
0x125: {  	v3 =	vsel vm8, $0xFF3, v3;
	v1 =	vsel vm10, $0xEE2, v1;
	v2 =	vsel vm9, $0x316A, v2  }
0x126: {  	v3 =	vsel vm7, $0x107B, v3;
	v1 =	vsel vm9, $0xF6A, v1;
	v2 =	vsel vm8, $0x31F2, v2  }
0x127: {  	v3 =	vsel vm6, $0x1DC3, v3;
	v1 =	vsel vm8, $0xFF2, v1;
	v2 =	vsel vm7, $0x327A, v2  }
0x128: {  	v3 =	vsel vm5, $0x1E4B, v3;
	v1 =	vsel vm7, $0x107A, v1;
	v2 =	vsel vm6, $0x3FC2, v2  }
0x129: {  	v3 =	vsel vm4, $0x1ED3, v3;
	v1 =	vsel vm6, $0x1DC2, v1;
	v2 =	vsel vm5, $0x404A, v2  }
0x12a: {  	v3 =	vsel vm3, $0x1F5B, v3;
	v1 =	vsel vm5, $0x1E4A, v1;
	v2 =	vsel vm4, $0x40D2, v2  }
0x12b: {  	v3 =	vsel vm2, $0x1FE3, v3;
	v1 =	vsel vm4, $0x1ED2, v1;
	v2 =	vsel vm3, $0x415A, v2  }
0x12c: {  	v3 =	vsel vm1, $0x206B, v3;
	v1 =	vsel vm3, $0x1F5A, v1;
	v2 =	vsel vm2, $0x41E2, v2  }
0x12d: {  	v55 =	vsel vm0, $0x20F3, v3;
	v3 =	vimm.s32 $0x437C;
	v1 =	vsel vm2, $0x1FE2, v1  }
0x12e: {  	v2 =	vsel vm1, $0x426A, v2;
	v3 =	vsel vm13, $0x2EC4, v3;
	v1 =	vsel vm1, $0x206A, v1  }
0x12f: {  	v54 =	vsel vm0, $0x42F2, v2;
	v2 =	vimm.s32 $0x217C;
	v3 =	vsel vm14, $0x2F4C, v3  }
0x130: {  	v53 =	vsel vm0, $0x20F2, v1;
	v1 =	vimm.s32 $0x437B;
	v2 =	vsel vm13, $0xCC4, v2  }
0x131: {  	v3 =	vsel vm12, $0x2FD4, v3;
	v1 =	vsel vm13, $0x2EC3, v1;
	v2 =	vsel vm14, $0xD4C, v2  }
0x132: {  	v3 =	vsel vm11, $0x305C, v3;
	v1 =	vsel vm14, $0x2F4B, v1;
	v2 =	vsel vm12, $0xDD4, v2  }
0x133: {  	v3 =	vsel vm10, $0x30E4, v3;
	v1 =	vsel vm12, $0x2FD3, v1;
	v2 =	vsel vm11, $0xE5C, v2  }
0x134: {  	v3 =	vsel vm9, $0x316C, v3;
	v1 =	vsel vm11, $0x305B, v1;
	v2 =	vsel vm10, $0xEE4, v2  }
0x135: {  	v3 =	vsel vm8, $0x31F4, v3;
	v1 =	vsel vm10, $0x30E3, v1;
	v2 =	vsel vm9, $0xF6C, v2  }
0x136: {  	v3 =	vsel vm7, $0x327C, v3;
	v1 =	vsel vm9, $0x316B, v1;
	v2 =	vsel vm8, $0xFF4, v2  }
0x137: {  	v3 =	vsel vm6, $0x3FC4, v3;
	v1 =	vsel vm8, $0x31F3, v1;
	v2 =	vsel vm7, $0x107C, v2  }
0x138: {  	v3 =	vsel vm5, $0x404C, v3;
	v1 =	vsel vm7, $0x327B, v1;
	v2 =	vsel vm6, $0x1DC4, v2  }
0x139: {  	v3 =	vsel vm4, $0x40D4, v3;
	v1 =	vsel vm6, $0x3FC3, v1;
	v2 =	vsel vm5, $0x1E4C, v2  }
0x13a: {  	v3 =	vsel vm3, $0x415C, v3;
	v1 =	vsel vm5, $0x404B, v1;
	v2 =	vsel vm4, $0x1ED4, v2  }
0x13b: {  	v3 =	vsel vm2, $0x41E4, v3;
	v1 =	vsel vm4, $0x40D3, v1;
	v2 =	vsel vm3, $0x1F5C, v2  }
0x13c: {  	v3 =	vsel vm1, $0x426C, v3;
	v1 =	vsel vm3, $0x415B, v1;
	v2 =	vsel vm2, $0x1FE4, v2  }
0x13d: {  	v58 =	vsel vm0, $0x42F4, v3;
	v3 =	vimm.s32 $0x217E;
	v1 =	vsel vm2, $0x41E3, v1  }
0x13e: {  	v2 =	vsel vm1, $0x206C, v2;
	v3 =	vsel vm13, $0xCC6, v3;
	v1 =	vsel vm1, $0x426B, v1  }
0x13f: {  	v57 =	vsel vm0, $0x20F4, v2;
	v2 =	vimm.s32 $0x437D;
	v3 =	vsel vm14, $0xD4E, v3  }
0x140: {  	v56 =	vsel vm0, $0x42F3, v1;
	v1 =	vimm.s32 $0x217D;
	v2 =	vsel vm13, $0x2EC5, v2  }
0x141: {  	v3 =	vsel vm12, $0xDD6, v3;
	v1 =	vsel vm13, $0xCC5, v1;
	v2 =	vsel vm14, $0x2F4D, v2  }
0x142: {  	v3 =	vsel vm11, $0xE5E, v3;
	v1 =	vsel vm14, $0xD4D, v1;
	v2 =	vsel vm12, $0x2FD5, v2  }
0x143: {  	v3 =	vsel vm10, $0xEE6, v3;
	v1 =	vsel vm12, $0xDD5, v1;
	v2 =	vsel vm11, $0x305D, v2  }
0x144: {  	v3 =	vsel vm9, $0xF6E, v3;
	v1 =	vsel vm11, $0xE5D, v1;
	v2 =	vsel vm10, $0x30E5, v2  }
0x145: {  	v3 =	vsel vm8, $0xFF6, v3;
	v1 =	vsel vm10, $0xEE5, v1;
	v2 =	vsel vm9, $0x316D, v2  }
0x146: {  	v3 =	vsel vm7, $0x107E, v3;
	v1 =	vsel vm9, $0xF6D, v1;
	v2 =	vsel vm8, $0x31F5, v2  }
0x147: {  	v3 =	vsel vm6, $0x1DC6, v3;
	v1 =	vsel vm8, $0xFF5, v1;
	v2 =	vsel vm7, $0x327D, v2  }
0x148: {  	v3 =	vsel vm5, $0x1E4E, v3;
	v1 =	vsel vm7, $0x107D, v1;
	v2 =	vsel vm6, $0x3FC5, v2  }
0x149: {  	v3 =	vsel vm4, $0x1ED6, v3;
	v1 =	vsel vm6, $0x1DC5, v1;
	v2 =	vsel vm5, $0x404D, v2  }
0x14a: {  	v3 =	vsel vm3, $0x1F5E, v3;
	v1 =	vsel vm5, $0x1E4D, v1;
	v2 =	vsel vm4, $0x40D5, v2  }
0x14b: {  	v3 =	vsel vm2, $0x1FE6, v3;
	v1 =	vsel vm4, $0x1ED5, v1;
	v2 =	vsel vm3, $0x415D, v2  }
0x14c: {  	v3 =	vsel vm1, $0x206E, v3;
	v1 =	vsel vm3, $0x1F5D, v1;
	v2 =	vsel vm2, $0x41E5, v2  }
0x14d: {  	v61 =	vsel vm0, $0x20F6, v3;
	v1 =	vsel vm2, $0x1FE5, v1;
	v2 =	vsel vm1, $0x426D, v2  }
0x14e: {  	s0 =	rddreg [dreg:$0x0];
	s3 =	simm.s32 $0x0;
	v3 =	vimm.s32 $0x437F;
	v1 =	vsel vm1, $0x206D, v1;
	v60 =	vsel vm0, $0x42F5, v2  }
0x14f: {  	[smem:$0x7FF] =	sst s3;
	v2 =	vimm.s32 $0x217F;
	v59 =	vsel vm0, $0x20F5, v1;
	v1 =	vimm.s32 $0x437E  }
0x150: {  	s18 =	rddreg [dreg:$0x1];
	_ =	strace $0x80000047;
	[tilespmem:$0x1FF10] =	vst v23;
	v3 =	vsel vm13, $0x2EC7, v3;
	v2 =	vsel vm13, $0xCC7, v2;
	v1 =	vsel vm13, $0x2EC6, v1  }
0x151: {  	[tilespmem:$0x1FF20] =	vst v24;
	v3 =	vsel vm14, $0x2F4F, v3;
	v2 =	vsel vm14, $0xD4F, v2;
	v1 =	vsel vm14, $0x2F4E, v1  }
0x152: {  	[tilespmem:$0x1FF30] =	vst v10;
	v3 =	vsel vm12, $0x2FD7, v3;
	v2 =	vsel vm12, $0xDD7, v2;
	v1 =	vsel vm12, $0x2FD6, v1  }
0x153: {  	[tilespmem:$0x1FF40] =	vst v11;
	v3 =	vsel vm11, $0x305F, v3;
	v2 =	vsel vm11, $0xE5F, v2;
	v1 =	vsel vm11, $0x305E, v1  }
0x154: {  	[tilespmem:$0x1FF50] =	vst v12;
	v3 =	vsel vm10, $0x30E7, v3;
	v2 =	vsel vm10, $0xEE7, v2;
	v1 =	vsel vm10, $0x30E6, v1  }
0x155: {  	s2 =	srdreg.scid;
	s1 =	stileid.u32;
	[tilespmem:$0x1FF60] =	vst v13;
	v3 =	vsel vm9, $0x316F, v3;
	v2 =	vsel vm9, $0xF6F, v2;
	v1 =	vsel vm9, $0x316E, v1  }
0x156: {  	s2 =	sand.u32 $0x1, s2;
	s4 =	sshll.u32 s1, $0x1;
	[tilespmem:$0x1FF70] =	vst v14;
	v3 =	vsel vm8, $0x31F7, v3;
	v2 =	vsel vm8, $0xFF7, v2;
	v1 =	vsel vm8, $0x31F6, v1  }
0x157: {  	s5 =	sor.u32 s2, s4;
	[tilespmem:$0x1FF80] =	vst v15;
	v3 =	vsel vm7, $0x327F, v3;
	v2 =	vsel vm7, $0x107F, v2;
	v1 =	vsel vm7, $0x327E, v1  }
0x158: {  	s4 =	sshll.u32 s5, $0x6;
	[tilespmem:$0x1FF90] =	vst v16;
	v3 =	vsel vm6, $0x3FC7, v3;
	v2 =	vsel vm6, $0x1DC7, v2;
	v1 =	vsel vm6, $0x3FC6, v1  }
0x159: {  	s2 =	ssub.s32 $0x2, s2;
	s8 =	sadd.s32 s4, s0;
	s0 =	sadd.s32 $0xF42A00, s0;
	[tilespmem:$0x1FFA0] =	vst v17;
	v3 =	vsel vm5, $0x404F, v3;
	v2 =	vsel vm5, $0x1E4F, v2;
	v1 =	vsel vm5, $0x404E, v1  }
.Ltmp0:
0x15a: {  	s29 =	sadd.s32 $0x600, s8;
	[dreg:$0x5] =	wrdreg s0;
	[tilespmem:$0x1FFB0] =	vst v18;
	v3 =	vsel vm4, $0x40D7, v3;
	v2 =	vsel vm4, $0x1ED7, v2;
	v1 =	vsel vm4, $0x40D6, v1;
	(pc) =	sbr.rel .LBB2_1-.Ltmp0, $4  }
0x15b: {  	s6 =	sshrl.u32 s2, $0x1;
	s30 =	sadd.s32 $0x1600, s8;
	[dreg:$0x3] =	wrdreg s29;
	[tilespmem:$0x1FFC0] =	vst v19;
	v3 =	vsel vm3, $0x415F, v3;
	v2 =	vsel vm3, $0x1F5F, v2;
	v1 =	vsel vm3, $0x415E, v1  }
0x15c: {  	s28 =	ssub.s32 s2, s6;
	s31 =	sadd.s32 $0x2600, s8;
	[dreg:$0x4] =	wrdreg s30;
	[tilespmem:$0x1FFD0] =	vst v20;
	v3 =	vsel vm2, $0x41E7, v3;
	v2 =	vsel vm2, $0x1FE7, v2;
	v1 =	vsel vm2, $0x41E6, v1  }
0x15d: {  	[dreg:$0x6] =	wrdreg s31;
	s0 =	smax.u32 s28, $0x1;
	[tilespmem:$0x1FFE0] =	vst v21;
	v3 =	vsel vm1, $0x426F, v3;
	v2 =	vsel vm1, $0x206F, v2;
	v1 =	vsel vm1, $0x426E, v1  }
0x15e: {  	s7 =	sshll.u32 s5, $0xC;
	s2 =	simm.s32 $0x0;
	[tilespmem:$0x1FFF0] =	vst v22;
	[dreg:$0x7] =	wrdreg s0;
	v63 =	vsel vm0, $0x20F7, v2;
	v62 =	vsel vm0, $0x42F6, v1;
	v1 =	vsel vm0, $0x42F7, v3  }
.LBB2_43:
0x15f: {  	s0 =	simm.s32 $0x7  }
0x160: {  	_ =	swait.ge [sflag:s0], $0x4000  }
0x161: {  	[sflag:s0] =	ssyncset.done $0x0  }
0x162: {  	s30 =	simm.s32 $0x5;
	[sflag:s0] =	ssyncadd.s32 $0xFFFFC000  }
0x163: {  	_ =	swait.ge [sflag:s30], $0x4000  }
0x164: {  	[sflag:s30] =	ssyncset.done $0x0  }
0x165: {  	s1 =	simm.s32 $0x6;
	[sflag:s30] =	ssyncadd.s32 $0xFFFFC000  }
0x166: {  	_ =	swait.ge [sflag:s1], $0x4000  }
0x167: {  	s2 =	rddreg [dreg:$0x8]  }
0x168: {  	s31 =	rddreg [dreg:$0x7];
	s2 =	sadd.s32 $0x1, s2  }
0x169: {  	p0 =	sne.s32 s2, s31  }
.Ltmp1:
0x16a: {  	_ = 	snop;
	(pc) =	sbr.rel @!p0 .LBB2_44-.Ltmp1, $3  }
0x16b: {  	_ =	sdelay $0x1  }
0x16c: {  	[sflag:s1] =	ssyncset.done $0x0  }
0x16d: {  	[sflag:s1] =	ssyncadd.s32 $0xFFFFC000  }
.LBB2_1:
0x16e: {  	[dreg:$0x8] =	wrdreg s2  }
0x16f: {  	s0 =	rddreg [dreg:$0x3]  }
0x170: {  	s1 =	simm.s32 $0x200;
	s24 =	simm.s32 $0x4000;
	s25 =	simm.s32 $0x1  }
0x171: {  	[tilespmem:s3], [sflag:$0x1] =	stream.strided.gather [hbm4b:s0+s1], $0x400, s24, s1, $0x38;
	[tilespmem:$0x1D400] =	vst v63  }
0x172: {  	_ =	swait.ge [sflag:s25], $0x400  }
0x173: {  	s4 =	simm.s32 $0x800;
	[sflag:s25] =	ssyncset.done $0x0  }
0x174: {  	s28 =	simm.s32 $0x4800;
	s26 =	rddreg [dreg:$0x5];
	[sflag:s25] =	ssyncadd.s32 $0xFFFFFC00  }
0x175: {  	[tilespmem:s4], [sflag:$0x3] =	stream.indirect.gather [hbm4b:s26+s1], $0x20, s3, s1, $0xb8;
	[tilespmem:$0x1D400] =	vst v63  }
0x176: {  	s30 =	simm.s32 $0x400;
	p0 =	por $0x0, $0x0;
	s20 =	simm.s32 $0x10800  }
0x177: {  	[tilespmem:s28], [sflag:$0x3] =	stream.indirect.gather [hbm4b:s26+s1], $0x20, s1, s1, $0xb8;
	[tilespmem:$0x1D400] =	vst v63  }
0x178: {  	s21 =	simm.s32 $0x11900;
	s22 =	simm.s32 $0x12A00;
	s29 =	rddreg [dreg:$0x4]  }
0x179: {  	[tilespmem:s30], [sflag:$0x2] =	stream.strided.gather [hbm4b:s29+s1], $0x400, s24, s1, $0x38;
	[tilespmem:$0x1D400] =	vst v63  }
0x17a: {  	s23 =	simm.s32 $0x13B00;
	s31 =	simm.s32 $0x0;
	s24 =	simm.s32 $0x0  }
.LBB2_2:
0x17b: {  	s0 =	sand.u32 $0x1, s31;
	p1 =	seq.s32 s31, $0x63  }
0x17c: {  	s4 =	smov.u32 s7;
	s2 =	sxor.u32 @!p1 $0x1, s0  }
0x17d: {  	s7 =	smov.u32 s18;
	s18 =	smul.u32 $0x156, s31;
	s5 =	sadd.s32 @!p1 $0x1, s2  }
0x17e: {  	s9 =	simm.s32 @!p1 $0x200;
	s6 =	sshll.u32 @!p1 s2, $0xF;
	_ =	swait.ge @!p1 [sflag:s5], $0x400  }
0x17f: {  	s8 =	sshll.u32 @!p1 s2, $0xA;
	s2 =	sadd.s32 @!p1 $0x3, s2;
	[sflag:s5] =	ssyncset.done @!p1 $0x0  }
0x180: {  	s1 =	rddreg [dreg:$0x5];
	[sflag:s5] =	ssyncadd.s32 @!p1 $0xFFFFFC00;
	s5 =	sor.u32 @!p1 $0x800, s6  }
0x181: {  	[tilespmem:s5], [sflag:s2] =	stream.indirect.gather @!p1 [hbm4b:s1+s9], $0x20, s8, s9, $0xb8;
	[tilespmem:$0x1D400] =	vst v63  }
0x182: {  	s19 =	sshrl.u32 s18, $0x9;
	s5 =	sor.u32 @!p1 $0x4800, s6;
	s6 =	sor.u32 @!p1 $0x200, s8  }
0x183: {  	[tilespmem:s5], [sflag:s2] =	stream.indirect.gather @!p1 [hbm4b:s1+s9], $0x20, s6, s9, $0xb8;
	[tilespmem:$0x1D400] =	vst v63  }
0x184: {  	s2 =	sand.u32 $0x7F, s19  }
0x185: {  	s25 =	smul.u32 $0x3, s2  }
0x186: {  	s13 =	sadd.s32 $0x3, s0;
	s2 =	sshll.u32 s31, $0x1  }
0x187: {  	s26 =	simm.s32 $0x0;
	_ =	swait.ge [sflag:s13], $0x4000;
	s5 =	ssub.s32 s2, s25  }
0x188: {  	p1 =	slt.u32 s31, $0x2;
	[sflag:s13] =	ssyncset.done $0x0;
	s14 =	sand.u32 $0xFF, s5  }
0x189: {  	s6 =	simm.s32 $0x1;
	[sflag:s13] =	ssyncadd.s32 $0xFFFFC000;
	s5 =	sadd.s32 @!p1 $0x5, s14  }
0x18a: {  	v2 =	vmov s26;
	s6 =	simm.s32 @!p0 $0x0;
	_ =	swait.ge @!p1 [sflag:s5], $0x4000  }
0x18b: {  	v2 =	vshrl.u32 v2, $0x3;
	s1 =	sshll.u32 s6, $0xF;
	[sflag:s5] =	ssyncset.done @!p1 $0x0  }
0x18c: {  	v2 =	vshll.u32 v2, v0;
	s19 =	sor.u32 $0x880, s1;
	[sflag:s5] =	ssyncadd.s32 @!p1 $0xFFFFC000  }
0x18d: {  	v2 =	vbroadcast v2, $0x0;
	v3 =	vld [tilespmem:s19+$0xFFFFFF80]  }
0x18e: {  	v4 =	vld [tilespmem:s19+$0xFFFFFF90]  }
0x18f: {  	v5 =	vadd.s32 v7, v2  }
0x190: {  	v6 =	vadd.s32 v8, v2;
	s9 =	smul.u32 $0x11000, s14;
	_ =	sdelay $0x1  }
0x191: {  	s10 =	simm.s32 $0x1;
	s5 =	sshrl.u32 s9, $0x2;
	v3 =	vmul.f32 $5.656854150e+00, v3  }
0x192: {  	v2 =	vmov s10;
	s15 =	sadd.s32 $0x10800, s5;
	v4 =	vmul.f32 $5.656854150e+00, v4  }
0x193: {  	v2 =	vshrl.u32 v2, $0x3;
	[tilespmem:v5+s15+$0x0] =	vst.idx.msk $0xffff, v3  }
0x194: {  	v2 =	vshll.u32 v2, v0;
	[tilespmem:v6+s15+$0x0] =	vst.idx.msk $0xffff, v4  }
0x195: {  	v2 =	vbroadcast v2, $0x0;
	v3 =	vld [tilespmem:s19+$0xFFFFFFA0]  }
0x196: {  	v4 =	vld [tilespmem:s19+$0xFFFFFFB0]  }
0x197: {  	v5 =	vadd.s32 v10, v2  }
0x198: {  	v6 =	vadd.s32 v11, v2;
	_ =	sdelay $0x1  }
0x199: {  	s11 =	simm.s32 $0x2;
	v3 =	vmul.f32 $5.656854150e+00, v3  }
0x19a: {  	v2 =	vmov s11;
	v4 =	vmul.f32 $5.656854150e+00, v4  }
0x19b: {  	v2 =	vshrl.u32 v2, $0x3;
	[tilespmem:v5+s15+$0x0] =	vst.idx.msk $0xffff, v3  }
0x19c: {  	v2 =	vshll.u32 v2, v0;
	[tilespmem:v6+s15+$0x0] =	vst.idx.msk $0xffff, v4  }
0x19d: {  	v2 =	vbroadcast v2, $0x0;
	v3 =	vld [tilespmem:s19+$0xFFFFFFC0]  }
0x19e: {  	v4 =	vld [tilespmem:s19+$0xFFFFFFD0]  }
0x19f: {  	v5 =	vadd.s32 v12, v2  }
0x1a0: {  	v6 =	vadd.s32 v13, v2;
	_ =	sdelay $0x1  }
0x1a1: {  	s12 =	simm.s32 $0x3;
	v3 =	vmul.f32 $5.656854150e+00, v3  }
0x1a2: {  	v2 =	vmov s12;
	v4 =	vmul.f32 $5.656854150e+00, v4  }
0x1a3: {  	v2 =	vshrl.u32 v2, $0x3;
	[tilespmem:v5+s15+$0x0] =	vst.idx.msk $0xffff, v3  }
0x1a4: {  	v2 =	vshll.u32 v2, v0;
	[tilespmem:v6+s15+$0x0] =	vst.idx.msk $0xffff, v4  }
0x1a5: {  	v2 =	vbroadcast v2, $0x0;
	v3 =	vld [tilespmem:s19+$0xFFFFFFE0]  }
0x1a6: {  	v4 =	vld [tilespmem:s19+$0xFFFFFFF0]  }
0x1a7: {  	v5 =	vadd.s32 v14, v2  }
0x1a8: {  	v6 =	vadd.s32 v15, v2;
	_ =	sdelay $0x1  }
0x1a9: {  	s16 =	simm.s32 $0x4;
	v3 =	vmul.f32 $5.656854150e+00, v3  }
0x1aa: {  	v2 =	vmov s16;
	v4 =	vmul.f32 $5.656854150e+00, v4  }
0x1ab: {  	v2 =	vshrl.u32 v2, $0x3;
	[tilespmem:v5+s15+$0x0] =	vst.idx.msk $0xffff, v3  }
0x1ac: {  	v2 =	vshll.u32 v2, v0;
	[tilespmem:v6+s15+$0x0] =	vst.idx.msk $0xffff, v4  }
0x1ad: {  	v2 =	vbroadcast v2, $0x0;
	v3 =	vld [tilespmem:s19+$0x0]  }
0x1ae: {  	v4 =	vld [tilespmem:s19+$0x10]  }
0x1af: {  	v5 =	vadd.s32 v16, v2  }
0x1b0: {  	v6 =	vadd.s32 v17, v2;
	_ =	sdelay $0x1  }
0x1b1: {  	s17 =	simm.s32 $0x5;
	v3 =	vmul.f32 $5.656854150e+00, v3  }
0x1b2: {  	v2 =	vmov s17;
	v4 =	vmul.f32 $5.656854150e+00, v4  }
0x1b3: {  	v2 =	vshrl.u32 v2, $0x3;
	[tilespmem:v5+s15+$0x0] =	vst.idx.msk $0xffff, v3  }
0x1b4: {  	v2 =	vshll.u32 v2, v0;
	[tilespmem:v6+s15+$0x0] =	vst.idx.msk $0xffff, v4  }
0x1b5: {  	v2 =	vbroadcast v2, $0x0;
	v3 =	vld [tilespmem:s19+$0x20]  }
0x1b6: {  	v4 =	vld [tilespmem:s19+$0x30]  }
0x1b7: {  	v5 =	vadd.s32 v18, v2  }
0x1b8: {  	v6 =	vadd.s32 v19, v2;
	_ =	sdelay $0x1  }
0x1b9: {  	s18 =	simm.s32 $0x6;
	v3 =	vmul.f32 $5.656854150e+00, v3  }
0x1ba: {  	v2 =	vmov s18;
	v4 =	vmul.f32 $5.656854150e+00, v4  }
0x1bb: {  	v2 =	vshrl.u32 v2, $0x3;
	[tilespmem:v5+s15+$0x0] =	vst.idx.msk $0xffff, v3  }
0x1bc: {  	v2 =	vshll.u32 v2, v0;
	[tilespmem:v6+s15+$0x0] =	vst.idx.msk $0xffff, v4  }
0x1bd: {  	v2 =	vbroadcast v2, $0x0;
	v3 =	vld [tilespmem:s19+$0x40]  }
0x1be: {  	v4 =	vld [tilespmem:s19+$0x50]  }
0x1bf: {  	v5 =	vadd.s32 v20, v2  }
0x1c0: {  	v6 =	vadd.s32 v21, v2;
	_ =	sdelay $0x1  }
0x1c1: {  	s25 =	simm.s32 $0x7;
	v3 =	vmul.f32 $5.656854150e+00, v3  }
0x1c2: {  	v2 =	vmov s25;
	v4 =	vmul.f32 $5.656854150e+00, v4  }
0x1c3: {  	s26 =	smulhi.u32 $0xAAAAAAAB, s24;
	v2 =	vshrl.u32 v2, $0x3;
	[tilespmem:v5+s15+$0x0] =	vst.idx.msk $0xffff, v3  }
0x1c4: {  	v2 =	vshll.u32 v2, v0;
	[tilespmem:v6+s15+$0x0] =	vst.idx.msk $0xffff, v4  }
0x1c5: {  	s5 =	sshrl.u32 s26, $0x1;
	v2 =	vbroadcast v2, $0x0;
	v3 =	vld [tilespmem:s19+$0x60]  }
0x1c6: {  	s5 =	smul.u32 $0xFFFCD000, s5  }
0x1c7: {  	v6 =	vadd.s32 v22, v2;
	v9 =	vld [tilespmem:s19+$0x70]  }
0x1c8: {  	s28 =	sor.u32 $0x6800, s1;
	s29 =	sor.u32 $0x5800, s1;
	s10 =	sshra.s32 s5, $0x2  }
0x1c9: {  	s30 =	sor.u32 $0x48F0, s1;
	s26 =	sor.u32 $0x7800, s1;
	s5 =	sadd.s32 s10, s23;
	v2 =	vadd.s32 v23, v2  }
0x1ca: {  	s6 =	sadd.s32 s10, s22;
	s9 =	sadd.s32 s10, s21;
	s11 =	simm.s32 $0x8;
	v5 =	vmul.f32 $5.656854150e+00, v3  }
0x1cb: {  	s12 =	sadd.s32 s10, s20;
	s10 =	simm.s32 $0x10;
	s16 =	sor.u32 $0x38F0, s1;
	v4 =	vmov s11  }
0x1cc: {  	s17 =	sor.u32 $0x28F0, s1;
	s18 =	sor.u32 $0x18F0, s1;
	s25 =	sadd.s32 $0x1, s31;
	v4 =	vshrl.u32 v4, $0x3;
	v3 =	vmul.f32 $5.656854150e+00, v9;
	[tilespmem:v6+s15+$0x0] =	vst.idx.msk $0xffff, v5  }
.LBB2_3:
0x1cd: {  	p1 =	slt.u32 s10, $0x78  }
0x1ce: {  	v4 =	vshll.u32 v4, v0;
	[tilespmem:v2+s15+$0x0] =	vst.idx.msk $0xffff, v3;
	s19 =	sadd.s32 $0x100, s19;
	s8 =	smov.u32 s10;
	s10 =	sadd.s32 $0x8, s10  }
0x1cf: {  	v2 =	vld [tilespmem:s19+$0xFFFFFF80];
	v3 =	vbroadcast v4, $0x0  }
0x1d0: {  	v4 =	vld [tilespmem:s19+$0xFFFFFF90]  }
0x1d1: {  	v5 =	vadd.s32 v7, v3  }
0x1d2: {  	v3 =	vadd.s32 v8, v3;
	_ =	sdelay $0x1  }
0x1d3: {  	s1 =	sadd.s32 $0x1, s11;
	v2 =	vmul.f32 $5.656854150e+00, v2  }
0x1d4: {  	v6 =	vmov s1;
	v4 =	vmul.f32 $5.656854150e+00, v4  }
0x1d5: {  	[tilespmem:v5+s15+$0x0] =	vst.idx.msk $0xffff, v2;
	v2 =	vshrl.u32 v6, $0x3  }
0x1d6: {  	[tilespmem:v3+s15+$0x0] =	vst.idx.msk $0xffff, v4;
	v2 =	vshll.u32 v2, v0  }
0x1d7: {  	v3 =	vld [tilespmem:s19+$0xFFFFFFA0];
	v2 =	vbroadcast v2, $0x0  }
0x1d8: {  	v4 =	vld [tilespmem:s19+$0xFFFFFFB0]  }
0x1d9: {  	v5 =	vadd.s32 v10, v2  }
0x1da: {  	v2 =	vadd.s32 v11, v2;
	_ =	sdelay $0x1  }
0x1db: {  	s1 =	sadd.s32 $0x2, s11;
	v3 =	vmul.f32 $5.656854150e+00, v3  }
0x1dc: {  	v6 =	vmov s1;
	v4 =	vmul.f32 $5.656854150e+00, v4  }
0x1dd: {  	[tilespmem:v5+s15+$0x0] =	vst.idx.msk $0xffff, v3;
	v3 =	vshrl.u32 v6, $0x3  }
0x1de: {  	[tilespmem:v2+s15+$0x0] =	vst.idx.msk $0xffff, v4;
	v2 =	vshll.u32 v3, v0  }
0x1df: {  	v3 =	vld [tilespmem:s19+$0xFFFFFFC0];
	v2 =	vbroadcast v2, $0x0  }
0x1e0: {  	v4 =	vld [tilespmem:s19+$0xFFFFFFD0]  }
0x1e1: {  	v5 =	vadd.s32 v12, v2  }
0x1e2: {  	v2 =	vadd.s32 v13, v2;
	_ =	sdelay $0x1  }
0x1e3: {  	s1 =	sadd.s32 $0x3, s11;
	v3 =	vmul.f32 $5.656854150e+00, v3  }
0x1e4: {  	v6 =	vmov s1;
	v4 =	vmul.f32 $5.656854150e+00, v4  }
0x1e5: {  	[tilespmem:v5+s15+$0x0] =	vst.idx.msk $0xffff, v3;
	v3 =	vshrl.u32 v6, $0x3  }
0x1e6: {  	[tilespmem:v2+s15+$0x0] =	vst.idx.msk $0xffff, v4;
	v2 =	vshll.u32 v3, v0  }
0x1e7: {  	v3 =	vld [tilespmem:s19+$0xFFFFFFE0];
	v2 =	vbroadcast v2, $0x0  }
0x1e8: {  	v4 =	vld [tilespmem:s19+$0xFFFFFFF0]  }
0x1e9: {  	v5 =	vadd.s32 v14, v2  }
0x1ea: {  	v2 =	vadd.s32 v15, v2;
	_ =	sdelay $0x1  }
0x1eb: {  	s1 =	sadd.s32 $0x4, s11;
	v3 =	vmul.f32 $5.656854150e+00, v3  }
0x1ec: {  	v6 =	vmov s1;
	v4 =	vmul.f32 $5.656854150e+00, v4  }
0x1ed: {  	[tilespmem:v5+s15+$0x0] =	vst.idx.msk $0xffff, v3;
	v3 =	vshrl.u32 v6, $0x3  }
0x1ee: {  	[tilespmem:v2+s15+$0x0] =	vst.idx.msk $0xffff, v4;
	v2 =	vshll.u32 v3, v0  }
0x1ef: {  	v3 =	vld [tilespmem:s19+$0x0];
	v2 =	vbroadcast v2, $0x0  }
0x1f0: {  	v4 =	vld [tilespmem:s19+$0x10]  }
0x1f1: {  	v5 =	vadd.s32 v16, v2  }
0x1f2: {  	v2 =	vadd.s32 v17, v2;
	_ =	sdelay $0x1  }
0x1f3: {  	s1 =	sadd.s32 $0x5, s11;
	v3 =	vmul.f32 $5.656854150e+00, v3  }
0x1f4: {  	v6 =	vmov s1;
	v4 =	vmul.f32 $5.656854150e+00, v4  }
0x1f5: {  	[tilespmem:v5+s15+$0x0] =	vst.idx.msk $0xffff, v3;
	v3 =	vshrl.u32 v6, $0x3  }
0x1f6: {  	[tilespmem:v2+s15+$0x0] =	vst.idx.msk $0xffff, v4;
	v2 =	vshll.u32 v3, v0  }
0x1f7: {  	v3 =	vld [tilespmem:s19+$0x20];
	v2 =	vbroadcast v2, $0x0  }
0x1f8: {  	v4 =	vld [tilespmem:s19+$0x30]  }
0x1f9: {  	v5 =	vadd.s32 v18, v2  }
0x1fa: {  	v2 =	vadd.s32 v19, v2;
	_ =	sdelay $0x1  }
0x1fb: {  	s1 =	sadd.s32 $0x6, s11;
	v3 =	vmul.f32 $5.656854150e+00, v3  }
0x1fc: {  	v6 =	vmov s1;
	v4 =	vmul.f32 $5.656854150e+00, v4  }
0x1fd: {  	[tilespmem:v5+s15+$0x0] =	vst.idx.msk $0xffff, v3;
	v3 =	vshrl.u32 v6, $0x3  }
0x1fe: {  	[tilespmem:v2+s15+$0x0] =	vst.idx.msk $0xffff, v4;
	v2 =	vshll.u32 v3, v0  }
0x1ff: {  	v3 =	vld [tilespmem:s19+$0x40];
	v2 =	vbroadcast v2, $0x0  }
0x200: {  	v4 =	vld [tilespmem:s19+$0x50]  }
0x201: {  	v5 =	vadd.s32 v20, v2  }
0x202: {  	v2 =	vadd.s32 v21, v2;
	_ =	sdelay $0x1  }
0x203: {  	s1 =	sadd.s32 $0x7, s11;
	s11 =	smov.u32 s8;
	v3 =	vmul.f32 $5.656854150e+00, v3  }
0x204: {  	v6 =	vmov s1;
	v4 =	vmul.f32 $5.656854150e+00, v4  }
0x205: {  	[tilespmem:v5+s15+$0x0] =	vst.idx.msk $0xffff, v3;
	v3 =	vshrl.u32 v6, $0x3  }
0x206: {  	[tilespmem:v2+s15+$0x0] =	vst.idx.msk $0xffff, v4;
	v2 =	vshll.u32 v3, v0  }
0x207: {  	v3 =	vld [tilespmem:s19+$0x60];
	v2 =	vbroadcast v2, $0x0  }
0x208: {  	v4 =	vld [tilespmem:s19+$0x70]  }
0x209: {  	v5 =	vadd.s32 v22, v2  }
.Ltmp2:
0x20a: {  	v2 =	vadd.s32 v23, v2;
	(pc) =	sbr.rel @p1 .LBB2_3-.Ltmp2, $4  }
0x20b: {  	v9 =	vmov v8;
	v8 =	vmov v7;
	v7 =	vmov s11  }
0x20c: {  	v6 =	vmul.f32 $5.656854150e+00, v3  }
0x20d: {  	v3 =	vmul.f32 $5.656854150e+00, v4  }
0x20e: {  	v4 =	vshrl.u32 v7, $0x3;
	v7 =	vmov v8;
	v8 =	vmov v9;
	[tilespmem:v5+s15+$0x0] =	vst.idx.msk $0xffff, v6  }
0x20f: {  	_ =	sdelay $0x3  }
0x210: {  	v4 =	vshll.u32 v4, v0;
	[tilespmem:v2+s15+$0x0] =	vst.idx.msk $0xffff, v3;
	s8 =	sadd.s32 $0x100, s19  }
0x211: {  	v2 =	vld [tilespmem:s8+$0xFFFFFF80];
	v3 =	vbroadcast v4, $0x0  }
0x212: {  	v4 =	vld [tilespmem:s8+$0xFFFFFF90]  }
0x213: {  	v5 =	vadd.s32 v7, v3  }
0x214: {  	v3 =	vadd.s32 v8, v3;
	_ =	sdelay $0x1  }
0x215: {  	s1 =	sadd.s32 $0x1, s11;
	v2 =	vmul.f32 $5.656854150e+00, v2  }
0x216: {  	v6 =	vmov s1;
	v4 =	vmul.f32 $5.656854150e+00, v4  }
0x217: {  	[tilespmem:v5+s15+$0x0] =	vst.idx.msk $0xffff, v2;
	v2 =	vshrl.u32 v6, $0x3  }
0x218: {  	[tilespmem:v3+s15+$0x0] =	vst.idx.msk $0xffff, v4;
	v2 =	vshll.u32 v2, v0  }
0x219: {  	v3 =	vld [tilespmem:s8+$0xFFFFFFA0];
	v2 =	vbroadcast v2, $0x0  }
0x21a: {  	v4 =	vld [tilespmem:s8+$0xFFFFFFB0]  }
0x21b: {  	v5 =	vadd.s32 v10, v2  }
0x21c: {  	v2 =	vadd.s32 v11, v2;
	_ =	sdelay $0x1  }
0x21d: {  	s10 =	sadd.s32 $0x2, s11;
	v3 =	vmul.f32 $5.656854150e+00, v3  }
0x21e: {  	v6 =	vmov s10;
	v4 =	vmul.f32 $5.656854150e+00, v4  }
0x21f: {  	[tilespmem:v5+s15+$0x0] =	vst.idx.msk $0xffff, v3;
	v3 =	vshrl.u32 v6, $0x3  }
0x220: {  	[tilespmem:v2+s15+$0x0] =	vst.idx.msk $0xffff, v4;
	v2 =	vshll.u32 v3, v0  }
0x221: {  	v3 =	vld [tilespmem:s8+$0xFFFFFFC0];
	v2 =	vbroadcast v2, $0x0  }
0x222: {  	v4 =	vld [tilespmem:s8+$0xFFFFFFD0]  }
0x223: {  	v5 =	vadd.s32 v12, v2  }
0x224: {  	v2 =	vadd.s32 v13, v2;
	_ =	sdelay $0x1  }
0x225: {  	s19 =	sadd.s32 $0x3, s11;
	v3 =	vmul.f32 $5.656854150e+00, v3  }
0x226: {  	v6 =	vmov s19;
	v4 =	vmul.f32 $5.656854150e+00, v4  }
0x227: {  	[tilespmem:v5+s15+$0x0] =	vst.idx.msk $0xffff, v3;
	v3 =	vshrl.u32 v6, $0x3  }
0x228: {  	[tilespmem:v2+s15+$0x0] =	vst.idx.msk $0xffff, v4;
	v2 =	vshll.u32 v3, v0  }
0x229: {  	v3 =	vld [tilespmem:s8+$0xFFFFFFE0];
	v2 =	vbroadcast v2, $0x0  }
0x22a: {  	v4 =	vld [tilespmem:s8+$0xFFFFFFF0]  }
0x22b: {  	v5 =	vadd.s32 v14, v2  }
0x22c: {  	v2 =	vadd.s32 v15, v2;
	_ =	sdelay $0x1  }
0x22d: {  	s10 =	sadd.s32 $0x4, s11;
	v3 =	vmul.f32 $5.656854150e+00, v3  }
0x22e: {  	v6 =	vmov s10;
	v4 =	vmul.f32 $5.656854150e+00, v4  }
0x22f: {  	[tilespmem:v5+s15+$0x0] =	vst.idx.msk $0xffff, v3;
	v3 =	vshrl.u32 v6, $0x3  }
0x230: {  	[tilespmem:v2+s15+$0x0] =	vst.idx.msk $0xffff, v4;
	v2 =	vshll.u32 v3, v0  }
0x231: {  	v3 =	vld [tilespmem:s8+$0x0];
	v2 =	vbroadcast v2, $0x0  }
0x232: {  	v4 =	vld [tilespmem:s8+$0x10]  }
0x233: {  	v5 =	vadd.s32 v16, v2  }
0x234: {  	v2 =	vadd.s32 v17, v2;
	_ =	sdelay $0x1  }
0x235: {  	s19 =	sadd.s32 $0x5, s11;
	v3 =	vmul.f32 $5.656854150e+00, v3  }
0x236: {  	v6 =	vmov s19;
	v4 =	vmul.f32 $5.656854150e+00, v4  }
0x237: {  	[tilespmem:v5+s15+$0x0] =	vst.idx.msk $0xffff, v3;
	v3 =	vshrl.u32 v6, $0x3  }
0x238: {  	[tilespmem:v2+s15+$0x0] =	vst.idx.msk $0xffff, v4;
	v2 =	vshll.u32 v3, v0  }
0x239: {  	v3 =	vld [tilespmem:s8+$0x20];
	v2 =	vbroadcast v2, $0x0  }
0x23a: {  	v4 =	vld [tilespmem:s8+$0x30]  }
0x23b: {  	v5 =	vadd.s32 v18, v2  }
0x23c: {  	v2 =	vadd.s32 v19, v2;
	_ =	sdelay $0x1  }
0x23d: {  	s10 =	sadd.s32 $0x6, s11;
	v3 =	vmul.f32 $5.656854150e+00, v3  }
0x23e: {  	v6 =	vmov s10;
	v4 =	vmul.f32 $5.656854150e+00, v4  }
0x23f: {  	[tilespmem:v5+s15+$0x0] =	vst.idx.msk $0xffff, v3;
	v3 =	vshrl.u32 v6, $0x3  }
0x240: {  	[tilespmem:v2+s15+$0x0] =	vst.idx.msk $0xffff, v4;
	v2 =	vshll.u32 v3, v0  }
0x241: {  	v3 =	vld [tilespmem:s8+$0x40];
	v2 =	vbroadcast v2, $0x0  }
0x242: {  	v4 =	vld [tilespmem:s8+$0x50]  }
0x243: {  	v5 =	vadd.s32 v20, v2  }
0x244: {  	v2 =	vadd.s32 v21, v2;
	_ =	sdelay $0x1  }
0x245: {  	s19 =	sadd.s32 $0x7, s11;
	v3 =	vmul.f32 $5.656854150e+00, v3  }
0x246: {  	v6 =	vmov s19;
	v4 =	vmul.f32 $5.656854150e+00, v4  }
0x247: {  	[tilespmem:v5+s15+$0x0] =	vst.idx.msk $0xffff, v3;
	v3 =	vshrl.u32 v6, $0x3  }
0x248: {  	[tilespmem:v2+s15+$0x0] =	vst.idx.msk $0xffff, v4;
	v2 =	vshll.u32 v3, v0  }
0x249: {  	v3 =	vld [tilespmem:s8+$0x60];
	v2 =	vbroadcast v2, $0x0  }
0x24a: {  	v4 =	vld [tilespmem:s8+$0x70]  }
0x24b: {  	v5 =	vadd.s32 v22, v2  }
0x24c: {  	v2 =	vadd.s32 v23, v2;
	_ =	sdelay $0x1  }
0x24d: {  	s11 =	simm.s32 $0x0;
	v3 =	vmul.f32 $5.656854150e+00, v3  }
0x24e: {  	v6 =	vmov s11;
	v4 =	vmul.f32 $5.656854150e+00, v4  }
0x24f: {  	v23 =	vld [tilespmem:$0x1FEA0];
	[tilespmem:v5+s15+$0x0] =	vst.idx.msk $0xffff, v3;
	v3 =	vshrl.u32 v6, $0x3  }
0x250: {  	[tilespmem:v2+s15+$0x0] =	vst.idx.msk $0xffff, v4;
	v2 =	vshll.u32 v3, $0x3  }
0x251: {  	v3 =	vld [tilespmem:s18+$0xFFFFFF10];
	v2 =	vbroadcast v2, $0x0  }
0x252: {  	v4 =	vld [tilespmem:s18+$0xFFFFFF20]  }
0x253: {  	v5 =	vadd.s32 v24, v2  }
0x254: {  	v6 =	vadd.s32 v23, v2;
	_ =	sdelay $0x1  }
0x255: {  	v3 =	vmul.f32 $5.656854150e+00, v3  }
0x256: {  	v10 =	vld [tilespmem:$0x1FEB0];
	v4 =	vmul.f32 $5.656854150e+00, v4  }
0x257: {  	v11 =	vld [tilespmem:$0x1FEC0];
	[tilespmem:v5+s15+$0x0] =	vst.idx.msk $0xffff, v3  }
0x258: {  	[tilespmem:v6+s15+$0x0] =	vst.idx.msk $0xffff, v4  }
0x259: {  	v3 =	vld [tilespmem:s18+$0xFFFFFF30]  }
0x25a: {  	v4 =	vld [tilespmem:s18+$0xFFFFFF40]  }
0x25b: {  	v5 =	vadd.s32 v10, v2  }
0x25c: {  	v6 =	vadd.s32 v11, v2;
	_ =	sdelay $0x1  }
0x25d: {  	v3 =	vmul.f32 $5.656854150e+00, v3  }
0x25e: {  	v12 =	vld [tilespmem:$0x1FED0];
	v4 =	vmul.f32 $5.656854150e+00, v4  }
0x25f: {  	v13 =	vld [tilespmem:$0x1FEE0];
	[tilespmem:v5+s15+$0x0] =	vst.idx.msk $0xffff, v3  }
0x260: {  	[tilespmem:v6+s15+$0x0] =	vst.idx.msk $0xffff, v4  }
0x261: {  	v3 =	vld [tilespmem:s18+$0xFFFFFF50]  }
0x262: {  	v4 =	vld [tilespmem:s18+$0xFFFFFF60]  }
0x263: {  	v5 =	vadd.s32 v12, v2  }
0x264: {  	v6 =	vadd.s32 v13, v2;
	_ =	sdelay $0x1  }
0x265: {  	v3 =	vmul.f32 $5.656854150e+00, v3  }
0x266: {  	v14 =	vld [tilespmem:$0x1FEF0];
	v4 =	vmul.f32 $5.656854150e+00, v4  }
0x267: {  	v15 =	vld [tilespmem:$0x1FF00];
	[tilespmem:v5+s15+$0x0] =	vst.idx.msk $0xffff, v3  }
0x268: {  	[tilespmem:v6+s15+$0x0] =	vst.idx.msk $0xffff, v4  }
0x269: {  	v3 =	vld [tilespmem:s18+$0xFFFFFF70]  }
0x26a: {  	v4 =	vld [tilespmem:s18+$0xFFFFFF80]  }
0x26b: {  	v5 =	vadd.s32 v14, v2  }
0x26c: {  	v6 =	vadd.s32 v15, v2;
	_ =	sdelay $0x1  }
0x26d: {  	v3 =	vmul.f32 $5.656854150e+00, v3  }
0x26e: {  	v4 =	vmul.f32 $5.656854150e+00, v4  }
0x26f: {  	[tilespmem:v5+s15+$0x0] =	vst.idx.msk $0xffff, v3  }
0x270: {  	[tilespmem:v6+s15+$0x0] =	vst.idx.msk $0xffff, v4  }
0x271: {  	v3 =	vld [tilespmem:s18+$0xFFFFFF90]  }
0x272: {  	v4 =	vld [tilespmem:s18+$0xFFFFFFA0]  }
0x273: {  	v5 =	vadd.s32 v25, v2  }
0x274: {  	v6 =	vadd.s32 v26, v2;
	_ =	sdelay $0x1  }
0x275: {  	v3 =	vmul.f32 $5.656854150e+00, v3  }
0x276: {  	v4 =	vmul.f32 $5.656854150e+00, v4  }
0x277: {  	[tilespmem:v5+s15+$0x0] =	vst.idx.msk $0xffff, v3  }
0x278: {  	[tilespmem:v6+s15+$0x0] =	vst.idx.msk $0xffff, v4  }
0x279: {  	v3 =	vld [tilespmem:s18+$0xFFFFFFB0]  }
0x27a: {  	v4 =	vld [tilespmem:s18+$0xFFFFFFC0]  }
0x27b: {  	v5 =	vadd.s32 v27, v2  }
0x27c: {  	v6 =	vadd.s32 v28, v2;
	_ =	sdelay $0x1  }
0x27d: {  	v3 =	vmul.f32 $5.656854150e+00, v3  }
0x27e: {  	v4 =	vmul.f32 $5.656854150e+00, v4  }
0x27f: {  	[tilespmem:v5+s15+$0x0] =	vst.idx.msk $0xffff, v3  }
0x280: {  	[tilespmem:v6+s15+$0x0] =	vst.idx.msk $0xffff, v4  }
0x281: {  	v3 =	vld [tilespmem:s18+$0xFFFFFFD0]  }
0x282: {  	v4 =	vld [tilespmem:s18+$0xFFFFFFE0]  }
0x283: {  	v5 =	vadd.s32 v29, v2  }
0x284: {  	v6 =	vadd.s32 v30, v2;
	_ =	sdelay $0x1  }
0x285: {  	v3 =	vmul.f32 $5.656854150e+00, v3  }
0x286: {  	v4 =	vmul.f32 $5.656854150e+00, v4  }
0x287: {  	p1 =	por $0x1, $0x1;
	[tilespmem:v5+s15+$0x0] =	vst.idx.msk $0xffff, v3  }
.Ltmp3:
0x288: {  	[tilespmem:v6+s15+$0x0] =	vst.idx.msk $0xffff, v4;
	(pc) =	sbr.rel @!p1 .LBB2_6-.Ltmp3, $4  }
0x289: {  	v5 =	vld [tilespmem:s18+$0xFFFFFFF0]  }
0x28a: {  	v4 =	vld [tilespmem:s18+$0x0]  }
0x28b: {  	v3 =	vadd.s32 v31, v2  }
0x28c: {  	v2 =	vadd.s32 v32, v2  }
.LBB2_5:
0x28d: {  	_ = 	snop  }
0x28e: {  	s11 =	sadd.s32 $0x8, s11;
	v5 =	vmul.f32 $5.656854150e+00, v5  }
0x28f: {  	v6 =	vmov s11;
	p1 =	slt.u32 s11, $0x78;
	v4 =	vmul.f32 $5.656854150e+00, v4  }
0x290: {  	v6 =	vshrl.u32 v6, $0x3;
	[tilespmem:v3+s15+$0x0] =	vst.idx.msk $0xffff, v5  }
0x291: {  	s18 =	sadd.s32 $0x100, s18;
	v3 =	vshll.u32 v6, $0x3;
	[tilespmem:v2+s15+$0x0] =	vst.idx.msk $0xffff, v4  }
0x292: {  	v6 =	vbroadcast v3, $0x0;
	v2 =	vld [tilespmem:s18+$0xFFFFFF10]  }
0x293: {  	v3 =	vld [tilespmem:s18+$0xFFFFFF20]  }
0x294: {  	v4 =	vadd.s32 v24, v6  }
0x295: {  	v5 =	vadd.s32 v23, v6;
	_ =	sdelay $0x1  }
0x296: {  	v2 =	vmul.f32 $5.656854150e+00, v2  }
0x297: {  	v3 =	vmul.f32 $5.656854150e+00, v3  }
0x298: {  	[tilespmem:v4+s15+$0x0] =	vst.idx.msk $0xffff, v2  }
0x299: {  	[tilespmem:v5+s15+$0x0] =	vst.idx.msk $0xffff, v3  }
0x29a: {  	v2 =	vld [tilespmem:s18+$0xFFFFFF30]  }
0x29b: {  	v3 =	vld [tilespmem:s18+$0xFFFFFF40]  }
0x29c: {  	v4 =	vadd.s32 v10, v6  }
0x29d: {  	v5 =	vadd.s32 v11, v6;
	_ =	sdelay $0x1  }
0x29e: {  	v2 =	vmul.f32 $5.656854150e+00, v2  }
0x29f: {  	v3 =	vmul.f32 $5.656854150e+00, v3  }
0x2a0: {  	[tilespmem:v4+s15+$0x0] =	vst.idx.msk $0xffff, v2  }
0x2a1: {  	[tilespmem:v5+s15+$0x0] =	vst.idx.msk $0xffff, v3  }
0x2a2: {  	v2 =	vld [tilespmem:s18+$0xFFFFFF50]  }
0x2a3: {  	v3 =	vld [tilespmem:s18+$0xFFFFFF60]  }
0x2a4: {  	v4 =	vadd.s32 v12, v6  }
0x2a5: {  	v5 =	vadd.s32 v13, v6;
	_ =	sdelay $0x1  }
0x2a6: {  	v2 =	vmul.f32 $5.656854150e+00, v2  }
0x2a7: {  	v3 =	vmul.f32 $5.656854150e+00, v3  }
0x2a8: {  	[tilespmem:v4+s15+$0x0] =	vst.idx.msk $0xffff, v2  }
0x2a9: {  	[tilespmem:v5+s15+$0x0] =	vst.idx.msk $0xffff, v3  }
0x2aa: {  	v2 =	vld [tilespmem:s18+$0xFFFFFF70]  }
0x2ab: {  	v3 =	vld [tilespmem:s18+$0xFFFFFF80]  }
0x2ac: {  	v4 =	vadd.s32 v14, v6  }
0x2ad: {  	v5 =	vadd.s32 v15, v6;
	_ =	sdelay $0x1  }
0x2ae: {  	v2 =	vmul.f32 $5.656854150e+00, v2  }
0x2af: {  	v3 =	vmul.f32 $5.656854150e+00, v3  }
0x2b0: {  	[tilespmem:v4+s15+$0x0] =	vst.idx.msk $0xffff, v2  }
0x2b1: {  	[tilespmem:v5+s15+$0x0] =	vst.idx.msk $0xffff, v3  }
0x2b2: {  	v2 =	vld [tilespmem:s18+$0xFFFFFF90]  }
0x2b3: {  	v3 =	vld [tilespmem:s18+$0xFFFFFFA0]  }
0x2b4: {  	v4 =	vadd.s32 v25, v6  }
0x2b5: {  	v5 =	vadd.s32 v26, v6;
	_ =	sdelay $0x1  }
0x2b6: {  	v2 =	vmul.f32 $5.656854150e+00, v2  }
0x2b7: {  	v3 =	vmul.f32 $5.656854150e+00, v3  }
0x2b8: {  	[tilespmem:v4+s15+$0x0] =	vst.idx.msk $0xffff, v2  }
0x2b9: {  	[tilespmem:v5+s15+$0x0] =	vst.idx.msk $0xffff, v3  }
0x2ba: {  	v2 =	vld [tilespmem:s18+$0xFFFFFFB0]  }
0x2bb: {  	v3 =	vld [tilespmem:s18+$0xFFFFFFC0]  }
0x2bc: {  	v4 =	vadd.s32 v27, v6  }
0x2bd: {  	v5 =	vadd.s32 v28, v6;
	_ =	sdelay $0x1  }
0x2be: {  	v2 =	vmul.f32 $5.656854150e+00, v2  }
0x2bf: {  	v3 =	vmul.f32 $5.656854150e+00, v3  }
0x2c0: {  	[tilespmem:v4+s15+$0x0] =	vst.idx.msk $0xffff, v2  }
0x2c1: {  	[tilespmem:v5+s15+$0x0] =	vst.idx.msk $0xffff, v3  }
0x2c2: {  	v2 =	vld [tilespmem:s18+$0xFFFFFFD0]  }
0x2c3: {  	v3 =	vld [tilespmem:s18+$0xFFFFFFE0]  }
0x2c4: {  	v4 =	vadd.s32 v29, v6  }
0x2c5: {  	v5 =	vadd.s32 v30, v6;
	_ =	sdelay $0x1  }
0x2c6: {  	v2 =	vmul.f32 $5.656854150e+00, v2  }
0x2c7: {  	v3 =	vmul.f32 $5.656854150e+00, v3  }
0x2c8: {  	[tilespmem:v4+s15+$0x0] =	vst.idx.msk $0xffff, v2  }
.Ltmp4:
0x2c9: {  	[tilespmem:v5+s15+$0x0] =	vst.idx.msk $0xffff, v3;
	(pc) =	sbr.rel @p1 .LBB2_5-.Ltmp4, $4  }
0x2ca: {  	v5 =	vld [tilespmem:s18+$0xFFFFFFF0]  }
0x2cb: {  	v4 =	vld [tilespmem:s18+$0x0]  }
0x2cc: {  	v3 =	vadd.s32 v31, v6  }
0x2cd: {  	v2 =	vadd.s32 v32, v6  }
.LBB2_6:
0x2ce: {  	_ =	sdelay $0x1  }
0x2cf: {  	s1 =	simm.s32 $0x0;
	v5 =	vmul.f32 $5.656854150e+00, v5  }
0x2d0: {  	v6 =	vmov s1;
	v4 =	vmul.f32 $5.656854150e+00, v4  }
0x2d1: {  	[tilespmem:v3+s15+$0x0] =	vst.idx.msk $0xffff, v5;
	v3 =	vshrl.u32 v6, $0x3  }
0x2d2: {  	[tilespmem:v2+s15+$0x0] =	vst.idx.msk $0xffff, v4;
	v2 =	vshll.u32 v3, $0x3  }
0x2d3: {  	v3 =	vld [tilespmem:s17+$0xFFFFFF10];
	v2 =	vbroadcast v2, $0x0  }
0x2d4: {  	v4 =	vld [tilespmem:s17+$0xFFFFFF20]  }
0x2d5: {  	v5 =	vadd.s32 v33, v2  }
0x2d6: {  	v6 =	vadd.s32 v34, v2;
	_ =	sdelay $0x1  }
0x2d7: {  	v3 =	vmul.f32 $5.656854150e+00, v3  }
0x2d8: {  	v4 =	vmul.f32 $5.656854150e+00, v4  }
0x2d9: {  	[tilespmem:v5+s15+$0x0] =	vst.idx.msk $0xffff, v3  }
0x2da: {  	[tilespmem:v6+s15+$0x0] =	vst.idx.msk $0xffff, v4  }
0x2db: {  	v3 =	vld [tilespmem:s17+$0xFFFFFF30]  }
0x2dc: {  	v4 =	vld [tilespmem:s17+$0xFFFFFF40]  }
0x2dd: {  	v5 =	vadd.s32 v35, v2  }
0x2de: {  	v6 =	vadd.s32 v36, v2;
	_ =	sdelay $0x1  }
0x2df: {  	v3 =	vmul.f32 $5.656854150e+00, v3  }
0x2e0: {  	v4 =	vmul.f32 $5.656854150e+00, v4  }
0x2e1: {  	[tilespmem:v5+s15+$0x0] =	vst.idx.msk $0xffff, v3  }
0x2e2: {  	[tilespmem:v6+s15+$0x0] =	vst.idx.msk $0xffff, v4  }
0x2e3: {  	v3 =	vld [tilespmem:s17+$0xFFFFFF50]  }
0x2e4: {  	v4 =	vld [tilespmem:s17+$0xFFFFFF60]  }
0x2e5: {  	v5 =	vadd.s32 v37, v2  }
0x2e6: {  	v6 =	vadd.s32 v38, v2;
	_ =	sdelay $0x1  }
0x2e7: {  	v3 =	vmul.f32 $5.656854150e+00, v3  }
0x2e8: {  	v4 =	vmul.f32 $5.656854150e+00, v4  }
0x2e9: {  	[tilespmem:v5+s15+$0x0] =	vst.idx.msk $0xffff, v3  }
0x2ea: {  	[tilespmem:v6+s15+$0x0] =	vst.idx.msk $0xffff, v4  }
0x2eb: {  	v3 =	vld [tilespmem:s17+$0xFFFFFF70]  }
0x2ec: {  	v4 =	vld [tilespmem:s17+$0xFFFFFF80]  }
0x2ed: {  	v5 =	vadd.s32 v39, v2  }
0x2ee: {  	v6 =	vadd.s32 v40, v2;
	_ =	sdelay $0x1  }
0x2ef: {  	v3 =	vmul.f32 $5.656854150e+00, v3  }
0x2f0: {  	v4 =	vmul.f32 $5.656854150e+00, v4  }
0x2f1: {  	[tilespmem:v5+s15+$0x0] =	vst.idx.msk $0xffff, v3  }
0x2f2: {  	[tilespmem:v6+s15+$0x0] =	vst.idx.msk $0xffff, v4  }
0x2f3: {  	v3 =	vld [tilespmem:s17+$0xFFFFFF90]  }
0x2f4: {  	v4 =	vld [tilespmem:s17+$0xFFFFFFA0]  }
0x2f5: {  	v5 =	vadd.s32 v41, v2  }
0x2f6: {  	v6 =	vadd.s32 v42, v2;
	_ =	sdelay $0x1  }
0x2f7: {  	v3 =	vmul.f32 $5.656854150e+00, v3  }
0x2f8: {  	v4 =	vmul.f32 $5.656854150e+00, v4  }
0x2f9: {  	[tilespmem:v5+s15+$0x0] =	vst.idx.msk $0xffff, v3  }
0x2fa: {  	[tilespmem:v6+s15+$0x0] =	vst.idx.msk $0xffff, v4  }
0x2fb: {  	v3 =	vld [tilespmem:s17+$0xFFFFFFB0]  }
0x2fc: {  	v4 =	vld [tilespmem:s17+$0xFFFFFFC0]  }
0x2fd: {  	v5 =	vadd.s32 v43, v2  }
0x2fe: {  	v6 =	vadd.s32 v44, v2;
	_ =	sdelay $0x1  }
0x2ff: {  	v3 =	vmul.f32 $5.656854150e+00, v3  }
0x300: {  	v4 =	vmul.f32 $5.656854150e+00, v4  }
0x301: {  	[tilespmem:v5+s15+$0x0] =	vst.idx.msk $0xffff, v3  }
0x302: {  	[tilespmem:v6+s15+$0x0] =	vst.idx.msk $0xffff, v4  }
0x303: {  	v3 =	vld [tilespmem:s17+$0xFFFFFFD0]  }
0x304: {  	v4 =	vld [tilespmem:s17+$0xFFFFFFE0]  }
0x305: {  	v5 =	vadd.s32 v45, v2  }
0x306: {  	v6 =	vadd.s32 v46, v2;
	_ =	sdelay $0x1  }
0x307: {  	p1 =	por $0x1, $0x1;
	v3 =	vmul.f32 $5.656854150e+00, v3  }
.Ltmp5:
0x308: {  	v4 =	vmul.f32 $5.656854150e+00, v4;
	(pc) =	sbr.rel @!p1 .LBB2_7-.Ltmp5, $4  }
0x309: {  	[tilespmem:v5+s15+$0x0] =	vst.idx.msk $0xffff, v3  }
0x30a: {  	[tilespmem:v6+s15+$0x0] =	vst.idx.msk $0xffff, v4  }
0x30b: {  	v5 =	vld [tilespmem:s17+$0xFFFFFFF0]  }
0x30c: {  	v3 =	vadd.s32 v47, v2;
	v2 =	vadd.s32 v48, v2;
	v4 =	vld [tilespmem:s17+$0x0]  }
0x30d: {  	_ =	sdelay $0x2  }
0x30e: {  	s11 =	simm.s32 $0x8;
	v5 =	vmul.f32 $5.656854150e+00, v5  }
0x30f: {  	v6 =	vmov s11;
	v4 =	vmul.f32 $5.656854150e+00, v4  }
0x310: {  	v6 =	vshrl.u32 v6, $0x3;
	[tilespmem:v3+s15+$0x0] =	vst.idx.msk $0xffff, v5  }
0x311: {  	s17 =	sadd.s32 $0x100, s17;
	v3 =	vshll.u32 v6, $0x3;
	[tilespmem:v2+s15+$0x0] =	vst.idx.msk $0xffff, v4  }
0x312: {  	v6 =	vbroadcast v3, $0x0;
	v2 =	vld [tilespmem:s17+$0xFFFFFF10]  }
0x313: {  	v3 =	vld [tilespmem:s17+$0xFFFFFF20]  }
0x314: {  	v4 =	vadd.s32 v33, v6  }
0x315: {  	v5 =	vadd.s32 v34, v6;
	_ =	sdelay $0x1  }
0x316: {  	v2 =	vmul.f32 $5.656854150e+00, v2  }
0x317: {  	v3 =	vmul.f32 $5.656854150e+00, v3  }
0x318: {  	[tilespmem:v4+s15+$0x0] =	vst.idx.msk $0xffff, v2  }
0x319: {  	[tilespmem:v5+s15+$0x0] =	vst.idx.msk $0xffff, v3  }
0x31a: {  	v2 =	vld [tilespmem:s17+$0xFFFFFF30]  }
0x31b: {  	v3 =	vld [tilespmem:s17+$0xFFFFFF40]  }
0x31c: {  	v4 =	vadd.s32 v35, v6  }
0x31d: {  	v5 =	vadd.s32 v36, v6;
	_ =	sdelay $0x1  }
0x31e: {  	v2 =	vmul.f32 $5.656854150e+00, v2  }
0x31f: {  	v3 =	vmul.f32 $5.656854150e+00, v3  }
0x320: {  	[tilespmem:v4+s15+$0x0] =	vst.idx.msk $0xffff, v2  }
0x321: {  	[tilespmem:v5+s15+$0x0] =	vst.idx.msk $0xffff, v3  }
0x322: {  	v2 =	vld [tilespmem:s17+$0xFFFFFF50]  }
0x323: {  	v3 =	vld [tilespmem:s17+$0xFFFFFF60]  }
0x324: {  	v4 =	vadd.s32 v37, v6  }
0x325: {  	v5 =	vadd.s32 v38, v6;
	_ =	sdelay $0x1  }
0x326: {  	v2 =	vmul.f32 $5.656854150e+00, v2  }
0x327: {  	v3 =	vmul.f32 $5.656854150e+00, v3  }
0x328: {  	[tilespmem:v4+s15+$0x0] =	vst.idx.msk $0xffff, v2  }
0x329: {  	[tilespmem:v5+s15+$0x0] =	vst.idx.msk $0xffff, v3  }
0x32a: {  	v2 =	vld [tilespmem:s17+$0xFFFFFF70]  }
0x32b: {  	v3 =	vld [tilespmem:s17+$0xFFFFFF80]  }
0x32c: {  	v4 =	vadd.s32 v39, v6  }
0x32d: {  	v5 =	vadd.s32 v40, v6;
	_ =	sdelay $0x1  }
0x32e: {  	v2 =	vmul.f32 $5.656854150e+00, v2  }
0x32f: {  	v3 =	vmul.f32 $5.656854150e+00, v3  }
0x330: {  	[tilespmem:v4+s15+$0x0] =	vst.idx.msk $0xffff, v2  }
0x331: {  	[tilespmem:v5+s15+$0x0] =	vst.idx.msk $0xffff, v3  }
0x332: {  	v2 =	vld [tilespmem:s17+$0xFFFFFF90]  }
0x333: {  	v3 =	vld [tilespmem:s17+$0xFFFFFFA0]  }
0x334: {  	v4 =	vadd.s32 v41, v6  }
0x335: {  	v5 =	vadd.s32 v42, v6;
	_ =	sdelay $0x1  }
0x336: {  	v2 =	vmul.f32 $5.656854150e+00, v2  }
0x337: {  	v3 =	vmul.f32 $5.656854150e+00, v3  }
0x338: {  	[tilespmem:v4+s15+$0x0] =	vst.idx.msk $0xffff, v2  }
0x339: {  	[tilespmem:v5+s15+$0x0] =	vst.idx.msk $0xffff, v3  }
0x33a: {  	v2 =	vld [tilespmem:s17+$0xFFFFFFB0]  }
0x33b: {  	v3 =	vld [tilespmem:s17+$0xFFFFFFC0]  }
0x33c: {  	v4 =	vadd.s32 v43, v6  }
0x33d: {  	v5 =	vadd.s32 v44, v6;
	_ =	sdelay $0x1  }
0x33e: {  	v2 =	vmul.f32 $5.656854150e+00, v2  }
0x33f: {  	v3 =	vmul.f32 $5.656854150e+00, v3  }
0x340: {  	[tilespmem:v4+s15+$0x0] =	vst.idx.msk $0xffff, v2  }
0x341: {  	[tilespmem:v5+s15+$0x0] =	vst.idx.msk $0xffff, v3  }
0x342: {  	v2 =	vld [tilespmem:s17+$0xFFFFFFD0]  }
0x343: {  	v3 =	vld [tilespmem:s17+$0xFFFFFFE0]  }
0x344: {  	v4 =	vadd.s32 v45, v6  }
0x345: {  	v5 =	vadd.s32 v46, v6;
	_ =	sdelay $0x1  }
0x346: {  	v10 =	vld [tilespmem:$0x1FF30];
	v2 =	vmul.f32 $5.656854150e+00, v2  }
0x347: {  	v11 =	vld [tilespmem:$0x1FF40];
	v3 =	vmul.f32 $5.656854150e+00, v3  }
0x348: {  	p1 =	por $0x1, $0x1;
	v12 =	vld [tilespmem:$0x1FF50];
	[tilespmem:v4+s15+$0x0] =	vst.idx.msk $0xffff, v2  }
.Ltmp6:
0x349: {  	v13 =	vld [tilespmem:$0x1FF60];
	[tilespmem:v5+s15+$0x0] =	vst.idx.msk $0xffff, v3;
	(pc) =	sbr.rel @!p1 .LBB2_10-.Ltmp6, $4  }
0x34a: {  	v5 =	vld [tilespmem:s17+$0xFFFFFFF0]  }
0x34b: {  	v4 =	vld [tilespmem:s17+$0x0]  }
0x34c: {  	v14 =	vld [tilespmem:$0x1FF70];
	v3 =	vadd.s32 v47, v6  }
0x34d: {  	v15 =	vld [tilespmem:$0x1FF80];
	s18 =	smov.u32 s7;
	v2 =	vadd.s32 v48, v6  }
.LBB2_9:
0x34e: {  	_ = 	snop  }
0x34f: {  	s11 =	sadd.s32 $0x8, s11;
	v5 =	vmul.f32 $5.656854150e+00, v5  }
0x350: {  	v6 =	vmov s11;
	p1 =	slt.u32 s11, $0x78;
	v4 =	vmul.f32 $5.656854150e+00, v4  }
0x351: {  	v6 =	vshrl.u32 v6, $0x3;
	[tilespmem:v3+s15+$0x0] =	vst.idx.msk $0xffff, v5  }
0x352: {  	s17 =	sadd.s32 $0x100, s17;
	v3 =	vshll.u32 v6, $0x3;
	[tilespmem:v2+s15+$0x0] =	vst.idx.msk $0xffff, v4  }
0x353: {  	v6 =	vbroadcast v3, $0x0;
	v2 =	vld [tilespmem:s17+$0xFFFFFF10]  }
0x354: {  	v3 =	vld [tilespmem:s17+$0xFFFFFF20]  }
0x355: {  	v4 =	vadd.s32 v33, v6  }
0x356: {  	v5 =	vadd.s32 v34, v6;
	_ =	sdelay $0x1  }
0x357: {  	v2 =	vmul.f32 $5.656854150e+00, v2  }
0x358: {  	v3 =	vmul.f32 $5.656854150e+00, v3  }
0x359: {  	[tilespmem:v4+s15+$0x0] =	vst.idx.msk $0xffff, v2  }
0x35a: {  	[tilespmem:v5+s15+$0x0] =	vst.idx.msk $0xffff, v3  }
0x35b: {  	v2 =	vld [tilespmem:s17+$0xFFFFFF30]  }
0x35c: {  	v3 =	vld [tilespmem:s17+$0xFFFFFF40]  }
0x35d: {  	v4 =	vadd.s32 v35, v6  }
0x35e: {  	v5 =	vadd.s32 v36, v6;
	_ =	sdelay $0x1  }
0x35f: {  	v2 =	vmul.f32 $5.656854150e+00, v2  }
0x360: {  	v3 =	vmul.f32 $5.656854150e+00, v3  }
0x361: {  	[tilespmem:v4+s15+$0x0] =	vst.idx.msk $0xffff, v2  }
0x362: {  	[tilespmem:v5+s15+$0x0] =	vst.idx.msk $0xffff, v3  }
0x363: {  	v2 =	vld [tilespmem:s17+$0xFFFFFF50]  }
0x364: {  	v3 =	vld [tilespmem:s17+$0xFFFFFF60]  }
0x365: {  	v4 =	vadd.s32 v37, v6  }
0x366: {  	v5 =	vadd.s32 v38, v6;
	_ =	sdelay $0x1  }
0x367: {  	v2 =	vmul.f32 $5.656854150e+00, v2  }
0x368: {  	v3 =	vmul.f32 $5.656854150e+00, v3  }
0x369: {  	[tilespmem:v4+s15+$0x0] =	vst.idx.msk $0xffff, v2  }
0x36a: {  	[tilespmem:v5+s15+$0x0] =	vst.idx.msk $0xffff, v3  }
0x36b: {  	v2 =	vld [tilespmem:s17+$0xFFFFFF70]  }
0x36c: {  	v3 =	vld [tilespmem:s17+$0xFFFFFF80]  }
0x36d: {  	v4 =	vadd.s32 v39, v6  }
0x36e: {  	v5 =	vadd.s32 v40, v6;
	_ =	sdelay $0x1  }
0x36f: {  	v2 =	vmul.f32 $5.656854150e+00, v2  }
0x370: {  	v3 =	vmul.f32 $5.656854150e+00, v3  }
0x371: {  	[tilespmem:v4+s15+$0x0] =	vst.idx.msk $0xffff, v2  }
0x372: {  	[tilespmem:v5+s15+$0x0] =	vst.idx.msk $0xffff, v3  }
0x373: {  	v2 =	vld [tilespmem:s17+$0xFFFFFF90]  }
0x374: {  	v3 =	vld [tilespmem:s17+$0xFFFFFFA0]  }
0x375: {  	v4 =	vadd.s32 v41, v6  }
0x376: {  	v5 =	vadd.s32 v42, v6;
	_ =	sdelay $0x1  }
0x377: {  	v2 =	vmul.f32 $5.656854150e+00, v2  }
0x378: {  	v3 =	vmul.f32 $5.656854150e+00, v3  }
0x379: {  	[tilespmem:v4+s15+$0x0] =	vst.idx.msk $0xffff, v2  }
0x37a: {  	[tilespmem:v5+s15+$0x0] =	vst.idx.msk $0xffff, v3  }
0x37b: {  	v2 =	vld [tilespmem:s17+$0xFFFFFFB0]  }
0x37c: {  	v3 =	vld [tilespmem:s17+$0xFFFFFFC0]  }
0x37d: {  	v4 =	vadd.s32 v43, v6  }
0x37e: {  	v5 =	vadd.s32 v44, v6;
	_ =	sdelay $0x1  }
0x37f: {  	v2 =	vmul.f32 $5.656854150e+00, v2  }
0x380: {  	v3 =	vmul.f32 $5.656854150e+00, v3  }
0x381: {  	[tilespmem:v4+s15+$0x0] =	vst.idx.msk $0xffff, v2  }
0x382: {  	[tilespmem:v5+s15+$0x0] =	vst.idx.msk $0xffff, v3  }
0x383: {  	v2 =	vld [tilespmem:s17+$0xFFFFFFD0]  }
0x384: {  	v3 =	vld [tilespmem:s17+$0xFFFFFFE0]  }
0x385: {  	v4 =	vadd.s32 v45, v6  }
0x386: {  	v5 =	vadd.s32 v46, v6;
	_ =	sdelay $0x1  }
0x387: {  	v2 =	vmul.f32 $5.656854150e+00, v2  }
0x388: {  	v3 =	vmul.f32 $5.656854150e+00, v3  }
0x389: {  	[tilespmem:v4+s15+$0x0] =	vst.idx.msk $0xffff, v2  }
.Ltmp7:
0x38a: {  	[tilespmem:v5+s15+$0x0] =	vst.idx.msk $0xffff, v3;
	(pc) =	sbr.rel @p1 .LBB2_9-.Ltmp7, $4  }
0x38b: {  	v5 =	vld [tilespmem:s17+$0xFFFFFFF0]  }
0x38c: {  	v4 =	vld [tilespmem:s17+$0x0]  }
0x38d: {  	v3 =	vadd.s32 v47, v6  }
0x38e: {  	v2 =	vadd.s32 v48, v6  }
.LBB2_10:
0x38f: {  	_ =	sdelay $0x1  }
0x390: {  	s11 =	simm.s32 $0x0;
	v5 =	vmul.f32 $5.656854150e+00, v5  }
0x391: {  	v6 =	vmov s11;
	v4 =	vmul.f32 $5.656854150e+00, v4  }
0x392: {  	[tilespmem:v3+s15+$0x0] =	vst.idx.msk $0xffff, v5;
	v3 =	vshrl.u32 v6, $0x3  }
0x393: {  	[tilespmem:v2+s15+$0x0] =	vst.idx.msk $0xffff, v4;
	v2 =	vshll.u32 v3, $0x3  }
0x394: {  	v3 =	vld [tilespmem:s16+$0xFFFFFF10];
	v2 =	vbroadcast v2, $0x0  }
0x395: {  	v4 =	vld [tilespmem:s16+$0xFFFFFF20]  }
0x396: {  	v5 =	vadd.s32 v49, v2  }
0x397: {  	v6 =	vadd.s32 v50, v2;
	_ =	sdelay $0x1  }
0x398: {  	v3 =	vmul.f32 $5.656854150e+00, v3  }
0x399: {  	v4 =	vmul.f32 $5.656854150e+00, v4  }
0x39a: {  	[tilespmem:v5+s15+$0x0] =	vst.idx.msk $0xffff, v3  }
0x39b: {  	[tilespmem:v6+s15+$0x0] =	vst.idx.msk $0xffff, v4  }
0x39c: {  	v3 =	vld [tilespmem:s16+$0xFFFFFF30]  }
0x39d: {  	v4 =	vld [tilespmem:s16+$0xFFFFFF40]  }
0x39e: {  	v5 =	vadd.s32 v51, v2  }
0x39f: {  	v6 =	vadd.s32 v52, v2;
	_ =	sdelay $0x1  }
0x3a0: {  	v3 =	vmul.f32 $5.656854150e+00, v3  }
0x3a1: {  	v4 =	vmul.f32 $5.656854150e+00, v4  }
0x3a2: {  	[tilespmem:v5+s15+$0x0] =	vst.idx.msk $0xffff, v3  }
0x3a3: {  	[tilespmem:v6+s15+$0x0] =	vst.idx.msk $0xffff, v4  }
0x3a4: {  	v3 =	vld [tilespmem:s16+$0xFFFFFF50]  }
0x3a5: {  	v4 =	vld [tilespmem:s16+$0xFFFFFF60]  }
0x3a6: {  	v5 =	vadd.s32 v53, v2  }
0x3a7: {  	v6 =	vadd.s32 v54, v2;
	_ =	sdelay $0x1  }
0x3a8: {  	v3 =	vmul.f32 $5.656854150e+00, v3  }
0x3a9: {  	v4 =	vmul.f32 $5.656854150e+00, v4  }
0x3aa: {  	[tilespmem:v5+s15+$0x0] =	vst.idx.msk $0xffff, v3  }
0x3ab: {  	[tilespmem:v6+s15+$0x0] =	vst.idx.msk $0xffff, v4  }
0x3ac: {  	v3 =	vld [tilespmem:s16+$0xFFFFFF70]  }
0x3ad: {  	v4 =	vld [tilespmem:s16+$0xFFFFFF80]  }
0x3ae: {  	v5 =	vadd.s32 v55, v2  }
0x3af: {  	v6 =	vadd.s32 v56, v2;
	_ =	sdelay $0x1  }
0x3b0: {  	v3 =	vmul.f32 $5.656854150e+00, v3  }
0x3b1: {  	v4 =	vmul.f32 $5.656854150e+00, v4  }
0x3b2: {  	[tilespmem:v5+s15+$0x0] =	vst.idx.msk $0xffff, v3  }
0x3b3: {  	[tilespmem:v6+s15+$0x0] =	vst.idx.msk $0xffff, v4  }
0x3b4: {  	v3 =	vld [tilespmem:s16+$0xFFFFFF90]  }
0x3b5: {  	v4 =	vld [tilespmem:s16+$0xFFFFFFA0]  }
0x3b6: {  	v5 =	vadd.s32 v57, v2  }
0x3b7: {  	v6 =	vadd.s32 v58, v2;
	_ =	sdelay $0x1  }
0x3b8: {  	v3 =	vmul.f32 $5.656854150e+00, v3  }
0x3b9: {  	v4 =	vmul.f32 $5.656854150e+00, v4  }
0x3ba: {  	[tilespmem:v5+s15+$0x0] =	vst.idx.msk $0xffff, v3  }
0x3bb: {  	[tilespmem:v6+s15+$0x0] =	vst.idx.msk $0xffff, v4  }
0x3bc: {  	v3 =	vld [tilespmem:s16+$0xFFFFFFB0]  }
0x3bd: {  	v4 =	vld [tilespmem:s16+$0xFFFFFFC0]  }
0x3be: {  	v5 =	vadd.s32 v59, v2  }
0x3bf: {  	v6 =	vadd.s32 v60, v2;
	_ =	sdelay $0x1  }
0x3c0: {  	v3 =	vmul.f32 $5.656854150e+00, v3  }
0x3c1: {  	v4 =	vmul.f32 $5.656854150e+00, v4  }
0x3c2: {  	[tilespmem:v5+s15+$0x0] =	vst.idx.msk $0xffff, v3  }
0x3c3: {  	[tilespmem:v6+s15+$0x0] =	vst.idx.msk $0xffff, v4  }
0x3c4: {  	v3 =	vld [tilespmem:s16+$0xFFFFFFD0]  }
0x3c5: {  	v4 =	vld [tilespmem:s16+$0xFFFFFFE0]  }
0x3c6: {  	v5 =	vadd.s32 v61, v2  }
0x3c7: {  	v6 =	vadd.s32 v62, v2;
	_ =	sdelay $0x1  }
0x3c8: {  	v3 =	vmul.f32 $5.656854150e+00, v3  }
0x3c9: {  	v4 =	vmul.f32 $5.656854150e+00, v4  }
0x3ca: {  	[tilespmem:v5+s15+$0x0] =	vst.idx.msk $0xffff, v3  }
0x3cb: {  	[tilespmem:v6+s15+$0x0] =	vst.idx.msk $0xffff, v4  }
0x3cc: {  	v5 =	vld [tilespmem:s16+$0xFFFFFFF0]  }
0x3cd: {  	v4 =	vld [tilespmem:s16+$0x0]  }
0x3ce: {  	v3 =	vadd.s32 v63, v2  }
0x3cf: {  	s7 =	smov.u32 s4;
	v2 =	vadd.s32 v1, v2  }
.LBB2_11:
0x3d0: {  	_ = 	snop  }
0x3d1: {  	s11 =	sadd.s32 $0x8, s11;
	v5 =	vmul.f32 $5.656854150e+00, v5  }
0x3d2: {  	v6 =	vmov s11;
	p1 =	slt.u32 s11, $0x78;
	v4 =	vmul.f32 $5.656854150e+00, v4  }
0x3d3: {  	v6 =	vshrl.u32 v6, $0x3;
	[tilespmem:v3+s15+$0x0] =	vst.idx.msk $0xffff, v5  }
0x3d4: {  	s16 =	sadd.s32 $0x100, s16;
	v3 =	vshll.u32 v6, $0x3;
	[tilespmem:v2+s15+$0x0] =	vst.idx.msk $0xffff, v4  }
0x3d5: {  	v6 =	vbroadcast v3, $0x0;
	v2 =	vld [tilespmem:s16+$0xFFFFFF10]  }
0x3d6: {  	v3 =	vld [tilespmem:s16+$0xFFFFFF20]  }
0x3d7: {  	v4 =	vadd.s32 v49, v6  }
0x3d8: {  	v5 =	vadd.s32 v50, v6;
	_ =	sdelay $0x1  }
0x3d9: {  	v2 =	vmul.f32 $5.656854150e+00, v2  }
0x3da: {  	v3 =	vmul.f32 $5.656854150e+00, v3  }
0x3db: {  	[tilespmem:v4+s15+$0x0] =	vst.idx.msk $0xffff, v2  }
0x3dc: {  	[tilespmem:v5+s15+$0x0] =	vst.idx.msk $0xffff, v3  }
0x3dd: {  	v2 =	vld [tilespmem:s16+$0xFFFFFF30]  }
0x3de: {  	v3 =	vld [tilespmem:s16+$0xFFFFFF40]  }
0x3df: {  	v4 =	vadd.s32 v51, v6  }
0x3e0: {  	v5 =	vadd.s32 v52, v6;
	_ =	sdelay $0x1  }
0x3e1: {  	v2 =	vmul.f32 $5.656854150e+00, v2  }
0x3e2: {  	v3 =	vmul.f32 $5.656854150e+00, v3  }
0x3e3: {  	[tilespmem:v4+s15+$0x0] =	vst.idx.msk $0xffff, v2  }
0x3e4: {  	[tilespmem:v5+s15+$0x0] =	vst.idx.msk $0xffff, v3  }
0x3e5: {  	v2 =	vld [tilespmem:s16+$0xFFFFFF50]  }
0x3e6: {  	v3 =	vld [tilespmem:s16+$0xFFFFFF60]  }
0x3e7: {  	v4 =	vadd.s32 v53, v6  }
0x3e8: {  	v5 =	vadd.s32 v54, v6;
	_ =	sdelay $0x1  }
0x3e9: {  	v2 =	vmul.f32 $5.656854150e+00, v2  }
0x3ea: {  	v3 =	vmul.f32 $5.656854150e+00, v3  }
0x3eb: {  	[tilespmem:v4+s15+$0x0] =	vst.idx.msk $0xffff, v2  }
0x3ec: {  	[tilespmem:v5+s15+$0x0] =	vst.idx.msk $0xffff, v3  }
0x3ed: {  	v2 =	vld [tilespmem:s16+$0xFFFFFF70]  }
0x3ee: {  	v3 =	vld [tilespmem:s16+$0xFFFFFF80]  }
0x3ef: {  	v4 =	vadd.s32 v55, v6  }
0x3f0: {  	v5 =	vadd.s32 v56, v6;
	_ =	sdelay $0x1  }
0x3f1: {  	v2 =	vmul.f32 $5.656854150e+00, v2  }
0x3f2: {  	v3 =	vmul.f32 $5.656854150e+00, v3  }
0x3f3: {  	[tilespmem:v4+s15+$0x0] =	vst.idx.msk $0xffff, v2  }
0x3f4: {  	[tilespmem:v5+s15+$0x0] =	vst.idx.msk $0xffff, v3  }
0x3f5: {  	v2 =	vld [tilespmem:s16+$0xFFFFFF90]  }
0x3f6: {  	v3 =	vld [tilespmem:s16+$0xFFFFFFA0]  }
0x3f7: {  	v4 =	vadd.s32 v57, v6  }
0x3f8: {  	v5 =	vadd.s32 v58, v6;
	_ =	sdelay $0x1  }
0x3f9: {  	v2 =	vmul.f32 $5.656854150e+00, v2  }
0x3fa: {  	v3 =	vmul.f32 $5.656854150e+00, v3  }
0x3fb: {  	[tilespmem:v4+s15+$0x0] =	vst.idx.msk $0xffff, v2  }
0x3fc: {  	[tilespmem:v5+s15+$0x0] =	vst.idx.msk $0xffff, v3  }
0x3fd: {  	v2 =	vld [tilespmem:s16+$0xFFFFFFB0]  }
0x3fe: {  	v3 =	vld [tilespmem:s16+$0xFFFFFFC0]  }
0x3ff: {  	v4 =	vadd.s32 v59, v6  }
0x400: {  	v5 =	vadd.s32 v60, v6;
	_ =	sdelay $0x1  }
0x401: {  	v2 =	vmul.f32 $5.656854150e+00, v2  }
0x402: {  	v3 =	vmul.f32 $5.656854150e+00, v3  }
0x403: {  	[tilespmem:v4+s15+$0x0] =	vst.idx.msk $0xffff, v2  }
0x404: {  	[tilespmem:v5+s15+$0x0] =	vst.idx.msk $0xffff, v3  }
0x405: {  	v2 =	vld [tilespmem:s16+$0xFFFFFFD0]  }
0x406: {  	v3 =	vld [tilespmem:s16+$0xFFFFFFE0]  }
0x407: {  	v4 =	vadd.s32 v61, v6  }
0x408: {  	v5 =	vadd.s32 v62, v6;
	_ =	sdelay $0x1  }
0x409: {  	v2 =	vmul.f32 $5.656854150e+00, v2  }
0x40a: {  	v3 =	vmul.f32 $5.656854150e+00, v3  }
0x40b: {  	[tilespmem:v4+s15+$0x0] =	vst.idx.msk $0xffff, v2  }
.Ltmp8:
0x40c: {  	[tilespmem:v5+s15+$0x0] =	vst.idx.msk $0xffff, v3;
	(pc) =	sbr.rel @p1 .LBB2_11-.Ltmp8, $4  }
0x40d: {  	v5 =	vld [tilespmem:s16+$0xFFFFFFF0]  }
0x40e: {  	v4 =	vld [tilespmem:s16+$0x0]  }
0x40f: {  	v3 =	vadd.s32 v63, v6  }
0x410: {  	v2 =	vadd.s32 v1, v6  }
0x411: {  	_ = 	snop  }
0x412: {  	s1 =	sshll.u32 s31, $0x14  }
0x413: {  	v5 =	vmul.f32 $5.656854150e+00, v5;
	s1 =	sor.u32 s7, s1  }
0x414: {  	v4 =	vmul.f32 $5.656854150e+00, v4;
	s1 =	sshrl.u32 s1, $0x3  }
0x415: {  	s8 =	sadd.s32 $0x5, s14;
	[tilespmem:v3+s15+$0x0] =	vst.idx.msk $0xffff, v5;
	s10 =	sadd.s32 s18, s1  }
0x416: {  	s11 =	simm.s32 $0x10;
	s14 =	sadd.s32 $0x88, s12;
	[tilespmem:v2+s15+$0x0] =	vst.idx.msk $0xffff, v4;
	s15 =	sadd.s32 $0x0, s10  }
.LBB2_13:
0x417: {  	[hbm4b:s15+s3] =	stream.linear.scatter [tilespmem:s12], [sflag:s8], $0x80, $0x38;
	[tilespmem:$0x1D400] =	vst v63  }
0x418: {  	s1 =	smov.u32 s11;
	s12 =	smov.u32 s14;
	p1 =	sne.s32 s11, $0x1F0  }
.Ltmp9:
0x419: {  	s11 =	sadd.s32 $0x10, s11;
	(pc) =	sbr.rel @p1 .LBB2_13-.Ltmp9, $2  }
0x41a: {  	_ =	sdelay $0x2  }
0x41b: {  	s14 =	sadd.s32 $0x88, s14;
	s15 =	sadd.s32 s1, s10  }
0x41c: {  	[hbm4b:s15+s3] =	stream.linear.scatter [tilespmem:s12], [sflag:s8], $0x80, $0x38;
	[tilespmem:$0x1D400] =	vst v63  }
0x41d: {  	s11 =	sadd.s32 $0x4000, s10  }
0x41e: {  	s12 =	simm.s32 $0x10;
	s14 =	sadd.s32 $0x88, s9;
	s15 =	sadd.s32 $0x0, s11  }
.LBB2_15:
0x41f: {  	[hbm4b:s15+s3] =	stream.linear.scatter [tilespmem:s9], [sflag:s8], $0x80, $0x38;
	[tilespmem:$0x1D400] =	vst v63  }
0x420: {  	s1 =	smov.u32 s12;
	s9 =	smov.u32 s14;
	p1 =	sne.s32 s12, $0x1F0  }
.Ltmp10:
0x421: {  	s12 =	sadd.s32 $0x10, s12;
	(pc) =	sbr.rel @p1 .LBB2_15-.Ltmp10, $2  }
0x422: {  	_ =	sdelay $0x2  }
0x423: {  	s14 =	sadd.s32 $0x88, s14;
	s15 =	sadd.s32 s1, s11  }
0x424: {  	[hbm4b:s15+s3] =	stream.linear.scatter [tilespmem:s9], [sflag:s8], $0x80, $0x38;
	[tilespmem:$0x1D400] =	vst v63  }
0x425: {  	s9 =	sadd.s32 $0x8000, s10  }
0x426: {  	s11 =	simm.s32 $0x10;
	s12 =	sadd.s32 $0x88, s6;
	s14 =	sadd.s32 $0x0, s9  }
.LBB2_17:
0x427: {  	[hbm4b:s14+s3] =	stream.linear.scatter [tilespmem:s6], [sflag:s8], $0x80, $0x38;
	[tilespmem:$0x1D400] =	vst v63  }
0x428: {  	s1 =	smov.u32 s11;
	s6 =	smov.u32 s12;
	p1 =	sne.s32 s11, $0x1F0  }
.Ltmp11:
0x429: {  	s11 =	sadd.s32 $0x10, s11;
	(pc) =	sbr.rel @p1 .LBB2_17-.Ltmp11, $2  }
0x42a: {  	_ =	sdelay $0x2  }
0x42b: {  	s12 =	sadd.s32 $0x88, s12;
	s14 =	sadd.s32 s1, s9  }
0x42c: {  	[hbm4b:s14+s3] =	stream.linear.scatter [tilespmem:s6], [sflag:s8], $0x80, $0x38;
	[tilespmem:$0x1D400] =	vst v63  }
0x42d: {  	s6 =	sadd.s32 $0xC000, s10  }
0x42e: {  	s9 =	simm.s32 $0x10;
	s10 =	sadd.s32 $0x88, s5;
	s11 =	sadd.s32 $0x0, s6  }
.LBB2_19:
0x42f: {  	[hbm4b:s11+s3] =	stream.linear.scatter [tilespmem:s5], [sflag:s8], $0x80, $0x38;
	[tilespmem:$0x1D400] =	vst v63  }
0x430: {  	s1 =	smov.u32 s9;
	s5 =	smov.u32 s10;
	p1 =	sne.s32 s9, $0x1F0  }
.Ltmp12:
0x431: {  	s9 =	sadd.s32 $0x10, s9;
	(pc) =	sbr.rel @p1 .LBB2_19-.Ltmp12, $2  }
0x432: {  	_ =	sdelay $0x2  }
0x433: {  	s10 =	sadd.s32 $0x88, s10;
	s11 =	sadd.s32 s1, s6  }
0x434: {  	p1 =	slt.u32 s31, $0x62  }
.Ltmp13:
0x435: {  	_ = 	snop;
	(pc) =	sbr.rel @!p1 .LBB2_21-.Ltmp13, $4  }
0x436: {  	[hbm4b:s11+s3] =	stream.linear.scatter [tilespmem:s5], [sflag:s8], $0x80, $0x38;
	[tilespmem:$0x1D400] =	vst v63  }
0x437: {  	_ =	swait.ge [sflag:s13], $0x4000  }
0x438: {  	[sflag:s13] =	ssyncset.done $0x0  }
0x439: {  	[sflag:s13] =	ssyncadd.s32 $0xFFFFC000  }
0x43a: {  	s2 =	sor.u32 $0x1, s2  }
0x43b: {  	s1 =	sshll.u32 s31, $0xC;
	p1 =	seq.s32 s31, $0x0;
	s6 =	smulhi.u32 $0x55555556, s2  }
.Ltmp14:
0x43c: {  	s5 =	sshll.u32 s0, $0xA;
	s16 =	sadd.s32 $0x1, s0;
	(pc) =	sbr.rel @!p1 .LBB2_23-.Ltmp14, $4  }
.Ltmp15:
0x43d: {  	s4 =	rddreg [dreg:$0x6];
	s17 =	simm.s32 $0x200;
	(pc) =	sbr.rel @p1 .LBB2_24-.Ltmp15, $4  }
0x43e: {  	s8 =	simm.s32 $0x4000;
	s1 =	sadd.s32 s1, s4;
	s19 =	smul.u32 $0x3, s6  }
0x43f: {  	[tilespmem:s5], [sflag:s16] =	stream.strided.gather [hbm4b:s1+s17], $0x400, s8, s17, $0x38;
	[tilespmem:$0x1D400] =	vst v63  }
0x440: {  	s13 =	ssub.s32 s2, s19  }
0x441: {  	_ = 	snop  }
.LBB2_21:
0x442: {  	s2 =	sor.u32 $0x1, s2  }
0x443: {  	s0 =	smulhi.u32 $0x55555556, s2;
	_ =	sdelay $0x1  }
0x444: {  	s0 =	smul.u32 $0x3, s0;
	_ =	sdelay $0x1  }
0x445: {  	s13 =	ssub.s32 s2, s0  }
.LBB2_23:
0x446: {  	s0 =	sadd.s32 $0x5, s13  }
0x447: {  	_ =	swait.ge [sflag:s0], $0x4000  }
0x448: {  	[sflag:s0] =	ssyncset.done $0x0  }
0x449: {  	[sflag:s0] =	ssyncadd.s32 $0xFFFFC000  }
.LBB2_24:
0x44a: {  	s0 =	simm.s32 $0x0  }
0x44b: {  	v2 =	vmov s0  }
0x44c: {  	v2 =	vshrl.u32 v2, $0x3  }
0x44d: {  	v2 =	vshll.u32 v2, v0  }
0x44e: {  	v3 =	vld [tilespmem:s30+$0xFFFFFF10];
	v2 =	vbroadcast v2, $0x0  }
0x44f: {  	v4 =	vld [tilespmem:s30+$0xFFFFFF20]  }
0x450: {  	v5 =	vadd.s32 v7, v2  }
0x451: {  	s11 =	smul.u32 $0x11000, s13;
	v2 =	vadd.s32 v8, v2;
	_ =	sdelay $0x1  }
0x452: {  	s1 =	simm.s32 $0x1;
	s0 =	sshra.s32 s11, $0x2;
	v3 =	vmul.f32 $5.656854150e+00, v3  }
0x453: {  	v6 =	vmov s1;
	s14 =	sadd.s32 $0x10800, s0;
	v4 =	vmul.f32 $5.656854150e+00, v4  }
0x454: {  	[tilespmem:v5+s14+$0x0] =	vst.idx.msk $0xffff, v3;
	v3 =	vshrl.u32 v6, $0x3  }
0x455: {  	[tilespmem:v2+s14+$0x0] =	vst.idx.msk $0xffff, v4;
	v2 =	vshll.u32 v3, v0  }
0x456: {  	v3 =	vld [tilespmem:s30+$0xFFFFFF30];
	v2 =	vbroadcast v2, $0x0  }
0x457: {  	v4 =	vld [tilespmem:s30+$0xFFFFFF40]  }
0x458: {  	v5 =	vadd.s32 v10, v2  }
0x459: {  	v2 =	vadd.s32 v11, v2;
	_ =	sdelay $0x1  }
0x45a: {  	s12 =	simm.s32 $0x2;
	v3 =	vmul.f32 $5.656854150e+00, v3  }
0x45b: {  	v6 =	vmov s12;
	v4 =	vmul.f32 $5.656854150e+00, v4  }
0x45c: {  	[tilespmem:v5+s14+$0x0] =	vst.idx.msk $0xffff, v3;
	v3 =	vshrl.u32 v6, $0x3  }
0x45d: {  	[tilespmem:v2+s14+$0x0] =	vst.idx.msk $0xffff, v4;
	v2 =	vshll.u32 v3, v0  }
0x45e: {  	v3 =	vld [tilespmem:s30+$0xFFFFFF50];
	v2 =	vbroadcast v2, $0x0  }
0x45f: {  	v4 =	vld [tilespmem:s30+$0xFFFFFF60]  }
0x460: {  	v5 =	vadd.s32 v12, v2  }
0x461: {  	v2 =	vadd.s32 v13, v2;
	_ =	sdelay $0x1  }
0x462: {  	s15 =	simm.s32 $0x3;
	v3 =	vmul.f32 $5.656854150e+00, v3  }
0x463: {  	v6 =	vmov s15;
	v4 =	vmul.f32 $5.656854150e+00, v4  }
0x464: {  	[tilespmem:v5+s14+$0x0] =	vst.idx.msk $0xffff, v3;
	v3 =	vshrl.u32 v6, $0x3  }
0x465: {  	[tilespmem:v2+s14+$0x0] =	vst.idx.msk $0xffff, v4;
	v2 =	vshll.u32 v3, v0  }
0x466: {  	v3 =	vld [tilespmem:s30+$0xFFFFFF70];
	v2 =	vbroadcast v2, $0x0  }
0x467: {  	v4 =	vld [tilespmem:s30+$0xFFFFFF80]  }
0x468: {  	v5 =	vadd.s32 v14, v2  }
0x469: {  	v2 =	vadd.s32 v15, v2;
	_ =	sdelay $0x1  }
0x46a: {  	s16 =	simm.s32 $0x4;
	v3 =	vmul.f32 $5.656854150e+00, v3  }
0x46b: {  	v6 =	vmov s16;
	v4 =	vmul.f32 $5.656854150e+00, v4  }
0x46c: {  	[tilespmem:v5+s14+$0x0] =	vst.idx.msk $0xffff, v3;
	v3 =	vshrl.u32 v6, $0x3  }
0x46d: {  	[tilespmem:v2+s14+$0x0] =	vst.idx.msk $0xffff, v4;
	v2 =	vshll.u32 v3, v0  }
0x46e: {  	v3 =	vld [tilespmem:s30+$0xFFFFFF90];
	v2 =	vbroadcast v2, $0x0  }
0x46f: {  	v4 =	vld [tilespmem:s30+$0xFFFFFFA0]  }
0x470: {  	v5 =	vadd.s32 v16, v2  }
0x471: {  	v2 =	vadd.s32 v17, v2;
	_ =	sdelay $0x1  }
0x472: {  	s17 =	simm.s32 $0x5;
	v3 =	vmul.f32 $5.656854150e+00, v3  }
0x473: {  	v6 =	vmov s17;
	v4 =	vmul.f32 $5.656854150e+00, v4  }
0x474: {  	[tilespmem:v5+s14+$0x0] =	vst.idx.msk $0xffff, v3;
	v3 =	vshrl.u32 v6, $0x3  }
0x475: {  	[tilespmem:v2+s14+$0x0] =	vst.idx.msk $0xffff, v4;
	v2 =	vshll.u32 v3, v0  }
0x476: {  	v3 =	vld [tilespmem:s30+$0xFFFFFFB0];
	v2 =	vbroadcast v2, $0x0  }
0x477: {  	v4 =	vld [tilespmem:s30+$0xFFFFFFC0]  }
0x478: {  	v5 =	vadd.s32 v18, v2  }
0x479: {  	v2 =	vadd.s32 v19, v2;
	_ =	sdelay $0x1  }
0x47a: {  	s19 =	simm.s32 $0x6;
	v3 =	vmul.f32 $5.656854150e+00, v3  }
0x47b: {  	v6 =	vmov s19;
	v4 =	vmul.f32 $5.656854150e+00, v4  }
0x47c: {  	[tilespmem:v5+s14+$0x0] =	vst.idx.msk $0xffff, v3;
	v3 =	vshrl.u32 v6, $0x3  }
0x47d: {  	[tilespmem:v2+s14+$0x0] =	vst.idx.msk $0xffff, v4;
	v2 =	vshll.u32 v3, v0  }
0x47e: {  	v3 =	vld [tilespmem:s30+$0xFFFFFFD0];
	v2 =	vbroadcast v2, $0x0  }
0x47f: {  	v4 =	vld [tilespmem:s30+$0xFFFFFFE0]  }
0x480: {  	v5 =	vadd.s32 v20, v2  }
0x481: {  	v2 =	vadd.s32 v21, v2;
	_ =	sdelay $0x1  }
0x482: {  	s31 =	simm.s32 $0x7;
	v3 =	vmul.f32 $5.656854150e+00, v3  }
0x483: {  	v6 =	vmov s31;
	v4 =	vmul.f32 $5.656854150e+00, v4  }
0x484: {  	[tilespmem:v5+s14+$0x0] =	vst.idx.msk $0xffff, v3;
	v3 =	vshrl.u32 v6, $0x3  }
0x485: {  	v24 =	vld [tilespmem:$0x1FF10];
	[tilespmem:v2+s14+$0x0] =	vst.idx.msk $0xffff, v4;
	v2 =	vshll.u32 v3, v0  }
0x486: {  	v3 =	vld [tilespmem:s30+$0xFFFFFFF0];
	v2 =	vbroadcast v2, $0x0;
	_ =	sdelay $0x1  }
0x487: {  	v4 =	vld [tilespmem:s30+$0x0];
	v5 =	vadd.s32 v22, v2;
	_ =	sdelay $0x1  }
0x488: {  	v2 =	vadd.s32 v24, v2  }
0x489: {  	s5 =	simm.s32 $0x8;
	v6 =	vmul.f32 $5.656854150e+00, v3  }
0x48a: {  	v23 =	vmov v7;
	v7 =	vmov s5  }
0x48b: {  	s6 =	simm.s32 $0x10;
	v3 =	vmul.f32 $5.656854150e+00, v4;
	v4 =	vshrl.u32 v7, $0x3;
	[tilespmem:v5+s14+$0x0] =	vst.idx.msk $0xffff, v6  }
.LBB2_25:
0x48c: {  	p1 =	slt.u32 s6, $0x78  }
0x48d: {  	v4 =	vshll.u32 v4, v0;
	[tilespmem:v2+s14+$0x0] =	vst.idx.msk $0xffff, v3;
	s30 =	sadd.s32 $0x100, s30;
	s8 =	smov.u32 s6;
	s6 =	sadd.s32 $0x8, s6  }
0x48e: {  	v2 =	vld [tilespmem:s30+$0xFFFFFF10];
	v3 =	vbroadcast v4, $0x0  }
0x48f: {  	v4 =	vld [tilespmem:s30+$0xFFFFFF20]  }
0x490: {  	v5 =	vadd.s32 v23, v3  }
0x491: {  	v3 =	vadd.s32 v8, v3;
	_ =	sdelay $0x1  }
0x492: {  	s1 =	sadd.s32 $0x1, s5;
	v2 =	vmul.f32 $5.656854150e+00, v2  }
0x493: {  	v6 =	vmov s1;
	v4 =	vmul.f32 $5.656854150e+00, v4  }
0x494: {  	[tilespmem:v5+s14+$0x0] =	vst.idx.msk $0xffff, v2;
	v2 =	vshrl.u32 v6, $0x3  }
0x495: {  	[tilespmem:v3+s14+$0x0] =	vst.idx.msk $0xffff, v4;
	v2 =	vshll.u32 v2, v0  }
0x496: {  	v3 =	vld [tilespmem:s30+$0xFFFFFF30];
	v2 =	vbroadcast v2, $0x0  }
0x497: {  	v4 =	vld [tilespmem:s30+$0xFFFFFF40]  }
0x498: {  	v5 =	vadd.s32 v10, v2  }
0x499: {  	v2 =	vadd.s32 v11, v2;
	_ =	sdelay $0x1  }
0x49a: {  	s1 =	sadd.s32 $0x2, s5;
	v3 =	vmul.f32 $5.656854150e+00, v3  }
0x49b: {  	v6 =	vmov s1;
	v4 =	vmul.f32 $5.656854150e+00, v4  }
0x49c: {  	[tilespmem:v5+s14+$0x0] =	vst.idx.msk $0xffff, v3;
	v3 =	vshrl.u32 v6, $0x3  }
0x49d: {  	[tilespmem:v2+s14+$0x0] =	vst.idx.msk $0xffff, v4;
	v2 =	vshll.u32 v3, v0  }
0x49e: {  	v3 =	vld [tilespmem:s30+$0xFFFFFF50];
	v2 =	vbroadcast v2, $0x0  }
0x49f: {  	v4 =	vld [tilespmem:s30+$0xFFFFFF60]  }
0x4a0: {  	v5 =	vadd.s32 v12, v2  }
0x4a1: {  	v2 =	vadd.s32 v13, v2;
	_ =	sdelay $0x1  }
0x4a2: {  	s1 =	sadd.s32 $0x3, s5;
	v3 =	vmul.f32 $5.656854150e+00, v3  }
0x4a3: {  	v6 =	vmov s1;
	v4 =	vmul.f32 $5.656854150e+00, v4  }
0x4a4: {  	[tilespmem:v5+s14+$0x0] =	vst.idx.msk $0xffff, v3;
	v3 =	vshrl.u32 v6, $0x3  }
0x4a5: {  	[tilespmem:v2+s14+$0x0] =	vst.idx.msk $0xffff, v4;
	v2 =	vshll.u32 v3, v0  }
0x4a6: {  	v3 =	vld [tilespmem:s30+$0xFFFFFF70];
	v2 =	vbroadcast v2, $0x0  }
0x4a7: {  	v4 =	vld [tilespmem:s30+$0xFFFFFF80]  }
0x4a8: {  	v5 =	vadd.s32 v14, v2  }
0x4a9: {  	v2 =	vadd.s32 v15, v2;
	_ =	sdelay $0x1  }
0x4aa: {  	s1 =	sadd.s32 $0x4, s5;
	v3 =	vmul.f32 $5.656854150e+00, v3  }
0x4ab: {  	v6 =	vmov s1;
	v4 =	vmul.f32 $5.656854150e+00, v4  }
0x4ac: {  	[tilespmem:v5+s14+$0x0] =	vst.idx.msk $0xffff, v3;
	v3 =	vshrl.u32 v6, $0x3  }
0x4ad: {  	[tilespmem:v2+s14+$0x0] =	vst.idx.msk $0xffff, v4;
	v2 =	vshll.u32 v3, v0  }
0x4ae: {  	v3 =	vld [tilespmem:s30+$0xFFFFFF90];
	v2 =	vbroadcast v2, $0x0  }
0x4af: {  	v4 =	vld [tilespmem:s30+$0xFFFFFFA0]  }
0x4b0: {  	v5 =	vadd.s32 v16, v2  }
0x4b1: {  	v2 =	vadd.s32 v17, v2;
	_ =	sdelay $0x1  }
0x4b2: {  	s1 =	sadd.s32 $0x5, s5;
	v3 =	vmul.f32 $5.656854150e+00, v3  }
0x4b3: {  	v6 =	vmov s1;
	v4 =	vmul.f32 $5.656854150e+00, v4  }
0x4b4: {  	[tilespmem:v5+s14+$0x0] =	vst.idx.msk $0xffff, v3;
	v3 =	vshrl.u32 v6, $0x3  }
0x4b5: {  	[tilespmem:v2+s14+$0x0] =	vst.idx.msk $0xffff, v4;
	v2 =	vshll.u32 v3, v0  }
0x4b6: {  	v3 =	vld [tilespmem:s30+$0xFFFFFFB0];
	v2 =	vbroadcast v2, $0x0  }
0x4b7: {  	v4 =	vld [tilespmem:s30+$0xFFFFFFC0]  }
0x4b8: {  	v5 =	vadd.s32 v18, v2  }
0x4b9: {  	v2 =	vadd.s32 v19, v2;
	_ =	sdelay $0x1  }
0x4ba: {  	s1 =	sadd.s32 $0x6, s5;
	v3 =	vmul.f32 $5.656854150e+00, v3  }
0x4bb: {  	v6 =	vmov s1;
	v4 =	vmul.f32 $5.656854150e+00, v4  }
0x4bc: {  	[tilespmem:v5+s14+$0x0] =	vst.idx.msk $0xffff, v3;
	v3 =	vshrl.u32 v6, $0x3  }
0x4bd: {  	[tilespmem:v2+s14+$0x0] =	vst.idx.msk $0xffff, v4;
	v2 =	vshll.u32 v3, v0  }
0x4be: {  	v3 =	vld [tilespmem:s30+$0xFFFFFFD0];
	v2 =	vbroadcast v2, $0x0  }
0x4bf: {  	v4 =	vld [tilespmem:s30+$0xFFFFFFE0]  }
0x4c0: {  	v5 =	vadd.s32 v20, v2  }
0x4c1: {  	v2 =	vadd.s32 v21, v2;
	_ =	sdelay $0x1  }
0x4c2: {  	s1 =	sadd.s32 $0x7, s5;
	s5 =	smov.u32 s8;
	v3 =	vmul.f32 $5.656854150e+00, v3  }
0x4c3: {  	v6 =	vmov s1;
	v4 =	vmul.f32 $5.656854150e+00, v4  }
0x4c4: {  	[tilespmem:v5+s14+$0x0] =	vst.idx.msk $0xffff, v3;
	v3 =	vshrl.u32 v6, $0x3  }
0x4c5: {  	[tilespmem:v2+s14+$0x0] =	vst.idx.msk $0xffff, v4;
	v2 =	vshll.u32 v3, v0  }
0x4c6: {  	v3 =	vld [tilespmem:s30+$0xFFFFFFF0];
	v2 =	vbroadcast v2, $0x0  }
0x4c7: {  	v4 =	vld [tilespmem:s30+$0x0]  }
0x4c8: {  	v5 =	vadd.s32 v22, v2  }
.Ltmp16:
0x4c9: {  	v2 =	vadd.s32 v24, v2;
	(pc) =	sbr.rel @p1 .LBB2_25-.Ltmp16, $4  }
0x4ca: {  	_ = 	snop  }
0x4cb: {  	v6 =	vmul.f32 $5.656854150e+00, v3  }
0x4cc: {  	v7 =	vmov s5;
	v3 =	vmul.f32 $5.656854150e+00, v4  }
0x4cd: {  	v4 =	vshrl.u32 v7, $0x3;
	[tilespmem:v5+s14+$0x0] =	vst.idx.msk $0xffff, v6  }
0x4ce: {  	_ =	sdelay $0x3  }
0x4cf: {  	v4 =	vshll.u32 v4, v0;
	[tilespmem:v2+s14+$0x0] =	vst.idx.msk $0xffff, v3;
	s6 =	sadd.s32 $0x100, s30  }
0x4d0: {  	v2 =	vld [tilespmem:s6+$0xFFFFFF10];
	v3 =	vbroadcast v4, $0x0  }
0x4d1: {  	v4 =	vld [tilespmem:s6+$0xFFFFFF20]  }
0x4d2: {  	v5 =	vadd.s32 v23, v3  }
0x4d3: {  	v3 =	vadd.s32 v8, v3;
	_ =	sdelay $0x1  }
0x4d4: {  	s1 =	sadd.s32 $0x1, s5;
	v2 =	vmul.f32 $5.656854150e+00, v2  }
0x4d5: {  	v6 =	vmov s1;
	v4 =	vmul.f32 $5.656854150e+00, v4  }
0x4d6: {  	[tilespmem:v5+s14+$0x0] =	vst.idx.msk $0xffff, v2;
	v2 =	vshrl.u32 v6, $0x3  }
0x4d7: {  	[tilespmem:v3+s14+$0x0] =	vst.idx.msk $0xffff, v4;
	v2 =	vshll.u32 v2, v0  }
0x4d8: {  	v3 =	vld [tilespmem:s6+$0xFFFFFF30];
	v2 =	vbroadcast v2, $0x0  }
0x4d9: {  	v4 =	vld [tilespmem:s6+$0xFFFFFF40]  }
0x4da: {  	v5 =	vadd.s32 v10, v2  }
0x4db: {  	v2 =	vadd.s32 v11, v2;
	_ =	sdelay $0x1  }
0x4dc: {  	s15 =	sadd.s32 $0x2, s5;
	v3 =	vmul.f32 $5.656854150e+00, v3  }
0x4dd: {  	v6 =	vmov s15;
	v4 =	vmul.f32 $5.656854150e+00, v4  }
0x4de: {  	[tilespmem:v5+s14+$0x0] =	vst.idx.msk $0xffff, v3;
	v3 =	vshrl.u32 v6, $0x3  }
0x4df: {  	[tilespmem:v2+s14+$0x0] =	vst.idx.msk $0xffff, v4;
	v2 =	vshll.u32 v3, v0  }
0x4e0: {  	v3 =	vld [tilespmem:s6+$0xFFFFFF50];
	v2 =	vbroadcast v2, $0x0  }
0x4e1: {  	v4 =	vld [tilespmem:s6+$0xFFFFFF60]  }
0x4e2: {  	v5 =	vadd.s32 v12, v2  }
0x4e3: {  	v2 =	vadd.s32 v13, v2;
	_ =	sdelay $0x1  }
0x4e4: {  	s16 =	sadd.s32 $0x3, s5;
	v3 =	vmul.f32 $5.656854150e+00, v3  }
0x4e5: {  	v6 =	vmov s16;
	v4 =	vmul.f32 $5.656854150e+00, v4  }
0x4e6: {  	[tilespmem:v5+s14+$0x0] =	vst.idx.msk $0xffff, v3;
	v3 =	vshrl.u32 v6, $0x3  }
0x4e7: {  	[tilespmem:v2+s14+$0x0] =	vst.idx.msk $0xffff, v4;
	v2 =	vshll.u32 v3, v0  }
0x4e8: {  	v3 =	vld [tilespmem:s6+$0xFFFFFF70];
	v2 =	vbroadcast v2, $0x0  }
0x4e9: {  	v4 =	vld [tilespmem:s6+$0xFFFFFF80]  }
0x4ea: {  	v5 =	vadd.s32 v14, v2  }
0x4eb: {  	v2 =	vadd.s32 v15, v2;
	_ =	sdelay $0x1  }
0x4ec: {  	s17 =	sadd.s32 $0x4, s5;
	v3 =	vmul.f32 $5.656854150e+00, v3  }
0x4ed: {  	v6 =	vmov s17;
	v4 =	vmul.f32 $5.656854150e+00, v4  }
0x4ee: {  	[tilespmem:v5+s14+$0x0] =	vst.idx.msk $0xffff, v3;
	v3 =	vshrl.u32 v6, $0x3  }
0x4ef: {  	[tilespmem:v2+s14+$0x0] =	vst.idx.msk $0xffff, v4;
	v2 =	vshll.u32 v3, v0  }
0x4f0: {  	v3 =	vld [tilespmem:s6+$0xFFFFFF90];
	v2 =	vbroadcast v2, $0x0  }
0x4f1: {  	v4 =	vld [tilespmem:s6+$0xFFFFFFA0]  }
0x4f2: {  	v5 =	vadd.s32 v16, v2  }
0x4f3: {  	v2 =	vadd.s32 v17, v2;
	_ =	sdelay $0x1  }
0x4f4: {  	s19 =	sadd.s32 $0x5, s5;
	v3 =	vmul.f32 $5.656854150e+00, v3  }
0x4f5: {  	v6 =	vmov s19;
	v4 =	vmul.f32 $5.656854150e+00, v4  }
0x4f6: {  	[tilespmem:v5+s14+$0x0] =	vst.idx.msk $0xffff, v3;
	v3 =	vshrl.u32 v6, $0x3  }
0x4f7: {  	[tilespmem:v2+s14+$0x0] =	vst.idx.msk $0xffff, v4;
	v2 =	vshll.u32 v3, v0  }
0x4f8: {  	v3 =	vld [tilespmem:s6+$0xFFFFFFB0];
	v2 =	vbroadcast v2, $0x0  }
0x4f9: {  	v4 =	vld [tilespmem:s6+$0xFFFFFFC0]  }
0x4fa: {  	v5 =	vadd.s32 v18, v2  }
0x4fb: {  	v2 =	vadd.s32 v19, v2;
	_ =	sdelay $0x1  }
0x4fc: {  	s30 =	sadd.s32 $0x6, s5;
	v3 =	vmul.f32 $5.656854150e+00, v3  }
0x4fd: {  	v6 =	vmov s30;
	v4 =	vmul.f32 $5.656854150e+00, v4  }
0x4fe: {  	[tilespmem:v5+s14+$0x0] =	vst.idx.msk $0xffff, v3;
	v3 =	vshrl.u32 v6, $0x3  }
0x4ff: {  	[tilespmem:v2+s14+$0x0] =	vst.idx.msk $0xffff, v4;
	v2 =	vshll.u32 v3, v0  }
0x500: {  	v3 =	vld [tilespmem:s6+$0xFFFFFFD0];
	v2 =	vbroadcast v2, $0x0  }
0x501: {  	v4 =	vld [tilespmem:s6+$0xFFFFFFE0]  }
0x502: {  	v5 =	vadd.s32 v20, v2  }
0x503: {  	v2 =	vadd.s32 v21, v2;
	_ =	sdelay $0x1  }
0x504: {  	s31 =	sadd.s32 $0x7, s5;
	v3 =	vmul.f32 $5.656854150e+00, v3  }
0x505: {  	v6 =	vmov s31;
	v4 =	vmul.f32 $5.656854150e+00, v4  }
0x506: {  	[tilespmem:v5+s14+$0x0] =	vst.idx.msk $0xffff, v3;
	v3 =	vshrl.u32 v6, $0x3  }
0x507: {  	[tilespmem:v2+s14+$0x0] =	vst.idx.msk $0xffff, v4;
	v2 =	vshll.u32 v3, v0  }
0x508: {  	v3 =	vld [tilespmem:s6+$0xFFFFFFF0];
	v2 =	vbroadcast v2, $0x0  }
0x509: {  	v4 =	vld [tilespmem:s6+$0x0]  }
0x50a: {  	v5 =	vadd.s32 v22, v2  }
0x50b: {  	v2 =	vadd.s32 v24, v2;
	_ =	sdelay $0x1  }
0x50c: {  	s5 =	simm.s32 $0x0;
	v3 =	vmul.f32 $5.656854150e+00, v3  }
0x50d: {  	v6 =	vmov s5;
	v24 =	vld [tilespmem:$0x1FF20];
	v4 =	vmul.f32 $5.656854150e+00, v4  }
0x50e: {  	v8 =	vld [tilespmem:$0x1FEA0];
	[tilespmem:v5+s14+$0x0] =	vst.idx.msk $0xffff, v3;
	v3 =	vshrl.u32 v6, $0x3  }
0x50f: {  	[tilespmem:v2+s14+$0x0] =	vst.idx.msk $0xffff, v4;
	v2 =	vshll.u32 v3, $0x3  }
0x510: {  	v3 =	vld [tilespmem:s29+$0x0];
	v2 =	vbroadcast v2, $0x0  }
0x511: {  	v4 =	vld [tilespmem:s29+$0x10]  }
0x512: {  	v5 =	vadd.s32 v24, v2  }
0x513: {  	v6 =	vadd.s32 v8, v2;
	_ =	sdelay $0x1  }
0x514: {  	v3 =	vmul.f32 $5.656854150e+00, v3  }
0x515: {  	v10 =	vld [tilespmem:$0x1FEB0];
	v4 =	vmul.f32 $5.656854150e+00, v4  }
0x516: {  	v11 =	vld [tilespmem:$0x1FEC0];
	[tilespmem:v5+s14+$0x0] =	vst.idx.msk $0xffff, v3  }
0x517: {  	[tilespmem:v6+s14+$0x0] =	vst.idx.msk $0xffff, v4  }
0x518: {  	v3 =	vld [tilespmem:s29+$0x20]  }
0x519: {  	v4 =	vld [tilespmem:s29+$0x30]  }
0x51a: {  	v5 =	vadd.s32 v10, v2  }
0x51b: {  	v6 =	vadd.s32 v11, v2;
	_ =	sdelay $0x1  }
0x51c: {  	v3 =	vmul.f32 $5.656854150e+00, v3  }
0x51d: {  	v12 =	vld [tilespmem:$0x1FED0];
	v4 =	vmul.f32 $5.656854150e+00, v4  }
0x51e: {  	v13 =	vld [tilespmem:$0x1FEE0];
	[tilespmem:v5+s14+$0x0] =	vst.idx.msk $0xffff, v3  }
0x51f: {  	[tilespmem:v6+s14+$0x0] =	vst.idx.msk $0xffff, v4  }
0x520: {  	v3 =	vld [tilespmem:s29+$0x40]  }
0x521: {  	v4 =	vld [tilespmem:s29+$0x50]  }
0x522: {  	v5 =	vadd.s32 v12, v2  }
0x523: {  	v6 =	vadd.s32 v13, v2;
	_ =	sdelay $0x1  }
0x524: {  	v3 =	vmul.f32 $5.656854150e+00, v3  }
0x525: {  	v14 =	vld [tilespmem:$0x1FEF0];
	v4 =	vmul.f32 $5.656854150e+00, v4  }
0x526: {  	v15 =	vld [tilespmem:$0x1FF00];
	[tilespmem:v5+s14+$0x0] =	vst.idx.msk $0xffff, v3  }
0x527: {  	[tilespmem:v6+s14+$0x0] =	vst.idx.msk $0xffff, v4  }
0x528: {  	v3 =	vld [tilespmem:s29+$0x60]  }
0x529: {  	v4 =	vld [tilespmem:s29+$0x70]  }
0x52a: {  	v5 =	vadd.s32 v14, v2  }
0x52b: {  	v6 =	vadd.s32 v15, v2;
	_ =	sdelay $0x1  }
0x52c: {  	v3 =	vmul.f32 $5.656854150e+00, v3  }
0x52d: {  	v4 =	vmul.f32 $5.656854150e+00, v4  }
0x52e: {  	[tilespmem:v5+s14+$0x0] =	vst.idx.msk $0xffff, v3  }
0x52f: {  	[tilespmem:v6+s14+$0x0] =	vst.idx.msk $0xffff, v4  }
0x530: {  	v3 =	vld [tilespmem:s29+$0x80]  }
0x531: {  	v4 =	vld [tilespmem:s29+$0x90]  }
0x532: {  	v5 =	vadd.s32 v25, v2  }
0x533: {  	v6 =	vadd.s32 v26, v2;
	_ =	sdelay $0x1  }
0x534: {  	v3 =	vmul.f32 $5.656854150e+00, v3  }
0x535: {  	v4 =	vmul.f32 $5.656854150e+00, v4  }
0x536: {  	[tilespmem:v5+s14+$0x0] =	vst.idx.msk $0xffff, v3  }
0x537: {  	[tilespmem:v6+s14+$0x0] =	vst.idx.msk $0xffff, v4  }
0x538: {  	v3 =	vld [tilespmem:s29+$0xA0]  }
0x539: {  	v4 =	vld [tilespmem:s29+$0xB0]  }
0x53a: {  	v5 =	vadd.s32 v27, v2  }
0x53b: {  	v6 =	vadd.s32 v28, v2;
	_ =	sdelay $0x1  }
0x53c: {  	v3 =	vmul.f32 $5.656854150e+00, v3  }
0x53d: {  	v4 =	vmul.f32 $5.656854150e+00, v4  }
0x53e: {  	[tilespmem:v5+s14+$0x0] =	vst.idx.msk $0xffff, v3  }
0x53f: {  	[tilespmem:v6+s14+$0x0] =	vst.idx.msk $0xffff, v4  }
0x540: {  	v3 =	vld [tilespmem:s29+$0xC0]  }
0x541: {  	v4 =	vld [tilespmem:s29+$0xD0]  }
0x542: {  	v5 =	vadd.s32 v29, v2  }
0x543: {  	v6 =	vadd.s32 v30, v2;
	_ =	sdelay $0x1  }
0x544: {  	v3 =	vmul.f32 $5.656854150e+00, v3  }
0x545: {  	v4 =	vmul.f32 $5.656854150e+00, v4  }
0x546: {  	p1 =	por $0x1, $0x1;
	[tilespmem:v5+s14+$0x0] =	vst.idx.msk $0xffff, v3  }
.Ltmp17:
0x547: {  	[tilespmem:v6+s14+$0x0] =	vst.idx.msk $0xffff, v4;
	(pc) =	sbr.rel @!p1 .LBB2_28-.Ltmp17, $4  }
0x548: {  	v5 =	vld [tilespmem:s29+$0xE0]  }
0x549: {  	v4 =	vld [tilespmem:s29+$0xF0]  }
0x54a: {  	v3 =	vadd.s32 v31, v2  }
0x54b: {  	v7 =	vmov v23;
	v2 =	vadd.s32 v32, v2  }
.LBB2_27:
0x54c: {  	_ = 	snop  }
0x54d: {  	s5 =	sadd.s32 $0x8, s5;
	v5 =	vmul.f32 $5.656854150e+00, v5  }
0x54e: {  	v6 =	vmov s5;
	p1 =	slt.u32 s5, $0x78;
	v4 =	vmul.f32 $5.656854150e+00, v4  }
0x54f: {  	v6 =	vshrl.u32 v6, $0x3;
	[tilespmem:v3+s14+$0x0] =	vst.idx.msk $0xffff, v5  }
0x550: {  	s29 =	sadd.s32 $0x100, s29;
	v3 =	vshll.u32 v6, $0x3;
	[tilespmem:v2+s14+$0x0] =	vst.idx.msk $0xffff, v4  }
0x551: {  	v6 =	vbroadcast v3, $0x0;
	v2 =	vld [tilespmem:s29+$0x0]  }
0x552: {  	v3 =	vld [tilespmem:s29+$0x10]  }
0x553: {  	v4 =	vadd.s32 v24, v6  }
0x554: {  	v5 =	vadd.s32 v8, v6;
	_ =	sdelay $0x1  }
0x555: {  	v2 =	vmul.f32 $5.656854150e+00, v2  }
0x556: {  	v3 =	vmul.f32 $5.656854150e+00, v3  }
0x557: {  	[tilespmem:v4+s14+$0x0] =	vst.idx.msk $0xffff, v2  }
0x558: {  	[tilespmem:v5+s14+$0x0] =	vst.idx.msk $0xffff, v3  }
0x559: {  	v2 =	vld [tilespmem:s29+$0x20]  }
0x55a: {  	v3 =	vld [tilespmem:s29+$0x30]  }
0x55b: {  	v4 =	vadd.s32 v10, v6  }
0x55c: {  	v5 =	vadd.s32 v11, v6;
	_ =	sdelay $0x1  }
0x55d: {  	v2 =	vmul.f32 $5.656854150e+00, v2  }
0x55e: {  	v3 =	vmul.f32 $5.656854150e+00, v3  }
0x55f: {  	[tilespmem:v4+s14+$0x0] =	vst.idx.msk $0xffff, v2  }
0x560: {  	[tilespmem:v5+s14+$0x0] =	vst.idx.msk $0xffff, v3  }
0x561: {  	v2 =	vld [tilespmem:s29+$0x40]  }
0x562: {  	v3 =	vld [tilespmem:s29+$0x50]  }
0x563: {  	v4 =	vadd.s32 v12, v6  }
0x564: {  	v5 =	vadd.s32 v13, v6;
	_ =	sdelay $0x1  }
0x565: {  	v2 =	vmul.f32 $5.656854150e+00, v2  }
0x566: {  	v3 =	vmul.f32 $5.656854150e+00, v3  }
0x567: {  	[tilespmem:v4+s14+$0x0] =	vst.idx.msk $0xffff, v2  }
0x568: {  	[tilespmem:v5+s14+$0x0] =	vst.idx.msk $0xffff, v3  }
0x569: {  	v2 =	vld [tilespmem:s29+$0x60]  }
0x56a: {  	v3 =	vld [tilespmem:s29+$0x70]  }
0x56b: {  	v4 =	vadd.s32 v14, v6  }
0x56c: {  	v5 =	vadd.s32 v15, v6;
	_ =	sdelay $0x1  }
0x56d: {  	v2 =	vmul.f32 $5.656854150e+00, v2  }
0x56e: {  	v3 =	vmul.f32 $5.656854150e+00, v3  }
0x56f: {  	[tilespmem:v4+s14+$0x0] =	vst.idx.msk $0xffff, v2  }
0x570: {  	[tilespmem:v5+s14+$0x0] =	vst.idx.msk $0xffff, v3  }
0x571: {  	v2 =	vld [tilespmem:s29+$0x80]  }
0x572: {  	v3 =	vld [tilespmem:s29+$0x90]  }
0x573: {  	v4 =	vadd.s32 v25, v6  }
0x574: {  	v5 =	vadd.s32 v26, v6;
	_ =	sdelay $0x1  }
0x575: {  	v2 =	vmul.f32 $5.656854150e+00, v2  }
0x576: {  	v3 =	vmul.f32 $5.656854150e+00, v3  }
0x577: {  	[tilespmem:v4+s14+$0x0] =	vst.idx.msk $0xffff, v2  }
0x578: {  	[tilespmem:v5+s14+$0x0] =	vst.idx.msk $0xffff, v3  }
0x579: {  	v2 =	vld [tilespmem:s29+$0xA0]  }
0x57a: {  	v3 =	vld [tilespmem:s29+$0xB0]  }
0x57b: {  	v4 =	vadd.s32 v27, v6  }
0x57c: {  	v5 =	vadd.s32 v28, v6;
	_ =	sdelay $0x1  }
0x57d: {  	v2 =	vmul.f32 $5.656854150e+00, v2  }
0x57e: {  	v3 =	vmul.f32 $5.656854150e+00, v3  }
0x57f: {  	[tilespmem:v4+s14+$0x0] =	vst.idx.msk $0xffff, v2  }
0x580: {  	[tilespmem:v5+s14+$0x0] =	vst.idx.msk $0xffff, v3  }
0x581: {  	v2 =	vld [tilespmem:s29+$0xC0]  }
0x582: {  	v3 =	vld [tilespmem:s29+$0xD0]  }
0x583: {  	v4 =	vadd.s32 v29, v6  }
0x584: {  	v5 =	vadd.s32 v30, v6;
	_ =	sdelay $0x1  }
0x585: {  	v2 =	vmul.f32 $5.656854150e+00, v2  }
0x586: {  	v3 =	vmul.f32 $5.656854150e+00, v3  }
0x587: {  	[tilespmem:v4+s14+$0x0] =	vst.idx.msk $0xffff, v2  }
.Ltmp18:
0x588: {  	[tilespmem:v5+s14+$0x0] =	vst.idx.msk $0xffff, v3;
	(pc) =	sbr.rel @p1 .LBB2_27-.Ltmp18, $4  }
0x589: {  	v5 =	vld [tilespmem:s29+$0xE0]  }
0x58a: {  	v4 =	vld [tilespmem:s29+$0xF0]  }
0x58b: {  	v3 =	vadd.s32 v31, v6  }
0x58c: {  	v2 =	vadd.s32 v32, v6  }
.LBB2_28:
0x58d: {  	_ =	sdelay $0x1  }
0x58e: {  	s1 =	simm.s32 $0x0;
	v5 =	vmul.f32 $5.656854150e+00, v5  }
0x58f: {  	v6 =	vmov s1;
	v4 =	vmul.f32 $5.656854150e+00, v4  }
0x590: {  	[tilespmem:v3+s14+$0x0] =	vst.idx.msk $0xffff, v5;
	v3 =	vshrl.u32 v6, $0x3  }
0x591: {  	[tilespmem:v2+s14+$0x0] =	vst.idx.msk $0xffff, v4;
	v2 =	vshll.u32 v3, $0x3  }
0x592: {  	v3 =	vld [tilespmem:s28+$0x0];
	v2 =	vbroadcast v2, $0x0  }
0x593: {  	v4 =	vld [tilespmem:s28+$0x10]  }
0x594: {  	v5 =	vadd.s32 v33, v2  }
0x595: {  	v6 =	vadd.s32 v34, v2;
	_ =	sdelay $0x1  }
0x596: {  	v3 =	vmul.f32 $5.656854150e+00, v3  }
0x597: {  	v4 =	vmul.f32 $5.656854150e+00, v4  }
0x598: {  	[tilespmem:v5+s14+$0x0] =	vst.idx.msk $0xffff, v3  }
0x599: {  	[tilespmem:v6+s14+$0x0] =	vst.idx.msk $0xffff, v4  }
0x59a: {  	v3 =	vld [tilespmem:s28+$0x20]  }
0x59b: {  	v4 =	vld [tilespmem:s28+$0x30]  }
0x59c: {  	v5 =	vadd.s32 v35, v2  }
0x59d: {  	v6 =	vadd.s32 v36, v2;
	_ =	sdelay $0x1  }
0x59e: {  	v3 =	vmul.f32 $5.656854150e+00, v3  }
0x59f: {  	v4 =	vmul.f32 $5.656854150e+00, v4  }
0x5a0: {  	[tilespmem:v5+s14+$0x0] =	vst.idx.msk $0xffff, v3  }
0x5a1: {  	[tilespmem:v6+s14+$0x0] =	vst.idx.msk $0xffff, v4  }
0x5a2: {  	v3 =	vld [tilespmem:s28+$0x40]  }
0x5a3: {  	v4 =	vld [tilespmem:s28+$0x50]  }
0x5a4: {  	v5 =	vadd.s32 v37, v2  }
0x5a5: {  	v6 =	vadd.s32 v38, v2;
	_ =	sdelay $0x1  }
0x5a6: {  	v3 =	vmul.f32 $5.656854150e+00, v3  }
0x5a7: {  	v4 =	vmul.f32 $5.656854150e+00, v4  }
0x5a8: {  	[tilespmem:v5+s14+$0x0] =	vst.idx.msk $0xffff, v3  }
0x5a9: {  	[tilespmem:v6+s14+$0x0] =	vst.idx.msk $0xffff, v4  }
0x5aa: {  	v3 =	vld [tilespmem:s28+$0x60]  }
0x5ab: {  	v4 =	vld [tilespmem:s28+$0x70]  }
0x5ac: {  	v5 =	vadd.s32 v39, v2  }
0x5ad: {  	v6 =	vadd.s32 v40, v2;
	_ =	sdelay $0x1  }
0x5ae: {  	v3 =	vmul.f32 $5.656854150e+00, v3  }
0x5af: {  	v4 =	vmul.f32 $5.656854150e+00, v4  }
0x5b0: {  	[tilespmem:v5+s14+$0x0] =	vst.idx.msk $0xffff, v3  }
0x5b1: {  	[tilespmem:v6+s14+$0x0] =	vst.idx.msk $0xffff, v4  }
0x5b2: {  	v3 =	vld [tilespmem:s28+$0x80]  }
0x5b3: {  	v4 =	vld [tilespmem:s28+$0x90]  }
0x5b4: {  	v5 =	vadd.s32 v41, v2  }
0x5b5: {  	v6 =	vadd.s32 v42, v2;
	_ =	sdelay $0x1  }
0x5b6: {  	v3 =	vmul.f32 $5.656854150e+00, v3  }
0x5b7: {  	v4 =	vmul.f32 $5.656854150e+00, v4  }
0x5b8: {  	[tilespmem:v5+s14+$0x0] =	vst.idx.msk $0xffff, v3  }
0x5b9: {  	[tilespmem:v6+s14+$0x0] =	vst.idx.msk $0xffff, v4  }
0x5ba: {  	v3 =	vld [tilespmem:s28+$0xA0]  }
0x5bb: {  	v4 =	vld [tilespmem:s28+$0xB0]  }
0x5bc: {  	v5 =	vadd.s32 v43, v2  }
0x5bd: {  	v6 =	vadd.s32 v44, v2;
	_ =	sdelay $0x1  }
0x5be: {  	v3 =	vmul.f32 $5.656854150e+00, v3  }
0x5bf: {  	v4 =	vmul.f32 $5.656854150e+00, v4  }
0x5c0: {  	[tilespmem:v5+s14+$0x0] =	vst.idx.msk $0xffff, v3  }
0x5c1: {  	[tilespmem:v6+s14+$0x0] =	vst.idx.msk $0xffff, v4  }
0x5c2: {  	v3 =	vld [tilespmem:s28+$0xC0]  }
0x5c3: {  	v4 =	vld [tilespmem:s28+$0xD0]  }
0x5c4: {  	v5 =	vadd.s32 v45, v2  }
0x5c5: {  	v6 =	vadd.s32 v46, v2;
	_ =	sdelay $0x1  }
0x5c6: {  	p1 =	por $0x1, $0x1;
	v3 =	vmul.f32 $5.656854150e+00, v3  }
.Ltmp19:
0x5c7: {  	v4 =	vmul.f32 $5.656854150e+00, v4;
	(pc) =	sbr.rel @!p1 .LBB2_29-.Ltmp19, $4  }
0x5c8: {  	[tilespmem:v5+s14+$0x0] =	vst.idx.msk $0xffff, v3  }
0x5c9: {  	[tilespmem:v6+s14+$0x0] =	vst.idx.msk $0xffff, v4  }
0x5ca: {  	v5 =	vld [tilespmem:s28+$0xE0]  }
0x5cb: {  	v3 =	vadd.s32 v47, v2;
	v2 =	vadd.s32 v48, v2;
	v4 =	vld [tilespmem:s28+$0xF0]  }
0x5cc: {  	_ =	sdelay $0x2  }
0x5cd: {  	s5 =	simm.s32 $0x8;
	v5 =	vmul.f32 $5.656854150e+00, v5  }
0x5ce: {  	v6 =	vmov s5;
	v4 =	vmul.f32 $5.656854150e+00, v4  }
0x5cf: {  	v6 =	vshrl.u32 v6, $0x3;
	[tilespmem:v3+s14+$0x0] =	vst.idx.msk $0xffff, v5  }
0x5d0: {  	s6 =	sadd.s32 $0x100, s28;
	v3 =	vshll.u32 v6, $0x3;
	[tilespmem:v2+s14+$0x0] =	vst.idx.msk $0xffff, v4  }
0x5d1: {  	v6 =	vbroadcast v3, $0x0;
	v2 =	vld [tilespmem:s6+$0x0]  }
0x5d2: {  	v3 =	vld [tilespmem:s6+$0x10]  }
0x5d3: {  	v4 =	vadd.s32 v33, v6  }
0x5d4: {  	v5 =	vadd.s32 v34, v6;
	_ =	sdelay $0x1  }
0x5d5: {  	v2 =	vmul.f32 $5.656854150e+00, v2  }
0x5d6: {  	v3 =	vmul.f32 $5.656854150e+00, v3  }
0x5d7: {  	[tilespmem:v4+s14+$0x0] =	vst.idx.msk $0xffff, v2  }
0x5d8: {  	[tilespmem:v5+s14+$0x0] =	vst.idx.msk $0xffff, v3  }
0x5d9: {  	v2 =	vld [tilespmem:s6+$0x20]  }
0x5da: {  	v3 =	vld [tilespmem:s6+$0x30]  }
0x5db: {  	v4 =	vadd.s32 v35, v6  }
0x5dc: {  	v5 =	vadd.s32 v36, v6;
	_ =	sdelay $0x1  }
0x5dd: {  	v2 =	vmul.f32 $5.656854150e+00, v2  }
0x5de: {  	v3 =	vmul.f32 $5.656854150e+00, v3  }
0x5df: {  	[tilespmem:v4+s14+$0x0] =	vst.idx.msk $0xffff, v2  }
0x5e0: {  	[tilespmem:v5+s14+$0x0] =	vst.idx.msk $0xffff, v3  }
0x5e1: {  	v2 =	vld [tilespmem:s6+$0x40]  }
0x5e2: {  	v3 =	vld [tilespmem:s6+$0x50]  }
0x5e3: {  	v4 =	vadd.s32 v37, v6  }
0x5e4: {  	v5 =	vadd.s32 v38, v6;
	_ =	sdelay $0x1  }
0x5e5: {  	v2 =	vmul.f32 $5.656854150e+00, v2  }
0x5e6: {  	v3 =	vmul.f32 $5.656854150e+00, v3  }
0x5e7: {  	[tilespmem:v4+s14+$0x0] =	vst.idx.msk $0xffff, v2  }
0x5e8: {  	[tilespmem:v5+s14+$0x0] =	vst.idx.msk $0xffff, v3  }
0x5e9: {  	v2 =	vld [tilespmem:s6+$0x60]  }
0x5ea: {  	v3 =	vld [tilespmem:s6+$0x70]  }
0x5eb: {  	v4 =	vadd.s32 v39, v6  }
0x5ec: {  	v5 =	vadd.s32 v40, v6;
	_ =	sdelay $0x1  }
0x5ed: {  	v2 =	vmul.f32 $5.656854150e+00, v2  }
0x5ee: {  	v3 =	vmul.f32 $5.656854150e+00, v3  }
0x5ef: {  	[tilespmem:v4+s14+$0x0] =	vst.idx.msk $0xffff, v2  }
0x5f0: {  	[tilespmem:v5+s14+$0x0] =	vst.idx.msk $0xffff, v3  }
0x5f1: {  	v2 =	vld [tilespmem:s6+$0x80]  }
0x5f2: {  	v3 =	vld [tilespmem:s6+$0x90]  }
0x5f3: {  	v4 =	vadd.s32 v41, v6  }
0x5f4: {  	v5 =	vadd.s32 v42, v6;
	_ =	sdelay $0x1  }
0x5f5: {  	v2 =	vmul.f32 $5.656854150e+00, v2  }
0x5f6: {  	v3 =	vmul.f32 $5.656854150e+00, v3  }
0x5f7: {  	[tilespmem:v4+s14+$0x0] =	vst.idx.msk $0xffff, v2  }
0x5f8: {  	[tilespmem:v5+s14+$0x0] =	vst.idx.msk $0xffff, v3  }
0x5f9: {  	v2 =	vld [tilespmem:s6+$0xA0]  }
0x5fa: {  	v3 =	vld [tilespmem:s6+$0xB0]  }
0x5fb: {  	v4 =	vadd.s32 v43, v6  }
0x5fc: {  	v5 =	vadd.s32 v44, v6  }
0x5fd: {  	v10 =	vld [tilespmem:$0x1FF30]  }
0x5fe: {  	v11 =	vld [tilespmem:$0x1FF40];
	v2 =	vmul.f32 $5.656854150e+00, v2  }
0x5ff: {  	v12 =	vld [tilespmem:$0x1FF50];
	v3 =	vmul.f32 $5.656854150e+00, v3  }
0x600: {  	v13 =	vld [tilespmem:$0x1FF60];
	[tilespmem:v4+s14+$0x0] =	vst.idx.msk $0xffff, v2  }
0x601: {  	v14 =	vld [tilespmem:$0x1FF70];
	[tilespmem:v5+s14+$0x0] =	vst.idx.msk $0xffff, v3  }
0x602: {  	v2 =	vld [tilespmem:s6+$0xC0]  }
0x603: {  	v3 =	vld [tilespmem:s6+$0xD0]  }
0x604: {  	v15 =	vld [tilespmem:$0x1FF80];
	v4 =	vadd.s32 v45, v6  }
0x605: {  	v16 =	vld [tilespmem:$0x1FF90];
	v5 =	vadd.s32 v46, v6  }
0x606: {  	v17 =	vld [tilespmem:$0x1FFA0]  }
0x607: {  	v18 =	vld [tilespmem:$0x1FFB0];
	v2 =	vmul.f32 $5.656854150e+00, v2  }
0x608: {  	v19 =	vld [tilespmem:$0x1FFC0];
	v3 =	vmul.f32 $5.656854150e+00, v3  }
0x609: {  	p1 =	por $0x1, $0x1;
	v20 =	vld [tilespmem:$0x1FFD0];
	[tilespmem:v4+s14+$0x0] =	vst.idx.msk $0xffff, v2  }
.Ltmp20:
0x60a: {  	v21 =	vld [tilespmem:$0x1FFE0];
	[tilespmem:v5+s14+$0x0] =	vst.idx.msk $0xffff, v3;
	(pc) =	sbr.rel @!p1 .LBB2_32-.Ltmp20, $4  }
0x60b: {  	v5 =	vld [tilespmem:s6+$0xE0]  }
0x60c: {  	v4 =	vld [tilespmem:s6+$0xF0]  }
0x60d: {  	v22 =	vld [tilespmem:$0x1FFF0];
	v3 =	vadd.s32 v47, v6  }
0x60e: {  	v8 =	vmov v9;
	v23 =	vld [tilespmem:$0x1FF10];
	v2 =	vadd.s32 v48, v6  }
.LBB2_31:
0x60f: {  	_ = 	snop  }
0x610: {  	s5 =	sadd.s32 $0x8, s5;
	v5 =	vmul.f32 $5.656854150e+00, v5  }
0x611: {  	v6 =	vmov s5;
	p1 =	slt.u32 s5, $0x78;
	v4 =	vmul.f32 $5.656854150e+00, v4  }
0x612: {  	v6 =	vshrl.u32 v6, $0x3;
	[tilespmem:v3+s14+$0x0] =	vst.idx.msk $0xffff, v5  }
0x613: {  	s6 =	sadd.s32 $0x100, s6;
	v3 =	vshll.u32 v6, $0x3;
	[tilespmem:v2+s14+$0x0] =	vst.idx.msk $0xffff, v4  }
0x614: {  	v6 =	vbroadcast v3, $0x0;
	v2 =	vld [tilespmem:s6+$0x0]  }
0x615: {  	v3 =	vld [tilespmem:s6+$0x10]  }
0x616: {  	v4 =	vadd.s32 v33, v6  }
0x617: {  	v5 =	vadd.s32 v34, v6;
	_ =	sdelay $0x1  }
0x618: {  	v2 =	vmul.f32 $5.656854150e+00, v2  }
0x619: {  	v3 =	vmul.f32 $5.656854150e+00, v3  }
0x61a: {  	[tilespmem:v4+s14+$0x0] =	vst.idx.msk $0xffff, v2  }
0x61b: {  	[tilespmem:v5+s14+$0x0] =	vst.idx.msk $0xffff, v3  }
0x61c: {  	v2 =	vld [tilespmem:s6+$0x20]  }
0x61d: {  	v3 =	vld [tilespmem:s6+$0x30]  }
0x61e: {  	v4 =	vadd.s32 v35, v6  }
0x61f: {  	v5 =	vadd.s32 v36, v6;
	_ =	sdelay $0x1  }
0x620: {  	v2 =	vmul.f32 $5.656854150e+00, v2  }
0x621: {  	v3 =	vmul.f32 $5.656854150e+00, v3  }
0x622: {  	[tilespmem:v4+s14+$0x0] =	vst.idx.msk $0xffff, v2  }
0x623: {  	[tilespmem:v5+s14+$0x0] =	vst.idx.msk $0xffff, v3  }
0x624: {  	v2 =	vld [tilespmem:s6+$0x40]  }
0x625: {  	v3 =	vld [tilespmem:s6+$0x50]  }
0x626: {  	v4 =	vadd.s32 v37, v6  }
0x627: {  	v5 =	vadd.s32 v38, v6;
	_ =	sdelay $0x1  }
0x628: {  	v2 =	vmul.f32 $5.656854150e+00, v2  }
0x629: {  	v3 =	vmul.f32 $5.656854150e+00, v3  }
0x62a: {  	[tilespmem:v4+s14+$0x0] =	vst.idx.msk $0xffff, v2  }
0x62b: {  	[tilespmem:v5+s14+$0x0] =	vst.idx.msk $0xffff, v3  }
0x62c: {  	v2 =	vld [tilespmem:s6+$0x60]  }
0x62d: {  	v3 =	vld [tilespmem:s6+$0x70]  }
0x62e: {  	v4 =	vadd.s32 v39, v6  }
0x62f: {  	v5 =	vadd.s32 v40, v6;
	_ =	sdelay $0x1  }
0x630: {  	v2 =	vmul.f32 $5.656854150e+00, v2  }
0x631: {  	v3 =	vmul.f32 $5.656854150e+00, v3  }
0x632: {  	[tilespmem:v4+s14+$0x0] =	vst.idx.msk $0xffff, v2  }
0x633: {  	[tilespmem:v5+s14+$0x0] =	vst.idx.msk $0xffff, v3  }
0x634: {  	v2 =	vld [tilespmem:s6+$0x80]  }
0x635: {  	v3 =	vld [tilespmem:s6+$0x90]  }
0x636: {  	v4 =	vadd.s32 v41, v6  }
0x637: {  	v5 =	vadd.s32 v42, v6;
	_ =	sdelay $0x1  }
0x638: {  	v2 =	vmul.f32 $5.656854150e+00, v2  }
0x639: {  	v3 =	vmul.f32 $5.656854150e+00, v3  }
0x63a: {  	[tilespmem:v4+s14+$0x0] =	vst.idx.msk $0xffff, v2  }
0x63b: {  	[tilespmem:v5+s14+$0x0] =	vst.idx.msk $0xffff, v3  }
0x63c: {  	v2 =	vld [tilespmem:s6+$0xA0]  }
0x63d: {  	v3 =	vld [tilespmem:s6+$0xB0]  }
0x63e: {  	v4 =	vadd.s32 v43, v6  }
0x63f: {  	v5 =	vadd.s32 v44, v6;
	_ =	sdelay $0x1  }
0x640: {  	v2 =	vmul.f32 $5.656854150e+00, v2  }
0x641: {  	v3 =	vmul.f32 $5.656854150e+00, v3  }
0x642: {  	[tilespmem:v4+s14+$0x0] =	vst.idx.msk $0xffff, v2  }
0x643: {  	[tilespmem:v5+s14+$0x0] =	vst.idx.msk $0xffff, v3  }
0x644: {  	v2 =	vld [tilespmem:s6+$0xC0]  }
0x645: {  	v3 =	vld [tilespmem:s6+$0xD0]  }
0x646: {  	v4 =	vadd.s32 v45, v6  }
0x647: {  	v5 =	vadd.s32 v46, v6;
	_ =	sdelay $0x1  }
0x648: {  	v2 =	vmul.f32 $5.656854150e+00, v2  }
0x649: {  	v3 =	vmul.f32 $5.656854150e+00, v3  }
0x64a: {  	[tilespmem:v4+s14+$0x0] =	vst.idx.msk $0xffff, v2  }
.Ltmp21:
0x64b: {  	[tilespmem:v5+s14+$0x0] =	vst.idx.msk $0xffff, v3;
	(pc) =	sbr.rel @p1 .LBB2_31-.Ltmp21, $4  }
0x64c: {  	v5 =	vld [tilespmem:s6+$0xE0]  }
0x64d: {  	v4 =	vld [tilespmem:s6+$0xF0]  }
0x64e: {  	v3 =	vadd.s32 v47, v6  }
0x64f: {  	v2 =	vadd.s32 v48, v6  }
.LBB2_32:
0x650: {  	_ =	sdelay $0x1  }
0x651: {  	s5 =	simm.s32 $0x0;
	v5 =	vmul.f32 $5.656854150e+00, v5  }
0x652: {  	v6 =	vmov s5;
	v4 =	vmul.f32 $5.656854150e+00, v4  }
0x653: {  	[tilespmem:v3+s14+$0x0] =	vst.idx.msk $0xffff, v5;
	v3 =	vshrl.u32 v6, $0x3  }
0x654: {  	[tilespmem:v2+s14+$0x0] =	vst.idx.msk $0xffff, v4;
	v2 =	vshll.u32 v3, $0x3  }
0x655: {  	v3 =	vld [tilespmem:s26+$0x0];
	v2 =	vbroadcast v2, $0x0  }
0x656: {  	v4 =	vld [tilespmem:s26+$0x10]  }
0x657: {  	v5 =	vadd.s32 v49, v2  }
0x658: {  	v6 =	vadd.s32 v50, v2;
	_ =	sdelay $0x1  }
0x659: {  	v3 =	vmul.f32 $5.656854150e+00, v3  }
0x65a: {  	v4 =	vmul.f32 $5.656854150e+00, v4  }
0x65b: {  	[tilespmem:v5+s14+$0x0] =	vst.idx.msk $0xffff, v3  }
0x65c: {  	[tilespmem:v6+s14+$0x0] =	vst.idx.msk $0xffff, v4  }
0x65d: {  	v3 =	vld [tilespmem:s26+$0x20]  }
0x65e: {  	v4 =	vld [tilespmem:s26+$0x30]  }
0x65f: {  	v5 =	vadd.s32 v51, v2  }
0x660: {  	v6 =	vadd.s32 v52, v2;
	_ =	sdelay $0x1  }
0x661: {  	v3 =	vmul.f32 $5.656854150e+00, v3  }
0x662: {  	v4 =	vmul.f32 $5.656854150e+00, v4  }
0x663: {  	[tilespmem:v5+s14+$0x0] =	vst.idx.msk $0xffff, v3  }
0x664: {  	[tilespmem:v6+s14+$0x0] =	vst.idx.msk $0xffff, v4  }
0x665: {  	v3 =	vld [tilespmem:s26+$0x40]  }
0x666: {  	v4 =	vld [tilespmem:s26+$0x50]  }
0x667: {  	v5 =	vadd.s32 v53, v2  }
0x668: {  	v6 =	vadd.s32 v54, v2;
	_ =	sdelay $0x1  }
0x669: {  	v3 =	vmul.f32 $5.656854150e+00, v3  }
0x66a: {  	v4 =	vmul.f32 $5.656854150e+00, v4  }
0x66b: {  	[tilespmem:v5+s14+$0x0] =	vst.idx.msk $0xffff, v3  }
0x66c: {  	[tilespmem:v6+s14+$0x0] =	vst.idx.msk $0xffff, v4  }
0x66d: {  	v3 =	vld [tilespmem:s26+$0x60]  }
0x66e: {  	v4 =	vld [tilespmem:s26+$0x70]  }
0x66f: {  	v5 =	vadd.s32 v55, v2  }
0x670: {  	v6 =	vadd.s32 v56, v2;
	_ =	sdelay $0x1  }
0x671: {  	v3 =	vmul.f32 $5.656854150e+00, v3  }
0x672: {  	v4 =	vmul.f32 $5.656854150e+00, v4  }
0x673: {  	[tilespmem:v5+s14+$0x0] =	vst.idx.msk $0xffff, v3  }
0x674: {  	[tilespmem:v6+s14+$0x0] =	vst.idx.msk $0xffff, v4  }
0x675: {  	v3 =	vld [tilespmem:s26+$0x80]  }
0x676: {  	v4 =	vld [tilespmem:s26+$0x90]  }
0x677: {  	v5 =	vadd.s32 v57, v2  }
0x678: {  	v6 =	vadd.s32 v58, v2;
	_ =	sdelay $0x1  }
0x679: {  	v3 =	vmul.f32 $5.656854150e+00, v3  }
0x67a: {  	v4 =	vmul.f32 $5.656854150e+00, v4  }
0x67b: {  	[tilespmem:v5+s14+$0x0] =	vst.idx.msk $0xffff, v3  }
0x67c: {  	[tilespmem:v6+s14+$0x0] =	vst.idx.msk $0xffff, v4  }
0x67d: {  	v3 =	vld [tilespmem:s26+$0xA0]  }
0x67e: {  	v4 =	vld [tilespmem:s26+$0xB0]  }
0x67f: {  	v5 =	vadd.s32 v59, v2  }
0x680: {  	v6 =	vadd.s32 v60, v2;
	_ =	sdelay $0x1  }
0x681: {  	v3 =	vmul.f32 $5.656854150e+00, v3  }
0x682: {  	v4 =	vmul.f32 $5.656854150e+00, v4  }
0x683: {  	[tilespmem:v5+s14+$0x0] =	vst.idx.msk $0xffff, v3  }
0x684: {  	[tilespmem:v6+s14+$0x0] =	vst.idx.msk $0xffff, v4  }
0x685: {  	v3 =	vld [tilespmem:s26+$0xC0]  }
0x686: {  	v4 =	vld [tilespmem:s26+$0xD0]  }
0x687: {  	v5 =	vadd.s32 v61, v2  }
0x688: {  	v6 =	vadd.s32 v62, v2;
	_ =	sdelay $0x1  }
0x689: {  	v3 =	vmul.f32 $5.656854150e+00, v3  }
0x68a: {  	v4 =	vmul.f32 $5.656854150e+00, v4  }
0x68b: {  	[tilespmem:v5+s14+$0x0] =	vst.idx.msk $0xffff, v3  }
0x68c: {  	[tilespmem:v6+s14+$0x0] =	vst.idx.msk $0xffff, v4  }
0x68d: {  	v5 =	vld [tilespmem:s26+$0xE0]  }
0x68e: {  	v4 =	vld [tilespmem:s26+$0xF0]  }
0x68f: {  	v3 =	vadd.s32 v63, v2  }
0x690: {  	v2 =	vadd.s32 v1, v2  }
.LBB2_33:
0x691: {  	_ = 	snop  }
0x692: {  	s5 =	sadd.s32 $0x8, s5;
	v5 =	vmul.f32 $5.656854150e+00, v5  }
0x693: {  	v6 =	vmov s5;
	p1 =	slt.u32 s5, $0x78;
	v4 =	vmul.f32 $5.656854150e+00, v4  }
0x694: {  	v6 =	vshrl.u32 v6, $0x3;
	[tilespmem:v3+s14+$0x0] =	vst.idx.msk $0xffff, v5  }
0x695: {  	s26 =	sadd.s32 $0x100, s26;
	v3 =	vshll.u32 v6, $0x3;
	[tilespmem:v2+s14+$0x0] =	vst.idx.msk $0xffff, v4  }
0x696: {  	v6 =	vbroadcast v3, $0x0;
	v2 =	vld [tilespmem:s26+$0x0]  }
0x697: {  	v3 =	vld [tilespmem:s26+$0x10]  }
0x698: {  	v4 =	vadd.s32 v49, v6  }
0x699: {  	v5 =	vadd.s32 v50, v6;
	_ =	sdelay $0x1  }
0x69a: {  	v2 =	vmul.f32 $5.656854150e+00, v2  }
0x69b: {  	v3 =	vmul.f32 $5.656854150e+00, v3  }
0x69c: {  	[tilespmem:v4+s14+$0x0] =	vst.idx.msk $0xffff, v2  }
0x69d: {  	[tilespmem:v5+s14+$0x0] =	vst.idx.msk $0xffff, v3  }
0x69e: {  	v2 =	vld [tilespmem:s26+$0x20]  }
0x69f: {  	v3 =	vld [tilespmem:s26+$0x30]  }
0x6a0: {  	v4 =	vadd.s32 v51, v6  }
0x6a1: {  	v5 =	vadd.s32 v52, v6;
	_ =	sdelay $0x1  }
0x6a2: {  	v2 =	vmul.f32 $5.656854150e+00, v2  }
0x6a3: {  	v3 =	vmul.f32 $5.656854150e+00, v3  }
0x6a4: {  	[tilespmem:v4+s14+$0x0] =	vst.idx.msk $0xffff, v2  }
0x6a5: {  	[tilespmem:v5+s14+$0x0] =	vst.idx.msk $0xffff, v3  }
0x6a6: {  	v2 =	vld [tilespmem:s26+$0x40]  }
0x6a7: {  	v3 =	vld [tilespmem:s26+$0x50]  }
0x6a8: {  	v4 =	vadd.s32 v53, v6  }
0x6a9: {  	v5 =	vadd.s32 v54, v6;
	_ =	sdelay $0x1  }
0x6aa: {  	v2 =	vmul.f32 $5.656854150e+00, v2  }
0x6ab: {  	v3 =	vmul.f32 $5.656854150e+00, v3  }
0x6ac: {  	[tilespmem:v4+s14+$0x0] =	vst.idx.msk $0xffff, v2  }
0x6ad: {  	[tilespmem:v5+s14+$0x0] =	vst.idx.msk $0xffff, v3  }
0x6ae: {  	v2 =	vld [tilespmem:s26+$0x60]  }
0x6af: {  	v3 =	vld [tilespmem:s26+$0x70]  }
0x6b0: {  	v4 =	vadd.s32 v55, v6  }
0x6b1: {  	v5 =	vadd.s32 v56, v6;
	_ =	sdelay $0x1  }
0x6b2: {  	v2 =	vmul.f32 $5.656854150e+00, v2  }
0x6b3: {  	v3 =	vmul.f32 $5.656854150e+00, v3  }
0x6b4: {  	[tilespmem:v4+s14+$0x0] =	vst.idx.msk $0xffff, v2  }
0x6b5: {  	[tilespmem:v5+s14+$0x0] =	vst.idx.msk $0xffff, v3  }
0x6b6: {  	v2 =	vld [tilespmem:s26+$0x80]  }
0x6b7: {  	v3 =	vld [tilespmem:s26+$0x90]  }
0x6b8: {  	v4 =	vadd.s32 v57, v6  }
0x6b9: {  	v5 =	vadd.s32 v58, v6;
	_ =	sdelay $0x1  }
0x6ba: {  	v2 =	vmul.f32 $5.656854150e+00, v2  }
0x6bb: {  	v3 =	vmul.f32 $5.656854150e+00, v3  }
0x6bc: {  	[tilespmem:v4+s14+$0x0] =	vst.idx.msk $0xffff, v2  }
0x6bd: {  	[tilespmem:v5+s14+$0x0] =	vst.idx.msk $0xffff, v3  }
0x6be: {  	v2 =	vld [tilespmem:s26+$0xA0]  }
0x6bf: {  	v3 =	vld [tilespmem:s26+$0xB0]  }
0x6c0: {  	v4 =	vadd.s32 v59, v6  }
0x6c1: {  	v5 =	vadd.s32 v60, v6;
	_ =	sdelay $0x1  }
0x6c2: {  	v2 =	vmul.f32 $5.656854150e+00, v2  }
0x6c3: {  	v3 =	vmul.f32 $5.656854150e+00, v3  }
0x6c4: {  	[tilespmem:v4+s14+$0x0] =	vst.idx.msk $0xffff, v2  }
0x6c5: {  	[tilespmem:v5+s14+$0x0] =	vst.idx.msk $0xffff, v3  }
0x6c6: {  	v2 =	vld [tilespmem:s26+$0xC0]  }
0x6c7: {  	v3 =	vld [tilespmem:s26+$0xD0]  }
0x6c8: {  	v4 =	vadd.s32 v61, v6  }
0x6c9: {  	v5 =	vadd.s32 v62, v6;
	_ =	sdelay $0x1  }
0x6ca: {  	v2 =	vmul.f32 $5.656854150e+00, v2  }
0x6cb: {  	v3 =	vmul.f32 $5.656854150e+00, v3  }
0x6cc: {  	[tilespmem:v4+s14+$0x0] =	vst.idx.msk $0xffff, v2  }
.Ltmp22:
0x6cd: {  	[tilespmem:v5+s14+$0x0] =	vst.idx.msk $0xffff, v3;
	(pc) =	sbr.rel @p1 .LBB2_33-.Ltmp22, $4  }
0x6ce: {  	v5 =	vld [tilespmem:s26+$0xE0]  }
0x6cf: {  	v4 =	vld [tilespmem:s26+$0xF0]  }
0x6d0: {  	v3 =	vadd.s32 v63, v6  }
0x6d1: {  	v2 =	vadd.s32 v1, v6  }
0x6d2: {  	_ = 	snop  }
0x6d3: {  	s1 =	sshll.u32 s2, $0x13  }
0x6d4: {  	v5 =	vmul.f32 $5.656854150e+00, v5;
	s1 =	sor.u32 s7, s1  }
0x6d5: {  	v4 =	vmul.f32 $5.656854150e+00, v4;
	s1 =	sshrl.u32 s1, $0x3  }
0x6d6: {  	s2 =	sadd.s32 $0x5, s13;
	[tilespmem:v3+s14+$0x0] =	vst.idx.msk $0xffff, v5;
	s5 =	sadd.s32 s18, s1  }
0x6d7: {  	s6 =	simm.s32 $0x10;
	s8 =	sadd.s32 $0x88, s14;
	[tilespmem:v2+s14+$0x0] =	vst.idx.msk $0xffff, v4;
	s9 =	sadd.s32 $0x0, s5  }
.LBB2_35:
0x6d8: {  	[hbm4b:s9+s3] =	stream.linear.scatter [tilespmem:s14], [sflag:s2], $0x80, $0x38;
	[tilespmem:$0x1D400] =	vst v63  }
0x6d9: {  	s1 =	smov.u32 s6;
	s14 =	smov.u32 s8;
	p1 =	sne.s32 s6, $0x1F0  }
.Ltmp23:
0x6da: {  	s6 =	sadd.s32 $0x10, s6;
	(pc) =	sbr.rel @p1 .LBB2_35-.Ltmp23, $2  }
0x6db: {  	_ =	sdelay $0x2  }
0x6dc: {  	s8 =	sadd.s32 $0x88, s8;
	s9 =	sadd.s32 s1, s5  }
0x6dd: {  	[hbm4b:s9+s3] =	stream.linear.scatter [tilespmem:s14], [sflag:s2], $0x80, $0x38;
	[tilespmem:$0x1D400] =	vst v63  }
0x6de: {  	s6 =	sadd.s32 $0x11900, s0;
	s8 =	sadd.s32 $0x4000, s5  }
0x6df: {  	s9 =	simm.s32 $0x10;
	s11 =	sadd.s32 $0x0, s8;
	s10 =	sadd.s32 $0x88, s6  }
.LBB2_37:
0x6e0: {  	[hbm4b:s11+s3] =	stream.linear.scatter [tilespmem:s6], [sflag:s2], $0x80, $0x38;
	[tilespmem:$0x1D400] =	vst v63  }
0x6e1: {  	s1 =	smov.u32 s9;
	s6 =	smov.u32 s10;
	p1 =	sne.s32 s9, $0x1F0  }
.Ltmp24:
0x6e2: {  	s9 =	sadd.s32 $0x10, s9;
	(pc) =	sbr.rel @p1 .LBB2_37-.Ltmp24, $2  }
0x6e3: {  	_ =	sdelay $0x2  }
0x6e4: {  	s10 =	sadd.s32 $0x88, s10;
	s11 =	sadd.s32 s1, s8  }
0x6e5: {  	[hbm4b:s11+s3] =	stream.linear.scatter [tilespmem:s6], [sflag:s2], $0x80, $0x38;
	[tilespmem:$0x1D400] =	vst v63  }
0x6e6: {  	s6 =	sadd.s32 $0x12A00, s0;
	s8 =	sadd.s32 $0x8000, s5  }
0x6e7: {  	s9 =	simm.s32 $0x10;
	s11 =	sadd.s32 $0x0, s8;
	s10 =	sadd.s32 $0x88, s6  }
.LBB2_39:
0x6e8: {  	[hbm4b:s11+s3] =	stream.linear.scatter [tilespmem:s6], [sflag:s2], $0x80, $0x38;
	[tilespmem:$0x1D400] =	vst v63  }
0x6e9: {  	s1 =	smov.u32 s9;
	s6 =	smov.u32 s10;
	p1 =	sne.s32 s9, $0x1F0  }
.Ltmp25:
0x6ea: {  	s9 =	sadd.s32 $0x10, s9;
	(pc) =	sbr.rel @p1 .LBB2_39-.Ltmp25, $2  }
0x6eb: {  	_ =	sdelay $0x2  }
0x6ec: {  	s10 =	sadd.s32 $0x88, s10;
	s11 =	sadd.s32 s1, s8  }
0x6ed: {  	[hbm4b:s11+s3] =	stream.linear.scatter [tilespmem:s6], [sflag:s2], $0x80, $0x38;
	[tilespmem:$0x1D400] =	vst v63  }
0x6ee: {  	s0 =	sadd.s32 $0x13B00, s0;
	s5 =	sadd.s32 $0xC000, s5  }
0x6ef: {  	s6 =	simm.s32 $0x10;
	s9 =	sadd.s32 $0x0, s5;
	s8 =	sadd.s32 $0x88, s0  }
.LBB2_41:
0x6f0: {  	[hbm4b:s9+s3] =	stream.linear.scatter [tilespmem:s0], [sflag:s2], $0x80, $0x38;
	[tilespmem:$0x1D400] =	vst v63  }
0x6f1: {  	s1 =	smov.u32 s6;
	s0 =	smov.u32 s8;
	p1 =	sne.s32 s6, $0x1F0  }
.Ltmp26:
0x6f2: {  	s6 =	sadd.s32 $0x10, s6;
	(pc) =	sbr.rel @p1 .LBB2_41-.Ltmp26, $2  }
0x6f3: {  	_ =	sdelay $0x2  }
0x6f4: {  	s8 =	sadd.s32 $0x88, s8;
	s9 =	sadd.s32 s1, s5  }
0x6f5: {  	[hbm4b:s9+s3] =	stream.linear.scatter [tilespmem:s0], [sflag:s2], $0x80, $0x38;
	[tilespmem:$0x1D400] =	vst v63  }
0x6f6: {  	p1 =	sne.s32 s25, $0x64  }
.Ltmp27:
0x6f7: {  	_ = 	snop;
	(pc) =	sbr.rel @p1 .LBB2_2-.Ltmp27, $4  }
.Ltmp28:
0x6f8: {  	_ = 	snop;
	(pc) =	sbr.rel @!p1 .LBB2_43-.Ltmp28, $4  }
0x6f9: {  	p0 =	por !p0, !p0  }
0x6fa: {  	s20 =	sadd.s32 $0x8800, s20;
	s24 =	sadd.s32 $0x2, s24;
	s21 =	sadd.s32 $0x8800, s21  }
0x6fb: {  	s22 =	sadd.s32 $0x8800, s22;
	s23 =	sadd.s32 $0x8800, s23;
	s31 =	smov.u32 s25  }
0x6fc: {  	_ = 	snop  }
.LBB2_7:
0x6fd: {  	v10 =	vld [tilespmem:$0x1FF30]  }
.Ltmp29:
0x6fe: {  	v11 =	vld [tilespmem:$0x1FF40];
	(pc) =	sbr.rel .LBB2_10-.Ltmp29, $4  }
0x6ff: {  	v12 =	vld [tilespmem:$0x1FF50]  }
0x700: {  	v13 =	vld [tilespmem:$0x1FF60]  }
0x701: {  	v14 =	vld [tilespmem:$0x1FF70]  }
0x702: {  	v15 =	vld [tilespmem:$0x1FF80];
	s18 =	smov.u32 s7  }
.LBB2_29:
0x703: {  	v10 =	vld [tilespmem:$0x1FF30]  }
0x704: {  	v11 =	vld [tilespmem:$0x1FF40]  }
0x705: {  	v12 =	vld [tilespmem:$0x1FF50]  }
0x706: {  	v13 =	vld [tilespmem:$0x1FF60]  }
0x707: {  	v14 =	vld [tilespmem:$0x1FF70]  }
0x708: {  	v15 =	vld [tilespmem:$0x1FF80]  }
0x709: {  	v16 =	vld [tilespmem:$0x1FF90]  }
0x70a: {  	v17 =	vld [tilespmem:$0x1FFA0]  }
0x70b: {  	v18 =	vld [tilespmem:$0x1FFB0]  }
.Ltmp30:
0x70c: {  	v19 =	vld [tilespmem:$0x1FFC0];
	(pc) =	sbr.rel .LBB2_32-.Ltmp30, $4  }
0x70d: {  	v20 =	vld [tilespmem:$0x1FFD0]  }
0x70e: {  	v21 =	vld [tilespmem:$0x1FFE0]  }
0x70f: {  	v22 =	vld [tilespmem:$0x1FFF0]  }
0x710: {  	v8 =	vmov v9;
	v23 =	vld [tilespmem:$0x1FF10]  }
.LBB2_44:
0x711: {  	_ =	sfence.sel $0x180000  }
0x712: {  	[bflag:$0x0] =	sbarrier.arrive $0xFFFF  }
0x713: {  	_ =	strace $0x90000047  }
0x714: {  	s0 =	stileid.u32;
	[bflag:$0x2] =	sbarrier.arrive $0xFFFF  }
0x715: {  	p0 =	sne.s32 s0, $0x0;
	s0 =	rddreg [dreg:$0x2]  }
0x716: {  	s0 =	sadd.s32 @!p0 $0x100000, s0  }
0x717: {  	[sflag:s0] =	ssyncadd.tile.s32 @!p0 $0x1;
	_ =	shalt  }
.Lfunc_end2:
_tile_overlayer_lowered:
.L_overlay_start_2:
0x718: {  	(tag) =	ssettag $0x2  }
0x719: {  	s0 =	rddreg [dreg:$0x0];
	s2 =	stileid.u32  }
0x71a: {  	s1 =	rddreg [dreg:$0x1];
	p0 =	sne.s32 s2, $0x0  }
0x71b: {  	s3 =	rddreg [dreg:$0x2];
	[bflag:$0x3] =	sbarrier.arrive $0xFFFF;
	s2 =	simm.s32 @!p0 $0x1C08  }
0x71c: {  	[timem:s3], [sflag:s2] =	dma.local @!p0 [hbm:s0], s1  }
0x71d: {  	s0 =	simm.s32 @!p0 $0x8  }
0x71e: {  	_ =	swait.ge @!p0 [sflag:s0], s1  }
0x71f: {  	s1 =	ssub.s32 @!p0 $0x0, s1;
	[sflag:s0] =	ssyncset.done @!p0 $0x0  }
0x720: {  	[sflag:s0] =	ssyncadd.s32 @!p0 s1  }
0x721: {  	[bflag:$0x3] =	sbarrier.arrive $0xFFFF  }
0x722: {  	_ =	shalt  }

</sc_bundles>
